<compile_context>
chip_gen: v7x
topology: tpu7x:2x2x1
jax: 0.10.2.dev20260603
libtpu: 0.0.44.dev20260713+nightly
codegen_flags: <defaults>
</compile_context>

<pallas_src>
import dataclasses
import functools

import jax
import jax.numpy as jnp
from jax import lax
from jax.experimental import pallas as pl
from jax.experimental.pallas import tpu as pltpu
from jax.experimental.pallas import tpu_sc as plsc

_R = 32
_R3 = _R * _R * _R
_B = 4
_C = 64
_N = 100000
_CHUNK = 2000
_NCHUNK = _N // _CHUNK
_NC = 2
_NS = 16
_NW = _NC * _NS
_WPB = _NW // _B
_CPW = _C // _WPB
_NPAIR = _CPW // 2
_L = 16
_U_CH = 5 * _L
_U_R3 = 4 * _L
assert _CHUNK % _U_CH == 0 and _R3 % _U_R3 == 0 and _NCHUNK % 2 == 0


def _prep_body(c_ref, nc_ref, idx_ref):
    c = c_ref[0]
    mean = jnp.mean(c, axis=1, keepdims=True)
    nrm = c - mean
    sumsq = jnp.sum(nrm * nrm, axis=0, keepdims=True)
    rmax = jnp.sqrt(jnp.max(sumsq))
    ncoords = nrm / (rmax * 2.0) + 0.5
    scaled = jnp.clip(ncoords * _R, 0.0, _R - 1.0)
    nc_ref[0] = scaled
    vox = jnp.round(scaled).astype(jnp.int32)
    idx = vox[0:1] * (_R * _R) + vox[1:2] * _R + vox[2:3]
    idx_ref[0] = idx


def _prep(coords):
    return pl.pallas_call(
        _prep_body,
        grid=(_B,),
        in_specs=[pl.BlockSpec((1, 3, _N), lambda b: (b, 0, 0))],
        out_specs=[
            pl.BlockSpec((1, 3, _N), lambda b: (b, 0, 0)),
            pl.BlockSpec((1, 1, _N), lambda b: (b, 0, 0)),
        ],
        out_shape=[
            jax.ShapeDtypeStruct((_B, 3, _N), jnp.float32),
            jax.ShapeDtypeStruct((_B, 1, _N), jnp.int32),
        ],
    )(coords)


def _sc_body(
    feat_hbm, idx_hbm, out_hbm, acc0, acc1, invc,
    idxb0, idxb1, fab0, fab1, fbb0, fbb1,
    isem0, isem1, fasem0, fasem1, fbsem0, fbsem1,
):
    cid = lax.axis_index("c")
    sid = lax.axis_index("s")
    wid = sid * _NC + cid
    b = wid // _WPB
    g = wid % _WPB

    ones = jnp.ones((_L,), jnp.float32)
    idxb = (idxb0, idxb1)
    fab = (fab0, fab1)
    fbb = (fbb0, fbb1)
    isem = (isem0, isem1)
    fasem = (fasem0, fasem1)
    fbsem = (fbsem0, fbsem1)

    def _idx_copy(ch, s):
        return pltpu.make_async_copy(
            idx_hbm.at[b, 0, pl.ds(ch * _CHUNK, _CHUNK)],
            idxb[s],
            isem[s],
        )

    def _feat_copy(ci, ch, s, buf, sem):
        return pltpu.make_async_copy(
            feat_hbm.at[b, ci, pl.ds(ch * _CHUNK, _CHUNK)],
            buf[s],
            sem[s],
        )

    def _zero(ref):
        @plsc.parallel_loop(0, _R3, _L, unroll=8)
        def _(i):
            ref[pl.ds(i, _L)] = jnp.zeros((_L,), jnp.float32)

    def _zero3(ref3):
        @plsc.parallel_loop(0, _R3, _L, unroll=8)
        def _(i):
            z = i // (_R * _R)
            y = (i // _R) % _R
            x = i % _R
            ref3[z, y, pl.ds(x, _L)] = jnp.zeros((_L,), jnp.float32)

    def _scatter_chunk(s, with_counts):
        @plsc.parallel_loop(0, _CHUNK, _L, unroll=25)
        def _(i):
            sl = pl.ds(i, _L)
            vidx = idxb[s][sl]
            vz = lax.shift_right_logical(vidx, 10)
            vy = lax.shift_right_logical(vidx, 5) & (_R - 1)
            vx = vidx & (_R - 1)
            plsc.addupdate_scatter(acc0, [vz, vy, vx], fab[s][sl])
            plsc.addupdate_scatter(acc1, [vz, vy, vx], fbb[s][sl])
            if with_counts:
                plsc.addupdate_scatter(invc, [vidx], ones)

    def _pair_pass(ca, with_counts):
        cb = ca + 1
        _zero3(acc0)
        _zero3(acc1)
        _idx_copy(0, 0).start()
        _feat_copy(ca, 0, 0, fab, fasem).start()
        _feat_copy(cb, 0, 0, fbb, fbsem).start()
        _idx_copy(1, 1).start()
        _feat_copy(ca, 1, 1, fab, fasem).start()
        _feat_copy(cb, 1, 1, fbb, fbsem).start()

        @pl.loop(0, _NCHUNK - 2, step=2)
        def _(ch):
            _idx_copy(ch, 0).wait()
            _feat_copy(ca, ch, 0, fab, fasem).wait()
            _feat_copy(cb, ch, 0, fbb, fbsem).wait()
            _scatter_chunk(0, with_counts)
            _idx_copy(ch + 2, 0).start()
            _feat_copy(ca, ch + 2, 0, fab, fasem).start()
            _feat_copy(cb, ch + 2, 0, fbb, fbsem).start()

            _idx_copy(ch + 1, 1).wait()
            _feat_copy(ca, ch + 1, 1, fab, fasem).wait()
            _feat_copy(cb, ch + 1, 1, fbb, fbsem).wait()
            _scatter_chunk(1, with_counts)
            _idx_copy(ch + 3, 1).start()
            _feat_copy(ca, ch + 3, 1, fab, fasem).start()
            _feat_copy(cb, ch + 3, 1, fbb, fbsem).start()

        _idx_copy(_NCHUNK - 2, 0).wait()
        _feat_copy(ca, _NCHUNK - 2, 0, fab, fasem).wait()
        _feat_copy(cb, _NCHUNK - 2, 0, fbb, fbsem).wait()
        _scatter_chunk(0, with_counts)
        _idx_copy(_NCHUNK - 1, 1).wait()
        _feat_copy(ca, _NCHUNK - 1, 1, fab, fasem).wait()
        _feat_copy(cb, _NCHUNK - 1, 1, fbb, fbsem).wait()
        _scatter_chunk(1, with_counts)

        if with_counts:
            @plsc.parallel_loop(0, _R3, _L, unroll=8)
            def _(i):
                sl = pl.ds(i, _L)
                invc[sl] = 1.0 / jnp.maximum(invc[sl], 1.0)

        @plsc.parallel_loop(0, _R3, _L, unroll=8)
        def _(i):
            z = i // (_R * _R)
            y = (i // _R) % _R
            x = i % _R
            sl = pl.ds(i, _L)
            acc0[z, y, pl.ds(x, _L)] = acc0[z, y, pl.ds(x, _L)] * invc[sl]
            acc1[z, y, pl.ds(x, _L)] = acc1[z, y, pl.ds(x, _L)] * invc[sl]

        pltpu.sync_copy(acc0, out_hbm.at[b, ca])
        pltpu.sync_copy(acc1, out_hbm.at[b, cb])

    _zero(invc)
    _pair_pass(g * _CPW, True)

    @pl.loop(1, _NPAIR)
    def _(p):
        _pair_pass(g * _CPW + 2 * p, False)


_sc_params = pltpu.CompilerParams()
if "needs_layout_passes" in pltpu.CompilerParams.__dataclass_fields__:
    _sc_params = dataclasses.replace(_sc_params, needs_layout_passes=False)
if "use_tc_tiling_on_sc" in pltpu.CompilerParams.__dataclass_fields__:
    _sc_params = dataclasses.replace(_sc_params, use_tc_tiling_on_sc=False)

_sc_seg = pl.kernel(
    _sc_body,
    out_type=jax.ShapeDtypeStruct((_B, _C, _R, _R, _R), jnp.float32),
    mesh=plsc.VectorSubcoreMesh(core_axis_name="c", subcore_axis_name="s"),
    compiler_params=_sc_params,
    scratch_types=[
        pltpu.VMEM((_R, _R, _R), jnp.float32),
        pltpu.VMEM((_R, _R, _R), jnp.float32),
        pltpu.VMEM((_R3,), jnp.float32),
        pltpu.VMEM((_CHUNK,), jnp.int32),
        pltpu.VMEM((_CHUNK,), jnp.int32),
        pltpu.VMEM((_CHUNK,), jnp.float32),
        pltpu.VMEM((_CHUNK,), jnp.float32),
        pltpu.VMEM((_CHUNK,), jnp.float32),
        pltpu.VMEM((_CHUNK,), jnp.float32),
        pltpu.SemaphoreType.DMA,
        pltpu.SemaphoreType.DMA,
        pltpu.SemaphoreType.DMA,
        pltpu.SemaphoreType.DMA,
        pltpu.SemaphoreType.DMA,
        pltpu.SemaphoreType.DMA,
    ],
)


def kernel(features, coords):
    ncoords, idx = _prep(coords)
    vox = _sc_seg(features, idx)
    return vox, ncoords

# --- scband reference (transcript-rebuilt; emitter-appended) ---
"""Pipeline reference for scband-voxelization-15436112462068 (READ-ONLY COPY).

The authoritative reference and input builder live on the scoring server;
editing this copy changes nothing except your own understanding.
"""

import jax, jax.numpy as jnp
import numpy as np

RES = 32
NORMALIZE = True
EPS = 0.0


def setup_inputs(seed: int = 0) -> dict:
    key = jax.random.key(seed)
    k1, k2 = jax.random.split(key)
    features = jax.random.normal(k1, (4, 64, 100000), dtype=jnp.float32)
    coords = jax.random.normal(k2, (4, 3, 100000), dtype=jnp.float32)
    return {"features": features, "coords": coords}


def _avg_voxelize(features, vox_coords, R):
    # features: [B, C, N], vox_coords: int32 [B, 3, N]
    idx = vox_coords[:, 0] * (R * R) + vox_coords[:, 1] * R + vox_coords[:, 2]  # [B, N]

    def per_batch(feat_b, idx_b):
        # feat_b: [C, N], idx_b: [N]
        sums = jax.ops.segment_sum(feat_b.T, idx_b, num_segments=R ** 3)  # [R^3, C]
        cnt = jax.ops.segment_sum(jnp.ones((feat_b.shape[1],), dtype=feat_b.dtype), idx_b, num_segments=R ** 3)  # [R^3]
        avg = sums / jnp.maximum(cnt, 1.0)[:, None]
        return avg.T  # [C, R^3]

    return jax.vmap(per_batch)(features, idx)  # [B, C, R^3]


def reference(features, coords):
    R = RES
    B, C, N = features.shape
    norm_coords = coords - jnp.mean(coords, axis=2, keepdims=True)
    if NORMALIZE:
        coords_reduced = jnp.max(
            jnp.linalg.norm(norm_coords, axis=1, keepdims=True), axis=2, keepdims=True
        )
        norm_coords = norm_coords / (coords_reduced * 2.0 + EPS) + 0.5
    else:
        norm_coords = (norm_coords + 1.0) / 2.0
    norm_coords = jnp.clip(norm_coords * R, 0, R - 1)
    vox_coords = jnp.round(norm_coords).astype(jnp.int32)
    vox_features_sqzd = _avg_voxelize(features, vox_coords, R)
    voxelized_features = jnp.reshape(vox_features_sqzd, (B, C, R, R, R))
    return voxelized_features, norm_coords

if __name__ == "__main__":
    import jax
    _d = setup_inputs()
    print(jax.jit(kernel)(*tuple(_d.values())))

</pallas_src>

<mosaic_0001>
#map = affine_map<(d0, d1) -> (0, 0, 0)>
#map1 = affine_map<(d0, d1) -> (0, 0, 0, 0, 0)>
module attributes {stable_mosaic.version = 14 : i64} {
  func.func @_sc_body(%arg0: i32, %arg1: i32, %arg2: memref<4x64x100000xf32, #tpu.memory_space<hbm>>, %arg3: memref<4x1x100000xi32, #tpu.memory_space<hbm>>, %arg4: memref<4x64x32x32x32xf32, #tpu.memory_space<hbm>>, %arg5: memref<32x32x32xf32, #tpu.memory_space<vmem>>, %arg6: memref<32x32x32xf32, #tpu.memory_space<vmem>>, %arg7: memref<32768xf32, #tpu.memory_space<vmem>>, %arg8: memref<2000xi32, #tpu.memory_space<vmem>>, %arg9: memref<2000xi32, #tpu.memory_space<vmem>>, %arg10: memref<2000xf32, #tpu.memory_space<vmem>>, %arg11: memref<2000xf32, #tpu.memory_space<vmem>>, %arg12: memref<2000xf32, #tpu.memory_space<vmem>>, %arg13: memref<2000xf32, #tpu.memory_space<vmem>>, %arg14: memref<!tpu.dma_semaphore, #tpu.memory_space<semaphore_mem>>, %arg15: memref<!tpu.dma_semaphore, #tpu.memory_space<semaphore_mem>>, %arg16: memref<!tpu.dma_semaphore, #tpu.memory_space<semaphore_mem>>, %arg17: memref<!tpu.dma_semaphore, #tpu.memory_space<semaphore_mem>>, %arg18: memref<!tpu.dma_semaphore, #tpu.memory_space<semaphore_mem>>, %arg19: memref<!tpu.dma_semaphore, #tpu.memory_space<semaphore_mem>>) attributes {dimension_semantics = [#tpu.dimension_semantics<core_parallel>, #tpu.dimension_semantics<subcore_parallel>], iteration_bounds = array<i64: 2, 16>, scalar_prefetch = 0 : i64, scratch_operands = 15 : i64, tpu.core_type = #tpu.core_type<sc_vector_subcore>, window_params = [{transform_indices = #map}, {transform_indices = #map}, {transform_indices = #map1}]} {
    %mul3A = arith.constant 2 : i32
    %mul3A_0 = arith.muli %arg1, %mul3A : i32
    %add3A = arith.addi %mul3A_0, %arg0 : i32
    %jit3A = arith.constant 8 : i32
    %div3A = arith.divsi %add3A, %jit3A : i32
    %sign3A = arith.constant 0 : i32
    %sign3A_1 = arith.cmpi sgt, %add3A, %sign3A : i32
    %sign3A_2 = arith.extui %sign3A_1 : i1 to i32
    %sign3A_3 = arith.constant 0 : i32
    %sign3A_4 = arith.cmpi slt, %add3A, %sign3A_3 : i32
    %sign3A_5 = arith.extui %sign3A_4 : i1 to i32
    %sign3A_6 = arith.subi %sign3A_2, %sign3A_5 : i32
    %sign3A_7 = arith.constant 0 : i32
    %sign3A_8 = arith.cmpi sgt, %jit3A, %sign3A_7 : i32
    %sign3A_9 = arith.extui %sign3A_8 : i1 to i32
    %sign3A_10 = arith.constant 0 : i32
    %sign3A_11 = arith.cmpi slt, %jit3A, %sign3A_10 : i32
    %sign3A_12 = arith.extui %sign3A_11 : i1 to i32
    %sign3A_13 = arith.subi %sign3A_9, %sign3A_12 : i32
    %ne3A = arith.cmpi ne, %sign3A_6, %sign3A_13 : i32
    %rem3A = arith.remsi %add3A, %jit3A : i32
    %ne3A_14 = arith.constant 0 : i32
    %ne3A_15 = arith.cmpi ne, %rem3A, %ne3A_14 : i32
    %and3A = arith.andi %ne3A, %ne3A_15 : i1
    %sub3A = arith.constant 1 : i32
    %sub3A_16 = arith.subi %div3A, %sub3A : i32
    %select_n3A = arith.select %and3A, %sub3A_16, %div3A : i32
    %jit3A_17 = arith.constant 8 : i32
    %eq3A = arith.constant 0 : i32
    %eq3A_18 = arith.cmpi eq, %jit3A_17, %eq3A : i32
    %jit3A_19 = arith.constant 1 : i32
    %select_n3A_20 = arith.select %eq3A_18, %jit3A_19, %jit3A_17 : i32
    %rem3A_21 = arith.remsi %add3A, %select_n3A_20 : i32
    %ne3A_22 = arith.constant 0 : i32
    %ne3A_23 = arith.cmpi ne, %rem3A_21, %ne3A_22 : i32
    %lt3A = arith.constant 0 : i32
    %lt3A_24 = arith.cmpi slt, %rem3A_21, %lt3A : i32
    %lt3A_25 = arith.constant 0 : i32
    %lt3A_26 = arith.cmpi slt, %select_n3A_20, %lt3A_25 : i32
    %ne3A_27 = arith.xori %lt3A_24, %lt3A_26 : i1
    %and3A_28 = arith.andi %ne3A_27, %ne3A_23 : i1
    %add3A_29 = arith.addi %rem3A_21, %select_n3A_20 : i32
    %select_n3A_30 = arith.select %and3A_28, %add3A_29, %rem3A_21 : i32
    %broadcast_in_dim3A = arith.constant 1.000000e+00 : f32
    %broadcast_in_dim3A_31 = vector.broadcast %broadcast_in_dim3A : f32 to vector<16xf32>
    %parallel_loop3A = arith.constant 0 : i32
    %parallel_loop3A_32 = arith.constant 32768 : i32
    %parallel_loop3A_33 = arith.constant 16 : i32
    scf.for %parallel_loop3A_139 = %parallel_loop3A to %parallel_loop3A_32 step %parallel_loop3A_33  : i32 {
      %parallel_loop3A_140 = arith.constant 0.000000e+00 : f32
      %parallel_loop3A_141 = vector.broadcast %parallel_loop3A_140 : f32 to vector<16xf32>
      %parallel_loop3A_142 = arith.index_cast %parallel_loop3A_139 : i32 to index
      %parallel_loop3A_143 = tpu.vector_load %arg7[%parallel_loop3A_142] {strides = array<i32>} : memref<32768xf32, #tpu.memory_space<vmem>>, vector<16xf32>,
      tpu.vector_store %arg7[%parallel_loop3A_142], %parallel_loop3A_141 {strides = array<i32>} : memref<32768xf32, #tpu.memory_space<vmem>>, vector<16xf32>,
    } {sc.loop_unroll_factor = 8 : i64, sc.parallel_access}
    %mul3A_34 = arith.constant 8 : i32
    %mul3A_35 = arith.muli %select_n3A_30, %mul3A_34 : i32
    %add3A_36 = arith.constant 1 : i32
    %add3A_37 = arith.addi %mul3A_35, %add3A_36 : i32
    %parallel_loop3A_38 = arith.constant 0 : i32
    %parallel_loop3A_39 = arith.constant 32768 : i32
    %parallel_loop3A_40 = arith.constant 16 : i32
    scf.for %parallel_loop3A_139 = %parallel_loop3A_38 to %parallel_loop3A_39 step %parallel_loop3A_40  : i32 {
      %parallel_loop3A_140 = arith.constant 1024 : i32
      %parallel_loop3A_141 = arith.divsi %parallel_loop3A_139, %parallel_loop3A_140 : i32
      %parallel_loop3A_142 = arith.constant 0 : i32
      %parallel_loop3A_143 = arith.cmpi sgt, %parallel_loop3A_139, %parallel_loop3A_142 : i32
      %parallel_loop3A_144 = arith.extui %parallel_loop3A_143 : i1 to i32
      %parallel_loop3A_145 = arith.constant 0 : i32
      %parallel_loop3A_146 = arith.cmpi slt, %parallel_loop3A_139, %parallel_loop3A_145 : i32
      %parallel_loop3A_147 = arith.extui %parallel_loop3A_146 : i1 to i32
      %parallel_loop3A_148 = arith.subi %parallel_loop3A_144, %parallel_loop3A_147 : i32
      %parallel_loop3A_149 = arith.constant 0 : i32
      %parallel_loop3A_150 = arith.cmpi sgt, %parallel_loop3A_140, %parallel_loop3A_149 : i32
      %parallel_loop3A_151 = arith.extui %parallel_loop3A_150 : i1 to i32
      %parallel_loop3A_152 = arith.constant 0 : i32
      %parallel_loop3A_153 = arith.cmpi slt, %parallel_loop3A_140, %parallel_loop3A_152 : i32
      %parallel_loop3A_154 = arith.extui %parallel_loop3A_153 : i1 to i32
      %parallel_loop3A_155 = arith.subi %parallel_loop3A_151, %parallel_loop3A_154 : i32
      %parallel_loop3A_156 = arith.cmpi ne, %parallel_loop3A_148, %parallel_loop3A_155 : i32
      %parallel_loop3A_157 = arith.remsi %parallel_loop3A_139, %parallel_loop3A_140 : i32
      %parallel_loop3A_158 = arith.constant 0 : i32
      %parallel_loop3A_159 = arith.cmpi ne, %parallel_loop3A_157, %parallel_loop3A_158 : i32
      %parallel_loop3A_160 = arith.andi %parallel_loop3A_156, %parallel_loop3A_159 : i1
      %parallel_loop3A_161 = arith.constant 1 : i32
      %parallel_loop3A_162 = arith.subi %parallel_loop3A_141, %parallel_loop3A_161 : i32
      %parallel_loop3A_163 = arith.select %parallel_loop3A_160, %parallel_loop3A_162, %parallel_loop3A_141 : i32
      %parallel_loop3A_164 = arith.constant 32 : i32
      %parallel_loop3A_165 = arith.divsi %parallel_loop3A_139, %parallel_loop3A_164 : i32
      %parallel_loop3A_166 = arith.constant 0 : i32
      %parallel_loop3A_167 = arith.cmpi sgt, %parallel_loop3A_139, %parallel_loop3A_166 : i32
      %parallel_loop3A_168 = arith.extui %parallel_loop3A_167 : i1 to i32
      %parallel_loop3A_169 = arith.constant 0 : i32
      %parallel_loop3A_170 = arith.cmpi slt, %parallel_loop3A_139, %parallel_loop3A_169 : i32
      %parallel_loop3A_171 = arith.extui %parallel_loop3A_170 : i1 to i32
      %parallel_loop3A_172 = arith.subi %parallel_loop3A_168, %parallel_loop3A_171 : i32
      %parallel_loop3A_173 = arith.constant 0 : i32
      %parallel_loop3A_174 = arith.cmpi sgt, %parallel_loop3A_164, %parallel_loop3A_173 : i32
      %parallel_loop3A_175 = arith.extui %parallel_loop3A_174 : i1 to i32
      %parallel_loop3A_176 = arith.constant 0 : i32
      %parallel_loop3A_177 = arith.cmpi slt, %parallel_loop3A_164, %parallel_loop3A_176 : i32
      %parallel_loop3A_178 = arith.extui %parallel_loop3A_177 : i1 to i32
      %parallel_loop3A_179 = arith.subi %parallel_loop3A_175, %parallel_loop3A_178 : i32
      %parallel_loop3A_180 = arith.cmpi ne, %parallel_loop3A_172, %parallel_loop3A_179 : i32
      %parallel_loop3A_181 = arith.remsi %parallel_loop3A_139, %parallel_loop3A_164 : i32
      %parallel_loop3A_182 = arith.constant 0 : i32
      %parallel_loop3A_183 = arith.cmpi ne, %parallel_loop3A_181, %parallel_loop3A_182 : i32
      %parallel_loop3A_184 = arith.andi %parallel_loop3A_180, %parallel_loop3A_183 : i1
      %parallel_loop3A_185 = arith.constant 1 : i32
      %parallel_loop3A_186 = arith.subi %parallel_loop3A_165, %parallel_loop3A_185 : i32
      %parallel_loop3A_187 = arith.select %parallel_loop3A_184, %parallel_loop3A_186, %parallel_loop3A_165 : i32
      %parallel_loop3A_188 = arith.constant 32 : i32
      %parallel_loop3A_189 = arith.constant 0 : i32
      %parallel_loop3A_190 = arith.cmpi eq, %parallel_loop3A_188, %parallel_loop3A_189 : i32
      %parallel_loop3A_191 = arith.constant 1 : i32
      %parallel_loop3A_192 = arith.select %parallel_loop3A_190, %parallel_loop3A_191, %parallel_loop3A_188 : i32
      %parallel_loop3A_193 = arith.remsi %parallel_loop3A_187, %parallel_loop3A_192 : i32
      %parallel_loop3A_194 = arith.constant 0 : i32
      %parallel_loop3A_195 = arith.cmpi ne, %parallel_loop3A_193, %parallel_loop3A_194 : i32
      %parallel_loop3A_196 = arith.constant 0 : i32
      %parallel_loop3A_197 = arith.cmpi slt, %parallel_loop3A_193, %parallel_loop3A_196 : i32
      %parallel_loop3A_198 = arith.constant 0 : i32
      %parallel_loop3A_199 = arith.cmpi slt, %parallel_loop3A_192, %parallel_loop3A_198 : i32
      %parallel_loop3A_200 = arith.xori %parallel_loop3A_197, %parallel_loop3A_199 : i1
      %parallel_loop3A_201 = arith.andi %parallel_loop3A_200, %parallel_loop3A_195 : i1
      %parallel_loop3A_202 = arith.addi %parallel_loop3A_193, %parallel_loop3A_192 : i32
      %parallel_loop3A_203 = arith.select %parallel_loop3A_201, %parallel_loop3A_202, %parallel_loop3A_193 : i32
      %parallel_loop3A_204 = arith.constant 32 : i32
      %parallel_loop3A_205 = arith.constant 0 : i32
      %parallel_loop3A_206 = arith.cmpi eq, %parallel_loop3A_204, %parallel_loop3A_205 : i32
      %parallel_loop3A_207 = arith.constant 1 : i32
      %parallel_loop3A_208 = arith.select %parallel_loop3A_206, %parallel_loop3A_207, %parallel_loop3A_204 : i32
      %parallel_loop3A_209 = arith.remsi %parallel_loop3A_139, %parallel_loop3A_208 : i32
      %parallel_loop3A_210 = arith.constant 0 : i32
      %parallel_loop3A_211 = arith.cmpi ne, %parallel_loop3A_209, %parallel_loop3A_210 : i32
      %parallel_loop3A_212 = arith.constant 0 : i32
      %parallel_loop3A_213 = arith.cmpi slt, %parallel_loop3A_209, %parallel_loop3A_212 : i32
      %parallel_loop3A_214 = arith.constant 0 : i32
      %parallel_loop3A_215 = arith.cmpi slt, %parallel_loop3A_208, %parallel_loop3A_214 : i32
      %parallel_loop3A_216 = arith.xori %parallel_loop3A_213, %parallel_loop3A_215 : i1
      %parallel_loop3A_217 = arith.andi %parallel_loop3A_216, %parallel_loop3A_211 : i1
      %parallel_loop3A_218 = arith.addi %parallel_loop3A_209, %parallel_loop3A_208 : i32
      %parallel_loop3A_219 = arith.select %parallel_loop3A_217, %parallel_loop3A_218, %parallel_loop3A_209 : i32
      %parallel_loop3A_220 = arith.constant 0.000000e+00 : f32
      %parallel_loop3A_221 = vector.broadcast %parallel_loop3A_220 : f32 to vector<16xf32>
      %parallel_loop3A_222 = arith.index_cast %parallel_loop3A_163 : i32 to index
      %parallel_loop3A_223 = arith.index_cast %parallel_loop3A_203 : i32 to index
      %parallel_loop3A_224 = arith.index_cast %parallel_loop3A_219 : i32 to index
      %parallel_loop3A_225 = tpu.vector_load %arg5[%parallel_loop3A_222, %parallel_loop3A_223, %parallel_loop3A_224] {strides = array<i32>} : memref<32x32x32xf32, #tpu.memory_space<vmem>>, vector<16xf32>,
      tpu.vector_store %arg5[%parallel_loop3A_222, %parallel_loop3A_223, %parallel_loop3A_224], %parallel_loop3A_221 {strides = array<i32>} : memref<32x32x32xf32, #tpu.memory_space<vmem>>, vector<16xf32>,
    } {sc.loop_unroll_factor = 8 : i64, sc.parallel_access}
    %parallel_loop3A_41 = arith.constant 0 : i32
    %parallel_loop3A_42 = arith.constant 32768 : i32
    %parallel_loop3A_43 = arith.constant 16 : i32
    scf.for %parallel_loop3A_139 = %parallel_loop3A_41 to %parallel_loop3A_42 step %parallel_loop3A_43  : i32 {
      %parallel_loop3A_140 = arith.constant 1024 : i32
      %parallel_loop3A_141 = arith.divsi %parallel_loop3A_139, %parallel_loop3A_140 : i32
      %parallel_loop3A_142 = arith.constant 0 : i32
      %parallel_loop3A_143 = arith.cmpi sgt, %parallel_loop3A_139, %parallel_loop3A_142 : i32
      %parallel_loop3A_144 = arith.extui %parallel_loop3A_143 : i1 to i32
      %parallel_loop3A_145 = arith.constant 0 : i32
      %parallel_loop3A_146 = arith.cmpi slt, %parallel_loop3A_139, %parallel_loop3A_145 : i32
      %parallel_loop3A_147 = arith.extui %parallel_loop3A_146 : i1 to i32
      %parallel_loop3A_148 = arith.subi %parallel_loop3A_144, %parallel_loop3A_147 : i32
      %parallel_loop3A_149 = arith.constant 0 : i32
      %parallel_loop3A_150 = arith.cmpi sgt, %parallel_loop3A_140, %parallel_loop3A_149 : i32
      %parallel_loop3A_151 = arith.extui %parallel_loop3A_150 : i1 to i32
      %parallel_loop3A_152 = arith.constant 0 : i32
      %parallel_loop3A_153 = arith.cmpi slt, %parallel_loop3A_140, %parallel_loop3A_152 : i32
      %parallel_loop3A_154 = arith.extui %parallel_loop3A_153 : i1 to i32
      %parallel_loop3A_155 = arith.subi %parallel_loop3A_151, %parallel_loop3A_154 : i32
      %parallel_loop3A_156 = arith.cmpi ne, %parallel_loop3A_148, %parallel_loop3A_155 : i32
      %parallel_loop3A_157 = arith.remsi %parallel_loop3A_139, %parallel_loop3A_140 : i32
      %parallel_loop3A_158 = arith.constant 0 : i32
      %parallel_loop3A_159 = arith.cmpi ne, %parallel_loop3A_157, %parallel_loop3A_158 : i32
      %parallel_loop3A_160 = arith.andi %parallel_loop3A_156, %parallel_loop3A_159 : i1
      %parallel_loop3A_161 = arith.constant 1 : i32
      %parallel_loop3A_162 = arith.subi %parallel_loop3A_141, %parallel_loop3A_161 : i32
      %parallel_loop3A_163 = arith.select %parallel_loop3A_160, %parallel_loop3A_162, %parallel_loop3A_141 : i32
      %parallel_loop3A_164 = arith.constant 32 : i32
      %parallel_loop3A_165 = arith.divsi %parallel_loop3A_139, %parallel_loop3A_164 : i32
      %parallel_loop3A_166 = arith.constant 0 : i32
      %parallel_loop3A_167 = arith.cmpi sgt, %parallel_loop3A_139, %parallel_loop3A_166 : i32
      %parallel_loop3A_168 = arith.extui %parallel_loop3A_167 : i1 to i32
      %parallel_loop3A_169 = arith.constant 0 : i32
      %parallel_loop3A_170 = arith.cmpi slt, %parallel_loop3A_139, %parallel_loop3A_169 : i32
      %parallel_loop3A_171 = arith.extui %parallel_loop3A_170 : i1 to i32
      %parallel_loop3A_172 = arith.subi %parallel_loop3A_168, %parallel_loop3A_171 : i32
      %parallel_loop3A_173 = arith.constant 0 : i32
      %parallel_loop3A_174 = arith.cmpi sgt, %parallel_loop3A_164, %parallel_loop3A_173 : i32
      %parallel_loop3A_175 = arith.extui %parallel_loop3A_174 : i1 to i32
      %parallel_loop3A_176 = arith.constant 0 : i32
      %parallel_loop3A_177 = arith.cmpi slt, %parallel_loop3A_164, %parallel_loop3A_176 : i32
      %parallel_loop3A_178 = arith.extui %parallel_loop3A_177 : i1 to i32
      %parallel_loop3A_179 = arith.subi %parallel_loop3A_175, %parallel_loop3A_178 : i32
      %parallel_loop3A_180 = arith.cmpi ne, %parallel_loop3A_172, %parallel_loop3A_179 : i32
      %parallel_loop3A_181 = arith.remsi %parallel_loop3A_139, %parallel_loop3A_164 : i32
      %parallel_loop3A_182 = arith.constant 0 : i32
      %parallel_loop3A_183 = arith.cmpi ne, %parallel_loop3A_181, %parallel_loop3A_182 : i32
      %parallel_loop3A_184 = arith.andi %parallel_loop3A_180, %parallel_loop3A_183 : i1
      %parallel_loop3A_185 = arith.constant 1 : i32
      %parallel_loop3A_186 = arith.subi %parallel_loop3A_165, %parallel_loop3A_185 : i32
      %parallel_loop3A_187 = arith.select %parallel_loop3A_184, %parallel_loop3A_186, %parallel_loop3A_165 : i32
      %parallel_loop3A_188 = arith.constant 32 : i32
      %parallel_loop3A_189 = arith.constant 0 : i32
      %parallel_loop3A_190 = arith.cmpi eq, %parallel_loop3A_188, %parallel_loop3A_189 : i32
      %parallel_loop3A_191 = arith.constant 1 : i32
      %parallel_loop3A_192 = arith.select %parallel_loop3A_190, %parallel_loop3A_191, %parallel_loop3A_188 : i32
      %parallel_loop3A_193 = arith.remsi %parallel_loop3A_187, %parallel_loop3A_192 : i32
      %parallel_loop3A_194 = arith.constant 0 : i32
      %parallel_loop3A_195 = arith.cmpi ne, %parallel_loop3A_193, %parallel_loop3A_194 : i32
      %parallel_loop3A_196 = arith.constant 0 : i32
      %parallel_loop3A_197 = arith.cmpi slt, %parallel_loop3A_193, %parallel_loop3A_196 : i32
      %parallel_loop3A_198 = arith.constant 0 : i32
      %parallel_loop3A_199 = arith.cmpi slt, %parallel_loop3A_192, %parallel_loop3A_198 : i32
      %parallel_loop3A_200 = arith.xori %parallel_loop3A_197, %parallel_loop3A_199 : i1
      %parallel_loop3A_201 = arith.andi %parallel_loop3A_200, %parallel_loop3A_195 : i1
      %parallel_loop3A_202 = arith.addi %parallel_loop3A_193, %parallel_loop3A_192 : i32
      %parallel_loop3A_203 = arith.select %parallel_loop3A_201, %parallel_loop3A_202, %parallel_loop3A_193 : i32
      %parallel_loop3A_204 = arith.constant 32 : i32
      %parallel_loop3A_205 = arith.constant 0 : i32
      %parallel_loop3A_206 = arith.cmpi eq, %parallel_loop3A_204, %parallel_loop3A_205 : i32
      %parallel_loop3A_207 = arith.constant 1 : i32
      %parallel_loop3A_208 = arith.select %parallel_loop3A_206, %parallel_loop3A_207, %parallel_loop3A_204 : i32
      %parallel_loop3A_209 = arith.remsi %parallel_loop3A_139, %parallel_loop3A_208 : i32
      %parallel_loop3A_210 = arith.constant 0 : i32
      %parallel_loop3A_211 = arith.cmpi ne, %parallel_loop3A_209, %parallel_loop3A_210 : i32
      %parallel_loop3A_212 = arith.constant 0 : i32
      %parallel_loop3A_213 = arith.cmpi slt, %parallel_loop3A_209, %parallel_loop3A_212 : i32
      %parallel_loop3A_214 = arith.constant 0 : i32
      %parallel_loop3A_215 = arith.cmpi slt, %parallel_loop3A_208, %parallel_loop3A_214 : i32
      %parallel_loop3A_216 = arith.xori %parallel_loop3A_213, %parallel_loop3A_215 : i1
      %parallel_loop3A_217 = arith.andi %parallel_loop3A_216, %parallel_loop3A_211 : i1
      %parallel_loop3A_218 = arith.addi %parallel_loop3A_209, %parallel_loop3A_208 : i32
      %parallel_loop3A_219 = arith.select %parallel_loop3A_217, %parallel_loop3A_218, %parallel_loop3A_209 : i32
      %parallel_loop3A_220 = arith.constant 0.000000e+00 : f32
      %parallel_loop3A_221 = vector.broadcast %parallel_loop3A_220 : f32 to vector<16xf32>
      %parallel_loop3A_222 = arith.index_cast %parallel_loop3A_163 : i32 to index
      %parallel_loop3A_223 = arith.index_cast %parallel_loop3A_203 : i32 to index
      %parallel_loop3A_224 = arith.index_cast %parallel_loop3A_219 : i32 to index
      %parallel_loop3A_225 = tpu.vector_load %arg6[%parallel_loop3A_222, %parallel_loop3A_223, %parallel_loop3A_224] {strides = array<i32>} : memref<32x32x32xf32, #tpu.memory_space<vmem>>, vector<16xf32>,
      tpu.vector_store %arg6[%parallel_loop3A_222, %parallel_loop3A_223, %parallel_loop3A_224], %parallel_loop3A_221 {strides = array<i32>} : memref<32x32x32xf32, #tpu.memory_space<vmem>>, vector<16xf32>,
    } {sc.loop_unroll_factor = 8 : i64, sc.parallel_access}
    %dma_start3A = arith.constant 0 : i32
    %dma_start3A_44 = arith.constant 0 : i32
    %dma_start3A_45 = tpu.memref_slice %arg3[%select_n3A, %dma_start3A, %dma_start3A_44] : memref<4x1x100000xi32, #tpu.memory_space<hbm>> -> memref<1x1x2000xi32, #tpu.memory_space<hbm>>
    %dma_start3A_46 = tpu.memref_squeeze %dma_start3A_45 : memref<1x1x2000xi32, #tpu.memory_space<hbm>> -> memref<2000xi32, #tpu.memory_space<hbm>>
    %dma_start3A_47 = arith.constant 0 : i32
    %dma_start3A_48 = tpu.memref_slice %arg3[%select_n3A, %dma_start3A, %dma_start3A_47] : memref<4x1x100000xi32, #tpu.memory_space<hbm>> -> memref<1x1x2000xi32, #tpu.memory_space<hbm>>
    %dma_start3A_49 = tpu.memref_squeeze %dma_start3A_48 : memref<1x1x2000xi32, #tpu.memory_space<hbm>> -> memref<2000xi32, #tpu.memory_space<hbm>>
    tpu.enqueue_dma source(%dma_start3A_49 : memref<2000xi32, #tpu.memory_space<hbm>>) target(%arg8 : memref<2000xi32, #tpu.memory_space<vmem>>) target_semaphore(%arg14 : memref<!tpu.dma_semaphore, #tpu.memory_space<semaphore_mem>>)
    %dma_start3A_50 = arith.constant 0 : i32
    %dma_start3A_51 = tpu.memref_slice %arg2[%select_n3A, %mul3A_35, %dma_start3A_50] : memref<4x64x100000xf32, #tpu.memory_space<hbm>> -> memref<1x1x2000xf32, #tpu.memory_space<hbm>>
    %dma_start3A_52 = tpu.memref_squeeze %dma_start3A_51 : memref<1x1x2000xf32, #tpu.memory_space<hbm>> -> memref<2000xf32, #tpu.memory_space<hbm>>
    %dma_start3A_53 = arith.constant 0 : i32
    %dma_start3A_54 = tpu.memref_slice %arg2[%select_n3A, %mul3A_35, %dma_start3A_53] : memref<4x64x100000xf32, #tpu.memory_space<hbm>> -> memref<1x1x2000xf32, #tpu.memory_space<hbm>>
    %dma_start3A_55 = tpu.memref_squeeze %dma_start3A_54 : memref<1x1x2000xf32, #tpu.memory_space<hbm>> -> memref<2000xf32, #tpu.memory_space<hbm>>
    tpu.enqueue_dma source(%dma_start3A_55 : memref<2000xf32, #tpu.memory_space<hbm>>) target(%arg10 : memref<2000xf32, #tpu.memory_space<vmem>>) target_semaphore(%arg16 : memref<!tpu.dma_semaphore, #tpu.memory_space<semaphore_mem>>)
    %dma_start3A_56 = arith.constant 0 : i32
    %dma_start3A_57 = tpu.memref_slice %arg2[%select_n3A, %add3A_37, %dma_start3A_56] : memref<4x64x100000xf32, #tpu.memory_space<hbm>> -> memref<1x1x2000xf32, #tpu.memory_space<hbm>>
    %dma_start3A_58 = tpu.memref_squeeze %dma_start3A_57 : memref<1x1x2000xf32, #tpu.memory_space<hbm>> -> memref<2000xf32, #tpu.memory_space<hbm>>
    %dma_start3A_59 = arith.constant 0 : i32
    %dma_start3A_60 = tpu.memref_slice %arg2[%select_n3A, %add3A_37, %dma_start3A_59] : memref<4x64x100000xf32, #tpu.memory_space<hbm>> -> memref<1x1x2000xf32, #tpu.memory_space<hbm>>
    %dma_start3A_61 = tpu.memref_squeeze %dma_start3A_60 : memref<1x1x2000xf32, #tpu.memory_space<hbm>> -> memref<2000xf32, #tpu.memory_space<hbm>>
    tpu.enqueue_dma source(%dma_start3A_61 : memref<2000xf32, #tpu.memory_space<hbm>>) target(%arg12 : memref<2000xf32, #tpu.memory_space<vmem>>) target_semaphore(%arg18 : memref<!tpu.dma_semaphore, #tpu.memory_space<semaphore_mem>>)
    %dma_start3A_62 = arith.constant 0 : i32
    %dma_start3A_63 = arith.constant 2000 : i32
    %dma_start3A_64 = tpu.memref_slice %arg3[%select_n3A, %dma_start3A_62, %dma_start3A_63] : memref<4x1x100000xi32, #tpu.memory_space<hbm>> -> memref<1x1x2000xi32, #tpu.memory_space<hbm>>
    %dma_start3A_65 = tpu.memref_squeeze %dma_start3A_64 : memref<1x1x2000xi32, #tpu.memory_space<hbm>> -> memref<2000xi32, #tpu.memory_space<hbm>>
    %dma_start3A_66 = arith.constant 2000 : i32
    %dma_start3A_67 = tpu.memref_slice %arg3[%select_n3A, %dma_start3A_62, %dma_start3A_66] : memref<4x1x100000xi32, #tpu.memory_space<hbm>> -> memref<1x1x2000xi32, #tpu.memory_space<hbm>>
    %dma_start3A_68 = tpu.memref_squeeze %dma_start3A_67 : memref<1x1x2000xi32, #tpu.memory_space<hbm>> -> memref<2000xi32, #tpu.memory_space<hbm>>
    tpu.enqueue_dma source(%dma_start3A_68 : memref<2000xi32, #tpu.memory_space<hbm>>) target(%arg9 : memref<2000xi32, #tpu.memory_space<vmem>>) target_semaphore(%arg15 : memref<!tpu.dma_semaphore, #tpu.memory_space<semaphore_mem>>)
    %dma_start3A_69 = arith.constant 2000 : i32
    %dma_start3A_70 = tpu.memref_slice %arg2[%select_n3A, %mul3A_35, %dma_start3A_69] : memref<4x64x100000xf32, #tpu.memory_space<hbm>> -> memref<1x1x2000xf32, #tpu.memory_space<hbm>>
    %dma_start3A_71 = tpu.memref_squeeze %dma_start3A_70 : memref<1x1x2000xf32, #tpu.memory_space<hbm>> -> memref<2000xf32, #tpu.memory_space<hbm>>
    %dma_start3A_72 = arith.constant 2000 : i32
    %dma_start3A_73 = tpu.memref_slice %arg2[%select_n3A, %mul3A_35, %dma_start3A_72] : memref<4x64x100000xf32, #tpu.memory_space<hbm>> -> memref<1x1x2000xf32, #tpu.memory_space<hbm>>
    %dma_start3A_74 = tpu.memref_squeeze %dma_start3A_73 : memref<1x1x2000xf32, #tpu.memory_space<hbm>> -> memref<2000xf32, #tpu.memory_space<hbm>>
    tpu.enqueue_dma source(%dma_start3A_74 : memref<2000xf32, #tpu.memory_space<hbm>>) target(%arg11 : memref<2000xf32, #tpu.memory_space<vmem>>) target_semaphore(%arg17 : memref<!tpu.dma_semaphore, #tpu.memory_space<semaphore_mem>>)
    %dma_start3A_75 = arith.constant 2000 : i32
    %dma_start3A_76 = tpu.memref_slice %arg2[%select_n3A, %add3A_37, %dma_start3A_75] : memref<4x64x100000xf32, #tpu.memory_space<hbm>> -> memref<1x1x2000xf32, #tpu.memory_space<hbm>>
    %dma_start3A_77 = tpu.memref_squeeze %dma_start3A_76 : memref<1x1x2000xf32, #tpu.memory_space<hbm>> -> memref<2000xf32, #tpu.memory_space<hbm>>
    %dma_start3A_78 = arith.constant 2000 : i32
    %dma_start3A_79 = tpu.memref_slice %arg2[%select_n3A, %add3A_37, %dma_start3A_78] : memref<4x64x100000xf32, #tpu.memory_space<hbm>> -> memref<1x1x2000xf32, #tpu.memory_space<hbm>>
    %dma_start3A_80 = tpu.memref_squeeze %dma_start3A_79 : memref<1x1x2000xf32, #tpu.memory_space<hbm>> -> memref<2000xf32, #tpu.memory_space<hbm>>
    tpu.enqueue_dma source(%dma_start3A_80 : memref<2000xf32, #tpu.memory_space<hbm>>) target(%arg13 : memref<2000xf32, #tpu.memory_space<vmem>>) target_semaphore(%arg19 : memref<!tpu.dma_semaphore, #tpu.memory_space<semaphore_mem>>)
    %scan3A = arith.constant 0 : i32
    %scan3A_81 = arith.constant 24 : i32
    %scan3A_82 = arith.addi %scan3A, %scan3A_81 : i32
    %scan3A_83 = arith.constant 1 : i32
    scf.for %scan3A_139 = %scan3A to %scan3A_82 step %scan3A_83  : i32 {
      %mul3A_140 = arith.constant 2 : i32
      %mul3A_141 = arith.muli %scan3A_139, %mul3A_140 : i32
      %add3A_142 = arith.constant 0 : i32
      %add3A_143 = arith.addi %add3A_142, %mul3A_141 : i32
      %mul3A_144 = arith.constant 2000 : i32
      %mul3A_145 = arith.muli %add3A_143, %mul3A_144 : i32
      %dma_wait3A_146 = arith.constant 0 : i32
      %dma_wait3A_147 = tpu.memref_slice %arg3[%select_n3A, %dma_wait3A_146, %mul3A_145] : memref<4x1x100000xi32, #tpu.memory_space<hbm>> -> memref<1x1x2000xi32, #tpu.memory_space<hbm>>
      %dma_wait3A_148 = tpu.memref_squeeze %dma_wait3A_147 : memref<1x1x2000xi32, #tpu.memory_space<hbm>> -> memref<2000xi32, #tpu.memory_space<hbm>>
      %dma_wait3A_149 = tpu.memref_slice %arg3[%select_n3A, %dma_wait3A_146, %mul3A_145] : memref<4x1x100000xi32, #tpu.memory_space<hbm>> -> memref<1x1x2000xi32, #tpu.memory_space<hbm>>
      %dma_wait3A_150 = tpu.memref_squeeze %dma_wait3A_149 : memref<1x1x2000xi32, #tpu.memory_space<hbm>> -> memref<2000xi32, #tpu.memory_space<hbm>>
      tpu.wait_dma2 semaphore(%arg14 : memref<!tpu.dma_semaphore, #tpu.memory_space<semaphore_mem>>) src(%dma_wait3A_150 : memref<2000xi32, #tpu.memory_space<hbm>>) dst(%arg8 : memref<2000xi32, #tpu.memory_space<vmem>>)
      %mul3A_151 = arith.constant 2000 : i32
      %mul3A_152 = arith.muli %add3A_143, %mul3A_151 : i32
      %dma_wait3A_153 = tpu.memref_slice %arg2[%select_n3A, %mul3A_35, %mul3A_152] : memref<4x64x100000xf32, #tpu.memory_space<hbm>> -> memref<1x1x2000xf32, #tpu.memory_space<hbm>>
      %dma_wait3A_154 = tpu.memref_squeeze %dma_wait3A_153 : memref<1x1x2000xf32, #tpu.memory_space<hbm>> -> memref<2000xf32, #tpu.memory_space<hbm>>
      %dma_wait3A_155 = tpu.memref_slice %arg2[%select_n3A, %mul3A_35, %mul3A_152] : memref<4x64x100000xf32, #tpu.memory_space<hbm>> -> memref<1x1x2000xf32, #tpu.memory_space<hbm>>
      %dma_wait3A_156 = tpu.memref_squeeze %dma_wait3A_155 : memref<1x1x2000xf32, #tpu.memory_space<hbm>> -> memref<2000xf32, #tpu.memory_space<hbm>>
      tpu.wait_dma2 semaphore(%arg16 : memref<!tpu.dma_semaphore, #tpu.memory_space<semaphore_mem>>) src(%dma_wait3A_156 : memref<2000xf32, #tpu.memory_space<hbm>>) dst(%arg10 : memref<2000xf32, #tpu.memory_space<vmem>>)
      %mul3A_157 = arith.constant 2000 : i32
      %mul3A_158 = arith.muli %add3A_143, %mul3A_157 : i32
      %dma_wait3A_159 = tpu.memref_slice %arg2[%select_n3A, %add3A_37, %mul3A_158] : memref<4x64x100000xf32, #tpu.memory_space<hbm>> -> memref<1x1x2000xf32, #tpu.memory_space<hbm>>
      %dma_wait3A_160 = tpu.memref_squeeze %dma_wait3A_159 : memref<1x1x2000xf32, #tpu.memory_space<hbm>> -> memref<2000xf32, #tpu.memory_space<hbm>>
      %dma_wait3A_161 = tpu.memref_slice %arg2[%select_n3A, %add3A_37, %mul3A_158] : memref<4x64x100000xf32, #tpu.memory_space<hbm>> -> memref<1x1x2000xf32, #tpu.memory_space<hbm>>
      %dma_wait3A_162 = tpu.memref_squeeze %dma_wait3A_161 : memref<1x1x2000xf32, #tpu.memory_space<hbm>> -> memref<2000xf32, #tpu.memory_space<hbm>>
      tpu.wait_dma2 semaphore(%arg18 : memref<!tpu.dma_semaphore, #tpu.memory_space<semaphore_mem>>) src(%dma_wait3A_162 : memref<2000xf32, #tpu.memory_space<hbm>>) dst(%arg12 : memref<2000xf32, #tpu.memory_space<vmem>>)
      %parallel_loop3A_163 = arith.constant 0 : i32
      %parallel_loop3A_164 = arith.constant 2000 : i32
      %parallel_loop3A_165 = arith.constant 16 : i32
      scf.for %parallel_loop3A_244 = %parallel_loop3A_163 to %parallel_loop3A_164 step %parallel_loop3A_165  : i32 {
        %parallel_loop3A_245 = arith.index_cast %parallel_loop3A_244 : i32 to index
        %parallel_loop3A_246 = tpu.vector_load %arg8[%parallel_loop3A_245] {strides = array<i32>} : memref<2000xi32, #tpu.memory_space<vmem>>, vector<16xi32>,
        %parallel_loop3A_247 = arith.constant 10 : i32
        %parallel_loop3A_248 = vector.broadcast %parallel_loop3A_247 : i32 to vector<16xi32>
        %parallel_loop3A_249 = arith.shrui %parallel_loop3A_246, %parallel_loop3A_248 : vector<16xi32>
        %parallel_loop3A_250 = arith.constant 5 : i32
        %parallel_loop3A_251 = vector.broadcast %parallel_loop3A_250 : i32 to vector<16xi32>
        %parallel_loop3A_252 = arith.shrui %parallel_loop3A_246, %parallel_loop3A_251 : vector<16xi32>
        %parallel_loop3A_253 = arith.constant 31 : i32
        %parallel_loop3A_254 = vector.broadcast %parallel_loop3A_253 : i32 to vector<16xi32>
        %parallel_loop3A_255 = arith.andi %parallel_loop3A_252, %parallel_loop3A_254 : vector<16xi32>
        %parallel_loop3A_256 = arith.constant 31 : i32
        %parallel_loop3A_257 = vector.broadcast %parallel_loop3A_256 : i32 to vector<16xi32>
        %parallel_loop3A_258 = arith.andi %parallel_loop3A_246, %parallel_loop3A_257 : vector<16xi32>
        %parallel_loop3A_259 = arith.index_cast %parallel_loop3A_244 : i32 to index
        %parallel_loop3A_260 = tpu.vector_load %arg10[%parallel_loop3A_259] {strides = array<i32>} : memref<2000xf32, #tpu.memory_space<vmem>>, vector<16xf32>,
        tpu.vector_store_idx %arg5[%parallel_loop3A_249, %parallel_loop3A_255, %parallel_loop3A_258], %parallel_loop3A_260 {add = true} : memref<32x32x32xf32, #tpu.memory_space<vmem>>[vector<16xi32>, vector<16xi32>, vector<16xi32>], vector<16xf32>,
        %parallel_loop3A_261 = arith.index_cast %parallel_loop3A_244 : i32 to index
        %parallel_loop3A_262 = tpu.vector_load %arg12[%parallel_loop3A_261] {strides = array<i32>} : memref<2000xf32, #tpu.memory_space<vmem>>, vector<16xf32>,
        tpu.vector_store_idx %arg6[%parallel_loop3A_249, %parallel_loop3A_255, %parallel_loop3A_258], %parallel_loop3A_262 {add = true} : memref<32x32x32xf32, #tpu.memory_space<vmem>>[vector<16xi32>, vector<16xi32>, vector<16xi32>], vector<16xf32>,
        tpu.vector_store_idx %arg7[%parallel_loop3A_246], %broadcast_in_dim3A_31 {add = true} : memref<32768xf32, #tpu.memory_space<vmem>>[vector<16xi32>], vector<16xf32>,
      } {sc.loop_unroll_factor = 25 : i64, sc.parallel_access}
      %add3A_166 = arith.constant 2 : i32
      %add3A_167 = arith.addi %add3A_143, %add3A_166 : i32
      %mul3A_168 = arith.constant 2000 : i32
      %mul3A_169 = arith.muli %add3A_167, %mul3A_168 : i32
      %dma_start3A_170 = arith.constant 0 : i32
      %dma_start3A_171 = tpu.memref_slice %arg3[%select_n3A, %dma_start3A_170, %mul3A_169] : memref<4x1x100000xi32, #tpu.memory_space<hbm>> -> memref<1x1x2000xi32, #tpu.memory_space<hbm>>
      %dma_start3A_172 = tpu.memref_squeeze %dma_start3A_171 : memref<1x1x2000xi32, #tpu.memory_space<hbm>> -> memref<2000xi32, #tpu.memory_space<hbm>>
      %dma_start3A_173 = tpu.memref_slice %arg3[%select_n3A, %dma_start3A_170, %mul3A_169] : memref<4x1x100000xi32, #tpu.memory_space<hbm>> -> memref<1x1x2000xi32, #tpu.memory_space<hbm>>
      %dma_start3A_174 = tpu.memref_squeeze %dma_start3A_173 : memref<1x1x2000xi32, #tpu.memory_space<hbm>> -> memref<2000xi32, #tpu.memory_space<hbm>>
      tpu.enqueue_dma source(%dma_start3A_174 : memref<2000xi32, #tpu.memory_space<hbm>>) target(%arg8 : memref<2000xi32, #tpu.memory_space<vmem>>) target_semaphore(%arg14 : memref<!tpu.dma_semaphore, #tpu.memory_space<semaphore_mem>>)
      %add3A_175 = arith.constant 2 : i32
      %add3A_176 = arith.addi %add3A_143, %add3A_175 : i32
      %mul3A_177 = arith.constant 2000 : i32
      %mul3A_178 = arith.muli %add3A_176, %mul3A_177 : i32
      %dma_start3A_179 = tpu.memref_slice %arg2[%select_n3A, %mul3A_35, %mul3A_178] : memref<4x64x100000xf32, #tpu.memory_space<hbm>> -> memref<1x1x2000xf32, #tpu.memory_space<hbm>>
      %dma_start3A_180 = tpu.memref_squeeze %dma_start3A_179 : memref<1x1x2000xf32, #tpu.memory_space<hbm>> -> memref<2000xf32, #tpu.memory_space<hbm>>
      %dma_start3A_181 = tpu.memref_slice %arg2[%select_n3A, %mul3A_35, %mul3A_178] : memref<4x64x100000xf32, #tpu.memory_space<hbm>> -> memref<1x1x2000xf32, #tpu.memory_space<hbm>>
      %dma_start3A_182 = tpu.memref_squeeze %dma_start3A_181 : memref<1x1x2000xf32, #tpu.memory_space<hbm>> -> memref<2000xf32, #tpu.memory_space<hbm>>
      tpu.enqueue_dma source(%dma_start3A_182 : memref<2000xf32, #tpu.memory_space<hbm>>) target(%arg10 : memref<2000xf32, #tpu.memory_space<vmem>>) target_semaphore(%arg16 : memref<!tpu.dma_semaphore, #tpu.memory_space<semaphore_mem>>)
      %add3A_183 = arith.constant 2 : i32
      %add3A_184 = arith.addi %add3A_143, %add3A_183 : i32
      %mul3A_185 = arith.constant 2000 : i32
      %mul3A_186 = arith.muli %add3A_184, %mul3A_185 : i32
      %dma_start3A_187 = tpu.memref_slice %arg2[%select_n3A, %add3A_37, %mul3A_186] : memref<4x64x100000xf32, #tpu.memory_space<hbm>> -> memref<1x1x2000xf32, #tpu.memory_space<hbm>>
      %dma_start3A_188 = tpu.memref_squeeze %dma_start3A_187 : memref<1x1x2000xf32, #tpu.memory_space<hbm>> -> memref<2000xf32, #tpu.memory_space<hbm>>
      %dma_start3A_189 = tpu.memref_slice %arg2[%select_n3A, %add3A_37, %mul3A_186] : memref<4x64x100000xf32, #tpu.memory_space<hbm>> -> memref<1x1x2000xf32, #tpu.memory_space<hbm>>
      %dma_start3A_190 = tpu.memref_squeeze %dma_start3A_189 : memref<1x1x2000xf32, #tpu.memory_space<hbm>> -> memref<2000xf32, #tpu.memory_space<hbm>>
      tpu.enqueue_dma source(%dma_start3A_190 : memref<2000xf32, #tpu.memory_space<hbm>>) target(%arg12 : memref<2000xf32, #tpu.memory_space<vmem>>) target_semaphore(%arg18 : memref<!tpu.dma_semaphore, #tpu.memory_space<semaphore_mem>>)
      %add3A_191 = arith.constant 1 : i32
      %add3A_192 = arith.addi %add3A_143, %add3A_191 : i32
      %mul3A_193 = arith.constant 2000 : i32
      %mul3A_194 = arith.muli %add3A_192, %mul3A_193 : i32
      %dma_wait3A_195 = arith.constant 0 : i32
      %dma_wait3A_196 = tpu.memref_slice %arg3[%select_n3A, %dma_wait3A_195, %mul3A_194] : memref<4x1x100000xi32, #tpu.memory_space<hbm>> -> memref<1x1x2000xi32, #tpu.memory_space<hbm>>
      %dma_wait3A_197 = tpu.memref_squeeze %dma_wait3A_196 : memref<1x1x2000xi32, #tpu.memory_space<hbm>> -> memref<2000xi32, #tpu.memory_space<hbm>>
      %dma_wait3A_198 = tpu.memref_slice %arg3[%select_n3A, %dma_wait3A_195, %mul3A_194] : memref<4x1x100000xi32, #tpu.memory_space<hbm>> -> memref<1x1x2000xi32, #tpu.memory_space<hbm>>
      %dma_wait3A_199 = tpu.memref_squeeze %dma_wait3A_198 : memref<1x1x2000xi32, #tpu.memory_space<hbm>> -> memref<2000xi32, #tpu.memory_space<hbm>>
      tpu.wait_dma2 semaphore(%arg15 : memref<!tpu.dma_semaphore, #tpu.memory_space<semaphore_mem>>) src(%dma_wait3A_199 : memref<2000xi32, #tpu.memory_space<hbm>>) dst(%arg9 : memref<2000xi32, #tpu.memory_space<vmem>>)
      %add3A_200 = arith.constant 1 : i32
      %add3A_201 = arith.addi %add3A_143, %add3A_200 : i32
      %mul3A_202 = arith.constant 2000 : i32
      %mul3A_203 = arith.muli %add3A_201, %mul3A_202 : i32
      %dma_wait3A_204 = tpu.memref_slice %arg2[%select_n3A, %mul3A_35, %mul3A_203] : memref<4x64x100000xf32, #tpu.memory_space<hbm>> -> memref<1x1x2000xf32, #tpu.memory_space<hbm>>
      %dma_wait3A_205 = tpu.memref_squeeze %dma_wait3A_204 : memref<1x1x2000xf32, #tpu.memory_space<hbm>> -> memref<2000xf32, #tpu.memory_space<hbm>>
      %dma_wait3A_206 = tpu.memref_slice %arg2[%select_n3A, %mul3A_35, %mul3A_203] : memref<4x64x100000xf32, #tpu.memory_space<hbm>> -> memref<1x1x2000xf32, #tpu.memory_space<hbm>>
      %dma_wait3A_207 = tpu.memref_squeeze %dma_wait3A_206 : memref<1x1x2000xf32, #tpu.memory_space<hbm>> -> memref<2000xf32, #tpu.memory_space<hbm>>
      tpu.wait_dma2 semaphore(%arg17 : memref<!tpu.dma_semaphore, #tpu.memory_space<semaphore_mem>>) src(%dma_wait3A_207 : memref<2000xf32, #tpu.memory_space<hbm>>) dst(%arg11 : memref<2000xf32, #tpu.memory_space<vmem>>)
      %add3A_208 = arith.constant 1 : i32
      %add3A_209 = arith.addi %add3A_143, %add3A_208 : i32
      %mul3A_210 = arith.constant 2000 : i32
      %mul3A_211 = arith.muli %add3A_209, %mul3A_210 : i32
      %dma_wait3A_212 = tpu.memref_slice %arg2[%select_n3A, %add3A_37, %mul3A_211] : memref<4x64x100000xf32, #tpu.memory_space<hbm>> -> memref<1x1x2000xf32, #tpu.memory_space<hbm>>
      %dma_wait3A_213 = tpu.memref_squeeze %dma_wait3A_212 : memref<1x1x2000xf32, #tpu.memory_space<hbm>> -> memref<2000xf32, #tpu.memory_space<hbm>>
      %dma_wait3A_214 = tpu.memref_slice %arg2[%select_n3A, %add3A_37, %mul3A_211] : memref<4x64x100000xf32, #tpu.memory_space<hbm>> -> memref<1x1x2000xf32, #tpu.memory_space<hbm>>
      %dma_wait3A_215 = tpu.memref_squeeze %dma_wait3A_214 : memref<1x1x2000xf32, #tpu.memory_space<hbm>> -> memref<2000xf32, #tpu.memory_space<hbm>>
      tpu.wait_dma2 semaphore(%arg19 : memref<!tpu.dma_semaphore, #tpu.memory_space<semaphore_mem>>) src(%dma_wait3A_215 : memref<2000xf32, #tpu.memory_space<hbm>>) dst(%arg13 : memref<2000xf32, #tpu.memory_space<vmem>>)
      %parallel_loop3A_216 = arith.constant 0 : i32
      %parallel_loop3A_217 = arith.constant 2000 : i32
      %parallel_loop3A_218 = arith.constant 16 : i32
      scf.for %parallel_loop3A_244 = %parallel_loop3A_216 to %parallel_loop3A_217 step %parallel_loop3A_218  : i32 {
        %parallel_loop3A_245 = arith.index_cast %parallel_loop3A_244 : i32 to index
        %parallel_loop3A_246 = tpu.vector_load %arg9[%parallel_loop3A_245] {strides = array<i32>} : memref<2000xi32, #tpu.memory_space<vmem>>, vector<16xi32>,
        %parallel_loop3A_247 = arith.constant 10 : i32
        %parallel_loop3A_248 = vector.broadcast %parallel_loop3A_247 : i32 to vector<16xi32>
        %parallel_loop3A_249 = arith.shrui %parallel_loop3A_246, %parallel_loop3A_248 : vector<16xi32>
        %parallel_loop3A_250 = arith.constant 5 : i32
        %parallel_loop3A_251 = vector.broadcast %parallel_loop3A_250 : i32 to vector<16xi32>
        %parallel_loop3A_252 = arith.shrui %parallel_loop3A_246, %parallel_loop3A_251 : vector<16xi32>
        %parallel_loop3A_253 = arith.constant 31 : i32
        %parallel_loop3A_254 = vector.broadcast %parallel_loop3A_253 : i32 to vector<16xi32>
        %parallel_loop3A_255 = arith.andi %parallel_loop3A_252, %parallel_loop3A_254 : vector<16xi32>
        %parallel_loop3A_256 = arith.constant 31 : i32
        %parallel_loop3A_257 = vector.broadcast %parallel_loop3A_256 : i32 to vector<16xi32>
        %parallel_loop3A_258 = arith.andi %parallel_loop3A_246, %parallel_loop3A_257 : vector<16xi32>
        %parallel_loop3A_259 = arith.index_cast %parallel_loop3A_244 : i32 to index
        %parallel_loop3A_260 = tpu.vector_load %arg11[%parallel_loop3A_259] {strides = array<i32>} : memref<2000xf32, #tpu.memory_space<vmem>>, vector<16xf32>,
        tpu.vector_store_idx %arg5[%parallel_loop3A_249, %parallel_loop3A_255, %parallel_loop3A_258], %parallel_loop3A_260 {add = true} : memref<32x32x32xf32, #tpu.memory_space<vmem>>[vector<16xi32>, vector<16xi32>, vector<16xi32>], vector<16xf32>,
        %parallel_loop3A_261 = arith.index_cast %parallel_loop3A_244 : i32 to index
        %parallel_loop3A_262 = tpu.vector_load %arg13[%parallel_loop3A_261] {strides = array<i32>} : memref<2000xf32, #tpu.memory_space<vmem>>, vector<16xf32>,
        tpu.vector_store_idx %arg6[%parallel_loop3A_249, %parallel_loop3A_255, %parallel_loop3A_258], %parallel_loop3A_262 {add = true} : memref<32x32x32xf32, #tpu.memory_space<vmem>>[vector<16xi32>, vector<16xi32>, vector<16xi32>], vector<16xf32>,
        tpu.vector_store_idx %arg7[%parallel_loop3A_246], %broadcast_in_dim3A_31 {add = true} : memref<32768xf32, #tpu.memory_space<vmem>>[vector<16xi32>], vector<16xf32>,
      } {sc.loop_unroll_factor = 25 : i64, sc.parallel_access}
      %add3A_219 = arith.constant 3 : i32
      %add3A_220 = arith.addi %add3A_143, %add3A_219 : i32
      %mul3A_221 = arith.constant 2000 : i32
      %mul3A_222 = arith.muli %add3A_220, %mul3A_221 : i32
      %dma_start3A_223 = arith.constant 0 : i32
      %dma_start3A_224 = tpu.memref_slice %arg3[%select_n3A, %dma_start3A_223, %mul3A_222] : memref<4x1x100000xi32, #tpu.memory_space<hbm>> -> memref<1x1x2000xi32, #tpu.memory_space<hbm>>
      %dma_start3A_225 = tpu.memref_squeeze %dma_start3A_224 : memref<1x1x2000xi32, #tpu.memory_space<hbm>> -> memref<2000xi32, #tpu.memory_space<hbm>>
      %dma_start3A_226 = tpu.memref_slice %arg3[%select_n3A, %dma_start3A_223, %mul3A_222] : memref<4x1x100000xi32, #tpu.memory_space<hbm>> -> memref<1x1x2000xi32, #tpu.memory_space<hbm>>
      %dma_start3A_227 = tpu.memref_squeeze %dma_start3A_226 : memref<1x1x2000xi32, #tpu.memory_space<hbm>> -> memref<2000xi32, #tpu.memory_space<hbm>>
      tpu.enqueue_dma source(%dma_start3A_227 : memref<2000xi32, #tpu.memory_space<hbm>>) target(%arg9 : memref<2000xi32, #tpu.memory_space<vmem>>) target_semaphore(%arg15 : memref<!tpu.dma_semaphore, #tpu.memory_space<semaphore_mem>>)
      %add3A_228 = arith.constant 3 : i32
      %add3A_229 = arith.addi %add3A_143, %add3A_228 : i32
      %mul3A_230 = arith.constant 2000 : i32
      %mul3A_231 = arith.muli %add3A_229, %mul3A_230 : i32
      %dma_start3A_232 = tpu.memref_slice %arg2[%select_n3A, %mul3A_35, %mul3A_231] : memref<4x64x100000xf32, #tpu.memory_space<hbm>> -> memref<1x1x2000xf32, #tpu.memory_space<hbm>>
      %dma_start3A_233 = tpu.memref_squeeze %dma_start3A_232 : memref<1x1x2000xf32, #tpu.memory_space<hbm>> -> memref<2000xf32, #tpu.memory_space<hbm>>
      %dma_start3A_234 = tpu.memref_slice %arg2[%select_n3A, %mul3A_35, %mul3A_231] : memref<4x64x100000xf32, #tpu.memory_space<hbm>> -> memref<1x1x2000xf32, #tpu.memory_space<hbm>>
      %dma_start3A_235 = tpu.memref_squeeze %dma_start3A_234 : memref<1x1x2000xf32, #tpu.memory_space<hbm>> -> memref<2000xf32, #tpu.memory_space<hbm>>
      tpu.enqueue_dma source(%dma_start3A_235 : memref<2000xf32, #tpu.memory_space<hbm>>) target(%arg11 : memref<2000xf32, #tpu.memory_space<vmem>>) target_semaphore(%arg17 : memref<!tpu.dma_semaphore, #tpu.memory_space<semaphore_mem>>)
      %add3A_236 = arith.constant 3 : i32
      %add3A_237 = arith.addi %add3A_143, %add3A_236 : i32
      %mul3A_238 = arith.constant 2000 : i32
      %mul3A_239 = arith.muli %add3A_237, %mul3A_238 : i32
      %dma_start3A_240 = tpu.memref_slice %arg2[%select_n3A, %add3A_37, %mul3A_239] : memref<4x64x100000xf32, #tpu.memory_space<hbm>> -> memref<1x1x2000xf32, #tpu.memory_space<hbm>>
      %dma_start3A_241 = tpu.memref_squeeze %dma_start3A_240 : memref<1x1x2000xf32, #tpu.memory_space<hbm>> -> memref<2000xf32, #tpu.memory_space<hbm>>
      %dma_start3A_242 = tpu.memref_slice %arg2[%select_n3A, %add3A_37, %mul3A_239] : memref<4x64x100000xf32, #tpu.memory_space<hbm>> -> memref<1x1x2000xf32, #tpu.memory_space<hbm>>
      %dma_start3A_243 = tpu.memref_squeeze %dma_start3A_242 : memref<1x1x2000xf32, #tpu.memory_space<hbm>> -> memref<2000xf32, #tpu.memory_space<hbm>>
      tpu.enqueue_dma source(%dma_start3A_243 : memref<2000xf32, #tpu.memory_space<hbm>>) target(%arg13 : memref<2000xf32, #tpu.memory_space<vmem>>) target_semaphore(%arg19 : memref<!tpu.dma_semaphore, #tpu.memory_space<semaphore_mem>>)
    }
    %scan3A_84 = arith.constant 24 : i32
    %dma_wait3A = arith.constant 0 : i32
    %dma_wait3A_85 = arith.constant 96000 : i32
    %dma_wait3A_86 = tpu.memref_slice %arg3[%select_n3A, %dma_wait3A, %dma_wait3A_85] : memref<4x1x100000xi32, #tpu.memory_space<hbm>> -> memref<1x1x2000xi32, #tpu.memory_space<hbm>>
    %dma_wait3A_87 = tpu.memref_squeeze %dma_wait3A_86 : memref<1x1x2000xi32, #tpu.memory_space<hbm>> -> memref<2000xi32, #tpu.memory_space<hbm>>
    %dma_wait3A_88 = arith.constant 96000 : i32
    %dma_wait3A_89 = tpu.memref_slice %arg3[%select_n3A, %dma_wait3A, %dma_wait3A_88] : memref<4x1x100000xi32, #tpu.memory_space<hbm>> -> memref<1x1x2000xi32, #tpu.memory_space<hbm>>
    %dma_wait3A_90 = tpu.memref_squeeze %dma_wait3A_89 : memref<1x1x2000xi32, #tpu.memory_space<hbm>> -> memref<2000xi32, #tpu.memory_space<hbm>>
    tpu.wait_dma2 semaphore(%arg14 : memref<!tpu.dma_semaphore, #tpu.memory_space<semaphore_mem>>) src(%dma_wait3A_90 : memref<2000xi32, #tpu.memory_space<hbm>>) dst(%arg8 : memref<2000xi32, #tpu.memory_space<vmem>>)
    %dma_wait3A_91 = arith.constant 96000 : i32
    %dma_wait3A_92 = tpu.memref_slice %arg2[%select_n3A, %mul3A_35, %dma_wait3A_91] : memref<4x64x100000xf32, #tpu.memory_space<hbm>> -> memref<1x1x2000xf32, #tpu.memory_space<hbm>>
    %dma_wait3A_93 = tpu.memref_squeeze %dma_wait3A_92 : memref<1x1x2000xf32, #tpu.memory_space<hbm>> -> memref<2000xf32, #tpu.memory_space<hbm>>
    %dma_wait3A_94 = arith.constant 96000 : i32
    %dma_wait3A_95 = tpu.memref_slice %arg2[%select_n3A, %mul3A_35, %dma_wait3A_94] : memref<4x64x100000xf32, #tpu.memory_space<hbm>> -> memref<1x1x2000xf32, #tpu.memory_space<hbm>>
    %dma_wait3A_96 = tpu.memref_squeeze %dma_wait3A_95 : memref<1x1x2000xf32, #tpu.memory_space<hbm>> -> memref<2000xf32, #tpu.memory_space<hbm>>
    tpu.wait_dma2 semaphore(%arg16 : memref<!tpu.dma_semaphore, #tpu.memory_space<semaphore_mem>>) src(%dma_wait3A_96 : memref<2000xf32, #tpu.memory_space<hbm>>) dst(%arg10 : memref<2000xf32, #tpu.memory_space<vmem>>)
    %dma_wait3A_97 = arith.constant 96000 : i32
    %dma_wait3A_98 = tpu.memref_slice %arg2[%select_n3A, %add3A_37, %dma_wait3A_97] : memref<4x64x100000xf32, #tpu.memory_space<hbm>> -> memref<1x1x2000xf32, #tpu.memory_space<hbm>>
    %dma_wait3A_99 = tpu.memref_squeeze %dma_wait3A_98 : memref<1x1x2000xf32, #tpu.memory_space<hbm>> -> memref<2000xf32, #tpu.memory_space<hbm>>
    %dma_wait3A_100 = arith.constant 96000 : i32
    %dma_wait3A_101 = tpu.memref_slice %arg2[%select_n3A, %add3A_37, %dma_wait3A_100] : memref<4x64x100000xf32, #tpu.memory_space<hbm>> -> memref<1x1x2000xf32, #tpu.memory_space<hbm>>
    %dma_wait3A_102 = tpu.memref_squeeze %dma_wait3A_101 : memref<1x1x2000xf32, #tpu.memory_space<hbm>> -> memref<2000xf32, #tpu.memory_space<hbm>>
    tpu.wait_dma2 semaphore(%arg18 : memref<!tpu.dma_semaphore, #tpu.memory_space<semaphore_mem>>) src(%dma_wait3A_102 : memref<2000xf32, #tpu.memory_space<hbm>>) dst(%arg12 : memref<2000xf32, #tpu.memory_space<vmem>>)
    %parallel_loop3A_103 = arith.constant 0 : i32
    %parallel_loop3A_104 = arith.constant 2000 : i32
    %parallel_loop3A_105 = arith.constant 16 : i32
    scf.for %parallel_loop3A_139 = %parallel_loop3A_103 to %parallel_loop3A_104 step %parallel_loop3A_105  : i32 {
      %parallel_loop3A_140 = arith.index_cast %parallel_loop3A_139 : i32 to index
      %parallel_loop3A_141 = tpu.vector_load %arg8[%parallel_loop3A_140] {strides = array<i32>} : memref<2000xi32, #tpu.memory_space<vmem>>, vector<16xi32>,
      %parallel_loop3A_142 = arith.constant 10 : i32
      %parallel_loop3A_143 = vector.broadcast %parallel_loop3A_142 : i32 to vector<16xi32>
      %parallel_loop3A_144 = arith.shrui %parallel_loop3A_141, %parallel_loop3A_143 : vector<16xi32>
      %parallel_loop3A_145 = arith.constant 5 : i32
      %parallel_loop3A_146 = vector.broadcast %parallel_loop3A_145 : i32 to vector<16xi32>
      %parallel_loop3A_147 = arith.shrui %parallel_loop3A_141, %parallel_loop3A_146 : vector<16xi32>
      %parallel_loop3A_148 = arith.constant 31 : i32
      %parallel_loop3A_149 = vector.broadcast %parallel_loop3A_148 : i32 to vector<16xi32>
      %parallel_loop3A_150 = arith.andi %parallel_loop3A_147, %parallel_loop3A_149 : vector<16xi32>
      %parallel_loop3A_151 = arith.constant 31 : i32
      %parallel_loop3A_152 = vector.broadcast %parallel_loop3A_151 : i32 to vector<16xi32>
      %parallel_loop3A_153 = arith.andi %parallel_loop3A_141, %parallel_loop3A_152 : vector<16xi32>
      %parallel_loop3A_154 = arith.index_cast %parallel_loop3A_139 : i32 to index
      %parallel_loop3A_155 = tpu.vector_load %arg10[%parallel_loop3A_154] {strides = array<i32>} : memref<2000xf32, #tpu.memory_space<vmem>>, vector<16xf32>,
      tpu.vector_store_idx %arg5[%parallel_loop3A_144, %parallel_loop3A_150, %parallel_loop3A_153], %parallel_loop3A_155 {add = true} : memref<32x32x32xf32, #tpu.memory_space<vmem>>[vector<16xi32>, vector<16xi32>, vector<16xi32>], vector<16xf32>,
      %parallel_loop3A_156 = arith.index_cast %parallel_loop3A_139 : i32 to index
      %parallel_loop3A_157 = tpu.vector_load %arg12[%parallel_loop3A_156] {strides = array<i32>} : memref<2000xf32, #tpu.memory_space<vmem>>, vector<16xf32>,
      tpu.vector_store_idx %arg6[%parallel_loop3A_144, %parallel_loop3A_150, %parallel_loop3A_153], %parallel_loop3A_157 {add = true} : memref<32x32x32xf32, #tpu.memory_space<vmem>>[vector<16xi32>, vector<16xi32>, vector<16xi32>], vector<16xf32>,
      tpu.vector_store_idx %arg7[%parallel_loop3A_141], %broadcast_in_dim3A_31 {add = true} : memref<32768xf32, #tpu.memory_space<vmem>>[vector<16xi32>], vector<16xf32>,
    } {sc.loop_unroll_factor = 25 : i64, sc.parallel_access}
    %dma_wait3A_106 = arith.constant 0 : i32
    %dma_wait3A_107 = arith.constant 98000 : i32
    %dma_wait3A_108 = tpu.memref_slice %arg3[%select_n3A, %dma_wait3A_106, %dma_wait3A_107] : memref<4x1x100000xi32, #tpu.memory_space<hbm>> -> memref<1x1x2000xi32, #tpu.memory_space<hbm>>
    %dma_wait3A_109 = tpu.memref_squeeze %dma_wait3A_108 : memref<1x1x2000xi32, #tpu.memory_space<hbm>> -> memref<2000xi32, #tpu.memory_space<hbm>>
    %dma_wait3A_110 = arith.constant 98000 : i32
    %dma_wait3A_111 = tpu.memref_slice %arg3[%select_n3A, %dma_wait3A_106, %dma_wait3A_110] : memref<4x1x100000xi32, #tpu.memory_space<hbm>> -> memref<1x1x2000xi32, #tpu.memory_space<hbm>>
    %dma_wait3A_112 = tpu.memref_squeeze %dma_wait3A_111 : memref<1x1x2000xi32, #tpu.memory_space<hbm>> -> memref<2000xi32, #tpu.memory_space<hbm>>
    tpu.wait_dma2 semaphore(%arg15 : memref<!tpu.dma_semaphore, #tpu.memory_space<semaphore_mem>>) src(%dma_wait3A_112 : memref<2000xi32, #tpu.memory_space<hbm>>) dst(%arg9 : memref<2000xi32, #tpu.memory_space<vmem>>)
    %dma_wait3A_113 = arith.constant 98000 : i32
    %dma_wait3A_114 = tpu.memref_slice %arg2[%select_n3A, %mul3A_35, %dma_wait3A_113] : memref<4x64x100000xf32, #tpu.memory_space<hbm>> -> memref<1x1x2000xf32, #tpu.memory_space<hbm>>
    %dma_wait3A_115 = tpu.memref_squeeze %dma_wait3A_114 : memref<1x1x2000xf32, #tpu.memory_space<hbm>> -> memref<2000xf32, #tpu.memory_space<hbm>>
    %dma_wait3A_116 = arith.constant 98000 : i32
    %dma_wait3A_117 = tpu.memref_slice %arg2[%select_n3A, %mul3A_35, %dma_wait3A_116] : memref<4x64x100000xf32, #tpu.memory_space<hbm>> -> memref<1x1x2000xf32, #tpu.memory_space<hbm>>
    %dma_wait3A_118 = tpu.memref_squeeze %dma_wait3A_117 : memref<1x1x2000xf32, #tpu.memory_space<hbm>> -> memref<2000xf32, #tpu.memory_space<hbm>>
    tpu.wait_dma2 semaphore(%arg17 : memref<!tpu.dma_semaphore, #tpu.memory_space<semaphore_mem>>) src(%dma_wait3A_118 : memref<2000xf32, #tpu.memory_space<hbm>>) dst(%arg11 : memref<2000xf32, #tpu.memory_space<vmem>>)
    %dma_wait3A_119 = arith.constant 98000 : i32
    %dma_wait3A_120 = tpu.memref_slice %arg2[%select_n3A, %add3A_37, %dma_wait3A_119] : memref<4x64x100000xf32, #tpu.memory_space<hbm>> -> memref<1x1x2000xf32, #tpu.memory_space<hbm>>
    %dma_wait3A_121 = tpu.memref_squeeze %dma_wait3A_120 : memref<1x1x2000xf32, #tpu.memory_space<hbm>> -> memref<2000xf32, #tpu.memory_space<hbm>>
    %dma_wait3A_122 = arith.constant 98000 : i32
    %dma_wait3A_123 = tpu.memref_slice %arg2[%select_n3A, %add3A_37, %dma_wait3A_122] : memref<4x64x100000xf32, #tpu.memory_space<hbm>> -> memref<1x1x2000xf32, #tpu.memory_space<hbm>>
    %dma_wait3A_124 = tpu.memref_squeeze %dma_wait3A_123 : memref<1x1x2000xf32, #tpu.memory_space<hbm>> -> memref<2000xf32, #tpu.memory_space<hbm>>
    tpu.wait_dma2 semaphore(%arg19 : memref<!tpu.dma_semaphore, #tpu.memory_space<semaphore_mem>>) src(%dma_wait3A_124 : memref<2000xf32, #tpu.memory_space<hbm>>) dst(%arg13 : memref<2000xf32, #tpu.memory_space<vmem>>)
    %parallel_loop3A_125 = arith.constant 0 : i32
    %parallel_loop3A_126 = arith.constant 2000 : i32
    %parallel_loop3A_127 = arith.constant 16 : i32
    scf.for %parallel_loop3A_139 = %parallel_loop3A_125 to %parallel_loop3A_126 step %parallel_loop3A_127  : i32 {
      %parallel_loop3A_140 = arith.index_cast %parallel_loop3A_139 : i32 to index
      %parallel_loop3A_141 = tpu.vector_load %arg9[%parallel_loop3A_140] {strides = array<i32>} : memref<2000xi32, #tpu.memory_space<vmem>>, vector<16xi32>,
      %parallel_loop3A_142 = arith.constant 10 : i32
      %parallel_loop3A_143 = vector.broadcast %parallel_loop3A_142 : i32 to vector<16xi32>
      %parallel_loop3A_144 = arith.shrui %parallel_loop3A_141, %parallel_loop3A_143 : vector<16xi32>
      %parallel_loop3A_145 = arith.constant 5 : i32
      %parallel_loop3A_146 = vector.broadcast %parallel_loop3A_145 : i32 to vector<16xi32>
      %parallel_loop3A_147 = arith.shrui %parallel_loop3A_141, %parallel_loop3A_146 : vector<16xi32>
      %parallel_loop3A_148 = arith.constant 31 : i32
      %parallel_loop3A_149 = vector.broadcast %parallel_loop3A_148 : i32 to vector<16xi32>
      %parallel_loop3A_150 = arith.andi %parallel_loop3A_147, %parallel_loop3A_149 : vector<16xi32>
      %parallel_loop3A_151 = arith.constant 31 : i32
      %parallel_loop3A_152 = vector.broadcast %parallel_loop3A_151 : i32 to vector<16xi32>
      %parallel_loop3A_153 = arith.andi %parallel_loop3A_141, %parallel_loop3A_152 : vector<16xi32>
      %parallel_loop3A_154 = arith.index_cast %parallel_loop3A_139 : i32 to index
      %parallel_loop3A_155 = tpu.vector_load %arg11[%parallel_loop3A_154] {strides = array<i32>} : memref<2000xf32, #tpu.memory_space<vmem>>, vector<16xf32>,
      tpu.vector_store_idx %arg5[%parallel_loop3A_144, %parallel_loop3A_150, %parallel_loop3A_153], %parallel_loop3A_155 {add = true} : memref<32x32x32xf32, #tpu.memory_space<vmem>>[vector<16xi32>, vector<16xi32>, vector<16xi32>], vector<16xf32>,
      %parallel_loop3A_156 = arith.index_cast %parallel_loop3A_139 : i32 to index
      %parallel_loop3A_157 = tpu.vector_load %arg13[%parallel_loop3A_156] {strides = array<i32>} : memref<2000xf32, #tpu.memory_space<vmem>>, vector<16xf32>,
      tpu.vector_store_idx %arg6[%parallel_loop3A_144, %parallel_loop3A_150, %parallel_loop3A_153], %parallel_loop3A_157 {add = true} : memref<32x32x32xf32, #tpu.memory_space<vmem>>[vector<16xi32>, vector<16xi32>, vector<16xi32>], vector<16xf32>,
      tpu.vector_store_idx %arg7[%parallel_loop3A_141], %broadcast_in_dim3A_31 {add = true} : memref<32768xf32, #tpu.memory_space<vmem>>[vector<16xi32>], vector<16xf32>,
    } {sc.loop_unroll_factor = 25 : i64, sc.parallel_access}
    %parallel_loop3A_128 = arith.constant 0 : i32
    %parallel_loop3A_129 = arith.constant 32768 : i32
    %parallel_loop3A_130 = arith.constant 16 : i32
    scf.for %parallel_loop3A_139 = %parallel_loop3A_128 to %parallel_loop3A_129 step %parallel_loop3A_130  : i32 {
      %parallel_loop3A_140 = arith.index_cast %parallel_loop3A_139 : i32 to index
      %parallel_loop3A_141 = tpu.vector_load %arg7[%parallel_loop3A_140] {strides = array<i32>} : memref<32768xf32, #tpu.memory_space<vmem>>, vector<16xf32>,
      %parallel_loop3A_142 = arith.constant 1.000000e+00 : f32
      %parallel_loop3A_143 = vector.broadcast %parallel_loop3A_142 : f32 to vector<16xf32>
      %parallel_loop3A_144 = arith.maximumf %parallel_loop3A_141, %parallel_loop3A_143 : vector<16xf32>
      %parallel_loop3A_145 = arith.constant 1.000000e+00 : f32
      %parallel_loop3A_146 = vector.broadcast %parallel_loop3A_145 : f32 to vector<16xf32>
      %parallel_loop3A_147 = arith.divf %parallel_loop3A_146, %parallel_loop3A_144 : vector<16xf32>
      %parallel_loop3A_148 = arith.index_cast %parallel_loop3A_139 : i32 to index
      %parallel_loop3A_149 = tpu.vector_load %arg7[%parallel_loop3A_148] {strides = array<i32>} : memref<32768xf32, #tpu.memory_space<vmem>>, vector<16xf32>,
      tpu.vector_store %arg7[%parallel_loop3A_148], %parallel_loop3A_147 {strides = array<i32>} : memref<32768xf32, #tpu.memory_space<vmem>>, vector<16xf32>,
    } {sc.loop_unroll_factor = 8 : i64, sc.parallel_access}
    %parallel_loop3A_131 = arith.constant 0 : i32
    %parallel_loop3A_132 = arith.constant 32768 : i32
    %parallel_loop3A_133 = arith.constant 16 : i32
    scf.for %parallel_loop3A_139 = %parallel_loop3A_131 to %parallel_loop3A_132 step %parallel_loop3A_133  : i32 {
      %parallel_loop3A_140 = arith.constant 1024 : i32
      %parallel_loop3A_141 = arith.divsi %parallel_loop3A_139, %parallel_loop3A_140 : i32
      %parallel_loop3A_142 = arith.constant 0 : i32
      %parallel_loop3A_143 = arith.cmpi sgt, %parallel_loop3A_139, %parallel_loop3A_142 : i32
      %parallel_loop3A_144 = arith.extui %parallel_loop3A_143 : i1 to i32
      %parallel_loop3A_145 = arith.constant 0 : i32
      %parallel_loop3A_146 = arith.cmpi slt, %parallel_loop3A_139, %parallel_loop3A_145 : i32
      %parallel_loop3A_147 = arith.extui %parallel_loop3A_146 : i1 to i32
      %parallel_loop3A_148 = arith.subi %parallel_loop3A_144, %parallel_loop3A_147 : i32
      %parallel_loop3A_149 = arith.constant 0 : i32
      %parallel_loop3A_150 = arith.cmpi sgt, %parallel_loop3A_140, %parallel_loop3A_149 : i32
      %parallel_loop3A_151 = arith.extui %parallel_loop3A_150 : i1 to i32
      %parallel_loop3A_152 = arith.constant 0 : i32
      %parallel_loop3A_153 = arith.cmpi slt, %parallel_loop3A_140, %parallel_loop3A_152 : i32
      %parallel_loop3A_154 = arith.extui %parallel_loop3A_153 : i1 to i32
      %parallel_loop3A_155 = arith.subi %parallel_loop3A_151, %parallel_loop3A_154 : i32
      %parallel_loop3A_156 = arith.cmpi ne, %parallel_loop3A_148, %parallel_loop3A_155 : i32
      %parallel_loop3A_157 = arith.remsi %parallel_loop3A_139, %parallel_loop3A_140 : i32
      %parallel_loop3A_158 = arith.constant 0 : i32
      %parallel_loop3A_159 = arith.cmpi ne, %parallel_loop3A_157, %parallel_loop3A_158 : i32
      %parallel_loop3A_160 = arith.andi %parallel_loop3A_156, %parallel_loop3A_159 : i1
      %parallel_loop3A_161 = arith.constant 1 : i32
      %parallel_loop3A_162 = arith.subi %parallel_loop3A_141, %parallel_loop3A_161 : i32
      %parallel_loop3A_163 = arith.select %parallel_loop3A_160, %parallel_loop3A_162, %parallel_loop3A_141 : i32
      %parallel_loop3A_164 = arith.constant 32 : i32
      %parallel_loop3A_165 = arith.divsi %parallel_loop3A_139, %parallel_loop3A_164 : i32
      %parallel_loop3A_166 = arith.constant 0 : i32
      %parallel_loop3A_167 = arith.cmpi sgt, %parallel_loop3A_139, %parallel_loop3A_166 : i32
      %parallel_loop3A_168 = arith.extui %parallel_loop3A_167 : i1 to i32
      %parallel_loop3A_169 = arith.constant 0 : i32
      %parallel_loop3A_170 = arith.cmpi slt, %parallel_loop3A_139, %parallel_loop3A_169 : i32
      %parallel_loop3A_171 = arith.extui %parallel_loop3A_170 : i1 to i32
      %parallel_loop3A_172 = arith.subi %parallel_loop3A_168, %parallel_loop3A_171 : i32
      %parallel_loop3A_173 = arith.constant 0 : i32
      %parallel_loop3A_174 = arith.cmpi sgt, %parallel_loop3A_164, %parallel_loop3A_173 : i32
      %parallel_loop3A_175 = arith.extui %parallel_loop3A_174 : i1 to i32
      %parallel_loop3A_176 = arith.constant 0 : i32
      %parallel_loop3A_177 = arith.cmpi slt, %parallel_loop3A_164, %parallel_loop3A_176 : i32
      %parallel_loop3A_178 = arith.extui %parallel_loop3A_177 : i1 to i32
      %parallel_loop3A_179 = arith.subi %parallel_loop3A_175, %parallel_loop3A_178 : i32
      %parallel_loop3A_180 = arith.cmpi ne, %parallel_loop3A_172, %parallel_loop3A_179 : i32
      %parallel_loop3A_181 = arith.remsi %parallel_loop3A_139, %parallel_loop3A_164 : i32
      %parallel_loop3A_182 = arith.constant 0 : i32
      %parallel_loop3A_183 = arith.cmpi ne, %parallel_loop3A_181, %parallel_loop3A_182 : i32
      %parallel_loop3A_184 = arith.andi %parallel_loop3A_180, %parallel_loop3A_183 : i1
      %parallel_loop3A_185 = arith.constant 1 : i32
      %parallel_loop3A_186 = arith.subi %parallel_loop3A_165, %parallel_loop3A_185 : i32
      %parallel_loop3A_187 = arith.select %parallel_loop3A_184, %parallel_loop3A_186, %parallel_loop3A_165 : i32
      %parallel_loop3A_188 = arith.constant 32 : i32
      %parallel_loop3A_189 = arith.constant 0 : i32
      %parallel_loop3A_190 = arith.cmpi eq, %parallel_loop3A_188, %parallel_loop3A_189 : i32
      %parallel_loop3A_191 = arith.constant 1 : i32
      %parallel_loop3A_192 = arith.select %parallel_loop3A_190, %parallel_loop3A_191, %parallel_loop3A_188 : i32
      %parallel_loop3A_193 = arith.remsi %parallel_loop3A_187, %parallel_loop3A_192 : i32
      %parallel_loop3A_194 = arith.constant 0 : i32
      %parallel_loop3A_195 = arith.cmpi ne, %parallel_loop3A_193, %parallel_loop3A_194 : i32
      %parallel_loop3A_196 = arith.constant 0 : i32
      %parallel_loop3A_197 = arith.cmpi slt, %parallel_loop3A_193, %parallel_loop3A_196 : i32
      %parallel_loop3A_198 = arith.constant 0 : i32
      %parallel_loop3A_199 = arith.cmpi slt, %parallel_loop3A_192, %parallel_loop3A_198 : i32
      %parallel_loop3A_200 = arith.xori %parallel_loop3A_197, %parallel_loop3A_199 : i1
      %parallel_loop3A_201 = arith.andi %parallel_loop3A_200, %parallel_loop3A_195 : i1
      %parallel_loop3A_202 = arith.addi %parallel_loop3A_193, %parallel_loop3A_192 : i32
      %parallel_loop3A_203 = arith.select %parallel_loop3A_201, %parallel_loop3A_202, %parallel_loop3A_193 : i32
      %parallel_loop3A_204 = arith.constant 32 : i32
      %parallel_loop3A_205 = arith.constant 0 : i32
      %parallel_loop3A_206 = arith.cmpi eq, %parallel_loop3A_204, %parallel_loop3A_205 : i32
      %parallel_loop3A_207 = arith.constant 1 : i32
      %parallel_loop3A_208 = arith.select %parallel_loop3A_206, %parallel_loop3A_207, %parallel_loop3A_204 : i32
      %parallel_loop3A_209 = arith.remsi %parallel_loop3A_139, %parallel_loop3A_208 : i32
      %parallel_loop3A_210 = arith.constant 0 : i32
      %parallel_loop3A_211 = arith.cmpi ne, %parallel_loop3A_209, %parallel_loop3A_210 : i32
      %parallel_loop3A_212 = arith.constant 0 : i32
      %parallel_loop3A_213 = arith.cmpi slt, %parallel_loop3A_209, %parallel_loop3A_212 : i32
      %parallel_loop3A_214 = arith.constant 0 : i32
      %parallel_loop3A_215 = arith.cmpi slt, %parallel_loop3A_208, %parallel_loop3A_214 : i32
      %parallel_loop3A_216 = arith.xori %parallel_loop3A_213, %parallel_loop3A_215 : i1
      %parallel_loop3A_217 = arith.andi %parallel_loop3A_216, %parallel_loop3A_211 : i1
      %parallel_loop3A_218 = arith.addi %parallel_loop3A_209, %parallel_loop3A_208 : i32
      %parallel_loop3A_219 = arith.select %parallel_loop3A_217, %parallel_loop3A_218, %parallel_loop3A_209 : i32
      %parallel_loop3A_220 = arith.index_cast %parallel_loop3A_163 : i32 to index
      %parallel_loop3A_221 = arith.index_cast %parallel_loop3A_203 : i32 to index
      %parallel_loop3A_222 = arith.index_cast %parallel_loop3A_219 : i32 to index
      %parallel_loop3A_223 = tpu.vector_load %arg5[%parallel_loop3A_220, %parallel_loop3A_221, %parallel_loop3A_222] {strides = array<i32>} : memref<32x32x32xf32, #tpu.memory_space<vmem>>, vector<16xf32>,
      %parallel_loop3A_224 = arith.index_cast %parallel_loop3A_139 : i32 to index
      %parallel_loop3A_225 = tpu.vector_load %arg7[%parallel_loop3A_224] {strides = array<i32>} : memref<32768xf32, #tpu.memory_space<vmem>>, vector<16xf32>,
      %parallel_loop3A_226 = arith.mulf %parallel_loop3A_223, %parallel_loop3A_225 : vector<16xf32>
      %parallel_loop3A_227 = arith.index_cast %parallel_loop3A_163 : i32 to index
      %parallel_loop3A_228 = arith.index_cast %parallel_loop3A_203 : i32 to index
      %parallel_loop3A_229 = arith.index_cast %parallel_loop3A_219 : i32 to index
      %parallel_loop3A_230 = tpu.vector_load %arg5[%parallel_loop3A_227, %parallel_loop3A_228, %parallel_loop3A_229] {strides = array<i32>} : memref<32x32x32xf32, #tpu.memory_space<vmem>>, vector<16xf32>,
      tpu.vector_store %arg5[%parallel_loop3A_227, %parallel_loop3A_228, %parallel_loop3A_229], %parallel_loop3A_226 {strides = array<i32>} : memref<32x32x32xf32, #tpu.memory_space<vmem>>, vector<16xf32>,
      %parallel_loop3A_231 = arith.index_cast %parallel_loop3A_163 : i32 to index
      %parallel_loop3A_232 = arith.index_cast %parallel_loop3A_203 : i32 to index
      %parallel_loop3A_233 = arith.index_cast %parallel_loop3A_219 : i32 to index
      %parallel_loop3A_234 = tpu.vector_load %arg6[%parallel_loop3A_231, %parallel_loop3A_232, %parallel_loop3A_233] {strides = array<i32>} : memref<32x32x32xf32, #tpu.memory_space<vmem>>, vector<16xf32>,
      %parallel_loop3A_235 = arith.index_cast %parallel_loop3A_139 : i32 to index
      %parallel_loop3A_236 = tpu.vector_load %arg7[%parallel_loop3A_235] {strides = array<i32>} : memref<32768xf32, #tpu.memory_space<vmem>>, vector<16xf32>,
      %parallel_loop3A_237 = arith.mulf %parallel_loop3A_234, %parallel_loop3A_236 : vector<16xf32>
      %parallel_loop3A_238 = arith.index_cast %parallel_loop3A_163 : i32 to index
      %parallel_loop3A_239 = arith.index_cast %parallel_loop3A_203 : i32 to index
      %parallel_loop3A_240 = arith.index_cast %parallel_loop3A_219 : i32 to index
      %parallel_loop3A_241 = tpu.vector_load %arg6[%parallel_loop3A_238, %parallel_loop3A_239, %parallel_loop3A_240] {strides = array<i32>} : memref<32x32x32xf32, #tpu.memory_space<vmem>>, vector<16xf32>,
      tpu.vector_store %arg6[%parallel_loop3A_238, %parallel_loop3A_239, %parallel_loop3A_240], %parallel_loop3A_237 {strides = array<i32>} : memref<32x32x32xf32, #tpu.memory_space<vmem>>, vector<16xf32>,
    } {sc.loop_unroll_factor = 8 : i64, sc.parallel_access}
    "tpu.region"() ({
      %run_scoped3A = tpu.sem_alloc : memref<!tpu.dma_semaphore, #tpu.memory_space<semaphore_mem>>
      %dma_start3A_139 = arith.constant 0 : i32
      %dma_start3A_140 = arith.constant 0 : i32
      %dma_start3A_141 = arith.constant 0 : i32
      %dma_start3A_142 = tpu.memref_slice %arg4[%select_n3A, %mul3A_35, %dma_start3A_139, %dma_start3A_140, %dma_start3A_141] : memref<4x64x32x32x32xf32, #tpu.memory_space<hbm>> -> memref<1x1x32x32x32xf32, #tpu.memory_space<hbm>>
      %dma_start3A_143 = tpu.memref_squeeze %dma_start3A_142 : memref<1x1x32x32x32xf32, #tpu.memory_space<hbm>> -> memref<32x32x32xf32, #tpu.memory_space<hbm>>
      %dma_start3A_144 = arith.constant 0 : i32
      %dma_start3A_145 = arith.constant 0 : i32
      %dma_start3A_146 = arith.constant 0 : i32
      %dma_start3A_147 = tpu.memref_slice %arg4[%select_n3A, %mul3A_35, %dma_start3A_144, %dma_start3A_145, %dma_start3A_146] : memref<4x64x32x32x32xf32, #tpu.memory_space<hbm>> -> memref<1x1x32x32x32xf32, #tpu.memory_space<hbm>>
      %dma_start3A_148 = tpu.memref_squeeze %dma_start3A_147 : memref<1x1x32x32x32xf32, #tpu.memory_space<hbm>> -> memref<32x32x32xf32, #tpu.memory_space<hbm>>
      tpu.enqueue_dma source(%arg5 : memref<32x32x32xf32, #tpu.memory_space<vmem>>) target(%dma_start3A_148 : memref<32x32x32xf32, #tpu.memory_space<hbm>>) target_semaphore(%run_scoped3A : memref<!tpu.dma_semaphore, #tpu.memory_space<semaphore_mem>>)
      %dma_wait3A_149 = arith.constant 0 : i32
      %dma_wait3A_150 = arith.constant 0 : i32
      %dma_wait3A_151 = arith.constant 0 : i32
      %dma_wait3A_152 = tpu.memref_slice %arg4[%select_n3A, %mul3A_35, %dma_wait3A_149, %dma_wait3A_150, %dma_wait3A_151] : memref<4x64x32x32x32xf32, #tpu.memory_space<hbm>> -> memref<1x1x32x32x32xf32, #tpu.memory_space<hbm>>
      %dma_wait3A_153 = tpu.memref_squeeze %dma_wait3A_152 : memref<1x1x32x32x32xf32, #tpu.memory_space<hbm>> -> memref<32x32x32xf32, #tpu.memory_space<hbm>>
      %dma_wait3A_154 = arith.constant 0 : i32
      %dma_wait3A_155 = arith.constant 0 : i32
      %dma_wait3A_156 = arith.constant 0 : i32
      %dma_wait3A_157 = tpu.memref_slice %arg4[%select_n3A, %mul3A_35, %dma_wait3A_154, %dma_wait3A_155, %dma_wait3A_156] : memref<4x64x32x32x32xf32, #tpu.memory_space<hbm>> -> memref<1x1x32x32x32xf32, #tpu.memory_space<hbm>>
      %dma_wait3A_158 = tpu.memref_squeeze %dma_wait3A_157 : memref<1x1x32x32x32xf32, #tpu.memory_space<hbm>> -> memref<32x32x32xf32, #tpu.memory_space<hbm>>
      tpu.wait_dma2 semaphore(%run_scoped3A : memref<!tpu.dma_semaphore, #tpu.memory_space<semaphore_mem>>) src(%arg5 : memref<32x32x32xf32, #tpu.memory_space<vmem>>) dst(%dma_wait3A_158 : memref<32x32x32xf32, #tpu.memory_space<hbm>>)
      tpu.yield
    }) : () -> ()
    "tpu.region"() ({
      %run_scoped3A = tpu.sem_alloc : memref<!tpu.dma_semaphore, #tpu.memory_space<semaphore_mem>>
      %dma_start3A_139 = arith.constant 0 : i32
      %dma_start3A_140 = arith.constant 0 : i32
      %dma_start3A_141 = arith.constant 0 : i32
      %dma_start3A_142 = tpu.memref_slice %arg4[%select_n3A, %add3A_37, %dma_start3A_139, %dma_start3A_140, %dma_start3A_141] : memref<4x64x32x32x32xf32, #tpu.memory_space<hbm>> -> memref<1x1x32x32x32xf32, #tpu.memory_space<hbm>>
      %dma_start3A_143 = tpu.memref_squeeze %dma_start3A_142 : memref<1x1x32x32x32xf32, #tpu.memory_space<hbm>> -> memref<32x32x32xf32, #tpu.memory_space<hbm>>
      %dma_start3A_144 = arith.constant 0 : i32
      %dma_start3A_145 = arith.constant 0 : i32
      %dma_start3A_146 = arith.constant 0 : i32
      %dma_start3A_147 = tpu.memref_slice %arg4[%select_n3A, %add3A_37, %dma_start3A_144, %dma_start3A_145, %dma_start3A_146] : memref<4x64x32x32x32xf32, #tpu.memory_space<hbm>> -> memref<1x1x32x32x32xf32, #tpu.memory_space<hbm>>
      %dma_start3A_148 = tpu.memref_squeeze %dma_start3A_147 : memref<1x1x32x32x32xf32, #tpu.memory_space<hbm>> -> memref<32x32x32xf32, #tpu.memory_space<hbm>>
      tpu.enqueue_dma source(%arg6 : memref<32x32x32xf32, #tpu.memory_space<vmem>>) target(%dma_start3A_148 : memref<32x32x32xf32, #tpu.memory_space<hbm>>) target_semaphore(%run_scoped3A : memref<!tpu.dma_semaphore, #tpu.memory_space<semaphore_mem>>)
      %dma_wait3A_149 = arith.constant 0 : i32
      %dma_wait3A_150 = arith.constant 0 : i32
      %dma_wait3A_151 = arith.constant 0 : i32
      %dma_wait3A_152 = tpu.memref_slice %arg4[%select_n3A, %add3A_37, %dma_wait3A_149, %dma_wait3A_150, %dma_wait3A_151] : memref<4x64x32x32x32xf32, #tpu.memory_space<hbm>> -> memref<1x1x32x32x32xf32, #tpu.memory_space<hbm>>
      %dma_wait3A_153 = tpu.memref_squeeze %dma_wait3A_152 : memref<1x1x32x32x32xf32, #tpu.memory_space<hbm>> -> memref<32x32x32xf32, #tpu.memory_space<hbm>>
      %dma_wait3A_154 = arith.constant 0 : i32
      %dma_wait3A_155 = arith.constant 0 : i32
      %dma_wait3A_156 = arith.constant 0 : i32
      %dma_wait3A_157 = tpu.memref_slice %arg4[%select_n3A, %add3A_37, %dma_wait3A_154, %dma_wait3A_155, %dma_wait3A_156] : memref<4x64x32x32x32xf32, #tpu.memory_space<hbm>> -> memref<1x1x32x32x32xf32, #tpu.memory_space<hbm>>
      %dma_wait3A_158 = tpu.memref_squeeze %dma_wait3A_157 : memref<1x1x32x32x32xf32, #tpu.memory_space<hbm>> -> memref<32x32x32xf32, #tpu.memory_space<hbm>>
      tpu.wait_dma2 semaphore(%run_scoped3A : memref<!tpu.dma_semaphore, #tpu.memory_space<semaphore_mem>>) src(%arg6 : memref<32x32x32xf32, #tpu.memory_space<vmem>>) dst(%dma_wait3A_158 : memref<32x32x32xf32, #tpu.memory_space<hbm>>)
      tpu.yield
    }) : () -> ()
    %scan3A_134 = arith.constant 0 : i32
    %scan3A_135 = arith.constant 3 : i32
    %scan3A_136 = arith.addi %scan3A_134, %scan3A_135 : i32
    %scan3A_137 = arith.constant 1 : i32
    scf.for %scan3A_139 = %scan3A_134 to %scan3A_136 step %scan3A_137  : i32 {
      %mul3A_140 = arith.constant 1 : i32
      %mul3A_141 = arith.muli %scan3A_139, %mul3A_140 : i32
      %add3A_142 = arith.constant 1 : i32
      %add3A_143 = arith.addi %add3A_142, %mul3A_141 : i32
      %mul3A_144 = arith.constant 8 : i32
      %mul3A_145 = arith.muli %select_n3A_30, %mul3A_144 : i32
      %mul3A_146 = arith.constant 2 : i32
      %mul3A_147 = arith.muli %mul3A_146, %add3A_143 : i32
      %add3A_148 = arith.addi %mul3A_145, %mul3A_147 : i32
      %add3A_149 = arith.constant 1 : i32
      %add3A_150 = arith.addi %add3A_148, %add3A_149 : i32
      %parallel_loop3A_151 = arith.constant 0 : i32
      %parallel_loop3A_152 = arith.constant 32768 : i32
      %parallel_loop3A_153 = arith.constant 16 : i32
      scf.for %parallel_loop3A_247 = %parallel_loop3A_151 to %parallel_loop3A_152 step %parallel_loop3A_153  : i32 {
        %parallel_loop3A_248 = arith.constant 1024 : i32
        %parallel_loop3A_249 = arith.divsi %parallel_loop3A_247, %parallel_loop3A_248 : i32
        %parallel_loop3A_250 = arith.constant 0 : i32
        %parallel_loop3A_251 = arith.cmpi sgt, %parallel_loop3A_247, %parallel_loop3A_250 : i32
        %parallel_loop3A_252 = arith.extui %parallel_loop3A_251 : i1 to i32
        %parallel_loop3A_253 = arith.constant 0 : i32
        %parallel_loop3A_254 = arith.cmpi slt, %parallel_loop3A_247, %parallel_loop3A_253 : i32
        %parallel_loop3A_255 = arith.extui %parallel_loop3A_254 : i1 to i32
        %parallel_loop3A_256 = arith.subi %parallel_loop3A_252, %parallel_loop3A_255 : i32
        %parallel_loop3A_257 = arith.constant 0 : i32
        %parallel_loop3A_258 = arith.cmpi sgt, %parallel_loop3A_248, %parallel_loop3A_257 : i32
        %parallel_loop3A_259 = arith.extui %parallel_loop3A_258 : i1 to i32
        %parallel_loop3A_260 = arith.constant 0 : i32
        %parallel_loop3A_261 = arith.cmpi slt, %parallel_loop3A_248, %parallel_loop3A_260 : i32
        %parallel_loop3A_262 = arith.extui %parallel_loop3A_261 : i1 to i32
        %parallel_loop3A_263 = arith.subi %parallel_loop3A_259, %parallel_loop3A_262 : i32
        %parallel_loop3A_264 = arith.cmpi ne, %parallel_loop3A_256, %parallel_loop3A_263 : i32
        %parallel_loop3A_265 = arith.remsi %parallel_loop3A_247, %parallel_loop3A_248 : i32
        %parallel_loop3A_266 = arith.constant 0 : i32
        %parallel_loop3A_267 = arith.cmpi ne, %parallel_loop3A_265, %parallel_loop3A_266 : i32
        %parallel_loop3A_268 = arith.andi %parallel_loop3A_264, %parallel_loop3A_267 : i1
        %parallel_loop3A_269 = arith.constant 1 : i32
        %parallel_loop3A_270 = arith.subi %parallel_loop3A_249, %parallel_loop3A_269 : i32
        %parallel_loop3A_271 = arith.select %parallel_loop3A_268, %parallel_loop3A_270, %parallel_loop3A_249 : i32
        %parallel_loop3A_272 = arith.constant 32 : i32
        %parallel_loop3A_273 = arith.divsi %parallel_loop3A_247, %parallel_loop3A_272 : i32
        %parallel_loop3A_274 = arith.constant 0 : i32
        %parallel_loop3A_275 = arith.cmpi sgt, %parallel_loop3A_247, %parallel_loop3A_274 : i32
        %parallel_loop3A_276 = arith.extui %parallel_loop3A_275 : i1 to i32
        %parallel_loop3A_277 = arith.constant 0 : i32
        %parallel_loop3A_278 = arith.cmpi slt, %parallel_loop3A_247, %parallel_loop3A_277 : i32
        %parallel_loop3A_279 = arith.extui %parallel_loop3A_278 : i1 to i32
        %parallel_loop3A_280 = arith.subi %parallel_loop3A_276, %parallel_loop3A_279 : i32
        %parallel_loop3A_281 = arith.constant 0 : i32
        %parallel_loop3A_282 = arith.cmpi sgt, %parallel_loop3A_272, %parallel_loop3A_281 : i32
        %parallel_loop3A_283 = arith.extui %parallel_loop3A_282 : i1 to i32
        %parallel_loop3A_284 = arith.constant 0 : i32
        %parallel_loop3A_285 = arith.cmpi slt, %parallel_loop3A_272, %parallel_loop3A_284 : i32
        %parallel_loop3A_286 = arith.extui %parallel_loop3A_285 : i1 to i32
        %parallel_loop3A_287 = arith.subi %parallel_loop3A_283, %parallel_loop3A_286 : i32
        %parallel_loop3A_288 = arith.cmpi ne, %parallel_loop3A_280, %parallel_loop3A_287 : i32
        %parallel_loop3A_289 = arith.remsi %parallel_loop3A_247, %parallel_loop3A_272 : i32
        %parallel_loop3A_290 = arith.constant 0 : i32
        %parallel_loop3A_291 = arith.cmpi ne, %parallel_loop3A_289, %parallel_loop3A_290 : i32
        %parallel_loop3A_292 = arith.andi %parallel_loop3A_288, %parallel_loop3A_291 : i1
        %parallel_loop3A_293 = arith.constant 1 : i32
        %parallel_loop3A_294 = arith.subi %parallel_loop3A_273, %parallel_loop3A_293 : i32
        %parallel_loop3A_295 = arith.select %parallel_loop3A_292, %parallel_loop3A_294, %parallel_loop3A_273 : i32
        %parallel_loop3A_296 = arith.constant 32 : i32
        %parallel_loop3A_297 = arith.constant 0 : i32
        %parallel_loop3A_298 = arith.cmpi eq, %parallel_loop3A_296, %parallel_loop3A_297 : i32
        %parallel_loop3A_299 = arith.constant 1 : i32
        %parallel_loop3A_300 = arith.select %parallel_loop3A_298, %parallel_loop3A_299, %parallel_loop3A_296 : i32
        %parallel_loop3A_301 = arith.remsi %parallel_loop3A_295, %parallel_loop3A_300 : i32
        %parallel_loop3A_302 = arith.constant 0 : i32
        %parallel_loop3A_303 = arith.cmpi ne, %parallel_loop3A_301, %parallel_loop3A_302 : i32
        %parallel_loop3A_304 = arith.constant 0 : i32
        %parallel_loop3A_305 = arith.cmpi slt, %parallel_loop3A_301, %parallel_loop3A_304 : i32
        %parallel_loop3A_306 = arith.constant 0 : i32
        %parallel_loop3A_307 = arith.cmpi slt, %parallel_loop3A_300, %parallel_loop3A_306 : i32
        %parallel_loop3A_308 = arith.xori %parallel_loop3A_305, %parallel_loop3A_307 : i1
        %parallel_loop3A_309 = arith.andi %parallel_loop3A_308, %parallel_loop3A_303 : i1
        %parallel_loop3A_310 = arith.addi %parallel_loop3A_301, %parallel_loop3A_300 : i32
        %parallel_loop3A_311 = arith.select %parallel_loop3A_309, %parallel_loop3A_310, %parallel_loop3A_301 : i32
        %parallel_loop3A_312 = arith.constant 32 : i32
        %parallel_loop3A_313 = arith.constant 0 : i32
        %parallel_loop3A_314 = arith.cmpi eq, %parallel_loop3A_312, %parallel_loop3A_313 : i32
        %parallel_loop3A_315 = arith.constant 1 : i32
        %parallel_loop3A_316 = arith.select %parallel_loop3A_314, %parallel_loop3A_315, %parallel_loop3A_312 : i32
        %parallel_loop3A_317 = arith.remsi %parallel_loop3A_247, %parallel_loop3A_316 : i32
        %parallel_loop3A_318 = arith.constant 0 : i32
        %parallel_loop3A_319 = arith.cmpi ne, %parallel_loop3A_317, %parallel_loop3A_318 : i32
        %parallel_loop3A_320 = arith.constant 0 : i32
        %parallel_loop3A_321 = arith.cmpi slt, %parallel_loop3A_317, %parallel_loop3A_320 : i32
        %parallel_loop3A_322 = arith.constant 0 : i32
        %parallel_loop3A_323 = arith.cmpi slt, %parallel_loop3A_316, %parallel_loop3A_322 : i32
        %parallel_loop3A_324 = arith.xori %parallel_loop3A_321, %parallel_loop3A_323 : i1
        %parallel_loop3A_325 = arith.andi %parallel_loop3A_324, %parallel_loop3A_319 : i1
        %parallel_loop3A_326 = arith.addi %parallel_loop3A_317, %parallel_loop3A_316 : i32
        %parallel_loop3A_327 = arith.select %parallel_loop3A_325, %parallel_loop3A_326, %parallel_loop3A_317 : i32
        %parallel_loop3A_328 = arith.constant 0.000000e+00 : f32
        %parallel_loop3A_329 = vector.broadcast %parallel_loop3A_328 : f32 to vector<16xf32>
        %parallel_loop3A_330 = arith.index_cast %parallel_loop3A_271 : i32 to index
        %parallel_loop3A_331 = arith.index_cast %parallel_loop3A_311 : i32 to index
        %parallel_loop3A_332 = arith.index_cast %parallel_loop3A_327 : i32 to index
        %parallel_loop3A_333 = tpu.vector_load %arg5[%parallel_loop3A_330, %parallel_loop3A_331, %parallel_loop3A_332] {strides = array<i32>} : memref<32x32x32xf32, #tpu.memory_space<vmem>>, vector<16xf32>,
        tpu.vector_store %arg5[%parallel_loop3A_330, %parallel_loop3A_331, %parallel_loop3A_332], %parallel_loop3A_329 {strides = array<i32>} : memref<32x32x32xf32, #tpu.memory_space<vmem>>, vector<16xf32>,
      } {sc.loop_unroll_factor = 8 : i64, sc.parallel_access}
      %parallel_loop3A_154 = arith.constant 0 : i32
      %parallel_loop3A_155 = arith.constant 32768 : i32
      %parallel_loop3A_156 = arith.constant 16 : i32
      scf.for %parallel_loop3A_247 = %parallel_loop3A_154 to %parallel_loop3A_155 step %parallel_loop3A_156  : i32 {
        %parallel_loop3A_248 = arith.constant 1024 : i32
        %parallel_loop3A_249 = arith.divsi %parallel_loop3A_247, %parallel_loop3A_248 : i32
        %parallel_loop3A_250 = arith.constant 0 : i32
        %parallel_loop3A_251 = arith.cmpi sgt, %parallel_loop3A_247, %parallel_loop3A_250 : i32
        %parallel_loop3A_252 = arith.extui %parallel_loop3A_251 : i1 to i32
        %parallel_loop3A_253 = arith.constant 0 : i32
        %parallel_loop3A_254 = arith.cmpi slt, %parallel_loop3A_247, %parallel_loop3A_253 : i32
        %parallel_loop3A_255 = arith.extui %parallel_loop3A_254 : i1 to i32
        %parallel_loop3A_256 = arith.subi %parallel_loop3A_252, %parallel_loop3A_255 : i32
        %parallel_loop3A_257 = arith.constant 0 : i32
        %parallel_loop3A_258 = arith.cmpi sgt, %parallel_loop3A_248, %parallel_loop3A_257 : i32
        %parallel_loop3A_259 = arith.extui %parallel_loop3A_258 : i1 to i32
        %parallel_loop3A_260 = arith.constant 0 : i32
        %parallel_loop3A_261 = arith.cmpi slt, %parallel_loop3A_248, %parallel_loop3A_260 : i32
        %parallel_loop3A_262 = arith.extui %parallel_loop3A_261 : i1 to i32
        %parallel_loop3A_263 = arith.subi %parallel_loop3A_259, %parallel_loop3A_262 : i32
        %parallel_loop3A_264 = arith.cmpi ne, %parallel_loop3A_256, %parallel_loop3A_263 : i32
        %parallel_loop3A_265 = arith.remsi %parallel_loop3A_247, %parallel_loop3A_248 : i32
        %parallel_loop3A_266 = arith.constant 0 : i32
        %parallel_loop3A_267 = arith.cmpi ne, %parallel_loop3A_265, %parallel_loop3A_266 : i32
        %parallel_loop3A_268 = arith.andi %parallel_loop3A_264, %parallel_loop3A_267 : i1
        %parallel_loop3A_269 = arith.constant 1 : i32
        %parallel_loop3A_270 = arith.subi %parallel_loop3A_249, %parallel_loop3A_269 : i32
        %parallel_loop3A_271 = arith.select %parallel_loop3A_268, %parallel_loop3A_270, %parallel_loop3A_249 : i32
        %parallel_loop3A_272 = arith.constant 32 : i32
        %parallel_loop3A_273 = arith.divsi %parallel_loop3A_247, %parallel_loop3A_272 : i32
        %parallel_loop3A_274 = arith.constant 0 : i32
        %parallel_loop3A_275 = arith.cmpi sgt, %parallel_loop3A_247, %parallel_loop3A_274 : i32
        %parallel_loop3A_276 = arith.extui %parallel_loop3A_275 : i1 to i32
        %parallel_loop3A_277 = arith.constant 0 : i32
        %parallel_loop3A_278 = arith.cmpi slt, %parallel_loop3A_247, %parallel_loop3A_277 : i32
        %parallel_loop3A_279 = arith.extui %parallel_loop3A_278 : i1 to i32
        %parallel_loop3A_280 = arith.subi %parallel_loop3A_276, %parallel_loop3A_279 : i32
        %parallel_loop3A_281 = arith.constant 0 : i32
        %parallel_loop3A_282 = arith.cmpi sgt, %parallel_loop3A_272, %parallel_loop3A_281 : i32
        %parallel_loop3A_283 = arith.extui %parallel_loop3A_282 : i1 to i32
        %parallel_loop3A_284 = arith.constant 0 : i32
        %parallel_loop3A_285 = arith.cmpi slt, %parallel_loop3A_272, %parallel_loop3A_284 : i32
        %parallel_loop3A_286 = arith.extui %parallel_loop3A_285 : i1 to i32
        %parallel_loop3A_287 = arith.subi %parallel_loop3A_283, %parallel_loop3A_286 : i32
        %parallel_loop3A_288 = arith.cmpi ne, %parallel_loop3A_280, %parallel_loop3A_287 : i32
        %parallel_loop3A_289 = arith.remsi %parallel_loop3A_247, %parallel_loop3A_272 : i32
        %parallel_loop3A_290 = arith.constant 0 : i32
        %parallel_loop3A_291 = arith.cmpi ne, %parallel_loop3A_289, %parallel_loop3A_290 : i32
        %parallel_loop3A_292 = arith.andi %parallel_loop3A_288, %parallel_loop3A_291 : i1
        %parallel_loop3A_293 = arith.constant 1 : i32
        %parallel_loop3A_294 = arith.subi %parallel_loop3A_273, %parallel_loop3A_293 : i32
        %parallel_loop3A_295 = arith.select %parallel_loop3A_292, %parallel_loop3A_294, %parallel_loop3A_273 : i32
        %parallel_loop3A_296 = arith.constant 32 : i32
        %parallel_loop3A_297 = arith.constant 0 : i32
        %parallel_loop3A_298 = arith.cmpi eq, %parallel_loop3A_296, %parallel_loop3A_297 : i32
        %parallel_loop3A_299 = arith.constant 1 : i32
        %parallel_loop3A_300 = arith.select %parallel_loop3A_298, %parallel_loop3A_299, %parallel_loop3A_296 : i32
        %parallel_loop3A_301 = arith.remsi %parallel_loop3A_295, %parallel_loop3A_300 : i32
        %parallel_loop3A_302 = arith.constant 0 : i32
        %parallel_loop3A_303 = arith.cmpi ne, %parallel_loop3A_301, %parallel_loop3A_302 : i32
        %parallel_loop3A_304 = arith.constant 0 : i32
        %parallel_loop3A_305 = arith.cmpi slt, %parallel_loop3A_301, %parallel_loop3A_304 : i32
        %parallel_loop3A_306 = arith.constant 0 : i32
        %parallel_loop3A_307 = arith.cmpi slt, %parallel_loop3A_300, %parallel_loop3A_306 : i32
        %parallel_loop3A_308 = arith.xori %parallel_loop3A_305, %parallel_loop3A_307 : i1
        %parallel_loop3A_309 = arith.andi %parallel_loop3A_308, %parallel_loop3A_303 : i1
        %parallel_loop3A_310 = arith.addi %parallel_loop3A_301, %parallel_loop3A_300 : i32
        %parallel_loop3A_311 = arith.select %parallel_loop3A_309, %parallel_loop3A_310, %parallel_loop3A_301 : i32
        %parallel_loop3A_312 = arith.constant 32 : i32
        %parallel_loop3A_313 = arith.constant 0 : i32
        %parallel_loop3A_314 = arith.cmpi eq, %parallel_loop3A_312, %parallel_loop3A_313 : i32
        %parallel_loop3A_315 = arith.constant 1 : i32
        %parallel_loop3A_316 = arith.select %parallel_loop3A_314, %parallel_loop3A_315, %parallel_loop3A_312 : i32
        %parallel_loop3A_317 = arith.remsi %parallel_loop3A_247, %parallel_loop3A_316 : i32
        %parallel_loop3A_318 = arith.constant 0 : i32
        %parallel_loop3A_319 = arith.cmpi ne, %parallel_loop3A_317, %parallel_loop3A_318 : i32
        %parallel_loop3A_320 = arith.constant 0 : i32
        %parallel_loop3A_321 = arith.cmpi slt, %parallel_loop3A_317, %parallel_loop3A_320 : i32
        %parallel_loop3A_322 = arith.constant 0 : i32
        %parallel_loop3A_323 = arith.cmpi slt, %parallel_loop3A_316, %parallel_loop3A_322 : i32
        %parallel_loop3A_324 = arith.xori %parallel_loop3A_321, %parallel_loop3A_323 : i1
        %parallel_loop3A_325 = arith.andi %parallel_loop3A_324, %parallel_loop3A_319 : i1
        %parallel_loop3A_326 = arith.addi %parallel_loop3A_317, %parallel_loop3A_316 : i32
        %parallel_loop3A_327 = arith.select %parallel_loop3A_325, %parallel_loop3A_326, %parallel_loop3A_317 : i32
        %parallel_loop3A_328 = arith.constant 0.000000e+00 : f32
        %parallel_loop3A_329 = vector.broadcast %parallel_loop3A_328 : f32 to vector<16xf32>
        %parallel_loop3A_330 = arith.index_cast %parallel_loop3A_271 : i32 to index
        %parallel_loop3A_331 = arith.index_cast %parallel_loop3A_311 : i32 to index
        %parallel_loop3A_332 = arith.index_cast %parallel_loop3A_327 : i32 to index
        %parallel_loop3A_333 = tpu.vector_load %arg6[%parallel_loop3A_330, %parallel_loop3A_331, %parallel_loop3A_332] {strides = array<i32>} : memref<32x32x32xf32, #tpu.memory_space<vmem>>, vector<16xf32>,
        tpu.vector_store %arg6[%parallel_loop3A_330, %parallel_loop3A_331, %parallel_loop3A_332], %parallel_loop3A_329 {strides = array<i32>} : memref<32x32x32xf32, #tpu.memory_space<vmem>>, vector<16xf32>,
      } {sc.loop_unroll_factor = 8 : i64, sc.parallel_access}
      %dma_start3A_157 = arith.constant 0 : i32
      %dma_start3A_158 = arith.constant 0 : i32
      %dma_start3A_159 = tpu.memref_slice %arg3[%select_n3A, %dma_start3A_157, %dma_start3A_158] : memref<4x1x100000xi32, #tpu.memory_space<hbm>> -> memref<1x1x2000xi32, #tpu.memory_space<hbm>>
      %dma_start3A_160 = tpu.memref_squeeze %dma_start3A_159 : memref<1x1x2000xi32, #tpu.memory_space<hbm>> -> memref<2000xi32, #tpu.memory_space<hbm>>
      %dma_start3A_161 = arith.constant 0 : i32
      %dma_start3A_162 = tpu.memref_slice %arg3[%select_n3A, %dma_start3A_157, %dma_start3A_161] : memref<4x1x100000xi32, #tpu.memory_space<hbm>> -> memref<1x1x2000xi32, #tpu.memory_space<hbm>>
      %dma_start3A_163 = tpu.memref_squeeze %dma_start3A_162 : memref<1x1x2000xi32, #tpu.memory_space<hbm>> -> memref<2000xi32, #tpu.memory_space<hbm>>
      tpu.enqueue_dma source(%dma_start3A_163 : memref<2000xi32, #tpu.memory_space<hbm>>) target(%arg8 : memref<2000xi32, #tpu.memory_space<vmem>>) target_semaphore(%arg14 : memref<!tpu.dma_semaphore, #tpu.memory_space<semaphore_mem>>)
      %dma_start3A_164 = arith.constant 0 : i32
      %dma_start3A_165 = tpu.memref_slice %arg2[%select_n3A, %add3A_148, %dma_start3A_164] : memref<4x64x100000xf32, #tpu.memory_space<hbm>> -> memref<1x1x2000xf32, #tpu.memory_space<hbm>>
      %dma_start3A_166 = tpu.memref_squeeze %dma_start3A_165 : memref<1x1x2000xf32, #tpu.memory_space<hbm>> -> memref<2000xf32, #tpu.memory_space<hbm>>
      %dma_start3A_167 = arith.constant 0 : i32
      %dma_start3A_168 = tpu.memref_slice %arg2[%select_n3A, %add3A_148, %dma_start3A_167] : memref<4x64x100000xf32, #tpu.memory_space<hbm>> -> memref<1x1x2000xf32, #tpu.memory_space<hbm>>
      %dma_start3A_169 = tpu.memref_squeeze %dma_start3A_168 : memref<1x1x2000xf32, #tpu.memory_space<hbm>> -> memref<2000xf32, #tpu.memory_space<hbm>>
      tpu.enqueue_dma source(%dma_start3A_169 : memref<2000xf32, #tpu.memory_space<hbm>>) target(%arg10 : memref<2000xf32, #tpu.memory_space<vmem>>) target_semaphore(%arg16 : memref<!tpu.dma_semaphore, #tpu.memory_space<semaphore_mem>>)
      %dma_start3A_170 = arith.constant 0 : i32
      %dma_start3A_171 = tpu.memref_slice %arg2[%select_n3A, %add3A_150, %dma_start3A_170] : memref<4x64x100000xf32, #tpu.memory_space<hbm>> -> memref<1x1x2000xf32, #tpu.memory_space<hbm>>
      %dma_start3A_172 = tpu.memref_squeeze %dma_start3A_171 : memref<1x1x2000xf32, #tpu.memory_space<hbm>> -> memref<2000xf32, #tpu.memory_space<hbm>>
      %dma_start3A_173 = arith.constant 0 : i32
      %dma_start3A_174 = tpu.memref_slice %arg2[%select_n3A, %add3A_150, %dma_start3A_173] : memref<4x64x100000xf32, #tpu.memory_space<hbm>> -> memref<1x1x2000xf32, #tpu.memory_space<hbm>>
      %dma_start3A_175 = tpu.memref_squeeze %dma_start3A_174 : memref<1x1x2000xf32, #tpu.memory_space<hbm>> -> memref<2000xf32, #tpu.memory_space<hbm>>
      tpu.enqueue_dma source(%dma_start3A_175 : memref<2000xf32, #tpu.memory_space<hbm>>) target(%arg12 : memref<2000xf32, #tpu.memory_space<vmem>>) target_semaphore(%arg18 : memref<!tpu.dma_semaphore, #tpu.memory_space<semaphore_mem>>)
      %dma_start3A_176 = arith.constant 0 : i32
      %dma_start3A_177 = arith.constant 2000 : i32
      %dma_start3A_178 = tpu.memref_slice %arg3[%select_n3A, %dma_start3A_176, %dma_start3A_177] : memref<4x1x100000xi32, #tpu.memory_space<hbm>> -> memref<1x1x2000xi32, #tpu.memory_space<hbm>>
      %dma_start3A_179 = tpu.memref_squeeze %dma_start3A_178 : memref<1x1x2000xi32, #tpu.memory_space<hbm>> -> memref<2000xi32, #tpu.memory_space<hbm>>
      %dma_start3A_180 = arith.constant 2000 : i32
      %dma_start3A_181 = tpu.memref_slice %arg3[%select_n3A, %dma_start3A_176, %dma_start3A_180] : memref<4x1x100000xi32, #tpu.memory_space<hbm>> -> memref<1x1x2000xi32, #tpu.memory_space<hbm>>
      %dma_start3A_182 = tpu.memref_squeeze %dma_start3A_181 : memref<1x1x2000xi32, #tpu.memory_space<hbm>> -> memref<2000xi32, #tpu.memory_space<hbm>>
      tpu.enqueue_dma source(%dma_start3A_182 : memref<2000xi32, #tpu.memory_space<hbm>>) target(%arg9 : memref<2000xi32, #tpu.memory_space<vmem>>) target_semaphore(%arg15 : memref<!tpu.dma_semaphore, #tpu.memory_space<semaphore_mem>>)
      %dma_start3A_183 = arith.constant 2000 : i32
      %dma_start3A_184 = tpu.memref_slice %arg2[%select_n3A, %add3A_148, %dma_start3A_183] : memref<4x64x100000xf32, #tpu.memory_space<hbm>> -> memref<1x1x2000xf32, #tpu.memory_space<hbm>>
      %dma_start3A_185 = tpu.memref_squeeze %dma_start3A_184 : memref<1x1x2000xf32, #tpu.memory_space<hbm>> -> memref<2000xf32, #tpu.memory_space<hbm>>
      %dma_start3A_186 = arith.constant 2000 : i32
      %dma_start3A_187 = tpu.memref_slice %arg2[%select_n3A, %add3A_148, %dma_start3A_186] : memref<4x64x100000xf32, #tpu.memory_space<hbm>> -> memref<1x1x2000xf32, #tpu.memory_space<hbm>>
      %dma_start3A_188 = tpu.memref_squeeze %dma_start3A_187 : memref<1x1x2000xf32, #tpu.memory_space<hbm>> -> memref<2000xf32, #tpu.memory_space<hbm>>
      tpu.enqueue_dma source(%dma_start3A_188 : memref<2000xf32, #tpu.memory_space<hbm>>) target(%arg11 : memref<2000xf32, #tpu.memory_space<vmem>>) target_semaphore(%arg17 : memref<!tpu.dma_semaphore, #tpu.memory_space<semaphore_mem>>)
      %dma_start3A_189 = arith.constant 2000 : i32
      %dma_start3A_190 = tpu.memref_slice %arg2[%select_n3A, %add3A_150, %dma_start3A_189] : memref<4x64x100000xf32, #tpu.memory_space<hbm>> -> memref<1x1x2000xf32, #tpu.memory_space<hbm>>
      %dma_start3A_191 = tpu.memref_squeeze %dma_start3A_190 : memref<1x1x2000xf32, #tpu.memory_space<hbm>> -> memref<2000xf32, #tpu.memory_space<hbm>>
      %dma_start3A_192 = arith.constant 2000 : i32
      %dma_start3A_193 = tpu.memref_slice %arg2[%select_n3A, %add3A_150, %dma_start3A_192] : memref<4x64x100000xf32, #tpu.memory_space<hbm>> -> memref<1x1x2000xf32, #tpu.memory_space<hbm>>
      %dma_start3A_194 = tpu.memref_squeeze %dma_start3A_193 : memref<1x1x2000xf32, #tpu.memory_space<hbm>> -> memref<2000xf32, #tpu.memory_space<hbm>>
      tpu.enqueue_dma source(%dma_start3A_194 : memref<2000xf32, #tpu.memory_space<hbm>>) target(%arg13 : memref<2000xf32, #tpu.memory_space<vmem>>) target_semaphore(%arg19 : memref<!tpu.dma_semaphore, #tpu.memory_space<semaphore_mem>>)
      %scan3A_195 = arith.constant 0 : i32
      %scan3A_196 = arith.constant 24 : i32
      %scan3A_197 = arith.addi %scan3A_195, %scan3A_196 : i32
      %scan3A_198 = arith.constant 1 : i32
      scf.for %scan3A_247 = %scan3A_195 to %scan3A_197 step %scan3A_198  : i32 {
        %mul3A_248 = arith.constant 2 : i32
        %mul3A_249 = arith.muli %scan3A_247, %mul3A_248 : i32
        %add3A_250 = arith.constant 0 : i32
        %add3A_251 = arith.addi %add3A_250, %mul3A_249 : i32
        %mul3A_252 = arith.constant 2000 : i32
        %mul3A_253 = arith.muli %add3A_251, %mul3A_252 : i32
        %dma_wait3A_254 = arith.constant 0 : i32
        %dma_wait3A_255 = tpu.memref_slice %arg3[%select_n3A, %dma_wait3A_254, %mul3A_253] : memref<4x1x100000xi32, #tpu.memory_space<hbm>> -> memref<1x1x2000xi32, #tpu.memory_space<hbm>>
        %dma_wait3A_256 = tpu.memref_squeeze %dma_wait3A_255 : memref<1x1x2000xi32, #tpu.memory_space<hbm>> -> memref<2000xi32, #tpu.memory_space<hbm>>
        %dma_wait3A_257 = tpu.memref_slice %arg3[%select_n3A, %dma_wait3A_254, %mul3A_253] : memref<4x1x100000xi32, #tpu.memory_space<hbm>> -> memref<1x1x2000xi32, #tpu.memory_space<hbm>>
        %dma_wait3A_258 = tpu.memref_squeeze %dma_wait3A_257 : memref<1x1x2000xi32, #tpu.memory_space<hbm>> -> memref<2000xi32, #tpu.memory_space<hbm>>
        tpu.wait_dma2 semaphore(%arg14 : memref<!tpu.dma_semaphore, #tpu.memory_space<semaphore_mem>>) src(%dma_wait3A_258 : memref<2000xi32, #tpu.memory_space<hbm>>) dst(%arg8 : memref<2000xi32, #tpu.memory_space<vmem>>)
        %mul3A_259 = arith.constant 2000 : i32
        %mul3A_260 = arith.muli %add3A_251, %mul3A_259 : i32
        %dma_wait3A_261 = tpu.memref_slice %arg2[%select_n3A, %add3A_148, %mul3A_260] : memref<4x64x100000xf32, #tpu.memory_space<hbm>> -> memref<1x1x2000xf32, #tpu.memory_space<hbm>>
        %dma_wait3A_262 = tpu.memref_squeeze %dma_wait3A_261 : memref<1x1x2000xf32, #tpu.memory_space<hbm>> -> memref<2000xf32, #tpu.memory_space<hbm>>
        %dma_wait3A_263 = tpu.memref_slice %arg2[%select_n3A, %add3A_148, %mul3A_260] : memref<4x64x100000xf32, #tpu.memory_space<hbm>> -> memref<1x1x2000xf32, #tpu.memory_space<hbm>>
        %dma_wait3A_264 = tpu.memref_squeeze %dma_wait3A_263 : memref<1x1x2000xf32, #tpu.memory_space<hbm>> -> memref<2000xf32, #tpu.memory_space<hbm>>
        tpu.wait_dma2 semaphore(%arg16 : memref<!tpu.dma_semaphore, #tpu.memory_space<semaphore_mem>>) src(%dma_wait3A_264 : memref<2000xf32, #tpu.memory_space<hbm>>) dst(%arg10 : memref<2000xf32, #tpu.memory_space<vmem>>)
        %mul3A_265 = arith.constant 2000 : i32
        %mul3A_266 = arith.muli %add3A_251, %mul3A_265 : i32
        %dma_wait3A_267 = tpu.memref_slice %arg2[%select_n3A, %add3A_150, %mul3A_266] : memref<4x64x100000xf32, #tpu.memory_space<hbm>> -> memref<1x1x2000xf32, #tpu.memory_space<hbm>>
        %dma_wait3A_268 = tpu.memref_squeeze %dma_wait3A_267 : memref<1x1x2000xf32, #tpu.memory_space<hbm>> -> memref<2000xf32, #tpu.memory_space<hbm>>
        %dma_wait3A_269 = tpu.memref_slice %arg2[%select_n3A, %add3A_150, %mul3A_266] : memref<4x64x100000xf32, #tpu.memory_space<hbm>> -> memref<1x1x2000xf32, #tpu.memory_space<hbm>>
        %dma_wait3A_270 = tpu.memref_squeeze %dma_wait3A_269 : memref<1x1x2000xf32, #tpu.memory_space<hbm>> -> memref<2000xf32, #tpu.memory_space<hbm>>
        tpu.wait_dma2 semaphore(%arg18 : memref<!tpu.dma_semaphore, #tpu.memory_space<semaphore_mem>>) src(%dma_wait3A_270 : memref<2000xf32, #tpu.memory_space<hbm>>) dst(%arg12 : memref<2000xf32, #tpu.memory_space<vmem>>)
        %parallel_loop3A_271 = arith.constant 0 : i32
        %parallel_loop3A_272 = arith.constant 2000 : i32
        %parallel_loop3A_273 = arith.constant 16 : i32
        scf.for %parallel_loop3A_352 = %parallel_loop3A_271 to %parallel_loop3A_272 step %parallel_loop3A_273  : i32 {
          %parallel_loop3A_353 = arith.index_cast %parallel_loop3A_352 : i32 to index
          %parallel_loop3A_354 = tpu.vector_load %arg8[%parallel_loop3A_353] {strides = array<i32>} : memref<2000xi32, #tpu.memory_space<vmem>>, vector<16xi32>,
          %parallel_loop3A_355 = arith.constant 10 : i32
          %parallel_loop3A_356 = vector.broadcast %parallel_loop3A_355 : i32 to vector<16xi32>
          %parallel_loop3A_357 = arith.shrui %parallel_loop3A_354, %parallel_loop3A_356 : vector<16xi32>
          %parallel_loop3A_358 = arith.constant 5 : i32
          %parallel_loop3A_359 = vector.broadcast %parallel_loop3A_358 : i32 to vector<16xi32>
          %parallel_loop3A_360 = arith.shrui %parallel_loop3A_354, %parallel_loop3A_359 : vector<16xi32>
          %parallel_loop3A_361 = arith.constant 31 : i32
          %parallel_loop3A_362 = vector.broadcast %parallel_loop3A_361 : i32 to vector<16xi32>
          %parallel_loop3A_363 = arith.andi %parallel_loop3A_360, %parallel_loop3A_362 : vector<16xi32>
          %parallel_loop3A_364 = arith.constant 31 : i32
          %parallel_loop3A_365 = vector.broadcast %parallel_loop3A_364 : i32 to vector<16xi32>
          %parallel_loop3A_366 = arith.andi %parallel_loop3A_354, %parallel_loop3A_365 : vector<16xi32>
          %parallel_loop3A_367 = arith.index_cast %parallel_loop3A_352 : i32 to index
          %parallel_loop3A_368 = tpu.vector_load %arg10[%parallel_loop3A_367] {strides = array<i32>} : memref<2000xf32, #tpu.memory_space<vmem>>, vector<16xf32>,
          tpu.vector_store_idx %arg5[%parallel_loop3A_357, %parallel_loop3A_363, %parallel_loop3A_366], %parallel_loop3A_368 {add = true} : memref<32x32x32xf32, #tpu.memory_space<vmem>>[vector<16xi32>, vector<16xi32>, vector<16xi32>], vector<16xf32>,
          %parallel_loop3A_369 = arith.index_cast %parallel_loop3A_352 : i32 to index
          %parallel_loop3A_370 = tpu.vector_load %arg12[%parallel_loop3A_369] {strides = array<i32>} : memref<2000xf32, #tpu.memory_space<vmem>>, vector<16xf32>,
          tpu.vector_store_idx %arg6[%parallel_loop3A_357, %parallel_loop3A_363, %parallel_loop3A_366], %parallel_loop3A_370 {add = true} : memref<32x32x32xf32, #tpu.memory_space<vmem>>[vector<16xi32>, vector<16xi32>, vector<16xi32>], vector<16xf32>,
        } {sc.loop_unroll_factor = 25 : i64, sc.parallel_access}
        %add3A_274 = arith.constant 2 : i32
        %add3A_275 = arith.addi %add3A_251, %add3A_274 : i32
        %mul3A_276 = arith.constant 2000 : i32
        %mul3A_277 = arith.muli %add3A_275, %mul3A_276 : i32
        %dma_start3A_278 = arith.constant 0 : i32
        %dma_start3A_279 = tpu.memref_slice %arg3[%select_n3A, %dma_start3A_278, %mul3A_277] : memref<4x1x100000xi32, #tpu.memory_space<hbm>> -> memref<1x1x2000xi32, #tpu.memory_space<hbm>>
        %dma_start3A_280 = tpu.memref_squeeze %dma_start3A_279 : memref<1x1x2000xi32, #tpu.memory_space<hbm>> -> memref<2000xi32, #tpu.memory_space<hbm>>
        %dma_start3A_281 = tpu.memref_slice %arg3[%select_n3A, %dma_start3A_278, %mul3A_277] : memref<4x1x100000xi32, #tpu.memory_space<hbm>> -> memref<1x1x2000xi32, #tpu.memory_space<hbm>>
        %dma_start3A_282 = tpu.memref_squeeze %dma_start3A_281 : memref<1x1x2000xi32, #tpu.memory_space<hbm>> -> memref<2000xi32, #tpu.memory_space<hbm>>
        tpu.enqueue_dma source(%dma_start3A_282 : memref<2000xi32, #tpu.memory_space<hbm>>) target(%arg8 : memref<2000xi32, #tpu.memory_space<vmem>>) target_semaphore(%arg14 : memref<!tpu.dma_semaphore, #tpu.memory_space<semaphore_mem>>)
        %add3A_283 = arith.constant 2 : i32
        %add3A_284 = arith.addi %add3A_251, %add3A_283 : i32
        %mul3A_285 = arith.constant 2000 : i32
        %mul3A_286 = arith.muli %add3A_284, %mul3A_285 : i32
        %dma_start3A_287 = tpu.memref_slice %arg2[%select_n3A, %add3A_148, %mul3A_286] : memref<4x64x100000xf32, #tpu.memory_space<hbm>> -> memref<1x1x2000xf32, #tpu.memory_space<hbm>>
        %dma_start3A_288 = tpu.memref_squeeze %dma_start3A_287 : memref<1x1x2000xf32, #tpu.memory_space<hbm>> -> memref<2000xf32, #tpu.memory_space<hbm>>
        %dma_start3A_289 = tpu.memref_slice %arg2[%select_n3A, %add3A_148, %mul3A_286] : memref<4x64x100000xf32, #tpu.memory_space<hbm>> -> memref<1x1x2000xf32, #tpu.memory_space<hbm>>
        %dma_start3A_290 = tpu.memref_squeeze %dma_start3A_289 : memref<1x1x2000xf32, #tpu.memory_space<hbm>> -> memref<2000xf32, #tpu.memory_space<hbm>>
        tpu.enqueue_dma source(%dma_start3A_290 : memref<2000xf32, #tpu.memory_space<hbm>>) target(%arg10 : memref<2000xf32, #tpu.memory_space<vmem>>) target_semaphore(%arg16 : memref<!tpu.dma_semaphore, #tpu.memory_space<semaphore_mem>>)
        %add3A_291 = arith.constant 2 : i32
        %add3A_292 = arith.addi %add3A_251, %add3A_291 : i32
        %mul3A_293 = arith.constant 2000 : i32
        %mul3A_294 = arith.muli %add3A_292, %mul3A_293 : i32
        %dma_start3A_295 = tpu.memref_slice %arg2[%select_n3A, %add3A_150, %mul3A_294] : memref<4x64x100000xf32, #tpu.memory_space<hbm>> -> memref<1x1x2000xf32, #tpu.memory_space<hbm>>
        %dma_start3A_296 = tpu.memref_squeeze %dma_start3A_295 : memref<1x1x2000xf32, #tpu.memory_space<hbm>> -> memref<2000xf32, #tpu.memory_space<hbm>>
        %dma_start3A_297 = tpu.memref_slice %arg2[%select_n3A, %add3A_150, %mul3A_294] : memref<4x64x100000xf32, #tpu.memory_space<hbm>> -> memref<1x1x2000xf32, #tpu.memory_space<hbm>>
        %dma_start3A_298 = tpu.memref_squeeze %dma_start3A_297 : memref<1x1x2000xf32, #tpu.memory_space<hbm>> -> memref<2000xf32, #tpu.memory_space<hbm>>
        tpu.enqueue_dma source(%dma_start3A_298 : memref<2000xf32, #tpu.memory_space<hbm>>) target(%arg12 : memref<2000xf32, #tpu.memory_space<vmem>>) target_semaphore(%arg18 : memref<!tpu.dma_semaphore, #tpu.memory_space<semaphore_mem>>)
        %add3A_299 = arith.constant 1 : i32
        %add3A_300 = arith.addi %add3A_251, %add3A_299 : i32
        %mul3A_301 = arith.constant 2000 : i32
        %mul3A_302 = arith.muli %add3A_300, %mul3A_301 : i32
        %dma_wait3A_303 = arith.constant 0 : i32
        %dma_wait3A_304 = tpu.memref_slice %arg3[%select_n3A, %dma_wait3A_303, %mul3A_302] : memref<4x1x100000xi32, #tpu.memory_space<hbm>> -> memref<1x1x2000xi32, #tpu.memory_space<hbm>>
        %dma_wait3A_305 = tpu.memref_squeeze %dma_wait3A_304 : memref<1x1x2000xi32, #tpu.memory_space<hbm>> -> memref<2000xi32, #tpu.memory_space<hbm>>
        %dma_wait3A_306 = tpu.memref_slice %arg3[%select_n3A, %dma_wait3A_303, %mul3A_302] : memref<4x1x100000xi32, #tpu.memory_space<hbm>> -> memref<1x1x2000xi32, #tpu.memory_space<hbm>>
        %dma_wait3A_307 = tpu.memref_squeeze %dma_wait3A_306 : memref<1x1x2000xi32, #tpu.memory_space<hbm>> -> memref<2000xi32, #tpu.memory_space<hbm>>
        tpu.wait_dma2 semaphore(%arg15 : memref<!tpu.dma_semaphore, #tpu.memory_space<semaphore_mem>>) src(%dma_wait3A_307 : memref<2000xi32, #tpu.memory_space<hbm>>) dst(%arg9 : memref<2000xi32, #tpu.memory_space<vmem>>)
        %add3A_308 = arith.constant 1 : i32
        %add3A_309 = arith.addi %add3A_251, %add3A_308 : i32
        %mul3A_310 = arith.constant 2000 : i32
        %mul3A_311 = arith.muli %add3A_309, %mul3A_310 : i32
        %dma_wait3A_312 = tpu.memref_slice %arg2[%select_n3A, %add3A_148, %mul3A_311] : memref<4x64x100000xf32, #tpu.memory_space<hbm>> -> memref<1x1x2000xf32, #tpu.memory_space<hbm>>
        %dma_wait3A_313 = tpu.memref_squeeze %dma_wait3A_312 : memref<1x1x2000xf32, #tpu.memory_space<hbm>> -> memref<2000xf32, #tpu.memory_space<hbm>>
        %dma_wait3A_314 = tpu.memref_slice %arg2[%select_n3A, %add3A_148, %mul3A_311] : memref<4x64x100000xf32, #tpu.memory_space<hbm>> -> memref<1x1x2000xf32, #tpu.memory_space<hbm>>
        %dma_wait3A_315 = tpu.memref_squeeze %dma_wait3A_314 : memref<1x1x2000xf32, #tpu.memory_space<hbm>> -> memref<2000xf32, #tpu.memory_space<hbm>>
        tpu.wait_dma2 semaphore(%arg17 : memref<!tpu.dma_semaphore, #tpu.memory_space<semaphore_mem>>) src(%dma_wait3A_315 : memref<2000xf32, #tpu.memory_space<hbm>>) dst(%arg11 : memref<2000xf32, #tpu.memory_space<vmem>>)
        %add3A_316 = arith.constant 1 : i32
        %add3A_317 = arith.addi %add3A_251, %add3A_316 : i32
        %mul3A_318 = arith.constant 2000 : i32
        %mul3A_319 = arith.muli %add3A_317, %mul3A_318 : i32
        %dma_wait3A_320 = tpu.memref_slice %arg2[%select_n3A, %add3A_150, %mul3A_319] : memref<4x64x100000xf32, #tpu.memory_space<hbm>> -> memref<1x1x2000xf32, #tpu.memory_space<hbm>>
        %dma_wait3A_321 = tpu.memref_squeeze %dma_wait3A_320 : memref<1x1x2000xf32, #tpu.memory_space<hbm>> -> memref<2000xf32, #tpu.memory_space<hbm>>
        %dma_wait3A_322 = tpu.memref_slice %arg2[%select_n3A, %add3A_150, %mul3A_319] : memref<4x64x100000xf32, #tpu.memory_space<hbm>> -> memref<1x1x2000xf32, #tpu.memory_space<hbm>>
        %dma_wait3A_323 = tpu.memref_squeeze %dma_wait3A_322 : memref<1x1x2000xf32, #tpu.memory_space<hbm>> -> memref<2000xf32, #tpu.memory_space<hbm>>
        tpu.wait_dma2 semaphore(%arg19 : memref<!tpu.dma_semaphore, #tpu.memory_space<semaphore_mem>>) src(%dma_wait3A_323 : memref<2000xf32, #tpu.memory_space<hbm>>) dst(%arg13 : memref<2000xf32, #tpu.memory_space<vmem>>)
        %parallel_loop3A_324 = arith.constant 0 : i32
        %parallel_loop3A_325 = arith.constant 2000 : i32
        %parallel_loop3A_326 = arith.constant 16 : i32
        scf.for %parallel_loop3A_352 = %parallel_loop3A_324 to %parallel_loop3A_325 step %parallel_loop3A_326  : i32 {
          %parallel_loop3A_353 = arith.index_cast %parallel_loop3A_352 : i32 to index
          %parallel_loop3A_354 = tpu.vector_load %arg9[%parallel_loop3A_353] {strides = array<i32>} : memref<2000xi32, #tpu.memory_space<vmem>>, vector<16xi32>,
          %parallel_loop3A_355 = arith.constant 10 : i32
          %parallel_loop3A_356 = vector.broadcast %parallel_loop3A_355 : i32 to vector<16xi32>
          %parallel_loop3A_357 = arith.shrui %parallel_loop3A_354, %parallel_loop3A_356 : vector<16xi32>
          %parallel_loop3A_358 = arith.constant 5 : i32
          %parallel_loop3A_359 = vector.broadcast %parallel_loop3A_358 : i32 to vector<16xi32>
          %parallel_loop3A_360 = arith.shrui %parallel_loop3A_354, %parallel_loop3A_359 : vector<16xi32>
          %parallel_loop3A_361 = arith.constant 31 : i32
          %parallel_loop3A_362 = vector.broadcast %parallel_loop3A_361 : i32 to vector<16xi32>
          %parallel_loop3A_363 = arith.andi %parallel_loop3A_360, %parallel_loop3A_362 : vector<16xi32>
          %parallel_loop3A_364 = arith.constant 31 : i32
          %parallel_loop3A_365 = vector.broadcast %parallel_loop3A_364 : i32 to vector<16xi32>
          %parallel_loop3A_366 = arith.andi %parallel_loop3A_354, %parallel_loop3A_365 : vector<16xi32>
          %parallel_loop3A_367 = arith.index_cast %parallel_loop3A_352 : i32 to index
          %parallel_loop3A_368 = tpu.vector_load %arg11[%parallel_loop3A_367] {strides = array<i32>} : memref<2000xf32, #tpu.memory_space<vmem>>, vector<16xf32>,
          tpu.vector_store_idx %arg5[%parallel_loop3A_357, %parallel_loop3A_363, %parallel_loop3A_366], %parallel_loop3A_368 {add = true} : memref<32x32x32xf32, #tpu.memory_space<vmem>>[vector<16xi32>, vector<16xi32>, vector<16xi32>], vector<16xf32>,
          %parallel_loop3A_369 = arith.index_cast %parallel_loop3A_352 : i32 to index
          %parallel_loop3A_370 = tpu.vector_load %arg13[%parallel_loop3A_369] {strides = array<i32>} : memref<2000xf32, #tpu.memory_space<vmem>>, vector<16xf32>,
          tpu.vector_store_idx %arg6[%parallel_loop3A_357, %parallel_loop3A_363, %parallel_loop3A_366], %parallel_loop3A_370 {add = true} : memref<32x32x32xf32, #tpu.memory_space<vmem>>[vector<16xi32>, vector<16xi32>, vector<16xi32>], vector<16xf32>,
        } {sc.loop_unroll_factor = 25 : i64, sc.parallel_access}
        %add3A_327 = arith.constant 3 : i32
        %add3A_328 = arith.addi %add3A_251, %add3A_327 : i32
        %mul3A_329 = arith.constant 2000 : i32
        %mul3A_330 = arith.muli %add3A_328, %mul3A_329 : i32
        %dma_start3A_331 = arith.constant 0 : i32
        %dma_start3A_332 = tpu.memref_slice %arg3[%select_n3A, %dma_start3A_331, %mul3A_330] : memref<4x1x100000xi32, #tpu.memory_space<hbm>> -> memref<1x1x2000xi32, #tpu.memory_space<hbm>>
        %dma_start3A_333 = tpu.memref_squeeze %dma_start3A_332 : memref<1x1x2000xi32, #tpu.memory_space<hbm>> -> memref<2000xi32, #tpu.memory_space<hbm>>
        %dma_start3A_334 = tpu.memref_slice %arg3[%select_n3A, %dma_start3A_331, %mul3A_330] : memref<4x1x100000xi32, #tpu.memory_space<hbm>> -> memref<1x1x2000xi32, #tpu.memory_space<hbm>>
        %dma_start3A_335 = tpu.memref_squeeze %dma_start3A_334 : memref<1x1x2000xi32, #tpu.memory_space<hbm>> -> memref<2000xi32, #tpu.memory_space<hbm>>
        tpu.enqueue_dma source(%dma_start3A_335 : memref<2000xi32, #tpu.memory_space<hbm>>) target(%arg9 : memref<2000xi32, #tpu.memory_space<vmem>>) target_semaphore(%arg15 : memref<!tpu.dma_semaphore, #tpu.memory_space<semaphore_mem>>)
        %add3A_336 = arith.constant 3 : i32
        %add3A_337 = arith.addi %add3A_251, %add3A_336 : i32
        %mul3A_338 = arith.constant 2000 : i32
        %mul3A_339 = arith.muli %add3A_337, %mul3A_338 : i32
        %dma_start3A_340 = tpu.memref_slice %arg2[%select_n3A, %add3A_148, %mul3A_339] : memref<4x64x100000xf32, #tpu.memory_space<hbm>> -> memref<1x1x2000xf32, #tpu.memory_space<hbm>>
        %dma_start3A_341 = tpu.memref_squeeze %dma_start3A_340 : memref<1x1x2000xf32, #tpu.memory_space<hbm>> -> memref<2000xf32, #tpu.memory_space<hbm>>
        %dma_start3A_342 = tpu.memref_slice %arg2[%select_n3A, %add3A_148, %mul3A_339] : memref<4x64x100000xf32, #tpu.memory_space<hbm>> -> memref<1x1x2000xf32, #tpu.memory_space<hbm>>
        %dma_start3A_343 = tpu.memref_squeeze %dma_start3A_342 : memref<1x1x2000xf32, #tpu.memory_space<hbm>> -> memref<2000xf32, #tpu.memory_space<hbm>>
        tpu.enqueue_dma source(%dma_start3A_343 : memref<2000xf32, #tpu.memory_space<hbm>>) target(%arg11 : memref<2000xf32, #tpu.memory_space<vmem>>) target_semaphore(%arg17 : memref<!tpu.dma_semaphore, #tpu.memory_space<semaphore_mem>>)
        %add3A_344 = arith.constant 3 : i32
        %add3A_345 = arith.addi %add3A_251, %add3A_344 : i32
        %mul3A_346 = arith.constant 2000 : i32
        %mul3A_347 = arith.muli %add3A_345, %mul3A_346 : i32
        %dma_start3A_348 = tpu.memref_slice %arg2[%select_n3A, %add3A_150, %mul3A_347] : memref<4x64x100000xf32, #tpu.memory_space<hbm>> -> memref<1x1x2000xf32, #tpu.memory_space<hbm>>
        %dma_start3A_349 = tpu.memref_squeeze %dma_start3A_348 : memref<1x1x2000xf32, #tpu.memory_space<hbm>> -> memref<2000xf32, #tpu.memory_space<hbm>>
        %dma_start3A_350 = tpu.memref_slice %arg2[%select_n3A, %add3A_150, %mul3A_347] : memref<4x64x100000xf32, #tpu.memory_space<hbm>> -> memref<1x1x2000xf32, #tpu.memory_space<hbm>>
        %dma_start3A_351 = tpu.memref_squeeze %dma_start3A_350 : memref<1x1x2000xf32, #tpu.memory_space<hbm>> -> memref<2000xf32, #tpu.memory_space<hbm>>
        tpu.enqueue_dma source(%dma_start3A_351 : memref<2000xf32, #tpu.memory_space<hbm>>) target(%arg13 : memref<2000xf32, #tpu.memory_space<vmem>>) target_semaphore(%arg19 : memref<!tpu.dma_semaphore, #tpu.memory_space<semaphore_mem>>)
      }
      %scan3A_199 = arith.constant 24 : i32
      %dma_wait3A_200 = arith.constant 0 : i32
      %dma_wait3A_201 = arith.constant 96000 : i32
      %dma_wait3A_202 = tpu.memref_slice %arg3[%select_n3A, %dma_wait3A_200, %dma_wait3A_201] : memref<4x1x100000xi32, #tpu.memory_space<hbm>> -> memref<1x1x2000xi32, #tpu.memory_space<hbm>>
      %dma_wait3A_203 = tpu.memref_squeeze %dma_wait3A_202 : memref<1x1x2000xi32, #tpu.memory_space<hbm>> -> memref<2000xi32, #tpu.memory_space<hbm>>
      %dma_wait3A_204 = arith.constant 96000 : i32
      %dma_wait3A_205 = tpu.memref_slice %arg3[%select_n3A, %dma_wait3A_200, %dma_wait3A_204] : memref<4x1x100000xi32, #tpu.memory_space<hbm>> -> memref<1x1x2000xi32, #tpu.memory_space<hbm>>
      %dma_wait3A_206 = tpu.memref_squeeze %dma_wait3A_205 : memref<1x1x2000xi32, #tpu.memory_space<hbm>> -> memref<2000xi32, #tpu.memory_space<hbm>>
      tpu.wait_dma2 semaphore(%arg14 : memref<!tpu.dma_semaphore, #tpu.memory_space<semaphore_mem>>) src(%dma_wait3A_206 : memref<2000xi32, #tpu.memory_space<hbm>>) dst(%arg8 : memref<2000xi32, #tpu.memory_space<vmem>>)
      %dma_wait3A_207 = arith.constant 96000 : i32
      %dma_wait3A_208 = tpu.memref_slice %arg2[%select_n3A, %add3A_148, %dma_wait3A_207] : memref<4x64x100000xf32, #tpu.memory_space<hbm>> -> memref<1x1x2000xf32, #tpu.memory_space<hbm>>
      %dma_wait3A_209 = tpu.memref_squeeze %dma_wait3A_208 : memref<1x1x2000xf32, #tpu.memory_space<hbm>> -> memref<2000xf32, #tpu.memory_space<hbm>>
      %dma_wait3A_210 = arith.constant 96000 : i32
      %dma_wait3A_211 = tpu.memref_slice %arg2[%select_n3A, %add3A_148, %dma_wait3A_210] : memref<4x64x100000xf32, #tpu.memory_space<hbm>> -> memref<1x1x2000xf32, #tpu.memory_space<hbm>>
      %dma_wait3A_212 = tpu.memref_squeeze %dma_wait3A_211 : memref<1x1x2000xf32, #tpu.memory_space<hbm>> -> memref<2000xf32, #tpu.memory_space<hbm>>
      tpu.wait_dma2 semaphore(%arg16 : memref<!tpu.dma_semaphore, #tpu.memory_space<semaphore_mem>>) src(%dma_wait3A_212 : memref<2000xf32, #tpu.memory_space<hbm>>) dst(%arg10 : memref<2000xf32, #tpu.memory_space<vmem>>)
      %dma_wait3A_213 = arith.constant 96000 : i32
      %dma_wait3A_214 = tpu.memref_slice %arg2[%select_n3A, %add3A_150, %dma_wait3A_213] : memref<4x64x100000xf32, #tpu.memory_space<hbm>> -> memref<1x1x2000xf32, #tpu.memory_space<hbm>>
      %dma_wait3A_215 = tpu.memref_squeeze %dma_wait3A_214 : memref<1x1x2000xf32, #tpu.memory_space<hbm>> -> memref<2000xf32, #tpu.memory_space<hbm>>
      %dma_wait3A_216 = arith.constant 96000 : i32
      %dma_wait3A_217 = tpu.memref_slice %arg2[%select_n3A, %add3A_150, %dma_wait3A_216] : memref<4x64x100000xf32, #tpu.memory_space<hbm>> -> memref<1x1x2000xf32, #tpu.memory_space<hbm>>
      %dma_wait3A_218 = tpu.memref_squeeze %dma_wait3A_217 : memref<1x1x2000xf32, #tpu.memory_space<hbm>> -> memref<2000xf32, #tpu.memory_space<hbm>>
      tpu.wait_dma2 semaphore(%arg18 : memref<!tpu.dma_semaphore, #tpu.memory_space<semaphore_mem>>) src(%dma_wait3A_218 : memref<2000xf32, #tpu.memory_space<hbm>>) dst(%arg12 : memref<2000xf32, #tpu.memory_space<vmem>>)
      %parallel_loop3A_219 = arith.constant 0 : i32
      %parallel_loop3A_220 = arith.constant 2000 : i32
      %parallel_loop3A_221 = arith.constant 16 : i32
      scf.for %parallel_loop3A_247 = %parallel_loop3A_219 to %parallel_loop3A_220 step %parallel_loop3A_221  : i32 {
        %parallel_loop3A_248 = arith.index_cast %parallel_loop3A_247 : i32 to index
        %parallel_loop3A_249 = tpu.vector_load %arg8[%parallel_loop3A_248] {strides = array<i32>} : memref<2000xi32, #tpu.memory_space<vmem>>, vector<16xi32>,
        %parallel_loop3A_250 = arith.constant 10 : i32
        %parallel_loop3A_251 = vector.broadcast %parallel_loop3A_250 : i32 to vector<16xi32>
        %parallel_loop3A_252 = arith.shrui %parallel_loop3A_249, %parallel_loop3A_251 : vector<16xi32>
        %parallel_loop3A_253 = arith.constant 5 : i32
        %parallel_loop3A_254 = vector.broadcast %parallel_loop3A_253 : i32 to vector<16xi32>
        %parallel_loop3A_255 = arith.shrui %parallel_loop3A_249, %parallel_loop3A_254 : vector<16xi32>
        %parallel_loop3A_256 = arith.constant 31 : i32
        %parallel_loop3A_257 = vector.broadcast %parallel_loop3A_256 : i32 to vector<16xi32>
        %parallel_loop3A_258 = arith.andi %parallel_loop3A_255, %parallel_loop3A_257 : vector<16xi32>
        %parallel_loop3A_259 = arith.constant 31 : i32
        %parallel_loop3A_260 = vector.broadcast %parallel_loop3A_259 : i32 to vector<16xi32>
        %parallel_loop3A_261 = arith.andi %parallel_loop3A_249, %parallel_loop3A_260 : vector<16xi32>
        %parallel_loop3A_262 = arith.index_cast %parallel_loop3A_247 : i32 to index
        %parallel_loop3A_263 = tpu.vector_load %arg10[%parallel_loop3A_262] {strides = array<i32>} : memref<2000xf32, #tpu.memory_space<vmem>>, vector<16xf32>,
        tpu.vector_store_idx %arg5[%parallel_loop3A_252, %parallel_loop3A_258, %parallel_loop3A_261], %parallel_loop3A_263 {add = true} : memref<32x32x32xf32, #tpu.memory_space<vmem>>[vector<16xi32>, vector<16xi32>, vector<16xi32>], vector<16xf32>,
        %parallel_loop3A_264 = arith.index_cast %parallel_loop3A_247 : i32 to index
        %parallel_loop3A_265 = tpu.vector_load %arg12[%parallel_loop3A_264] {strides = array<i32>} : memref<2000xf32, #tpu.memory_space<vmem>>, vector<16xf32>,
        tpu.vector_store_idx %arg6[%parallel_loop3A_252, %parallel_loop3A_258, %parallel_loop3A_261], %parallel_loop3A_265 {add = true} : memref<32x32x32xf32, #tpu.memory_space<vmem>>[vector<16xi32>, vector<16xi32>, vector<16xi32>], vector<16xf32>,
      } {sc.loop_unroll_factor = 25 : i64, sc.parallel_access}
      %dma_wait3A_222 = arith.constant 0 : i32
      %dma_wait3A_223 = arith.constant 98000 : i32
      %dma_wait3A_224 = tpu.memref_slice %arg3[%select_n3A, %dma_wait3A_222, %dma_wait3A_223] : memref<4x1x100000xi32, #tpu.memory_space<hbm>> -> memref<1x1x2000xi32, #tpu.memory_space<hbm>>
      %dma_wait3A_225 = tpu.memref_squeeze %dma_wait3A_224 : memref<1x1x2000xi32, #tpu.memory_space<hbm>> -> memref<2000xi32, #tpu.memory_space<hbm>>
      %dma_wait3A_226 = arith.constant 98000 : i32
      %dma_wait3A_227 = tpu.memref_slice %arg3[%select_n3A, %dma_wait3A_222, %dma_wait3A_226] : memref<4x1x100000xi32, #tpu.memory_space<hbm>> -> memref<1x1x2000xi32, #tpu.memory_space<hbm>>
      %dma_wait3A_228 = tpu.memref_squeeze %dma_wait3A_227 : memref<1x1x2000xi32, #tpu.memory_space<hbm>> -> memref<2000xi32, #tpu.memory_space<hbm>>
      tpu.wait_dma2 semaphore(%arg15 : memref<!tpu.dma_semaphore, #tpu.memory_space<semaphore_mem>>) src(%dma_wait3A_228 : memref<2000xi32, #tpu.memory_space<hbm>>) dst(%arg9 : memref<2000xi32, #tpu.memory_space<vmem>>)
      %dma_wait3A_229 = arith.constant 98000 : i32
      %dma_wait3A_230 = tpu.memref_slice %arg2[%select_n3A, %add3A_148, %dma_wait3A_229] : memref<4x64x100000xf32, #tpu.memory_space<hbm>> -> memref<1x1x2000xf32, #tpu.memory_space<hbm>>
      %dma_wait3A_231 = tpu.memref_squeeze %dma_wait3A_230 : memref<1x1x2000xf32, #tpu.memory_space<hbm>> -> memref<2000xf32, #tpu.memory_space<hbm>>
      %dma_wait3A_232 = arith.constant 98000 : i32
      %dma_wait3A_233 = tpu.memref_slice %arg2[%select_n3A, %add3A_148, %dma_wait3A_232] : memref<4x64x100000xf32, #tpu.memory_space<hbm>> -> memref<1x1x2000xf32, #tpu.memory_space<hbm>>
      %dma_wait3A_234 = tpu.memref_squeeze %dma_wait3A_233 : memref<1x1x2000xf32, #tpu.memory_space<hbm>> -> memref<2000xf32, #tpu.memory_space<hbm>>
      tpu.wait_dma2 semaphore(%arg17 : memref<!tpu.dma_semaphore, #tpu.memory_space<semaphore_mem>>) src(%dma_wait3A_234 : memref<2000xf32, #tpu.memory_space<hbm>>) dst(%arg11 : memref<2000xf32, #tpu.memory_space<vmem>>)
      %dma_wait3A_235 = arith.constant 98000 : i32
      %dma_wait3A_236 = tpu.memref_slice %arg2[%select_n3A, %add3A_150, %dma_wait3A_235] : memref<4x64x100000xf32, #tpu.memory_space<hbm>> -> memref<1x1x2000xf32, #tpu.memory_space<hbm>>
      %dma_wait3A_237 = tpu.memref_squeeze %dma_wait3A_236 : memref<1x1x2000xf32, #tpu.memory_space<hbm>> -> memref<2000xf32, #tpu.memory_space<hbm>>
      %dma_wait3A_238 = arith.constant 98000 : i32
      %dma_wait3A_239 = tpu.memref_slice %arg2[%select_n3A, %add3A_150, %dma_wait3A_238] : memref<4x64x100000xf32, #tpu.memory_space<hbm>> -> memref<1x1x2000xf32, #tpu.memory_space<hbm>>
      %dma_wait3A_240 = tpu.memref_squeeze %dma_wait3A_239 : memref<1x1x2000xf32, #tpu.memory_space<hbm>> -> memref<2000xf32, #tpu.memory_space<hbm>>
      tpu.wait_dma2 semaphore(%arg19 : memref<!tpu.dma_semaphore, #tpu.memory_space<semaphore_mem>>) src(%dma_wait3A_240 : memref<2000xf32, #tpu.memory_space<hbm>>) dst(%arg13 : memref<2000xf32, #tpu.memory_space<vmem>>)
      %parallel_loop3A_241 = arith.constant 0 : i32
      %parallel_loop3A_242 = arith.constant 2000 : i32
      %parallel_loop3A_243 = arith.constant 16 : i32
      scf.for %parallel_loop3A_247 = %parallel_loop3A_241 to %parallel_loop3A_242 step %parallel_loop3A_243  : i32 {
        %parallel_loop3A_248 = arith.index_cast %parallel_loop3A_247 : i32 to index
        %parallel_loop3A_249 = tpu.vector_load %arg9[%parallel_loop3A_248] {strides = array<i32>} : memref<2000xi32, #tpu.memory_space<vmem>>, vector<16xi32>,
        %parallel_loop3A_250 = arith.constant 10 : i32
        %parallel_loop3A_251 = vector.broadcast %parallel_loop3A_250 : i32 to vector<16xi32>
        %parallel_loop3A_252 = arith.shrui %parallel_loop3A_249, %parallel_loop3A_251 : vector<16xi32>
        %parallel_loop3A_253 = arith.constant 5 : i32
        %parallel_loop3A_254 = vector.broadcast %parallel_loop3A_253 : i32 to vector<16xi32>
        %parallel_loop3A_255 = arith.shrui %parallel_loop3A_249, %parallel_loop3A_254 : vector<16xi32>
        %parallel_loop3A_256 = arith.constant 31 : i32
        %parallel_loop3A_257 = vector.broadcast %parallel_loop3A_256 : i32 to vector<16xi32>
        %parallel_loop3A_258 = arith.andi %parallel_loop3A_255, %parallel_loop3A_257 : vector<16xi32>
        %parallel_loop3A_259 = arith.constant 31 : i32
        %parallel_loop3A_260 = vector.broadcast %parallel_loop3A_259 : i32 to vector<16xi32>
        %parallel_loop3A_261 = arith.andi %parallel_loop3A_249, %parallel_loop3A_260 : vector<16xi32>
        %parallel_loop3A_262 = arith.index_cast %parallel_loop3A_247 : i32 to index
        %parallel_loop3A_263 = tpu.vector_load %arg11[%parallel_loop3A_262] {strides = array<i32>} : memref<2000xf32, #tpu.memory_space<vmem>>, vector<16xf32>,
        tpu.vector_store_idx %arg5[%parallel_loop3A_252, %parallel_loop3A_258, %parallel_loop3A_261], %parallel_loop3A_263 {add = true} : memref<32x32x32xf32, #tpu.memory_space<vmem>>[vector<16xi32>, vector<16xi32>, vector<16xi32>], vector<16xf32>,
        %parallel_loop3A_264 = arith.index_cast %parallel_loop3A_247 : i32 to index
        %parallel_loop3A_265 = tpu.vector_load %arg13[%parallel_loop3A_264] {strides = array<i32>} : memref<2000xf32, #tpu.memory_space<vmem>>, vector<16xf32>,
        tpu.vector_store_idx %arg6[%parallel_loop3A_252, %parallel_loop3A_258, %parallel_loop3A_261], %parallel_loop3A_265 {add = true} : memref<32x32x32xf32, #tpu.memory_space<vmem>>[vector<16xi32>, vector<16xi32>, vector<16xi32>], vector<16xf32>,
      } {sc.loop_unroll_factor = 25 : i64, sc.parallel_access}
      %parallel_loop3A_244 = arith.constant 0 : i32
      %parallel_loop3A_245 = arith.constant 32768 : i32
      %parallel_loop3A_246 = arith.constant 16 : i32
      scf.for %parallel_loop3A_247 = %parallel_loop3A_244 to %parallel_loop3A_245 step %parallel_loop3A_246  : i32 {
        %parallel_loop3A_248 = arith.constant 1024 : i32
        %parallel_loop3A_249 = arith.divsi %parallel_loop3A_247, %parallel_loop3A_248 : i32
        %parallel_loop3A_250 = arith.constant 0 : i32
        %parallel_loop3A_251 = arith.cmpi sgt, %parallel_loop3A_247, %parallel_loop3A_250 : i32
        %parallel_loop3A_252 = arith.extui %parallel_loop3A_251 : i1 to i32
        %parallel_loop3A_253 = arith.constant 0 : i32
        %parallel_loop3A_254 = arith.cmpi slt, %parallel_loop3A_247, %parallel_loop3A_253 : i32
        %parallel_loop3A_255 = arith.extui %parallel_loop3A_254 : i1 to i32
        %parallel_loop3A_256 = arith.subi %parallel_loop3A_252, %parallel_loop3A_255 : i32
        %parallel_loop3A_257 = arith.constant 0 : i32
        %parallel_loop3A_258 = arith.cmpi sgt, %parallel_loop3A_248, %parallel_loop3A_257 : i32
        %parallel_loop3A_259 = arith.extui %parallel_loop3A_258 : i1 to i32
        %parallel_loop3A_260 = arith.constant 0 : i32
        %parallel_loop3A_261 = arith.cmpi slt, %parallel_loop3A_248, %parallel_loop3A_260 : i32
        %parallel_loop3A_262 = arith.extui %parallel_loop3A_261 : i1 to i32
        %parallel_loop3A_263 = arith.subi %parallel_loop3A_259, %parallel_loop3A_262 : i32
        %parallel_loop3A_264 = arith.cmpi ne, %parallel_loop3A_256, %parallel_loop3A_263 : i32
        %parallel_loop3A_265 = arith.remsi %parallel_loop3A_247, %parallel_loop3A_248 : i32
        %parallel_loop3A_266 = arith.constant 0 : i32
        %parallel_loop3A_267 = arith.cmpi ne, %parallel_loop3A_265, %parallel_loop3A_266 : i32
        %parallel_loop3A_268 = arith.andi %parallel_loop3A_264, %parallel_loop3A_267 : i1
        %parallel_loop3A_269 = arith.constant 1 : i32
        %parallel_loop3A_270 = arith.subi %parallel_loop3A_249, %parallel_loop3A_269 : i32
        %parallel_loop3A_271 = arith.select %parallel_loop3A_268, %parallel_loop3A_270, %parallel_loop3A_249 : i32
        %parallel_loop3A_272 = arith.constant 32 : i32
        %parallel_loop3A_273 = arith.divsi %parallel_loop3A_247, %parallel_loop3A_272 : i32
        %parallel_loop3A_274 = arith.constant 0 : i32
        %parallel_loop3A_275 = arith.cmpi sgt, %parallel_loop3A_247, %parallel_loop3A_274 : i32
        %parallel_loop3A_276 = arith.extui %parallel_loop3A_275 : i1 to i32
        %parallel_loop3A_277 = arith.constant 0 : i32
        %parallel_loop3A_278 = arith.cmpi slt, %parallel_loop3A_247, %parallel_loop3A_277 : i32
        %parallel_loop3A_279 = arith.extui %parallel_loop3A_278 : i1 to i32
        %parallel_loop3A_280 = arith.subi %parallel_loop3A_276, %parallel_loop3A_279 : i32
        %parallel_loop3A_281 = arith.constant 0 : i32
        %parallel_loop3A_282 = arith.cmpi sgt, %parallel_loop3A_272, %parallel_loop3A_281 : i32
        %parallel_loop3A_283 = arith.extui %parallel_loop3A_282 : i1 to i32
        %parallel_loop3A_284 = arith.constant 0 : i32
        %parallel_loop3A_285 = arith.cmpi slt, %parallel_loop3A_272, %parallel_loop3A_284 : i32
        %parallel_loop3A_286 = arith.extui %parallel_loop3A_285 : i1 to i32
        %parallel_loop3A_287 = arith.subi %parallel_loop3A_283, %parallel_loop3A_286 : i32
        %parallel_loop3A_288 = arith.cmpi ne, %parallel_loop3A_280, %parallel_loop3A_287 : i32
        %parallel_loop3A_289 = arith.remsi %parallel_loop3A_247, %parallel_loop3A_272 : i32
        %parallel_loop3A_290 = arith.constant 0 : i32
        %parallel_loop3A_291 = arith.cmpi ne, %parallel_loop3A_289, %parallel_loop3A_290 : i32
        %parallel_loop3A_292 = arith.andi %parallel_loop3A_288, %parallel_loop3A_291 : i1
        %parallel_loop3A_293 = arith.constant 1 : i32
        %parallel_loop3A_294 = arith.subi %parallel_loop3A_273, %parallel_loop3A_293 : i32
        %parallel_loop3A_295 = arith.select %parallel_loop3A_292, %parallel_loop3A_294, %parallel_loop3A_273 : i32
        %parallel_loop3A_296 = arith.constant 32 : i32
        %parallel_loop3A_297 = arith.constant 0 : i32
        %parallel_loop3A_298 = arith.cmpi eq, %parallel_loop3A_296, %parallel_loop3A_297 : i32
        %parallel_loop3A_299 = arith.constant 1 : i32
        %parallel_loop3A_300 = arith.select %parallel_loop3A_298, %parallel_loop3A_299, %parallel_loop3A_296 : i32
        %parallel_loop3A_301 = arith.remsi %parallel_loop3A_295, %parallel_loop3A_300 : i32
        %parallel_loop3A_302 = arith.constant 0 : i32
        %parallel_loop3A_303 = arith.cmpi ne, %parallel_loop3A_301, %parallel_loop3A_302 : i32
        %parallel_loop3A_304 = arith.constant 0 : i32
        %parallel_loop3A_305 = arith.cmpi slt, %parallel_loop3A_301, %parallel_loop3A_304 : i32
        %parallel_loop3A_306 = arith.constant 0 : i32
        %parallel_loop3A_307 = arith.cmpi slt, %parallel_loop3A_300, %parallel_loop3A_306 : i32
        %parallel_loop3A_308 = arith.xori %parallel_loop3A_305, %parallel_loop3A_307 : i1
        %parallel_loop3A_309 = arith.andi %parallel_loop3A_308, %parallel_loop3A_303 : i1
        %parallel_loop3A_310 = arith.addi %parallel_loop3A_301, %parallel_loop3A_300 : i32
        %parallel_loop3A_311 = arith.select %parallel_loop3A_309, %parallel_loop3A_310, %parallel_loop3A_301 : i32
        %parallel_loop3A_312 = arith.constant 32 : i32
        %parallel_loop3A_313 = arith.constant 0 : i32
        %parallel_loop3A_314 = arith.cmpi eq, %parallel_loop3A_312, %parallel_loop3A_313 : i32
        %parallel_loop3A_315 = arith.constant 1 : i32
        %parallel_loop3A_316 = arith.select %parallel_loop3A_314, %parallel_loop3A_315, %parallel_loop3A_312 : i32
        %parallel_loop3A_317 = arith.remsi %parallel_loop3A_247, %parallel_loop3A_316 : i32
        %parallel_loop3A_318 = arith.constant 0 : i32
        %parallel_loop3A_319 = arith.cmpi ne, %parallel_loop3A_317, %parallel_loop3A_318 : i32
        %parallel_loop3A_320 = arith.constant 0 : i32
        %parallel_loop3A_321 = arith.cmpi slt, %parallel_loop3A_317, %parallel_loop3A_320 : i32
        %parallel_loop3A_322 = arith.constant 0 : i32
        %parallel_loop3A_323 = arith.cmpi slt, %parallel_loop3A_316, %parallel_loop3A_322 : i32
        %parallel_loop3A_324 = arith.xori %parallel_loop3A_321, %parallel_loop3A_323 : i1
        %parallel_loop3A_325 = arith.andi %parallel_loop3A_324, %parallel_loop3A_319 : i1
        %parallel_loop3A_326 = arith.addi %parallel_loop3A_317, %parallel_loop3A_316 : i32
        %parallel_loop3A_327 = arith.select %parallel_loop3A_325, %parallel_loop3A_326, %parallel_loop3A_317 : i32
        %parallel_loop3A_328 = arith.index_cast %parallel_loop3A_271 : i32 to index
        %parallel_loop3A_329 = arith.index_cast %parallel_loop3A_311 : i32 to index
        %parallel_loop3A_330 = arith.index_cast %parallel_loop3A_327 : i32 to index
        %parallel_loop3A_331 = tpu.vector_load %arg5[%parallel_loop3A_328, %parallel_loop3A_329, %parallel_loop3A_330] {strides = array<i32>} : memref<32x32x32xf32, #tpu.memory_space<vmem>>, vector<16xf32>,
        %parallel_loop3A_332 = arith.index_cast %parallel_loop3A_247 : i32 to index
        %parallel_loop3A_333 = tpu.vector_load %arg7[%parallel_loop3A_332] {strides = array<i32>} : memref<32768xf32, #tpu.memory_space<vmem>>, vector<16xf32>,
        %parallel_loop3A_334 = arith.mulf %parallel_loop3A_331, %parallel_loop3A_333 : vector<16xf32>
        %parallel_loop3A_335 = arith.index_cast %parallel_loop3A_271 : i32 to index
        %parallel_loop3A_336 = arith.index_cast %parallel_loop3A_311 : i32 to index
        %parallel_loop3A_337 = arith.index_cast %parallel_loop3A_327 : i32 to index
        %parallel_loop3A_338 = tpu.vector_load %arg5[%parallel_loop3A_335, %parallel_loop3A_336, %parallel_loop3A_337] {strides = array<i32>} : memref<32x32x32xf32, #tpu.memory_space<vmem>>, vector<16xf32>,
        tpu.vector_store %arg5[%parallel_loop3A_335, %parallel_loop3A_336, %parallel_loop3A_337], %parallel_loop3A_334 {strides = array<i32>} : memref<32x32x32xf32, #tpu.memory_space<vmem>>, vector<16xf32>,
        %parallel_loop3A_339 = arith.index_cast %parallel_loop3A_271 : i32 to index
        %parallel_loop3A_340 = arith.index_cast %parallel_loop3A_311 : i32 to index
        %parallel_loop3A_341 = arith.index_cast %parallel_loop3A_327 : i32 to index
        %parallel_loop3A_342 = tpu.vector_load %arg6[%parallel_loop3A_339, %parallel_loop3A_340, %parallel_loop3A_341] {strides = array<i32>} : memref<32x32x32xf32, #tpu.memory_space<vmem>>, vector<16xf32>,
        %parallel_loop3A_343 = arith.index_cast %parallel_loop3A_247 : i32 to index
        %parallel_loop3A_344 = tpu.vector_load %arg7[%parallel_loop3A_343] {strides = array<i32>} : memref<32768xf32, #tpu.memory_space<vmem>>, vector<16xf32>,
        %parallel_loop3A_345 = arith.mulf %parallel_loop3A_342, %parallel_loop3A_344 : vector<16xf32>
        %parallel_loop3A_346 = arith.index_cast %parallel_loop3A_271 : i32 to index
        %parallel_loop3A_347 = arith.index_cast %parallel_loop3A_311 : i32 to index
        %parallel_loop3A_348 = arith.index_cast %parallel_loop3A_327 : i32 to index
        %parallel_loop3A_349 = tpu.vector_load %arg6[%parallel_loop3A_346, %parallel_loop3A_347, %parallel_loop3A_348] {strides = array<i32>} : memref<32x32x32xf32, #tpu.memory_space<vmem>>, vector<16xf32>,
        tpu.vector_store %arg6[%parallel_loop3A_346, %parallel_loop3A_347, %parallel_loop3A_348], %parallel_loop3A_345 {strides = array<i32>} : memref<32x32x32xf32, #tpu.memory_space<vmem>>, vector<16xf32>,
      } {sc.loop_unroll_factor = 8 : i64, sc.parallel_access}
      "tpu.region"() ({
        %run_scoped3A = tpu.sem_alloc : memref<!tpu.dma_semaphore, #tpu.memory_space<semaphore_mem>>
        %dma_start3A_247 = arith.constant 0 : i32
        %dma_start3A_248 = arith.constant 0 : i32
        %dma_start3A_249 = arith.constant 0 : i32
        %dma_start3A_250 = tpu.memref_slice %arg4[%select_n3A, %add3A_148, %dma_start3A_247, %dma_start3A_248, %dma_start3A_249] : memref<4x64x32x32x32xf32, #tpu.memory_space<hbm>> -> memref<1x1x32x32x32xf32, #tpu.memory_space<hbm>>
        %dma_start3A_251 = tpu.memref_squeeze %dma_start3A_250 : memref<1x1x32x32x32xf32, #tpu.memory_space<hbm>> -> memref<32x32x32xf32, #tpu.memory_space<hbm>>
        %dma_start3A_252 = arith.constant 0 : i32
        %dma_start3A_253 = arith.constant 0 : i32
        %dma_start3A_254 = arith.constant 0 : i32
        %dma_start3A_255 = tpu.memref_slice %arg4[%select_n3A, %add3A_148, %dma_start3A_252, %dma_start3A_253, %dma_start3A_254] : memref<4x64x32x32x32xf32, #tpu.memory_space<hbm>> -> memref<1x1x32x32x32xf32, #tpu.memory_space<hbm>>
        %dma_start3A_256 = tpu.memref_squeeze %dma_start3A_255 : memref<1x1x32x32x32xf32, #tpu.memory_space<hbm>> -> memref<32x32x32xf32, #tpu.memory_space<hbm>>
        tpu.enqueue_dma source(%arg5 : memref<32x32x32xf32, #tpu.memory_space<vmem>>) target(%dma_start3A_256 : memref<32x32x32xf32, #tpu.memory_space<hbm>>) target_semaphore(%run_scoped3A : memref<!tpu.dma_semaphore, #tpu.memory_space<semaphore_mem>>)
        %dma_wait3A_257 = arith.constant 0 : i32
        %dma_wait3A_258 = arith.constant 0 : i32
        %dma_wait3A_259 = arith.constant 0 : i32
        %dma_wait3A_260 = tpu.memref_slice %arg4[%select_n3A, %add3A_148, %dma_wait3A_257, %dma_wait3A_258, %dma_wait3A_259] : memref<4x64x32x32x32xf32, #tpu.memory_space<hbm>> -> memref<1x1x32x32x32xf32, #tpu.memory_space<hbm>>
        %dma_wait3A_261 = tpu.memref_squeeze %dma_wait3A_260 : memref<1x1x32x32x32xf32, #tpu.memory_space<hbm>> -> memref<32x32x32xf32, #tpu.memory_space<hbm>>
        %dma_wait3A_262 = arith.constant 0 : i32
        %dma_wait3A_263 = arith.constant 0 : i32
        %dma_wait3A_264 = arith.constant 0 : i32
        %dma_wait3A_265 = tpu.memref_slice %arg4[%select_n3A, %add3A_148, %dma_wait3A_262, %dma_wait3A_263, %dma_wait3A_264] : memref<4x64x32x32x32xf32, #tpu.memory_space<hbm>> -> memref<1x1x32x32x32xf32, #tpu.memory_space<hbm>>
        %dma_wait3A_266 = tpu.memref_squeeze %dma_wait3A_265 : memref<1x1x32x32x32xf32, #tpu.memory_space<hbm>> -> memref<32x32x32xf32, #tpu.memory_space<hbm>>
        tpu.wait_dma2 semaphore(%run_scoped3A : memref<!tpu.dma_semaphore, #tpu.memory_space<semaphore_mem>>) src(%arg5 : memref<32x32x32xf32, #tpu.memory_space<vmem>>) dst(%dma_wait3A_266 : memref<32x32x32xf32, #tpu.memory_space<hbm>>)
        tpu.yield
      }) : () -> ()
      "tpu.region"() ({
        %run_scoped3A = tpu.sem_alloc : memref<!tpu.dma_semaphore, #tpu.memory_space<semaphore_mem>>
        %dma_start3A_247 = arith.constant 0 : i32
        %dma_start3A_248 = arith.constant 0 : i32
        %dma_start3A_249 = arith.constant 0 : i32
        %dma_start3A_250 = tpu.memref_slice %arg4[%select_n3A, %add3A_150, %dma_start3A_247, %dma_start3A_248, %dma_start3A_249] : memref<4x64x32x32x32xf32, #tpu.memory_space<hbm>> -> memref<1x1x32x32x32xf32, #tpu.memory_space<hbm>>
        %dma_start3A_251 = tpu.memref_squeeze %dma_start3A_250 : memref<1x1x32x32x32xf32, #tpu.memory_space<hbm>> -> memref<32x32x32xf32, #tpu.memory_space<hbm>>
        %dma_start3A_252 = arith.constant 0 : i32
        %dma_start3A_253 = arith.constant 0 : i32
        %dma_start3A_254 = arith.constant 0 : i32
        %dma_start3A_255 = tpu.memref_slice %arg4[%select_n3A, %add3A_150, %dma_start3A_252, %dma_start3A_253, %dma_start3A_254] : memref<4x64x32x32x32xf32, #tpu.memory_space<hbm>> -> memref<1x1x32x32x32xf32, #tpu.memory_space<hbm>>
        %dma_start3A_256 = tpu.memref_squeeze %dma_start3A_255 : memref<1x1x32x32x32xf32, #tpu.memory_space<hbm>> -> memref<32x32x32xf32, #tpu.memory_space<hbm>>
        tpu.enqueue_dma source(%arg6 : memref<32x32x32xf32, #tpu.memory_space<vmem>>) target(%dma_start3A_256 : memref<32x32x32xf32, #tpu.memory_space<hbm>>) target_semaphore(%run_scoped3A : memref<!tpu.dma_semaphore, #tpu.memory_space<semaphore_mem>>)
        %dma_wait3A_257 = arith.constant 0 : i32
        %dma_wait3A_258 = arith.constant 0 : i32
        %dma_wait3A_259 = arith.constant 0 : i32
        %dma_wait3A_260 = tpu.memref_slice %arg4[%select_n3A, %add3A_150, %dma_wait3A_257, %dma_wait3A_258, %dma_wait3A_259] : memref<4x64x32x32x32xf32, #tpu.memory_space<hbm>> -> memref<1x1x32x32x32xf32, #tpu.memory_space<hbm>>
        %dma_wait3A_261 = tpu.memref_squeeze %dma_wait3A_260 : memref<1x1x32x32x32xf32, #tpu.memory_space<hbm>> -> memref<32x32x32xf32, #tpu.memory_space<hbm>>
        %dma_wait3A_262 = arith.constant 0 : i32
        %dma_wait3A_263 = arith.constant 0 : i32
        %dma_wait3A_264 = arith.constant 0 : i32
        %dma_wait3A_265 = tpu.memref_slice %arg4[%select_n3A, %add3A_150, %dma_wait3A_262, %dma_wait3A_263, %dma_wait3A_264] : memref<4x64x32x32x32xf32, #tpu.memory_space<hbm>> -> memref<1x1x32x32x32xf32, #tpu.memory_space<hbm>>
        %dma_wait3A_266 = tpu.memref_squeeze %dma_wait3A_265 : memref<1x1x32x32x32xf32, #tpu.memory_space<hbm>> -> memref<32x32x32xf32, #tpu.memory_space<hbm>>
        tpu.wait_dma2 semaphore(%run_scoped3A : memref<!tpu.dma_semaphore, #tpu.memory_space<semaphore_mem>>) src(%arg6 : memref<32x32x32xf32, #tpu.memory_space<vmem>>) dst(%dma_wait3A_266 : memref<32x32x32xf32, #tpu.memory_space<hbm>>)
        tpu.yield
      }) : () -> ()
    }
    %scan3A_138 = arith.constant 3 : i32
    return
  }
}

module attributes {stable_mosaic.version = 14 : i64} {
  func.func @_prep_body(%arg0: i32, %arg1: memref<1x3x100000xf32, #tpu.memory_space<vmem>>, %arg2: memref<1x3x100000xf32, #tpu.memory_space<vmem>>, %arg3: memref<1x1x100000xi32, #tpu.memory_space<vmem>>) attributes {dimension_semantics = [#tpu.dimension_semantics<arbitrary>], iteration_bounds = array<i64: 4>, scalar_prefetch = 0 : i64, scratch_operands = 0 : i64, tpu.core_type = #tpu.core_type<tc>, window_params = [{transform_indices = @transform_0, window_bounds = array<i64: 1, 3, 100000>}, {transform_indices = @transform_1, window_bounds = array<i64: 1, 3, 100000>}, {transform_indices = @transform_2, window_bounds = array<i64: 1, 1, 100000>}]} {
    %get3A = arith.constant 0 : index
    %get3A_0 = arith.constant 0 : index
    %get3A_1 = arith.constant 0 : index
    %get3A_2 = vector.load %arg1[%get3A, %get3A_0, %get3A_1] : memref<1x3x100000xf32, #tpu.memory_space<vmem>>, vector<1x3x100000xf32>
    %get3A_3 = vector.shape_cast %get3A_2 : vector<1x3x100000xf32> to vector<3x100000xf32>
    %reduce_sum3A = arith.constant dense<0.000000e+00> : vector<3xf32>
    %reduce_sum3A_4 = vector.multi_reduction <add>, %get3A_3, %reduce_sum3A [1] : vector<3x100000xf32> to vector<3xf32>
    %broadcast_in_dim3A = vector.shape_cast %reduce_sum3A_4 : vector<3xf32> to vector<3x1xf32>
    %div3A = arith.constant 1.000000e+05 : f32
    %div3A_5 = vector.broadcast %div3A : f32 to vector<3x1xf32>
    %div3A_6 = arith.divf %broadcast_in_dim3A, %div3A_5 : vector<3x1xf32>
    %sub3A = vector.broadcast %div3A_6 : vector<3x1xf32> to vector<3x100000xf32>
    %sub3A_7 = arith.subf %get3A_3, %sub3A : vector<3x100000xf32>
    %mul3A = arith.mulf %sub3A_7, %sub3A_7 : vector<3x100000xf32>
    %reduce_sum3A_8 = arith.constant dense<0.000000e+00> : vector<100000xf32>
    %reduce_sum3A_9 = vector.multi_reduction <add>, %mul3A, %reduce_sum3A_8 [0] : vector<3x100000xf32> to vector<100000xf32>
    %broadcast_in_dim3A_10 = vector.shape_cast %reduce_sum3A_9 : vector<100000xf32> to vector<1x100000xf32>
    %reduce_max3A = vector.shape_cast %broadcast_in_dim3A_10 : vector<1x100000xf32> to vector<1x1x100000xf32>
    %reduce_max3A_11 = arith.constant dense<0xFF800000> : vector<1xf32>
    %reduce_max3A_12 = vector.multi_reduction <maximumf>, %reduce_max3A, %reduce_max3A_11 [1, 2] : vector<1x1x100000xf32> to vector<1xf32>
    %reduce_max3A_13 = vector.shape_cast %reduce_max3A_12 : vector<1xf32> to vector<1x1x1xf32>
    %reduce_max3A_14 = vector.extract %reduce_max3A_13[0, 0, 0] : f32 from vector<1x1x1xf32>
    %sqrt3A = math.sqrt %reduce_max3A_14 : f32
    %mul3A_15 = arith.constant 2.000000e+00 : f32
    %mul3A_16 = arith.mulf %sqrt3A, %mul3A_15 : f32
    %div3A_17 = vector.broadcast %mul3A_16 : f32 to vector<3x100000xf32>
    %div3A_18 = arith.divf %sub3A_7, %div3A_17 : vector<3x100000xf32>
    %add3A = arith.constant 5.000000e-01 : f32
    %add3A_19 = vector.broadcast %add3A : f32 to vector<3x100000xf32>
    %add3A_20 = arith.addf %div3A_18, %add3A_19 : vector<3x100000xf32>
    %mul3A_21 = arith.constant 3.200000e+01 : f32
    %mul3A_22 = vector.broadcast %mul3A_21 : f32 to vector<3x100000xf32>
    %mul3A_23 = arith.mulf %add3A_20, %mul3A_22 : vector<3x100000xf32>
    %jit3A = arith.constant 0.000000e+00 : f32
    %jit3A_24 = arith.constant 3.100000e+01 : f32
    %max3A = vector.broadcast %jit3A : f32 to vector<3x100000xf32>
    %max3A_25 = arith.maximumf %max3A, %mul3A_23 : vector<3x100000xf32>
    %min3A = vector.broadcast %jit3A_24 : f32 to vector<3x100000xf32>
    %min3A_26 = arith.minimumf %min3A, %max3A_25 : vector<3x100000xf32>
    %swap3A = arith.constant 0 : index
    %swap3A_27 = arith.constant 0 : index
    %swap3A_28 = arith.constant 0 : index
    %swap3A_29 = vector.load %arg2[%swap3A, %swap3A_27, %swap3A_28] : memref<1x3x100000xf32, #tpu.memory_space<vmem>>, vector<1x3x100000xf32>
    %swap3A_30 = vector.shape_cast %swap3A_29 : vector<1x3x100000xf32> to vector<3x100000xf32>
    %swap3A_31 = vector.shape_cast %min3A_26 : vector<3x100000xf32> to vector<1x3x100000xf32>
    tpu.vector_store %arg2[%swap3A, %swap3A_27, %swap3A_28], %swap3A_31 {strides = array<i32>} : memref<1x3x100000xf32, #tpu.memory_space<vmem>>, vector<1x3x100000xf32>,
    %round3A = math.roundeven %min3A_26 : vector<3x100000xf32>
    %convert_element_type3A = arith.fptosi %round3A : vector<3x100000xf32> to vector<3x100000xi32>
    %slice3A = vector.extract_strided_slice %convert_element_type3A {offsets = [0, 0], sizes = [1, 100000], strides = [1, 1]} : vector<3x100000xi32> to vector<1x100000xi32>
    %mul3A_32 = arith.constant 1024 : i32
    %mul3A_33 = vector.broadcast %mul3A_32 : i32 to vector<1x100000xi32>
    %mul3A_34 = arith.muli %slice3A, %mul3A_33 : vector<1x100000xi32>
    %slice3A_35 = vector.extract_strided_slice %convert_element_type3A {offsets = [1, 0], sizes = [1, 100000], strides = [1, 1]} : vector<3x100000xi32> to vector<1x100000xi32>
    %mul3A_36 = arith.constant 32 : i32
    %mul3A_37 = vector.broadcast %mul3A_36 : i32 to vector<1x100000xi32>
    %mul3A_38 = arith.muli %slice3A_35, %mul3A_37 : vector<1x100000xi32>
    %add3A_39 = arith.addi %mul3A_34, %mul3A_38 : vector<1x100000xi32>
    %slice3A_40 = vector.extract_strided_slice %convert_element_type3A {offsets = [2, 0], sizes = [1, 100000], strides = [1, 1]} : vector<3x100000xi32> to vector<1x100000xi32>
    %add3A_41 = arith.addi %add3A_39, %slice3A_40 : vector<1x100000xi32>
    %swap3A_42 = arith.constant 0 : index
    %swap3A_43 = arith.constant 0 : index
    %swap3A_44 = arith.constant 0 : index
    %swap3A_45 = vector.load %arg3[%swap3A_42, %swap3A_43, %swap3A_44] : memref<1x1x100000xi32, #tpu.memory_space<vmem>>, vector<1x1x100000xi32>
    %swap3A_46 = vector.shape_cast %swap3A_45 : vector<1x1x100000xi32> to vector<1x100000xi32>
    %swap3A_47 = vector.shape_cast %add3A_41 : vector<1x100000xi32> to vector<1x1x100000xi32>
    tpu.vector_store %arg3[%swap3A_42, %swap3A_43, %swap3A_44], %swap3A_47 {strides = array<i32>} : memref<1x1x100000xi32, #tpu.memory_space<vmem>>, vector<1x1x100000xi32>,
    return
  }
  func.func @transform_0(%arg0: i32) -> (i32, i32, i32) {
    %c0_i32 = arith.constant 0 : i32
    %c0_i32_0 = arith.constant 0 : i32
    %c0_i32_1 = arith.constant 0 : i32
    return %arg0, %c0_i32, %c0_i32_0 : i32, i32, i32
  }
  func.func @transform_1(%arg0: i32) -> (i32, i32, i32) {
    %c0_i32 = arith.constant 0 : i32
    %c0_i32_0 = arith.constant 0 : i32
    %c0_i32_1 = arith.constant 0 : i32
    return %arg0, %c0_i32, %c0_i32_0 : i32, i32, i32
  }
  func.func @transform_2(%arg0: i32) -> (i32, i32, i32) {
    %c0_i32 = arith.constant 0 : i32
    %c0_i32_0 = arith.constant 0 : i32
    %c0_i32_1 = arith.constant 0 : i32
    return %arg0, %c0_i32, %c0_i32_0 : i32, i32, i32
  }
}

</mosaic_0001>

<sc_bundles>
// kernel: kernel.4.cloned.1.call-start
scs
__scs_entry_jumppad:
0x0: {  	(pc) =	sbr.rel $0x88, $3  }
0x1: {  	(tag) =	ssettag $0x0;
	lr =	simm.s32 $0x1  }
0x2: {  	[smem:$0x3F9F] =	sst lr;
	_ =	strace $0xD0000000  }
0x3: {  	_ = 	snop  }
0x4: {  	_ = 	snop  }
0x5: {  	_ = 	snop  }
0x6: {  	_ = 	snop  }
0x7: {  	_ = 	snop  }
__scs_overlays_trampoline_lowered:
0x8: {  	[smem:$0x3FAE] =	sst s0  }
0x9: {  	[smem:$0x3FAF] =	sst s1  }
0xa: {  	[smem:$0x3FB0] =	sst s2  }
0xb: {  	[smem:$0x3FB1] =	sst s3  }
0xc: {  	[smem:$0x3FB2] =	sst s4  }
0xd: {  	[smem:$0x3FB3] =	sst s5  }
0xe: {  	[smem:$0x3FB4] =	sst s6  }
0xf: {  	[smem:$0x3FB5] =	sst s7  }
0x10: {  	[smem:$0x3FB6] =	sst s8  }
0x11: {  	[smem:$0x3FB7] =	sst s9;
	s0 =	simm.s32 @!p0 $0x0  }
0x12: {  	s1 =	sld [smem:$0x3F9D];
	s0 =	simm.s32 @p0 $0x1  }
0x13: {  	[smem:$0x3FB8] =	sst s0;
	s0 =	simm.s32 @!p1 $0x0  }
0x14: {  	s2 =	sld [smem:$0x3F9C];
	s0 =	simm.s32 @p1 $0x1  }
0x15: {  	[smem:$0x3FB9] =	sst s0;
	s0 =	simm.s32 @!p2 $0x0  }
0x16: {  	s3 =	sld [smem:$0x3FDB];
	s0 =	simm.s32 @p2 $0x1  }
0x17: {  	s4 =	simm.s32 $0x1BF5;
	[smem:$0x3FBB] =	sst s0  }
0x18: {  	s0 =	sld [smem:$0x3F9E];
	_ =	swait.ge [sflag:s4], $0x0  }
0x19: {  	s7 =	sld [smem:$0x3F9F]  }
0x1a: {  	s8 =	sadd.s32 $0xFFFFE003, lr  }
0x1b: {  	s9 =	sadd.s32 $0xFFFFFEF7, lr;
	s5 =	simm.s32 $0xFFFFFFFF;
	p2 =	slt.u32 s8, $0xFFFFF086  }
0x1c: {  	p1 =	slt.u32 s9, $0xF7A;
	s5 =	simm.s32 @!p2 $0x0  }
0x1d: {  	s5 =	simm.s32 @p1 $0x1;
	p0 =	seq.s32 s7, s2  }
0x1e: {  	s7 =	smul.u32 @!p0 $0xF7A, s2;
	p2 =	seq.s32 @!p0 s5, $0x0  }
0x1f: {  	s9 =	smul.u32 $0xF7A, s1;
	s8 =	simm.s32 @!p0 $0x1BF5;
	p2 =	por !p2, p0  }
0x20: {  	[sflag:s8] =	ssyncset.s32 @!p0 $0xFFFFF086;
	s6 =	sadd.s32 @!p0 s3, s7;
	s7 =	simm.s32 @!p0 $0x108  }
0x21: {  	s3 =	sadd.s32 s3, s9;
	s6 =	sadd.s32 @!p0 $0x88, s6;
	s7 =	simm.s32 @p2 $0x1082  }
0x22: {  	[simem:s7], [sflag:s8] =	dma.local @!p0 [hbm:s6], $0xF7A  }
0x23: {  	s9 =	sor.u32 $0xD0000000, s2;
	s6 =	simm.s32 $0x108;
	_ =	swait.ge @!p0 [sflag:s8], $0x0  }
0x24: {  	s3 =	sadd.s32 $0x88, s3;
	s6 =	simm.s32 @!p1 $0x1082;
	[sflag:s4] =	ssyncset.s32 $0xFFFFF086  }
0x25: {  	[simem:s6], [sflag:s4] =	dma.local [hbm:s3], $0xF7A  }
0x26: {  	[smem:$0x3F9F] =	sst s1;
	(tag) =	ssettag s2;
	_ =	strace s9  }
0x27: {  	s1 =	sld [smem:$0x3FAF]  }
0x28: {  	s2 =	sld [smem:$0x3FB0]  }
0x29: {  	s4 =	sld [smem:$0x3FB2]  }
0x2a: {  	p0 =	seq.s32 s5, $0x0;
	s5 =	sld [smem:$0x3FB3]  }
0x2b: {  	s6 =	sld [smem:$0x3FB4]  }
0x2c: {  	s7 =	sld [smem:$0x3FB5]  }
0x2d: {  	s3 =	simm.s32 $0x108;
	s8 =	sld [smem:$0x3FB6]  }
0x2e: {  	s3 =	simm.s32 @!p0 $0x1082;
	s9 =	sld [smem:$0x3FB7]  }
0x2f: {  	lr =	sadd.s32 s0, s3;
	s0 =	sld [smem:$0x3FAE]  }
0x30: {  	s3 =	sld [smem:$0x3FB1]  }
0x31: {  	[smem:$0x3FBA] =	sst s10  }
0x32: {  	s10 =	sld [smem:$0x3FB8];
	_ =	sdelay $0x3  }
0x33: {  	p0 =	seq.s32 s10, $0x1;
	s10 =	sld [smem:$0x3FBA];
	_ =	sdelay $0x3  }
0x34: {  	[smem:$0x3FBA] =	sst s10  }
0x35: {  	s10 =	sld [smem:$0x3FB9];
	_ =	sdelay $0x3  }
0x36: {  	p1 =	seq.s32 s10, $0x1;
	s10 =	sld [smem:$0x3FBA];
	_ =	sdelay $0x3  }
0x37: {  	[smem:$0x3FBA] =	sst s10  }
0x38: {  	s10 =	sld [smem:$0x3FBB]  }
0x39: {  	_ = 	snop;
	(pc) =	sbr.ind lr, $3  }
0x3a: {  	_ = 	snop  }
0x3b: {  	_ = 	snop  }
0x3c: {  	p2 =	seq.s32 s10, $0x1;
	s10 =	sld [smem:$0x3FBA]  }
0x3d: {  	_ =	shalt  }
0x3e: {  	_ =	shalt  }
0x3f: {  	_ =	shalt  }
0x40: {  	_ =	shalt  }
0x41: {  	_ =	shalt  }
0x42: {  	_ =	shalt  }
0x43: {  	_ =	shalt  }
0x44: {  	_ =	shalt  }
0x45: {  	_ =	shalt  }
0x46: {  	_ =	shalt  }
0x47: {  	_ =	shalt  }
0x48: {  	_ =	shalt  }
0x49: {  	_ =	shalt  }
0x4a: {  	_ =	shalt  }
0x4b: {  	_ =	shalt  }
0x4c: {  	_ =	shalt  }
0x4d: {  	_ =	shalt  }
0x4e: {  	_ =	shalt  }
0x4f: {  	_ =	shalt  }
0x50: {  	_ =	shalt  }
0x51: {  	_ =	shalt  }
0x52: {  	_ =	shalt  }
0x53: {  	_ =	shalt  }
0x54: {  	_ =	shalt  }
0x55: {  	_ =	shalt  }
0x56: {  	_ =	shalt  }
0x57: {  	_ =	shalt  }
0x58: {  	_ =	shalt  }
0x59: {  	_ =	shalt  }
0x5a: {  	_ =	shalt  }
0x5b: {  	_ =	shalt  }
0x5c: {  	_ =	shalt  }
0x5d: {  	_ =	shalt  }
0x5e: {  	_ =	shalt  }
0x5f: {  	_ =	shalt  }
0x60: {  	_ =	shalt  }
0x61: {  	_ =	shalt  }
0x62: {  	_ =	shalt  }
0x63: {  	_ =	shalt  }
0x64: {  	_ =	shalt  }
0x65: {  	_ =	shalt  }
0x66: {  	_ =	shalt  }
0x67: {  	_ =	shalt  }
0x68: {  	_ =	shalt  }
0x69: {  	_ =	shalt  }
0x6a: {  	_ =	shalt  }
0x6b: {  	_ =	shalt  }
0x6c: {  	_ =	shalt  }
0x6d: {  	_ =	shalt  }
0x6e: {  	_ =	shalt  }
0x6f: {  	_ =	shalt  }
0x70: {  	_ =	shalt  }
0x71: {  	_ =	shalt  }
0x72: {  	_ =	shalt  }
0x73: {  	_ =	shalt  }
0x74: {  	_ =	shalt  }
0x75: {  	_ =	shalt  }
0x76: {  	_ =	shalt  }
0x77: {  	_ =	shalt  }
0x78: {  	_ =	shalt  }
0x79: {  	_ =	shalt  }
0x7a: {  	_ =	shalt  }
0x7b: {  	_ =	shalt  }
0x7c: {  	_ =	shalt  }
0x7d: {  	_ =	shalt  }
0x7e: {  	_ =	shalt  }
0x7f: {  	_ =	shalt  }
0x80: {  	_ =	shalt  }
0x81: {  	_ =	shalt  }
0x82: {  	_ =	shalt  }
0x83: {  	_ =	shalt  }
0x84: {  	_ =	shalt  }
0x85: {  	_ =	shalt  }
0x86: {  	_ =	shalt  }
0x87: {  	_ =	shalt  }
.Lfunc_end0:
.L_simem_size_0:
called_computation.1_lowered:
.L_overlay_start_0:
0x88: {  	s2 =	sld [smem:$0x3FD9]  }
0x89: {  	s3 =	sld [smem:$0x3FFE];
	_ =	sdelay $0x1  }
0x8a: {  	s1 =	srdreg.scid  }
0x8b: {  	s0 =	sand.u32 $0x1, s1  }
0x8c: {  	s14 =	sshll.u32 s0, $0xA;
	s2 =	sadd.s32 s3, s2  }
0x8d: {  	s2 =	sadd.s32 s2, s14  }
0x8e: {  	[smem:$0x3FC6] =	sst s2  }
0x8f: {  	_ = 	snop  }
0x90: {  	s2 =	sld [smem:$0x3FD0];
	_ =	sdelay $0x2  }
0x91: {  	s15 =	simm.s32 $0xA;
	s4 =	simm.s32 $0x10  }
0x92: {  	[smem:s4], [sflag:s15] =	dma.local [hbm:s2], $0x1  }
0x93: {  	_ =	swait.eq [sflag:s15], $0x1  }
0x94: {  	[sflag:s15] =	ssyncset.done $0x0  }
0x95: {  	s16 =	sld [smem:$0x10];
	[sflag:s15] =	ssyncadd.s32 $0xFFFFFFFF  }
0x96: {  	s17 =	sld [smem:$0x11];
	(tm) =	ssettm $0x1  }
0x97: {  	s18 =	sld [smem:$0x3FFB];
	_ =	sdelay $0x3  }
0x98: {  	_ =	strace s18  }
0x99: {  	s4 =	sld [smem:$0x3FFC];
	_ =	sdelay $0x3  }
0x9a: {  	_ =	strace s4  }
0x9b: {  	s4 =	sld [smem:$0x3FFD];
	_ =	sdelay $0x3  }
0x9c: {  	_ =	strace s4  }
0x9d: {  	_ =	strace $0x8FFFFFFF  }
0x9e: {  	s19 =	sld [smem:$0x3FDB];
	_ =	sdelay $0x1  }
0x9f: {  	s5 =	simm.s32 $_scs_section_size  }
0xa0: {  	s6 =	simm.s32 $_size__tile_overlayer_lowered;
	s7 =	simm.s32 $_tile_overlayer_lowered  }
0xa1: {  	s22 =	simm.s32 $0x1BFF;
	s21 =	sshll.u32 s7, $0x1;
	s4 =	sadd.s32 s5, s19  }
0xa2: {  	s8 =	simm.s32 $0x0;
	s20 =	sshll.u32 s6, $0x1;
	s6 =	sadd.s32 s21, s4  }
0xa3: {  	[timem:s8], [sflag:s22] =	dma.local [hbm:s6], s20  }
0xa4: {  	_ =	swait.ge [sflag:s22], s20  }
0xa5: {  	s5 =	ssub.s32 $0x0, s20;
	[sflag:s22] =	ssyncset.done $0x0  }
0xa6: {  	[sflag:s22] =	ssyncadd.s32 s5;
	_ =	sdelay $0x1  }
0xa7: {  	s23 =	simm.s32 $0x1B8B  }
0xa8: {  	_ =	swait.ge [sflag:s23], $0x1  }
0xa9: {  	[sflag:s23] =	ssyncset.done $0x0  }
0xaa: {  	s25 =	simm.s32 $0x1B8E;
	s24 =	sld [smem:$0x3FFE];
	[sflag:s23] =	ssyncadd.s32 $0xFFFFFFFF  }
0xab: {  	s26 =	simm.s32 $execute0_lowered;
	[smem:$0x3FD2] =	sst s25  }
0xac: {  	s6 =	sshll.u32 s26, $0x1;
	_ =	strace $0x80000046;
	[dreg:$0x1] =	wrdreg $0xFFFFFFFF  }
0xad: {  	s28 =	simm.s32 $_size_execute0_lowered;
	s4 =	sadd.s32 s4, s6;
	[dreg:$0x0] =	wrdreg $0x0  }
0xae: {  	s6 =	sshll.u32 s28, $0x1;
	[dreg:$0x2] =	wrdreg s4  }
0xaf: {  	[dreg:$0x3] =	wrdreg s6  }
0xb0: {  	[dreg:$0x4] =	wrdreg $0xC0  }
0xb1: {  	_ =	task [dreg:s8], $0x5FFFF  }
0xb2: {  	[dreg:$0x1] =	wrdreg $0xFFFFFFFF  }
0xb3: {  	[dreg:$0x0] =	wrdreg $0x60  }
0xb4: {  	[dreg:$0x2] =	wrdreg s24  }
0xb5: {  	[dreg:$0x3] =	wrdreg s17  }
0xb6: {  	[dreg:$0x4] =	wrdreg s16  }
0xb7: {  	[dreg:$0x5] =	wrdreg $0x9  }
0xb8: {  	_ =	task.clear_ibuf [dreg:s8], $0x6FFFF;
	_ =	strace $0x90000046  }
0xb9: {  	s29 =	simm.s32 $0x9;
	_ =	strace $0x80000048  }
0xba: {  	_ =	swait.ge [sflag:s29], $0x1  }
0xbb: {  	[sflag:s29] =	ssyncadd.s32 $0xFFFFFFFF  }
0xbc: {  	_ =	strace $0x90000048  }
0xbd: {  	_ =	sfence  }
0xbe: {  	s30 =	sld [smem:$0x0];
	_ =	sdelay $0x2  }
0xbf: {  	s31 =	sshll.u32 s1, $0xD;
	s1 =	sshrl.u32 s1, $0x2  }
0xc0: {  	s3 =	sand.u32 $0x4000, s31;
	s1 =	sadd.s32 s1, s30  }
0xc1: {  	s0 =	sor.u32 s3, s0;
	s1 =	sshll.u32 s1, $0x11  }
0xc2: {  	s0 =	sor.u32 s1, s0  }
0xc3: {  	s0 =	sadd.s32 $0x8F2B, s0  }
0xc4: {  	[sflag:s0] =	ssyncadd.remote.s32 $0x1  }
0xc5: {  	_ =	sfence.sel $0xFFFF  }
0xc6: {  	[dreg:$0x0] =	wrdreg $0xFFFFFFFF;
	(pc) =	sbr.abs _section_cstart, $3  }
0xc7: {  	[dreg:$0x1] =	wrdreg $0xFFFFFFFF  }
0xc8: {  	_ =	task.clear_ibuf [dreg:s8], $0x2FFFF;
	_ =	strace $0x9FFFFFFF  }
0xc9: {  	(tm) =	ssettm $0x7FFFFFFF  }
tec
execute0_lowered:
.L_overlay_start_1:
0x0: {  	(tag) =	ssettag $0x1  }
0x1: {  	s0 =	rddreg [dreg:$0x0]  }
0x2: {  	s2 =	rddreg [dreg:$0x1]  }
0x3: {  	s12 =	rddreg [dreg:$0x2];
	s4 =	stileid.u32  }
0x4: {  	s1 =	srdreg.scid;
	s28 =	simm.s32 $0x1;
	s29 =	simm.s32 $0x3  }
0x5: {  	s30 =	simm.s32 $0x5;
	s31 =	simm.s32 $0x8000;
	s3 =	sshll.u32 s4, $0x1  }
0x6: {  	s1 =	sand.u32 $0x1, s1;
	s6 =	sshrl.u32 s4, $0x2;
	s4 =	simm.s32 $0x0  }
0x7: {  	s8 =	sadd.s32 $0x31800, s0;
	s3 =	sand.u32 $0x6, s3;
	s5 =	smul.u32 $0x186A0, s6  }
0x8: {  	[smem:$0x7FF] =	sst s4;
	s13 =	smul.u32 $0x61A800, s6;
	s3 =	sor.u32 s1, s3  }
0x9: {  	s6 =	sshll.u32 s6, $0x15;
	s1 =	ssub.s32 $0x2, s1;
	s7 =	sshll.u32 s3, $0x3  }
0xa: {  	s9 =	smul.u32 $0xC3500, s3;
	s10 =	sshrl.u32 s1, $0x1;
	s17 =	sshrl.u32 s5, $0x3  }
0xb: {  	s21 =	sshll.u32 s3, $0x12;
	[dreg:$0x4] =	wrdreg s7;
	s7 =	sor.u32 $0x1, s7  }
0xc: {  	s16 =	ssub.s32 s1, s10;
	s18 =	sadd.s32 s2, s17;
	s1 =	sor.u32 s6, s21  }
0xd: {  	s21 =	simm.s32 $0x18000;
	s17 =	simm.s32 $0x6;
	_ =	strace $0x80000047  }
0xe: {  	s11 =	smul.u32 $0x186A0, s7;
	s14 =	sadd.s32 s13, s9;
	[dreg:$0x5] =	wrdreg s13  }
0xf: {  	[dreg:$0x8] =	wrdreg s18;
	s22 =	sadd.s32 $0xFA, s18;
	s23 =	sshll.u32 s7, $0xF  }
0x10: {  	s1 =	sshrl.u32 s1, $0x3;
	[dreg:$0xb] =	wrdreg s6;
	s0 =	smax.u32 s16, $0x1  }
0x11: {  	s16 =	simm.s32 $0x4;
	s9 =	sshrl.u32 s14, $0x3;
	[dreg:$0xc] =	wrdreg s22  }
0x12: {  	s3 =	sor.u32 s6, s23;
	s1 =	sadd.s32 s12, s1;
	[dreg:$0x11] =	wrdreg s0  }
0x13: {  	s22 =	simm.s32 $0x18FA0;
	s23 =	simm.s32 $0x19F40;
	[dreg:$0x6] =	wrdreg s14  }
0x14: {  	s0 =	simm.s32 $0x10000;
	s9 =	sadd.s32 s8, s9;
	[dreg:$0xf] =	wrdreg s1  }
0x15: {  	s6 =	simm.s32 $0x0;
	s15 =	sadd.s32 s13, s11;
	[dreg:$0x9] =	wrdreg s9  }
0x16: {  	s26 =	sshrl.u32 s3, $0x3;
	s24 =	sadd.s32 $0xFA, s9;
	[dreg:$0x7] =	wrdreg s15  }
0x17: {  	s19 =	sshrl.u32 s15, $0x3;
	s1 =	sadd.s32 s12, s26;
	[dreg:$0xd] =	wrdreg s24  }
0x18: {  	s26 =	simm.s32 $0x1A710;
	s20 =	sadd.s32 s8, s19;
	[dreg:$0x10] =	wrdreg s1  }
0x19: {  	s24 =	simm.s32 $0x187D0;
	[dreg:$0xa] =	wrdreg s20;
	s25 =	sadd.s32 $0xFA, s20  }
0x1a: {  	v0 =	vimm.f32 $0.0e+00;
	v1 =	vimm.f32 $1.000000000e+00;
	s1 =	simm.s32 $0x2;
	[dreg:$0xe] =	wrdreg s25;
	s25 =	simm.s32 $0x19770  }
.LBB2_1:
0x1b: {  	[dreg:$0x12] =	wrdreg s6;
	s7 =	simm.s32 $0x10040  }
0x1c: {  	[tilespmem:s7+$0xFFFFFFC0] =	vst v0  }
0x1d: {  	[tilespmem:s7+$0x30] =	vst v0  }
0x1e: {  	[tilespmem:s7+$0x20] =	vst v0  }
0x1f: {  	[tilespmem:s7+$0x10] =	vst v0  }
0x20: {  	[tilespmem:s7+$0x0] =	vst v0  }
0x21: {  	[tilespmem:s7+$0xFFFFFFF0] =	vst v0  }
0x22: {  	s3 =	simm.s32 $0x0;
	[tilespmem:s7+$0xFFFFFFE0] =	vst v0  }
.LBB2_2:
0x23: {  	s3 =	sadd.s32 $0x80, s3;
	[tilespmem:s7+$0xFFFFFFD0] =	vst v0;
	s7 =	sadd.s32 $0x80, s7  }
0x24: {  	[tilespmem:s7+$0xFFFFFFC0] =	vst v0;
	p0 =	slt.u32 s3, $0x7F80  }
0x25: {  	[tilespmem:s7+$0x30] =	vst v0  }
.Ltmp0:
0x26: {  	[tilespmem:s7+$0x20] =	vst v0;
	(pc) =	sbr.rel @p0 .LBB2_2-.Ltmp0, $4  }
0x27: {  	[tilespmem:s7+$0x10] =	vst v0  }
0x28: {  	[tilespmem:s7+$0x0] =	vst v0  }
0x29: {  	[tilespmem:s7+$0xFFFFFFF0] =	vst v0  }
0x2a: {  	[tilespmem:s7+$0xFFFFFFE0] =	vst v0  }
0x2b: {  	s3 =	simm.s32 $0x0  }
0x2c: {  	s6 =	simm.s32 $0x0;
	s3 =	sand.u32 $0x1F000, s3  }
0x2d: {  	s9 =	sand.u32 $0x380, s6;
	s3 =	sshrl.u32 s3, $0x2  }
0x2e: {  	[tilespmem:s7+$0xFFFFFFD0] =	vst v0;
	s7 =	sor.u32 s9, s3  }
0x2f: {  	[tilespmem:s7+$0x70] =	vst v0  }
0x30: {  	[tilespmem:s7+$0x0] =	vst v0  }
0x31: {  	[tilespmem:s7+$0x10] =	vst v0  }
0x32: {  	[tilespmem:s7+$0x20] =	vst v0  }
0x33: {  	s9 =	simm.s32 $0x200;
	[tilespmem:s7+$0x30] =	vst v0  }
.LBB2_4:
0x34: {  	s6 =	sadd.s32 $0x80, s6;
	s10 =	sand.u32 $0x1F000, s9;
	[tilespmem:s7+$0x40] =	vst v0  }
0x35: {  	s11 =	sand.u32 $0x380, s6;
	s10 =	sshrl.u32 s10, $0x2;
	p0 =	slt.u32 s6, $0x7F80;
	[tilespmem:s7+$0x50] =	vst v0  }
0x36: {  	[tilespmem:s7+$0x60] =	vst v0;
	s7 =	sor.u32 s11, s10  }
.Ltmp1:
0x37: {  	[tilespmem:s7+$0x70] =	vst v0;
	(pc) =	sbr.rel @p0 .LBB2_4-.Ltmp1, $4  }
0x38: {  	[tilespmem:s7+$0x0] =	vst v0  }
0x39: {  	[tilespmem:s7+$0x10] =	vst v0  }
0x3a: {  	[tilespmem:s7+$0x20] =	vst v0  }
0x3b: {  	s9 =	sadd.s32 $0x200, s9;
	[tilespmem:s7+$0x30] =	vst v0  }
0x3c: {  	[tilespmem:s7+$0x40] =	vst v0;
	s6 =	simm.s32 $0x0  }
0x3d: {  	[tilespmem:s7+$0x50] =	vst v0;
	s9 =	sand.u32 $0x380, s6  }
0x3e: {  	[tilespmem:s7+$0x60] =	vst v0;
	s3 =	sor.u32 s9, s3  }
0x3f: {  	[tilespmem:s3+$0x8070] =	vst v0  }
0x40: {  	[tilespmem:s3+$0x8000] =	vst v0  }
0x41: {  	[tilespmem:s3+$0x8010] =	vst v0  }
0x42: {  	[tilespmem:s3+$0x8020] =	vst v0  }
0x43: {  	s7 =	simm.s32 $0x200;
	[tilespmem:s3+$0x8030] =	vst v0  }
.LBB2_6:
0x44: {  	s6 =	sadd.s32 $0x80, s6;
	s9 =	sand.u32 $0x1F000, s7;
	[tilespmem:s3+$0x8040] =	vst v0  }
0x45: {  	s10 =	sand.u32 $0x380, s6;
	s9 =	sshrl.u32 s9, $0x2;
	p0 =	slt.u32 s6, $0x7F80;
	[tilespmem:s3+$0x8050] =	vst v0  }
0x46: {  	[tilespmem:s3+$0x8060] =	vst v0;
	s3 =	sor.u32 s10, s9  }
.Ltmp2:
0x47: {  	[tilespmem:s3+$0x8070] =	vst v0;
	(pc) =	sbr.rel @p0 .LBB2_6-.Ltmp2, $4  }
0x48: {  	[tilespmem:s3+$0x8000] =	vst v0  }
0x49: {  	[tilespmem:s3+$0x8010] =	vst v0  }
0x4a: {  	[tilespmem:s3+$0x8020] =	vst v0  }
0x4b: {  	s7 =	sadd.s32 $0x200, s7;
	[tilespmem:s3+$0x8030] =	vst v0  }
0x4c: {  	[tilespmem:s3+$0x8040] =	vst v0  }
0x4d: {  	[tilespmem:s3+$0x8050] =	vst v0  }
0x4e: {  	[tilespmem:s3+$0x8060] =	vst v0  }
0x4f: {  	s12 =	simm.s32 $0x0;
	s3 =	rddreg [dreg:$0x8]  }
0x50: {  	[tilespmem:s21], [sflag:$0x1] =	stream.linear.gather [hbm4b:s3+s12], $0x7D0, $0x38;
	[tilespmem:$0x1AEE0] =	vst v63  }
0x51: {  	s11 =	rddreg [dreg:$0x9]  }
0x52: {  	[tilespmem:s22], [sflag:$0x3] =	stream.linear.gather [hbm4b:s11+s12], $0x7D0, $0x38;
	[tilespmem:$0x1AEE0] =	vst v63  }
0x53: {  	s13 =	rddreg [dreg:$0xa]  }
0x54: {  	[tilespmem:s23], [sflag:$0x5] =	stream.linear.gather [hbm4b:s13+s12], $0x7D0, $0x38;
	[tilespmem:$0x1AEE0] =	vst v63  }
0x55: {  	s18 =	rddreg [dreg:$0xc]  }
0x56: {  	[tilespmem:s24], [sflag:$0x2] =	stream.linear.gather [hbm4b:s18+s12], $0x7D0, $0x38;
	[tilespmem:$0x1AEE0] =	vst v63  }
0x57: {  	s19 =	rddreg [dreg:$0xd]  }
0x58: {  	[tilespmem:s25], [sflag:$0x4] =	stream.linear.gather [hbm4b:s19+s12], $0x7D0, $0x38;
	[tilespmem:$0x1AEE0] =	vst v63  }
0x59: {  	s20 =	rddreg [dreg:$0xe]  }
0x5a: {  	[tilespmem:s26], [sflag:$0x6] =	stream.linear.gather [hbm4b:s20+s12], $0x7D0, $0x38;
	[tilespmem:$0x1AEE0] =	vst v63  }
.LBB2_8:
0x5b: {  	_ =	swait.ge [sflag:s28], $0x7D0  }
0x5c: {  	[sflag:s28] =	ssyncset.done $0x0  }
0x5d: {  	[sflag:s28] =	ssyncadd.s32 $0xFFFFF830  }
0x5e: {  	_ =	swait.ge [sflag:s29], $0x7D0  }
0x5f: {  	[sflag:s29] =	ssyncset.done $0x0  }
0x60: {  	[sflag:s29] =	ssyncadd.s32 $0xFFFFF830  }
0x61: {  	_ =	swait.ge [sflag:s30], $0x7D0  }
0x62: {  	[sflag:s30] =	ssyncset.done $0x0  }
0x63: {  	s7 =	simm.s32 $0x180C0;
	[sflag:s30] =	ssyncadd.s32 $0xFFFFF830  }
0x64: {  	v2 =	vld [tilespmem:s7+$0xC0]  }
0x65: {  	v3 =	vld [tilespmem:s7+$0xFFFFFF50]  }
0x66: {  	s3 =	simm.s32 $0x19060;
	v4 =	vld [tilespmem:s7+$0xFFFFFF60]  }
0x67: {  	v5 =	vld [tilespmem:s3+$0xC0]  }
0x68: {  	v6 =	vld [tilespmem:s7+$0xFFFFFF70]  }
0x69: {  	v7 =	vld [tilespmem:s7+$0xFFFFFF80]  }
0x6a: {  	v8 =	vld [tilespmem:s7+$0xFFFFFF90]  }
0x6b: {  	v9 =	vld [tilespmem:s7+$0xFFFFFFA0]  }
0x6c: {  	v10 =	vld [tilespmem:s7+$0xFFFFFFB0]  }
0x6d: {  	v11 =	vld [tilespmem:s7+$0xFFFFFFC0]  }
0x6e: {  	v12 =	vld [tilespmem:s7+$0xFFFFFFD0]  }
0x6f: {  	v13 =	vld [tilespmem:s7+$0xFFFFFFE0]  }
0x70: {  	v63 =	vld [tilespmem:s7+$0x0]  }
0x71: {  	v14 =	vld [tilespmem:s7+$0x10]  }
0x72: {  	v15 =	vld [tilespmem:s7+$0x20]  }
0x73: {  	v16 =	vld [tilespmem:s7+$0x30]  }
0x74: {  	v17 =	vld [tilespmem:s7+$0x40]  }
0x75: {  	v18 =	vld [tilespmem:s7+$0x50]  }
0x76: {  	v19 =	vld [tilespmem:s7+$0x60]  }
0x77: {  	v20 =	vld [tilespmem:s7+$0x70]  }
0x78: {  	v21 =	vld [tilespmem:s7+$0x80]  }
0x79: {  	v22 =	vld [tilespmem:s7+$0x90]  }
0x7a: {  	v23 =	vld [tilespmem:s7+$0xA0]  }
0x7b: {  	v24 =	vld [tilespmem:s7+$0xB0]  }
0x7c: {  	v25 =	vld [tilespmem:s7+$0xFFFFFF40]  }
0x7d: {  	v26 =	vld [tilespmem:s3+$0xFFFFFF40]  }
0x7e: {  	v27 =	vld [tilespmem:s3+$0xFFFFFF50]  }
0x7f: {  	v28 =	vld [tilespmem:s3+$0xFFFFFF60]  }
0x80: {  	v29 =	vld [tilespmem:s3+$0xFFFFFF70]  }
0x81: {  	v30 =	vld [tilespmem:s3+$0xFFFFFF80]  }
0x82: {  	v31 =	vld [tilespmem:s3+$0xFFFFFF90]  }
0x83: {  	v32 =	vld [tilespmem:s3+$0xFFFFFFA0]  }
0x84: {  	v33 =	vld [tilespmem:s3+$0xFFFFFFB0]  }
0x85: {  	v34 =	vld [tilespmem:s3+$0xFFFFFFC0]  }
0x86: {  	v35 =	vld [tilespmem:s3+$0xFFFFFFD0]  }
0x87: {  	v36 =	vld [tilespmem:s3+$0xFFFFFFE0]  }
0x88: {  	v37 =	vld [tilespmem:s3+$0xFFFFFFF0]  }
0x89: {  	v38 =	vld [tilespmem:s3+$0x0]  }
0x8a: {  	v39 =	vld [tilespmem:s3+$0x10]  }
0x8b: {  	v40 =	vld [tilespmem:s3+$0x20]  }
0x8c: {  	v41 =	vld [tilespmem:s3+$0x30]  }
0x8d: {  	v42 =	vld [tilespmem:s3+$0x40]  }
0x8e: {  	v43 =	vld [tilespmem:s3+$0x50]  }
0x8f: {  	v44 =	vld [tilespmem:s3+$0x60]  }
0x90: {  	v45 =	vld [tilespmem:s3+$0x70]  }
0x91: {  	v46 =	vld [tilespmem:s3+$0x80]  }
0x92: {  	v47 =	vld [tilespmem:s3+$0x90]  }
0x93: {  	v48 =	vld [tilespmem:s3+$0xA0]  }
0x94: {  	v49 =	vld [tilespmem:s3+$0xB0]  }
0x95: {  	[tilespmem:v2+s4+$0x0] =	vst.idx.add.f32.msk $0xffff, v5  }
0x96: {  	[tilespmem:v25+s4+$0x0] =	vst.idx.add.f32.msk $0xffff, v26  }
0x97: {  	[tilespmem:v3+s4+$0x0] =	vst.idx.add.f32.msk $0xffff, v27  }
0x98: {  	[tilespmem:v4+s4+$0x0] =	vst.idx.add.f32.msk $0xffff, v28  }
0x99: {  	[tilespmem:v6+s4+$0x0] =	vst.idx.add.f32.msk $0xffff, v29  }
0x9a: {  	[tilespmem:v7+s4+$0x0] =	vst.idx.add.f32.msk $0xffff, v30  }
0x9b: {  	[tilespmem:v8+s4+$0x0] =	vst.idx.add.f32.msk $0xffff, v31  }
0x9c: {  	[tilespmem:v9+s4+$0x0] =	vst.idx.add.f32.msk $0xffff, v32  }
0x9d: {  	[tilespmem:v10+s4+$0x0] =	vst.idx.add.f32.msk $0xffff, v33  }
0x9e: {  	[tilespmem:v11+s4+$0x0] =	vst.idx.add.f32.msk $0xffff, v34  }
0x9f: {  	[tilespmem:v12+s4+$0x0] =	vst.idx.add.f32.msk $0xffff, v35  }
0xa0: {  	[tilespmem:v13+s4+$0x0] =	vst.idx.add.f32.msk $0xffff, v36  }
0xa1: {  	[tilespmem:v63+s4+$0x0] =	vst.idx.add.f32.msk $0xffff, v38  }
0xa2: {  	[tilespmem:v14+s4+$0x0] =	vst.idx.add.f32.msk $0xffff, v39  }
0xa3: {  	[tilespmem:v15+s4+$0x0] =	vst.idx.add.f32.msk $0xffff, v40  }
0xa4: {  	[tilespmem:v16+s4+$0x0] =	vst.idx.add.f32.msk $0xffff, v41  }
0xa5: {  	[tilespmem:v17+s4+$0x0] =	vst.idx.add.f32.msk $0xffff, v42  }
0xa6: {  	[tilespmem:v18+s4+$0x0] =	vst.idx.add.f32.msk $0xffff, v43  }
0xa7: {  	[tilespmem:v19+s4+$0x0] =	vst.idx.add.f32.msk $0xffff, v44  }
0xa8: {  	[tilespmem:v20+s4+$0x0] =	vst.idx.add.f32.msk $0xffff, v45  }
0xa9: {  	[tilespmem:v21+s4+$0x0] =	vst.idx.add.f32.msk $0xffff, v46  }
0xaa: {  	[tilespmem:v22+s4+$0x0] =	vst.idx.add.f32.msk $0xffff, v47  }
0xab: {  	[tilespmem:v23+s4+$0x0] =	vst.idx.add.f32.msk $0xffff, v48  }
0xac: {  	s6 =	simm.s32 $0x1A000;
	[tilespmem:v24+s4+$0x0] =	vst.idx.add.f32.msk $0xffff, v49  }
0xad: {  	v5 =	vld [tilespmem:s6+$0xC0]  }
0xae: {  	v26 =	vld [tilespmem:s6+$0xFFFFFF40]  }
0xaf: {  	v27 =	vld [tilespmem:s6+$0xFFFFFF50]  }
0xb0: {  	v28 =	vld [tilespmem:s6+$0xFFFFFF60]  }
0xb1: {  	v29 =	vld [tilespmem:s6+$0xFFFFFF70]  }
0xb2: {  	v30 =	vld [tilespmem:s6+$0xFFFFFF80]  }
0xb3: {  	v31 =	vld [tilespmem:s6+$0xFFFFFF90]  }
0xb4: {  	v32 =	vld [tilespmem:s6+$0xFFFFFFA0]  }
0xb5: {  	v33 =	vld [tilespmem:s6+$0xFFFFFFB0]  }
0xb6: {  	v34 =	vld [tilespmem:s6+$0xFFFFFFC0]  }
0xb7: {  	v35 =	vld [tilespmem:s6+$0xFFFFFFD0]  }
0xb8: {  	v36 =	vld [tilespmem:s6+$0xFFFFFFE0]  }
0xb9: {  	v38 =	vld [tilespmem:s6+$0x0]  }
0xba: {  	v39 =	vld [tilespmem:s6+$0x10]  }
0xbb: {  	v40 =	vld [tilespmem:s6+$0x20]  }
0xbc: {  	v41 =	vld [tilespmem:s6+$0x30]  }
0xbd: {  	v42 =	vld [tilespmem:s6+$0x40]  }
0xbe: {  	v43 =	vld [tilespmem:s6+$0x50]  }
0xbf: {  	v44 =	vld [tilespmem:s6+$0x60]  }
0xc0: {  	v45 =	vld [tilespmem:s6+$0x70]  }
0xc1: {  	v46 =	vld [tilespmem:s6+$0x80]  }
0xc2: {  	v47 =	vld [tilespmem:s6+$0x90]  }
0xc3: {  	v48 =	vld [tilespmem:s6+$0xA0]  }
0xc4: {  	v49 =	vld [tilespmem:s6+$0xB0]  }
0xc5: {  	[tilespmem:v2+s31+$0x0] =	vst.idx.add.f32.msk $0xffff, v5  }
0xc6: {  	[tilespmem:v25+s31+$0x0] =	vst.idx.add.f32.msk $0xffff, v26  }
0xc7: {  	[tilespmem:v3+s31+$0x0] =	vst.idx.add.f32.msk $0xffff, v27  }
0xc8: {  	[tilespmem:v4+s31+$0x0] =	vst.idx.add.f32.msk $0xffff, v28  }
0xc9: {  	[tilespmem:v6+s31+$0x0] =	vst.idx.add.f32.msk $0xffff, v29  }
0xca: {  	[tilespmem:v7+s31+$0x0] =	vst.idx.add.f32.msk $0xffff, v30  }
0xcb: {  	[tilespmem:v8+s31+$0x0] =	vst.idx.add.f32.msk $0xffff, v31  }
0xcc: {  	[tilespmem:v9+s31+$0x0] =	vst.idx.add.f32.msk $0xffff, v32  }
0xcd: {  	[tilespmem:v10+s31+$0x0] =	vst.idx.add.f32.msk $0xffff, v33  }
0xce: {  	[tilespmem:v11+s31+$0x0] =	vst.idx.add.f32.msk $0xffff, v34  }
0xcf: {  	[tilespmem:v12+s31+$0x0] =	vst.idx.add.f32.msk $0xffff, v35  }
0xd0: {  	[tilespmem:v13+s31+$0x0] =	vst.idx.add.f32.msk $0xffff, v36  }
0xd1: {  	[tilespmem:v63+s31+$0x0] =	vst.idx.add.f32.msk $0xffff, v38  }
0xd2: {  	[tilespmem:v14+s31+$0x0] =	vst.idx.add.f32.msk $0xffff, v39  }
0xd3: {  	[tilespmem:v15+s31+$0x0] =	vst.idx.add.f32.msk $0xffff, v40  }
0xd4: {  	[tilespmem:v16+s31+$0x0] =	vst.idx.add.f32.msk $0xffff, v41  }
0xd5: {  	[tilespmem:v17+s31+$0x0] =	vst.idx.add.f32.msk $0xffff, v42  }
0xd6: {  	[tilespmem:v18+s31+$0x0] =	vst.idx.add.f32.msk $0xffff, v43  }
0xd7: {  	[tilespmem:v19+s31+$0x0] =	vst.idx.add.f32.msk $0xffff, v44  }
0xd8: {  	[tilespmem:v20+s31+$0x0] =	vst.idx.add.f32.msk $0xffff, v45  }
0xd9: {  	[tilespmem:v21+s31+$0x0] =	vst.idx.add.f32.msk $0xffff, v46  }
0xda: {  	[tilespmem:v22+s31+$0x0] =	vst.idx.add.f32.msk $0xffff, v47  }
0xdb: {  	[tilespmem:v23+s31+$0x0] =	vst.idx.add.f32.msk $0xffff, v48  }
0xdc: {  	[tilespmem:v24+s31+$0x0] =	vst.idx.add.f32.msk $0xffff, v49  }
0xdd: {  	[tilespmem:v2+s0+$0x0] =	vst.idx.add.f32.msk $0xffff, v1  }
0xde: {  	v2 =	vld [tilespmem:s7+$0xFFFFFFF0]  }
0xdf: {  	[tilespmem:v25+s0+$0x0] =	vst.idx.add.f32.msk $0xffff, v1  }
0xe0: {  	[tilespmem:v3+s0+$0x0] =	vst.idx.add.f32.msk $0xffff, v1  }
0xe1: {  	[tilespmem:v4+s0+$0x0] =	vst.idx.add.f32.msk $0xffff, v1  }
0xe2: {  	[tilespmem:v6+s0+$0x0] =	vst.idx.add.f32.msk $0xffff, v1  }
0xe3: {  	[tilespmem:v7+s0+$0x0] =	vst.idx.add.f32.msk $0xffff, v1  }
0xe4: {  	[tilespmem:v8+s0+$0x0] =	vst.idx.add.f32.msk $0xffff, v1  }
0xe5: {  	[tilespmem:v9+s0+$0x0] =	vst.idx.add.f32.msk $0xffff, v1  }
0xe6: {  	[tilespmem:v10+s0+$0x0] =	vst.idx.add.f32.msk $0xffff, v1  }
0xe7: {  	[tilespmem:v11+s0+$0x0] =	vst.idx.add.f32.msk $0xffff, v1  }
0xe8: {  	[tilespmem:v12+s0+$0x0] =	vst.idx.add.f32.msk $0xffff, v1  }
0xe9: {  	[tilespmem:v13+s0+$0x0] =	vst.idx.add.f32.msk $0xffff, v1  }
0xea: {  	[tilespmem:v63+s0+$0x0] =	vst.idx.add.f32.msk $0xffff, v1  }
0xeb: {  	[tilespmem:v14+s0+$0x0] =	vst.idx.add.f32.msk $0xffff, v1  }
0xec: {  	[tilespmem:v15+s0+$0x0] =	vst.idx.add.f32.msk $0xffff, v1  }
0xed: {  	[tilespmem:v16+s0+$0x0] =	vst.idx.add.f32.msk $0xffff, v1  }
0xee: {  	[tilespmem:v17+s0+$0x0] =	vst.idx.add.f32.msk $0xffff, v1  }
0xef: {  	[tilespmem:v18+s0+$0x0] =	vst.idx.add.f32.msk $0xffff, v1  }
0xf0: {  	[tilespmem:v19+s0+$0x0] =	vst.idx.add.f32.msk $0xffff, v1  }
0xf1: {  	[tilespmem:v20+s0+$0x0] =	vst.idx.add.f32.msk $0xffff, v1  }
0xf2: {  	[tilespmem:v2+s4+$0x0] =	vst.idx.add.f32.msk $0xffff, v37  }
0xf3: {  	v37 =	vld [tilespmem:s6+$0xFFFFFFF0]  }
0xf4: {  	[tilespmem:v21+s0+$0x0] =	vst.idx.add.f32.msk $0xffff, v1  }
0xf5: {  	[tilespmem:v22+s0+$0x0] =	vst.idx.add.f32.msk $0xffff, v1  }
0xf6: {  	[tilespmem:v23+s0+$0x0] =	vst.idx.add.f32.msk $0xffff, v1  }
0xf7: {  	[tilespmem:v24+s0+$0x0] =	vst.idx.add.f32.msk $0xffff, v1  }
0xf8: {  	[tilespmem:v2+s31+$0x0] =	vst.idx.add.f32.msk $0xffff, v37  }
0xf9: {  	s11 =	simm.s32 $0x18250;
	s7 =	simm.s32 $0x0;
	[tilespmem:v2+s0+$0x0] =	vst.idx.add.f32.msk $0xffff, v1  }
.LBB2_9:
0xfa: {  	v2 =	vld [tilespmem:s11+$0xC0]  }
0xfb: {  	s7 =	sadd.s32 $0x190, s7;
	v23 =	vld [tilespmem:s11+$0xFFFFFF50]  }
0xfc: {  	s3 =	sadd.s32 $0x190, s3;
	p0 =	slt.u32 s7, $0x640;
	v21 =	vld [tilespmem:s11+$0xFFFFFF60]  }
0xfd: {  	v3 =	vld [tilespmem:s3+$0xC0]  }
0xfe: {  	v24 =	vld [tilespmem:s11+$0xFFFFFF70]  }
0xff: {  	v22 =	vld [tilespmem:s11+$0xFFFFFF80]  }
0x100: {  	v19 =	vld [tilespmem:s11+$0xFFFFFF90]  }
0x101: {  	v17 =	vld [tilespmem:s11+$0xFFFFFFA0]  }
0x102: {  	s6 =	sadd.s32 $0x190, s6;
	[tilespmem:v2+s4+$0x0] =	vst.idx.add.f32.msk $0xffff, v3  }
0x103: {  	v3 =	vld [tilespmem:s6+$0xC0]  }
0x104: {  	v20 =	vld [tilespmem:s11+$0xFFFFFFB0]  }
0x105: {  	v18 =	vld [tilespmem:s11+$0xFFFFFFC0]  }
0x106: {  	v15 =	vld [tilespmem:s11+$0xFFFFFFD0]  }
0x107: {  	v13 =	vld [tilespmem:s11+$0xFFFFFFE0]  }
0x108: {  	[tilespmem:v2+s31+$0x0] =	vst.idx.add.f32.msk $0xffff, v3  }
0x109: {  	[tilespmem:v2+s0+$0x0] =	vst.idx.add.f32.msk $0xffff, v1  }
0x10a: {  	v16 =	vld [tilespmem:s11+$0xFFFFFFF0]  }
0x10b: {  	v14 =	vld [tilespmem:s11+$0x0]  }
0x10c: {  	v12 =	vld [tilespmem:s11+$0x10]  }
0x10d: {  	v11 =	vld [tilespmem:s11+$0x20]  }
0x10e: {  	v10 =	vld [tilespmem:s11+$0x30]  }
0x10f: {  	v9 =	vld [tilespmem:s11+$0x40]  }
0x110: {  	v8 =	vld [tilespmem:s11+$0x50]  }
0x111: {  	v7 =	vld [tilespmem:s11+$0x60]  }
0x112: {  	v6 =	vld [tilespmem:s11+$0x70]  }
0x113: {  	v5 =	vld [tilespmem:s11+$0x80]  }
0x114: {  	v4 =	vld [tilespmem:s11+$0x90]  }
0x115: {  	v3 =	vld [tilespmem:s11+$0xA0]  }
0x116: {  	v2 =	vld [tilespmem:s11+$0xB0]  }
0x117: {  	v25 =	vld [tilespmem:s11+$0xFFFFFF40]  }
0x118: {  	v26 =	vld [tilespmem:s3+$0xFFFFFF40]  }
0x119: {  	v27 =	vld [tilespmem:s3+$0xFFFFFF50]  }
0x11a: {  	v28 =	vld [tilespmem:s3+$0xFFFFFF60]  }
0x11b: {  	v29 =	vld [tilespmem:s3+$0xFFFFFF70]  }
0x11c: {  	v30 =	vld [tilespmem:s3+$0xFFFFFF80]  }
0x11d: {  	v31 =	vld [tilespmem:s3+$0xFFFFFF90]  }
0x11e: {  	v32 =	vld [tilespmem:s3+$0xFFFFFFA0]  }
0x11f: {  	v33 =	vld [tilespmem:s3+$0xFFFFFFB0]  }
0x120: {  	v34 =	vld [tilespmem:s3+$0xFFFFFFC0]  }
0x121: {  	v35 =	vld [tilespmem:s3+$0xFFFFFFD0]  }
0x122: {  	v36 =	vld [tilespmem:s3+$0xFFFFFFE0]  }
0x123: {  	v37 =	vld [tilespmem:s3+$0xFFFFFFF0]  }
0x124: {  	v38 =	vld [tilespmem:s3+$0x0]  }
0x125: {  	v39 =	vld [tilespmem:s3+$0x10]  }
0x126: {  	v40 =	vld [tilespmem:s3+$0x20]  }
0x127: {  	v41 =	vld [tilespmem:s3+$0x30]  }
0x128: {  	v42 =	vld [tilespmem:s3+$0x40]  }
0x129: {  	v43 =	vld [tilespmem:s3+$0x50]  }
0x12a: {  	v44 =	vld [tilespmem:s3+$0x60]  }
0x12b: {  	v45 =	vld [tilespmem:s3+$0x70]  }
0x12c: {  	v46 =	vld [tilespmem:s3+$0x80]  }
0x12d: {  	v47 =	vld [tilespmem:s3+$0x90]  }
0x12e: {  	v48 =	vld [tilespmem:s3+$0xA0]  }
0x12f: {  	v49 =	vld [tilespmem:s3+$0xB0]  }
0x130: {  	[tilespmem:v25+s4+$0x0] =	vst.idx.add.f32.msk $0xffff, v26  }
0x131: {  	[tilespmem:v23+s4+$0x0] =	vst.idx.add.f32.msk $0xffff, v27  }
0x132: {  	[tilespmem:v21+s4+$0x0] =	vst.idx.add.f32.msk $0xffff, v28  }
0x133: {  	[tilespmem:v24+s4+$0x0] =	vst.idx.add.f32.msk $0xffff, v29  }
0x134: {  	[tilespmem:v22+s4+$0x0] =	vst.idx.add.f32.msk $0xffff, v30  }
0x135: {  	[tilespmem:v19+s4+$0x0] =	vst.idx.add.f32.msk $0xffff, v31  }
0x136: {  	[tilespmem:v17+s4+$0x0] =	vst.idx.add.f32.msk $0xffff, v32  }
0x137: {  	[tilespmem:v20+s4+$0x0] =	vst.idx.add.f32.msk $0xffff, v33  }
0x138: {  	[tilespmem:v18+s4+$0x0] =	vst.idx.add.f32.msk $0xffff, v34  }
0x139: {  	[tilespmem:v15+s4+$0x0] =	vst.idx.add.f32.msk $0xffff, v35  }
0x13a: {  	[tilespmem:v13+s4+$0x0] =	vst.idx.add.f32.msk $0xffff, v36  }
0x13b: {  	[tilespmem:v16+s4+$0x0] =	vst.idx.add.f32.msk $0xffff, v37  }
0x13c: {  	[tilespmem:v14+s4+$0x0] =	vst.idx.add.f32.msk $0xffff, v38  }
0x13d: {  	[tilespmem:v12+s4+$0x0] =	vst.idx.add.f32.msk $0xffff, v39  }
0x13e: {  	[tilespmem:v11+s4+$0x0] =	vst.idx.add.f32.msk $0xffff, v40  }
0x13f: {  	[tilespmem:v10+s4+$0x0] =	vst.idx.add.f32.msk $0xffff, v41  }
0x140: {  	[tilespmem:v9+s4+$0x0] =	vst.idx.add.f32.msk $0xffff, v42  }
0x141: {  	[tilespmem:v8+s4+$0x0] =	vst.idx.add.f32.msk $0xffff, v43  }
0x142: {  	[tilespmem:v7+s4+$0x0] =	vst.idx.add.f32.msk $0xffff, v44  }
0x143: {  	[tilespmem:v6+s4+$0x0] =	vst.idx.add.f32.msk $0xffff, v45  }
0x144: {  	[tilespmem:v5+s4+$0x0] =	vst.idx.add.f32.msk $0xffff, v46  }
0x145: {  	[tilespmem:v4+s4+$0x0] =	vst.idx.add.f32.msk $0xffff, v47  }
0x146: {  	[tilespmem:v3+s4+$0x0] =	vst.idx.add.f32.msk $0xffff, v48  }
0x147: {  	[tilespmem:v2+s4+$0x0] =	vst.idx.add.f32.msk $0xffff, v49  }
0x148: {  	v26 =	vld [tilespmem:s6+$0xFFFFFF40]  }
0x149: {  	v27 =	vld [tilespmem:s6+$0xFFFFFF50]  }
0x14a: {  	v28 =	vld [tilespmem:s6+$0xFFFFFF60]  }
0x14b: {  	v29 =	vld [tilespmem:s6+$0xFFFFFF70]  }
0x14c: {  	v30 =	vld [tilespmem:s6+$0xFFFFFF80]  }
0x14d: {  	v31 =	vld [tilespmem:s6+$0xFFFFFF90]  }
0x14e: {  	v32 =	vld [tilespmem:s6+$0xFFFFFFA0]  }
0x14f: {  	v33 =	vld [tilespmem:s6+$0xFFFFFFB0]  }
0x150: {  	v34 =	vld [tilespmem:s6+$0xFFFFFFC0]  }
0x151: {  	v35 =	vld [tilespmem:s6+$0xFFFFFFD0]  }
0x152: {  	v36 =	vld [tilespmem:s6+$0xFFFFFFE0]  }
0x153: {  	v37 =	vld [tilespmem:s6+$0xFFFFFFF0]  }
0x154: {  	v38 =	vld [tilespmem:s6+$0x0]  }
0x155: {  	v39 =	vld [tilespmem:s6+$0x10]  }
0x156: {  	v40 =	vld [tilespmem:s6+$0x20]  }
0x157: {  	v41 =	vld [tilespmem:s6+$0x30]  }
0x158: {  	v42 =	vld [tilespmem:s6+$0x40]  }
0x159: {  	v43 =	vld [tilespmem:s6+$0x50]  }
0x15a: {  	v44 =	vld [tilespmem:s6+$0x60]  }
0x15b: {  	v45 =	vld [tilespmem:s6+$0x70]  }
0x15c: {  	v46 =	vld [tilespmem:s6+$0x80]  }
0x15d: {  	v47 =	vld [tilespmem:s6+$0x90]  }
0x15e: {  	v48 =	vld [tilespmem:s6+$0xA0]  }
0x15f: {  	v49 =	vld [tilespmem:s6+$0xB0]  }
0x160: {  	[tilespmem:v25+s31+$0x0] =	vst.idx.add.f32.msk $0xffff, v26  }
0x161: {  	[tilespmem:v25+s0+$0x0] =	vst.idx.add.f32.msk $0xffff, v1  }
0x162: {  	[tilespmem:v23+s31+$0x0] =	vst.idx.add.f32.msk $0xffff, v27  }
0x163: {  	[tilespmem:v23+s0+$0x0] =	vst.idx.add.f32.msk $0xffff, v1  }
0x164: {  	[tilespmem:v21+s31+$0x0] =	vst.idx.add.f32.msk $0xffff, v28  }
0x165: {  	[tilespmem:v21+s0+$0x0] =	vst.idx.add.f32.msk $0xffff, v1  }
0x166: {  	[tilespmem:v24+s31+$0x0] =	vst.idx.add.f32.msk $0xffff, v29  }
0x167: {  	[tilespmem:v24+s0+$0x0] =	vst.idx.add.f32.msk $0xffff, v1  }
0x168: {  	[tilespmem:v22+s31+$0x0] =	vst.idx.add.f32.msk $0xffff, v30  }
0x169: {  	[tilespmem:v22+s0+$0x0] =	vst.idx.add.f32.msk $0xffff, v1  }
0x16a: {  	[tilespmem:v19+s31+$0x0] =	vst.idx.add.f32.msk $0xffff, v31  }
0x16b: {  	[tilespmem:v19+s0+$0x0] =	vst.idx.add.f32.msk $0xffff, v1  }
0x16c: {  	[tilespmem:v17+s31+$0x0] =	vst.idx.add.f32.msk $0xffff, v32  }
0x16d: {  	[tilespmem:v17+s0+$0x0] =	vst.idx.add.f32.msk $0xffff, v1  }
0x16e: {  	[tilespmem:v20+s31+$0x0] =	vst.idx.add.f32.msk $0xffff, v33  }
0x16f: {  	[tilespmem:v20+s0+$0x0] =	vst.idx.add.f32.msk $0xffff, v1  }
0x170: {  	[tilespmem:v18+s31+$0x0] =	vst.idx.add.f32.msk $0xffff, v34  }
0x171: {  	[tilespmem:v18+s0+$0x0] =	vst.idx.add.f32.msk $0xffff, v1  }
0x172: {  	[tilespmem:v15+s31+$0x0] =	vst.idx.add.f32.msk $0xffff, v35  }
0x173: {  	[tilespmem:v15+s0+$0x0] =	vst.idx.add.f32.msk $0xffff, v1  }
0x174: {  	[tilespmem:v13+s31+$0x0] =	vst.idx.add.f32.msk $0xffff, v36  }
0x175: {  	[tilespmem:v13+s0+$0x0] =	vst.idx.add.f32.msk $0xffff, v1  }
0x176: {  	[tilespmem:v16+s31+$0x0] =	vst.idx.add.f32.msk $0xffff, v37  }
0x177: {  	[tilespmem:v16+s0+$0x0] =	vst.idx.add.f32.msk $0xffff, v1  }
0x178: {  	[tilespmem:v14+s31+$0x0] =	vst.idx.add.f32.msk $0xffff, v38  }
0x179: {  	[tilespmem:v14+s0+$0x0] =	vst.idx.add.f32.msk $0xffff, v1  }
0x17a: {  	[tilespmem:v12+s31+$0x0] =	vst.idx.add.f32.msk $0xffff, v39  }
0x17b: {  	[tilespmem:v12+s0+$0x0] =	vst.idx.add.f32.msk $0xffff, v1  }
0x17c: {  	[tilespmem:v11+s31+$0x0] =	vst.idx.add.f32.msk $0xffff, v40  }
0x17d: {  	[tilespmem:v11+s0+$0x0] =	vst.idx.add.f32.msk $0xffff, v1  }
0x17e: {  	[tilespmem:v10+s31+$0x0] =	vst.idx.add.f32.msk $0xffff, v41  }
0x17f: {  	[tilespmem:v10+s0+$0x0] =	vst.idx.add.f32.msk $0xffff, v1  }
0x180: {  	[tilespmem:v9+s31+$0x0] =	vst.idx.add.f32.msk $0xffff, v42  }
0x181: {  	[tilespmem:v9+s0+$0x0] =	vst.idx.add.f32.msk $0xffff, v1  }
0x182: {  	[tilespmem:v8+s31+$0x0] =	vst.idx.add.f32.msk $0xffff, v43  }
0x183: {  	[tilespmem:v8+s0+$0x0] =	vst.idx.add.f32.msk $0xffff, v1  }
0x184: {  	[tilespmem:v7+s31+$0x0] =	vst.idx.add.f32.msk $0xffff, v44  }
0x185: {  	[tilespmem:v7+s0+$0x0] =	vst.idx.add.f32.msk $0xffff, v1  }
0x186: {  	[tilespmem:v6+s31+$0x0] =	vst.idx.add.f32.msk $0xffff, v45  }
0x187: {  	[tilespmem:v6+s0+$0x0] =	vst.idx.add.f32.msk $0xffff, v1  }
0x188: {  	[tilespmem:v5+s31+$0x0] =	vst.idx.add.f32.msk $0xffff, v46  }
0x189: {  	[tilespmem:v5+s0+$0x0] =	vst.idx.add.f32.msk $0xffff, v1  }
0x18a: {  	[tilespmem:v4+s31+$0x0] =	vst.idx.add.f32.msk $0xffff, v47  }
.Ltmp3:
0x18b: {  	[tilespmem:v4+s0+$0x0] =	vst.idx.add.f32.msk $0xffff, v1;
	(pc) =	sbr.rel @p0 .LBB2_9-.Ltmp3, $4  }
0x18c: {  	[tilespmem:v3+s31+$0x0] =	vst.idx.add.f32.msk $0xffff, v48  }
0x18d: {  	[tilespmem:v3+s0+$0x0] =	vst.idx.add.f32.msk $0xffff, v1  }
0x18e: {  	[tilespmem:v2+s31+$0x0] =	vst.idx.add.f32.msk $0xffff, v49  }
0x18f: {  	s11 =	sadd.s32 $0x190, s11;
	[tilespmem:v2+s0+$0x0] =	vst.idx.add.f32.msk $0xffff, v1  }
0x190: {  	s3 =	smul.u32 $0xFA0, s12;
	_ =	sdelay $0x1  }
0x191: {  	s6 =	sadd.s32 $0xFA0, s3  }
0x192: {  	s7 =	sadd.s32 s5, s6  }
0x193: {  	s7 =	sshrl.u32 s7, $0x3  }
0x194: {  	s19 =	sadd.s32 s14, s6;
	s7 =	sadd.s32 s2, s7  }
0x195: {  	[tilespmem:s21], [sflag:$0x1] =	stream.linear.gather [hbm4b:s7+s4], $0x7D0, $0x38;
	[tilespmem:$0x1AEE0] =	vst v63  }
0x196: {  	s6 =	sadd.s32 s15, s6;
	s7 =	sshrl.u32 s19, $0x3  }
0x197: {  	s6 =	sshrl.u32 s6, $0x3;
	s7 =	sadd.s32 s8, s7  }
0x198: {  	[tilespmem:s22], [sflag:$0x3] =	stream.linear.gather [hbm4b:s7+s4], $0x7D0, $0x38;
	[tilespmem:$0x1AEE0] =	vst v63  }
0x199: {  	s6 =	sadd.s32 s8, s6  }
0x19a: {  	[tilespmem:s23], [sflag:$0x5] =	stream.linear.gather [hbm4b:s6+s4], $0x7D0, $0x38;
	[tilespmem:$0x1AEE0] =	vst v63  }
0x19b: {  	_ =	swait.ge [sflag:s1], $0x7D0  }
0x19c: {  	[sflag:s1] =	ssyncset.done $0x0  }
0x19d: {  	[sflag:s1] =	ssyncadd.s32 $0xFFFFF830  }
0x19e: {  	_ =	swait.ge [sflag:s16], $0x7D0  }
0x19f: {  	[sflag:s16] =	ssyncset.done $0x0  }
0x1a0: {  	[sflag:s16] =	ssyncadd.s32 $0xFFFFF830  }
0x1a1: {  	_ =	swait.ge [sflag:s17], $0x7D0  }
0x1a2: {  	[sflag:s17] =	ssyncset.done $0x0  }
0x1a3: {  	s20 =	simm.s32 $0x18890;
	[sflag:s17] =	ssyncadd.s32 $0xFFFFF830  }
0x1a4: {  	v2 =	vld [tilespmem:s20+$0xC0]  }
0x1a5: {  	v3 =	vld [tilespmem:s20+$0xFFFFFF50]  }
0x1a6: {  	s6 =	simm.s32 $0x19830;
	v4 =	vld [tilespmem:s20+$0xFFFFFF60]  }
0x1a7: {  	v5 =	vld [tilespmem:s6+$0xC0]  }
0x1a8: {  	v6 =	vld [tilespmem:s20+$0xFFFFFF70]  }
0x1a9: {  	v7 =	vld [tilespmem:s20+$0xFFFFFF80]  }
0x1aa: {  	v8 =	vld [tilespmem:s20+$0xFFFFFF90]  }
0x1ab: {  	v9 =	vld [tilespmem:s20+$0xFFFFFFA0]  }
0x1ac: {  	v10 =	vld [tilespmem:s20+$0xFFFFFFB0]  }
0x1ad: {  	v11 =	vld [tilespmem:s20+$0xFFFFFFC0]  }
0x1ae: {  	v12 =	vld [tilespmem:s20+$0xFFFFFFD0]  }
0x1af: {  	v13 =	vld [tilespmem:s20+$0xFFFFFFE0]  }
0x1b0: {  	v63 =	vld [tilespmem:s20+$0x0]  }
0x1b1: {  	v14 =	vld [tilespmem:s20+$0x10]  }
0x1b2: {  	v15 =	vld [tilespmem:s20+$0x20]  }
0x1b3: {  	v16 =	vld [tilespmem:s20+$0x30]  }
0x1b4: {  	v17 =	vld [tilespmem:s20+$0x40]  }
0x1b5: {  	v18 =	vld [tilespmem:s20+$0x50]  }
0x1b6: {  	v19 =	vld [tilespmem:s20+$0x60]  }
0x1b7: {  	v20 =	vld [tilespmem:s20+$0x70]  }
0x1b8: {  	v21 =	vld [tilespmem:s20+$0x80]  }
0x1b9: {  	v22 =	vld [tilespmem:s20+$0x90]  }
0x1ba: {  	v23 =	vld [tilespmem:s20+$0xA0]  }
0x1bb: {  	v24 =	vld [tilespmem:s20+$0xB0]  }
0x1bc: {  	v25 =	vld [tilespmem:s20+$0xFFFFFF40]  }
0x1bd: {  	v26 =	vld [tilespmem:s6+$0xFFFFFF40]  }
0x1be: {  	v27 =	vld [tilespmem:s6+$0xFFFFFF50]  }
0x1bf: {  	v28 =	vld [tilespmem:s6+$0xFFFFFF60]  }
0x1c0: {  	v29 =	vld [tilespmem:s6+$0xFFFFFF70]  }
0x1c1: {  	v30 =	vld [tilespmem:s6+$0xFFFFFF80]  }
0x1c2: {  	v31 =	vld [tilespmem:s6+$0xFFFFFF90]  }
0x1c3: {  	v32 =	vld [tilespmem:s6+$0xFFFFFFA0]  }
0x1c4: {  	v33 =	vld [tilespmem:s6+$0xFFFFFFB0]  }
0x1c5: {  	v34 =	vld [tilespmem:s6+$0xFFFFFFC0]  }
0x1c6: {  	v35 =	vld [tilespmem:s6+$0xFFFFFFD0]  }
0x1c7: {  	v36 =	vld [tilespmem:s6+$0xFFFFFFE0]  }
0x1c8: {  	v37 =	vld [tilespmem:s6+$0xFFFFFFF0]  }
0x1c9: {  	v38 =	vld [tilespmem:s6+$0x0]  }
0x1ca: {  	v39 =	vld [tilespmem:s6+$0x10]  }
0x1cb: {  	v40 =	vld [tilespmem:s6+$0x20]  }
0x1cc: {  	v41 =	vld [tilespmem:s6+$0x30]  }
0x1cd: {  	v42 =	vld [tilespmem:s6+$0x40]  }
0x1ce: {  	v43 =	vld [tilespmem:s6+$0x50]  }
0x1cf: {  	v44 =	vld [tilespmem:s6+$0x60]  }
0x1d0: {  	v45 =	vld [tilespmem:s6+$0x70]  }
0x1d1: {  	v46 =	vld [tilespmem:s6+$0x80]  }
0x1d2: {  	v47 =	vld [tilespmem:s6+$0x90]  }
0x1d3: {  	v48 =	vld [tilespmem:s6+$0xA0]  }
0x1d4: {  	v49 =	vld [tilespmem:s6+$0xB0]  }
0x1d5: {  	[tilespmem:v2+s4+$0x0] =	vst.idx.add.f32.msk $0xffff, v5  }
0x1d6: {  	[tilespmem:v25+s4+$0x0] =	vst.idx.add.f32.msk $0xffff, v26  }
0x1d7: {  	[tilespmem:v3+s4+$0x0] =	vst.idx.add.f32.msk $0xffff, v27  }
0x1d8: {  	[tilespmem:v4+s4+$0x0] =	vst.idx.add.f32.msk $0xffff, v28  }
0x1d9: {  	[tilespmem:v6+s4+$0x0] =	vst.idx.add.f32.msk $0xffff, v29  }
0x1da: {  	[tilespmem:v7+s4+$0x0] =	vst.idx.add.f32.msk $0xffff, v30  }
0x1db: {  	[tilespmem:v8+s4+$0x0] =	vst.idx.add.f32.msk $0xffff, v31  }
0x1dc: {  	[tilespmem:v9+s4+$0x0] =	vst.idx.add.f32.msk $0xffff, v32  }
0x1dd: {  	[tilespmem:v10+s4+$0x0] =	vst.idx.add.f32.msk $0xffff, v33  }
0x1de: {  	[tilespmem:v11+s4+$0x0] =	vst.idx.add.f32.msk $0xffff, v34  }
0x1df: {  	[tilespmem:v12+s4+$0x0] =	vst.idx.add.f32.msk $0xffff, v35  }
0x1e0: {  	[tilespmem:v13+s4+$0x0] =	vst.idx.add.f32.msk $0xffff, v36  }
0x1e1: {  	[tilespmem:v63+s4+$0x0] =	vst.idx.add.f32.msk $0xffff, v38  }
0x1e2: {  	[tilespmem:v14+s4+$0x0] =	vst.idx.add.f32.msk $0xffff, v39  }
0x1e3: {  	[tilespmem:v15+s4+$0x0] =	vst.idx.add.f32.msk $0xffff, v40  }
0x1e4: {  	[tilespmem:v16+s4+$0x0] =	vst.idx.add.f32.msk $0xffff, v41  }
0x1e5: {  	[tilespmem:v17+s4+$0x0] =	vst.idx.add.f32.msk $0xffff, v42  }
0x1e6: {  	[tilespmem:v18+s4+$0x0] =	vst.idx.add.f32.msk $0xffff, v43  }
0x1e7: {  	[tilespmem:v19+s4+$0x0] =	vst.idx.add.f32.msk $0xffff, v44  }
0x1e8: {  	[tilespmem:v20+s4+$0x0] =	vst.idx.add.f32.msk $0xffff, v45  }
0x1e9: {  	[tilespmem:v21+s4+$0x0] =	vst.idx.add.f32.msk $0xffff, v46  }
0x1ea: {  	[tilespmem:v22+s4+$0x0] =	vst.idx.add.f32.msk $0xffff, v47  }
0x1eb: {  	[tilespmem:v23+s4+$0x0] =	vst.idx.add.f32.msk $0xffff, v48  }
0x1ec: {  	s11 =	simm.s32 $0x1A7D0;
	[tilespmem:v24+s4+$0x0] =	vst.idx.add.f32.msk $0xffff, v49  }
0x1ed: {  	v5 =	vld [tilespmem:s11+$0xC0]  }
0x1ee: {  	v26 =	vld [tilespmem:s11+$0xFFFFFF40]  }
0x1ef: {  	v27 =	vld [tilespmem:s11+$0xFFFFFF50]  }
0x1f0: {  	v28 =	vld [tilespmem:s11+$0xFFFFFF60]  }
0x1f1: {  	v29 =	vld [tilespmem:s11+$0xFFFFFF70]  }
0x1f2: {  	v30 =	vld [tilespmem:s11+$0xFFFFFF80]  }
0x1f3: {  	v31 =	vld [tilespmem:s11+$0xFFFFFF90]  }
0x1f4: {  	v32 =	vld [tilespmem:s11+$0xFFFFFFA0]  }
0x1f5: {  	v33 =	vld [tilespmem:s11+$0xFFFFFFB0]  }
0x1f6: {  	v34 =	vld [tilespmem:s11+$0xFFFFFFC0]  }
0x1f7: {  	v35 =	vld [tilespmem:s11+$0xFFFFFFD0]  }
0x1f8: {  	v36 =	vld [tilespmem:s11+$0xFFFFFFE0]  }
0x1f9: {  	v38 =	vld [tilespmem:s11+$0x0]  }
0x1fa: {  	v39 =	vld [tilespmem:s11+$0x10]  }
0x1fb: {  	v40 =	vld [tilespmem:s11+$0x20]  }
0x1fc: {  	v41 =	vld [tilespmem:s11+$0x30]  }
0x1fd: {  	v42 =	vld [tilespmem:s11+$0x40]  }
0x1fe: {  	v43 =	vld [tilespmem:s11+$0x50]  }
0x1ff: {  	v44 =	vld [tilespmem:s11+$0x60]  }
0x200: {  	v45 =	vld [tilespmem:s11+$0x70]  }
0x201: {  	v46 =	vld [tilespmem:s11+$0x80]  }
0x202: {  	v47 =	vld [tilespmem:s11+$0x90]  }
0x203: {  	v48 =	vld [tilespmem:s11+$0xA0]  }
0x204: {  	v49 =	vld [tilespmem:s11+$0xB0]  }
0x205: {  	[tilespmem:v2+s31+$0x0] =	vst.idx.add.f32.msk $0xffff, v5  }
0x206: {  	[tilespmem:v25+s31+$0x0] =	vst.idx.add.f32.msk $0xffff, v26  }
0x207: {  	[tilespmem:v3+s31+$0x0] =	vst.idx.add.f32.msk $0xffff, v27  }
0x208: {  	[tilespmem:v4+s31+$0x0] =	vst.idx.add.f32.msk $0xffff, v28  }
0x209: {  	[tilespmem:v6+s31+$0x0] =	vst.idx.add.f32.msk $0xffff, v29  }
0x20a: {  	[tilespmem:v7+s31+$0x0] =	vst.idx.add.f32.msk $0xffff, v30  }
0x20b: {  	[tilespmem:v8+s31+$0x0] =	vst.idx.add.f32.msk $0xffff, v31  }
0x20c: {  	[tilespmem:v9+s31+$0x0] =	vst.idx.add.f32.msk $0xffff, v32  }
0x20d: {  	[tilespmem:v10+s31+$0x0] =	vst.idx.add.f32.msk $0xffff, v33  }
0x20e: {  	[tilespmem:v11+s31+$0x0] =	vst.idx.add.f32.msk $0xffff, v34  }
0x20f: {  	[tilespmem:v12+s31+$0x0] =	vst.idx.add.f32.msk $0xffff, v35  }
0x210: {  	[tilespmem:v13+s31+$0x0] =	vst.idx.add.f32.msk $0xffff, v36  }
0x211: {  	[tilespmem:v63+s31+$0x0] =	vst.idx.add.f32.msk $0xffff, v38  }
0x212: {  	[tilespmem:v14+s31+$0x0] =	vst.idx.add.f32.msk $0xffff, v39  }
0x213: {  	[tilespmem:v15+s31+$0x0] =	vst.idx.add.f32.msk $0xffff, v40  }
0x214: {  	[tilespmem:v16+s31+$0x0] =	vst.idx.add.f32.msk $0xffff, v41  }
0x215: {  	[tilespmem:v17+s31+$0x0] =	vst.idx.add.f32.msk $0xffff, v42  }
0x216: {  	[tilespmem:v18+s31+$0x0] =	vst.idx.add.f32.msk $0xffff, v43  }
0x217: {  	[tilespmem:v19+s31+$0x0] =	vst.idx.add.f32.msk $0xffff, v44  }
0x218: {  	[tilespmem:v20+s31+$0x0] =	vst.idx.add.f32.msk $0xffff, v45  }
0x219: {  	[tilespmem:v21+s31+$0x0] =	vst.idx.add.f32.msk $0xffff, v46  }
0x21a: {  	[tilespmem:v22+s31+$0x0] =	vst.idx.add.f32.msk $0xffff, v47  }
0x21b: {  	[tilespmem:v23+s31+$0x0] =	vst.idx.add.f32.msk $0xffff, v48  }
0x21c: {  	[tilespmem:v24+s31+$0x0] =	vst.idx.add.f32.msk $0xffff, v49  }
0x21d: {  	[tilespmem:v2+s0+$0x0] =	vst.idx.add.f32.msk $0xffff, v1  }
0x21e: {  	v2 =	vld [tilespmem:s20+$0xFFFFFFF0]  }
0x21f: {  	[tilespmem:v25+s0+$0x0] =	vst.idx.add.f32.msk $0xffff, v1  }
0x220: {  	[tilespmem:v3+s0+$0x0] =	vst.idx.add.f32.msk $0xffff, v1  }
0x221: {  	[tilespmem:v4+s0+$0x0] =	vst.idx.add.f32.msk $0xffff, v1  }
0x222: {  	[tilespmem:v6+s0+$0x0] =	vst.idx.add.f32.msk $0xffff, v1  }
0x223: {  	[tilespmem:v7+s0+$0x0] =	vst.idx.add.f32.msk $0xffff, v1  }
0x224: {  	[tilespmem:v8+s0+$0x0] =	vst.idx.add.f32.msk $0xffff, v1  }
0x225: {  	[tilespmem:v9+s0+$0x0] =	vst.idx.add.f32.msk $0xffff, v1  }
0x226: {  	[tilespmem:v10+s0+$0x0] =	vst.idx.add.f32.msk $0xffff, v1  }
0x227: {  	[tilespmem:v11+s0+$0x0] =	vst.idx.add.f32.msk $0xffff, v1  }
0x228: {  	[tilespmem:v12+s0+$0x0] =	vst.idx.add.f32.msk $0xffff, v1  }
0x229: {  	[tilespmem:v13+s0+$0x0] =	vst.idx.add.f32.msk $0xffff, v1  }
0x22a: {  	[tilespmem:v63+s0+$0x0] =	vst.idx.add.f32.msk $0xffff, v1  }
0x22b: {  	[tilespmem:v14+s0+$0x0] =	vst.idx.add.f32.msk $0xffff, v1  }
0x22c: {  	[tilespmem:v15+s0+$0x0] =	vst.idx.add.f32.msk $0xffff, v1  }
0x22d: {  	[tilespmem:v16+s0+$0x0] =	vst.idx.add.f32.msk $0xffff, v1  }
0x22e: {  	[tilespmem:v17+s0+$0x0] =	vst.idx.add.f32.msk $0xffff, v1  }
0x22f: {  	[tilespmem:v18+s0+$0x0] =	vst.idx.add.f32.msk $0xffff, v1  }
0x230: {  	[tilespmem:v19+s0+$0x0] =	vst.idx.add.f32.msk $0xffff, v1  }
0x231: {  	[tilespmem:v20+s0+$0x0] =	vst.idx.add.f32.msk $0xffff, v1  }
0x232: {  	[tilespmem:v2+s4+$0x0] =	vst.idx.add.f32.msk $0xffff, v37  }
0x233: {  	v37 =	vld [tilespmem:s11+$0xFFFFFFF0]  }
0x234: {  	[tilespmem:v21+s0+$0x0] =	vst.idx.add.f32.msk $0xffff, v1  }
0x235: {  	[tilespmem:v22+s0+$0x0] =	vst.idx.add.f32.msk $0xffff, v1  }
0x236: {  	[tilespmem:v23+s0+$0x0] =	vst.idx.add.f32.msk $0xffff, v1  }
0x237: {  	[tilespmem:v24+s0+$0x0] =	vst.idx.add.f32.msk $0xffff, v1  }
0x238: {  	[tilespmem:v2+s31+$0x0] =	vst.idx.add.f32.msk $0xffff, v37  }
0x239: {  	s13 =	simm.s32 $0x18A20;
	s7 =	simm.s32 $0x0;
	[tilespmem:v2+s0+$0x0] =	vst.idx.add.f32.msk $0xffff, v1  }
.LBB2_11:
0x23a: {  	v2 =	vld [tilespmem:s13+$0xC0]  }
0x23b: {  	s7 =	sadd.s32 $0x190, s7;
	v23 =	vld [tilespmem:s13+$0xFFFFFF50]  }
0x23c: {  	s6 =	sadd.s32 $0x190, s6;
	p0 =	slt.u32 s7, $0x640;
	v21 =	vld [tilespmem:s13+$0xFFFFFF60]  }
0x23d: {  	v3 =	vld [tilespmem:s6+$0xC0]  }
0x23e: {  	v24 =	vld [tilespmem:s13+$0xFFFFFF70]  }
0x23f: {  	v22 =	vld [tilespmem:s13+$0xFFFFFF80]  }
0x240: {  	v19 =	vld [tilespmem:s13+$0xFFFFFF90]  }
0x241: {  	v17 =	vld [tilespmem:s13+$0xFFFFFFA0]  }
0x242: {  	s11 =	sadd.s32 $0x190, s11;
	[tilespmem:v2+s4+$0x0] =	vst.idx.add.f32.msk $0xffff, v3  }
0x243: {  	v3 =	vld [tilespmem:s11+$0xC0]  }
0x244: {  	v20 =	vld [tilespmem:s13+$0xFFFFFFB0]  }
0x245: {  	v18 =	vld [tilespmem:s13+$0xFFFFFFC0]  }
0x246: {  	v15 =	vld [tilespmem:s13+$0xFFFFFFD0]  }
0x247: {  	v13 =	vld [tilespmem:s13+$0xFFFFFFE0]  }
0x248: {  	[tilespmem:v2+s31+$0x0] =	vst.idx.add.f32.msk $0xffff, v3  }
0x249: {  	[tilespmem:v2+s0+$0x0] =	vst.idx.add.f32.msk $0xffff, v1  }
0x24a: {  	v16 =	vld [tilespmem:s13+$0xFFFFFFF0]  }
0x24b: {  	v14 =	vld [tilespmem:s13+$0x0]  }
0x24c: {  	v12 =	vld [tilespmem:s13+$0x10]  }
0x24d: {  	v11 =	vld [tilespmem:s13+$0x20]  }
0x24e: {  	v10 =	vld [tilespmem:s13+$0x30]  }
0x24f: {  	v9 =	vld [tilespmem:s13+$0x40]  }
0x250: {  	v8 =	vld [tilespmem:s13+$0x50]  }
0x251: {  	v7 =	vld [tilespmem:s13+$0x60]  }
0x252: {  	v6 =	vld [tilespmem:s13+$0x70]  }
0x253: {  	v5 =	vld [tilespmem:s13+$0x80]  }
0x254: {  	v4 =	vld [tilespmem:s13+$0x90]  }
0x255: {  	v3 =	vld [tilespmem:s13+$0xA0]  }
0x256: {  	v2 =	vld [tilespmem:s13+$0xB0]  }
0x257: {  	v25 =	vld [tilespmem:s13+$0xFFFFFF40]  }
0x258: {  	v26 =	vld [tilespmem:s6+$0xFFFFFF40]  }
0x259: {  	v27 =	vld [tilespmem:s6+$0xFFFFFF50]  }
0x25a: {  	v28 =	vld [tilespmem:s6+$0xFFFFFF60]  }
0x25b: {  	v29 =	vld [tilespmem:s6+$0xFFFFFF70]  }
0x25c: {  	v30 =	vld [tilespmem:s6+$0xFFFFFF80]  }
0x25d: {  	v31 =	vld [tilespmem:s6+$0xFFFFFF90]  }
0x25e: {  	v32 =	vld [tilespmem:s6+$0xFFFFFFA0]  }
0x25f: {  	v33 =	vld [tilespmem:s6+$0xFFFFFFB0]  }
0x260: {  	v34 =	vld [tilespmem:s6+$0xFFFFFFC0]  }
0x261: {  	v35 =	vld [tilespmem:s6+$0xFFFFFFD0]  }
0x262: {  	v36 =	vld [tilespmem:s6+$0xFFFFFFE0]  }
0x263: {  	v37 =	vld [tilespmem:s6+$0xFFFFFFF0]  }
0x264: {  	v38 =	vld [tilespmem:s6+$0x0]  }
0x265: {  	v39 =	vld [tilespmem:s6+$0x10]  }
0x266: {  	v40 =	vld [tilespmem:s6+$0x20]  }
0x267: {  	v41 =	vld [tilespmem:s6+$0x30]  }
0x268: {  	v42 =	vld [tilespmem:s6+$0x40]  }
0x269: {  	v43 =	vld [tilespmem:s6+$0x50]  }
0x26a: {  	v44 =	vld [tilespmem:s6+$0x60]  }
0x26b: {  	v45 =	vld [tilespmem:s6+$0x70]  }
0x26c: {  	v46 =	vld [tilespmem:s6+$0x80]  }
0x26d: {  	v47 =	vld [tilespmem:s6+$0x90]  }
0x26e: {  	v48 =	vld [tilespmem:s6+$0xA0]  }
0x26f: {  	v49 =	vld [tilespmem:s6+$0xB0]  }
0x270: {  	[tilespmem:v25+s4+$0x0] =	vst.idx.add.f32.msk $0xffff, v26  }
0x271: {  	[tilespmem:v23+s4+$0x0] =	vst.idx.add.f32.msk $0xffff, v27  }
0x272: {  	[tilespmem:v21+s4+$0x0] =	vst.idx.add.f32.msk $0xffff, v28  }
0x273: {  	[tilespmem:v24+s4+$0x0] =	vst.idx.add.f32.msk $0xffff, v29  }
0x274: {  	[tilespmem:v22+s4+$0x0] =	vst.idx.add.f32.msk $0xffff, v30  }
0x275: {  	[tilespmem:v19+s4+$0x0] =	vst.idx.add.f32.msk $0xffff, v31  }
0x276: {  	[tilespmem:v17+s4+$0x0] =	vst.idx.add.f32.msk $0xffff, v32  }
0x277: {  	[tilespmem:v20+s4+$0x0] =	vst.idx.add.f32.msk $0xffff, v33  }
0x278: {  	[tilespmem:v18+s4+$0x0] =	vst.idx.add.f32.msk $0xffff, v34  }
0x279: {  	[tilespmem:v15+s4+$0x0] =	vst.idx.add.f32.msk $0xffff, v35  }
0x27a: {  	[tilespmem:v13+s4+$0x0] =	vst.idx.add.f32.msk $0xffff, v36  }
0x27b: {  	[tilespmem:v16+s4+$0x0] =	vst.idx.add.f32.msk $0xffff, v37  }
0x27c: {  	[tilespmem:v14+s4+$0x0] =	vst.idx.add.f32.msk $0xffff, v38  }
0x27d: {  	[tilespmem:v12+s4+$0x0] =	vst.idx.add.f32.msk $0xffff, v39  }
0x27e: {  	[tilespmem:v11+s4+$0x0] =	vst.idx.add.f32.msk $0xffff, v40  }
0x27f: {  	[tilespmem:v10+s4+$0x0] =	vst.idx.add.f32.msk $0xffff, v41  }
0x280: {  	[tilespmem:v9+s4+$0x0] =	vst.idx.add.f32.msk $0xffff, v42  }
0x281: {  	[tilespmem:v8+s4+$0x0] =	vst.idx.add.f32.msk $0xffff, v43  }
0x282: {  	[tilespmem:v7+s4+$0x0] =	vst.idx.add.f32.msk $0xffff, v44  }
0x283: {  	[tilespmem:v6+s4+$0x0] =	vst.idx.add.f32.msk $0xffff, v45  }
0x284: {  	[tilespmem:v5+s4+$0x0] =	vst.idx.add.f32.msk $0xffff, v46  }
0x285: {  	[tilespmem:v4+s4+$0x0] =	vst.idx.add.f32.msk $0xffff, v47  }
0x286: {  	[tilespmem:v3+s4+$0x0] =	vst.idx.add.f32.msk $0xffff, v48  }
0x287: {  	[tilespmem:v2+s4+$0x0] =	vst.idx.add.f32.msk $0xffff, v49  }
0x288: {  	v26 =	vld [tilespmem:s11+$0xFFFFFF40]  }
0x289: {  	v27 =	vld [tilespmem:s11+$0xFFFFFF50]  }
0x28a: {  	v28 =	vld [tilespmem:s11+$0xFFFFFF60]  }
0x28b: {  	v29 =	vld [tilespmem:s11+$0xFFFFFF70]  }
0x28c: {  	v30 =	vld [tilespmem:s11+$0xFFFFFF80]  }
0x28d: {  	v31 =	vld [tilespmem:s11+$0xFFFFFF90]  }
0x28e: {  	v32 =	vld [tilespmem:s11+$0xFFFFFFA0]  }
0x28f: {  	v33 =	vld [tilespmem:s11+$0xFFFFFFB0]  }
0x290: {  	v34 =	vld [tilespmem:s11+$0xFFFFFFC0]  }
0x291: {  	v35 =	vld [tilespmem:s11+$0xFFFFFFD0]  }
0x292: {  	v36 =	vld [tilespmem:s11+$0xFFFFFFE0]  }
0x293: {  	v37 =	vld [tilespmem:s11+$0xFFFFFFF0]  }
0x294: {  	v38 =	vld [tilespmem:s11+$0x0]  }
0x295: {  	v39 =	vld [tilespmem:s11+$0x10]  }
0x296: {  	v40 =	vld [tilespmem:s11+$0x20]  }
0x297: {  	v41 =	vld [tilespmem:s11+$0x30]  }
0x298: {  	v42 =	vld [tilespmem:s11+$0x40]  }
0x299: {  	v43 =	vld [tilespmem:s11+$0x50]  }
0x29a: {  	v44 =	vld [tilespmem:s11+$0x60]  }
0x29b: {  	v45 =	vld [tilespmem:s11+$0x70]  }
0x29c: {  	v46 =	vld [tilespmem:s11+$0x80]  }
0x29d: {  	v47 =	vld [tilespmem:s11+$0x90]  }
0x29e: {  	v48 =	vld [tilespmem:s11+$0xA0]  }
0x29f: {  	v49 =	vld [tilespmem:s11+$0xB0]  }
0x2a0: {  	[tilespmem:v25+s31+$0x0] =	vst.idx.add.f32.msk $0xffff, v26  }
0x2a1: {  	[tilespmem:v25+s0+$0x0] =	vst.idx.add.f32.msk $0xffff, v1  }
0x2a2: {  	[tilespmem:v23+s31+$0x0] =	vst.idx.add.f32.msk $0xffff, v27  }
0x2a3: {  	[tilespmem:v23+s0+$0x0] =	vst.idx.add.f32.msk $0xffff, v1  }
0x2a4: {  	[tilespmem:v21+s31+$0x0] =	vst.idx.add.f32.msk $0xffff, v28  }
0x2a5: {  	[tilespmem:v21+s0+$0x0] =	vst.idx.add.f32.msk $0xffff, v1  }
0x2a6: {  	[tilespmem:v24+s31+$0x0] =	vst.idx.add.f32.msk $0xffff, v29  }
0x2a7: {  	[tilespmem:v24+s0+$0x0] =	vst.idx.add.f32.msk $0xffff, v1  }
0x2a8: {  	[tilespmem:v22+s31+$0x0] =	vst.idx.add.f32.msk $0xffff, v30  }
0x2a9: {  	[tilespmem:v22+s0+$0x0] =	vst.idx.add.f32.msk $0xffff, v1  }
0x2aa: {  	[tilespmem:v19+s31+$0x0] =	vst.idx.add.f32.msk $0xffff, v31  }
0x2ab: {  	[tilespmem:v19+s0+$0x0] =	vst.idx.add.f32.msk $0xffff, v1  }
0x2ac: {  	[tilespmem:v17+s31+$0x0] =	vst.idx.add.f32.msk $0xffff, v32  }
0x2ad: {  	[tilespmem:v17+s0+$0x0] =	vst.idx.add.f32.msk $0xffff, v1  }
0x2ae: {  	[tilespmem:v20+s31+$0x0] =	vst.idx.add.f32.msk $0xffff, v33  }
0x2af: {  	[tilespmem:v20+s0+$0x0] =	vst.idx.add.f32.msk $0xffff, v1  }
0x2b0: {  	[tilespmem:v18+s31+$0x0] =	vst.idx.add.f32.msk $0xffff, v34  }
0x2b1: {  	[tilespmem:v18+s0+$0x0] =	vst.idx.add.f32.msk $0xffff, v1  }
0x2b2: {  	[tilespmem:v15+s31+$0x0] =	vst.idx.add.f32.msk $0xffff, v35  }
0x2b3: {  	[tilespmem:v15+s0+$0x0] =	vst.idx.add.f32.msk $0xffff, v1  }
0x2b4: {  	[tilespmem:v13+s31+$0x0] =	vst.idx.add.f32.msk $0xffff, v36  }
0x2b5: {  	[tilespmem:v13+s0+$0x0] =	vst.idx.add.f32.msk $0xffff, v1  }
0x2b6: {  	[tilespmem:v16+s31+$0x0] =	vst.idx.add.f32.msk $0xffff, v37  }
0x2b7: {  	[tilespmem:v16+s0+$0x0] =	vst.idx.add.f32.msk $0xffff, v1  }
0x2b8: {  	[tilespmem:v14+s31+$0x0] =	vst.idx.add.f32.msk $0xffff, v38  }
0x2b9: {  	[tilespmem:v14+s0+$0x0] =	vst.idx.add.f32.msk $0xffff, v1  }
0x2ba: {  	[tilespmem:v12+s31+$0x0] =	vst.idx.add.f32.msk $0xffff, v39  }
0x2bb: {  	[tilespmem:v12+s0+$0x0] =	vst.idx.add.f32.msk $0xffff, v1  }
0x2bc: {  	[tilespmem:v11+s31+$0x0] =	vst.idx.add.f32.msk $0xffff, v40  }
0x2bd: {  	[tilespmem:v11+s0+$0x0] =	vst.idx.add.f32.msk $0xffff, v1  }
0x2be: {  	[tilespmem:v10+s31+$0x0] =	vst.idx.add.f32.msk $0xffff, v41  }
0x2bf: {  	[tilespmem:v10+s0+$0x0] =	vst.idx.add.f32.msk $0xffff, v1  }
0x2c0: {  	[tilespmem:v9+s31+$0x0] =	vst.idx.add.f32.msk $0xffff, v42  }
0x2c1: {  	[tilespmem:v9+s0+$0x0] =	vst.idx.add.f32.msk $0xffff, v1  }
0x2c2: {  	[tilespmem:v8+s31+$0x0] =	vst.idx.add.f32.msk $0xffff, v43  }
0x2c3: {  	[tilespmem:v8+s0+$0x0] =	vst.idx.add.f32.msk $0xffff, v1  }
0x2c4: {  	[tilespmem:v7+s31+$0x0] =	vst.idx.add.f32.msk $0xffff, v44  }
0x2c5: {  	[tilespmem:v7+s0+$0x0] =	vst.idx.add.f32.msk $0xffff, v1  }
0x2c6: {  	[tilespmem:v6+s31+$0x0] =	vst.idx.add.f32.msk $0xffff, v45  }
0x2c7: {  	[tilespmem:v6+s0+$0x0] =	vst.idx.add.f32.msk $0xffff, v1  }
0x2c8: {  	[tilespmem:v5+s31+$0x0] =	vst.idx.add.f32.msk $0xffff, v46  }
0x2c9: {  	[tilespmem:v5+s0+$0x0] =	vst.idx.add.f32.msk $0xffff, v1  }
0x2ca: {  	[tilespmem:v4+s31+$0x0] =	vst.idx.add.f32.msk $0xffff, v47  }
.Ltmp4:
0x2cb: {  	[tilespmem:v4+s0+$0x0] =	vst.idx.add.f32.msk $0xffff, v1;
	(pc) =	sbr.rel @p0 .LBB2_11-.Ltmp4, $4  }
0x2cc: {  	[tilespmem:v3+s31+$0x0] =	vst.idx.add.f32.msk $0xffff, v48  }
0x2cd: {  	[tilespmem:v3+s0+$0x0] =	vst.idx.add.f32.msk $0xffff, v1  }
0x2ce: {  	[tilespmem:v2+s31+$0x0] =	vst.idx.add.f32.msk $0xffff, v49  }
0x2cf: {  	s13 =	sadd.s32 $0x190, s13;
	[tilespmem:v2+s0+$0x0] =	vst.idx.add.f32.msk $0xffff, v1  }
0x2d0: {  	s3 =	sadd.s32 $0x1770, s3  }
0x2d1: {  	s6 =	sadd.s32 s5, s3  }
0x2d2: {  	s12 =	sadd.s32 $0x1, s12;
	s6 =	sshrl.u32 s6, $0x3  }
0x2d3: {  	s20 =	sadd.s32 s14, s3;
	p0 =	sne.s32 s12, $0x18;
	s6 =	sadd.s32 s2, s6  }
0x2d4: {  	[tilespmem:s24], [sflag:$0x2] =	stream.linear.gather [hbm4b:s6+s4], $0x7D0, $0x38;
	[tilespmem:$0x1AEE0] =	vst v63  }
.Ltmp5:
0x2d5: {  	s3 =	sadd.s32 s15, s3;
	s6 =	sshrl.u32 s20, $0x3;
	(pc) =	sbr.rel @p0 .LBB2_8-.Ltmp5, $4  }
0x2d6: {  	s3 =	sshrl.u32 s3, $0x3;
	s6 =	sadd.s32 s8, s6  }
0x2d7: {  	[tilespmem:s25], [sflag:$0x4] =	stream.linear.gather [hbm4b:s6+s4], $0x7D0, $0x38;
	[tilespmem:$0x1AEE0] =	vst v63  }
0x2d8: {  	s3 =	sadd.s32 s8, s3  }
0x2d9: {  	[tilespmem:s26], [sflag:$0x6] =	stream.linear.gather [hbm4b:s3+s4], $0x7D0, $0x38;
	[tilespmem:$0x1AEE0] =	vst v63  }
0x2da: {  	_ =	swait.ge [sflag:s28], $0x7D0  }
0x2db: {  	[sflag:s28] =	ssyncset.done $0x0  }
0x2dc: {  	[sflag:s28] =	ssyncadd.s32 $0xFFFFF830  }
0x2dd: {  	_ =	swait.ge [sflag:s29], $0x7D0  }
0x2de: {  	[sflag:s29] =	ssyncset.done $0x0  }
0x2df: {  	[sflag:s29] =	ssyncadd.s32 $0xFFFFF830  }
0x2e0: {  	_ =	swait.ge [sflag:s30], $0x7D0  }
0x2e1: {  	[sflag:s30] =	ssyncset.done $0x0  }
0x2e2: {  	s7 =	simm.s32 $0x180C0;
	[sflag:s30] =	ssyncadd.s32 $0xFFFFF830  }
0x2e3: {  	v2 =	vld [tilespmem:s7+$0xC0]  }
0x2e4: {  	v3 =	vld [tilespmem:s7+$0xFFFFFF50]  }
0x2e5: {  	s3 =	simm.s32 $0x19060;
	v4 =	vld [tilespmem:s7+$0xFFFFFF60]  }
0x2e6: {  	v5 =	vld [tilespmem:s3+$0xC0]  }
0x2e7: {  	v6 =	vld [tilespmem:s7+$0xFFFFFF70]  }
0x2e8: {  	v7 =	vld [tilespmem:s7+$0xFFFFFF80]  }
0x2e9: {  	v8 =	vld [tilespmem:s7+$0xFFFFFF90]  }
0x2ea: {  	v9 =	vld [tilespmem:s7+$0xFFFFFFA0]  }
0x2eb: {  	v10 =	vld [tilespmem:s7+$0xFFFFFFB0]  }
0x2ec: {  	v11 =	vld [tilespmem:s7+$0xFFFFFFC0]  }
0x2ed: {  	v12 =	vld [tilespmem:s7+$0xFFFFFFD0]  }
0x2ee: {  	v13 =	vld [tilespmem:s7+$0xFFFFFFE0]  }
0x2ef: {  	v63 =	vld [tilespmem:s7+$0x0]  }
0x2f0: {  	v14 =	vld [tilespmem:s7+$0x10]  }
0x2f1: {  	v15 =	vld [tilespmem:s7+$0x20]  }
0x2f2: {  	v16 =	vld [tilespmem:s7+$0x30]  }
0x2f3: {  	v17 =	vld [tilespmem:s7+$0x40]  }
0x2f4: {  	v18 =	vld [tilespmem:s7+$0x50]  }
0x2f5: {  	v19 =	vld [tilespmem:s7+$0x60]  }
0x2f6: {  	v20 =	vld [tilespmem:s7+$0x70]  }
0x2f7: {  	v21 =	vld [tilespmem:s7+$0x80]  }
0x2f8: {  	v22 =	vld [tilespmem:s7+$0x90]  }
0x2f9: {  	v23 =	vld [tilespmem:s7+$0xA0]  }
0x2fa: {  	v24 =	vld [tilespmem:s7+$0xB0]  }
0x2fb: {  	v25 =	vld [tilespmem:s7+$0xFFFFFF40]  }
0x2fc: {  	v26 =	vld [tilespmem:s3+$0xFFFFFF40]  }
0x2fd: {  	v27 =	vld [tilespmem:s3+$0xFFFFFF50]  }
0x2fe: {  	v28 =	vld [tilespmem:s3+$0xFFFFFF60]  }
0x2ff: {  	v29 =	vld [tilespmem:s3+$0xFFFFFF70]  }
0x300: {  	v30 =	vld [tilespmem:s3+$0xFFFFFF80]  }
0x301: {  	v31 =	vld [tilespmem:s3+$0xFFFFFF90]  }
0x302: {  	v32 =	vld [tilespmem:s3+$0xFFFFFFA0]  }
0x303: {  	v33 =	vld [tilespmem:s3+$0xFFFFFFB0]  }
0x304: {  	v34 =	vld [tilespmem:s3+$0xFFFFFFC0]  }
0x305: {  	v35 =	vld [tilespmem:s3+$0xFFFFFFD0]  }
0x306: {  	v36 =	vld [tilespmem:s3+$0xFFFFFFE0]  }
0x307: {  	v37 =	vld [tilespmem:s3+$0xFFFFFFF0]  }
0x308: {  	v38 =	vld [tilespmem:s3+$0x0]  }
0x309: {  	v39 =	vld [tilespmem:s3+$0x10]  }
0x30a: {  	v40 =	vld [tilespmem:s3+$0x20]  }
0x30b: {  	v41 =	vld [tilespmem:s3+$0x30]  }
0x30c: {  	v42 =	vld [tilespmem:s3+$0x40]  }
0x30d: {  	v43 =	vld [tilespmem:s3+$0x50]  }
0x30e: {  	v44 =	vld [tilespmem:s3+$0x60]  }
0x30f: {  	v45 =	vld [tilespmem:s3+$0x70]  }
0x310: {  	v46 =	vld [tilespmem:s3+$0x80]  }
0x311: {  	v47 =	vld [tilespmem:s3+$0x90]  }
0x312: {  	v48 =	vld [tilespmem:s3+$0xA0]  }
0x313: {  	v49 =	vld [tilespmem:s3+$0xB0]  }
0x314: {  	[tilespmem:v2+s4+$0x0] =	vst.idx.add.f32.msk $0xffff, v5  }
0x315: {  	[tilespmem:v25+s4+$0x0] =	vst.idx.add.f32.msk $0xffff, v26  }
0x316: {  	[tilespmem:v3+s4+$0x0] =	vst.idx.add.f32.msk $0xffff, v27  }
0x317: {  	[tilespmem:v4+s4+$0x0] =	vst.idx.add.f32.msk $0xffff, v28  }
0x318: {  	[tilespmem:v6+s4+$0x0] =	vst.idx.add.f32.msk $0xffff, v29  }
0x319: {  	[tilespmem:v7+s4+$0x0] =	vst.idx.add.f32.msk $0xffff, v30  }
0x31a: {  	[tilespmem:v8+s4+$0x0] =	vst.idx.add.f32.msk $0xffff, v31  }
0x31b: {  	[tilespmem:v9+s4+$0x0] =	vst.idx.add.f32.msk $0xffff, v32  }
0x31c: {  	[tilespmem:v10+s4+$0x0] =	vst.idx.add.f32.msk $0xffff, v33  }
0x31d: {  	[tilespmem:v11+s4+$0x0] =	vst.idx.add.f32.msk $0xffff, v34  }
0x31e: {  	[tilespmem:v12+s4+$0x0] =	vst.idx.add.f32.msk $0xffff, v35  }
0x31f: {  	[tilespmem:v13+s4+$0x0] =	vst.idx.add.f32.msk $0xffff, v36  }
0x320: {  	[tilespmem:v63+s4+$0x0] =	vst.idx.add.f32.msk $0xffff, v38  }
0x321: {  	[tilespmem:v14+s4+$0x0] =	vst.idx.add.f32.msk $0xffff, v39  }
0x322: {  	[tilespmem:v15+s4+$0x0] =	vst.idx.add.f32.msk $0xffff, v40  }
0x323: {  	[tilespmem:v16+s4+$0x0] =	vst.idx.add.f32.msk $0xffff, v41  }
0x324: {  	[tilespmem:v17+s4+$0x0] =	vst.idx.add.f32.msk $0xffff, v42  }
0x325: {  	[tilespmem:v18+s4+$0x0] =	vst.idx.add.f32.msk $0xffff, v43  }
0x326: {  	[tilespmem:v19+s4+$0x0] =	vst.idx.add.f32.msk $0xffff, v44  }
0x327: {  	[tilespmem:v20+s4+$0x0] =	vst.idx.add.f32.msk $0xffff, v45  }
0x328: {  	[tilespmem:v21+s4+$0x0] =	vst.idx.add.f32.msk $0xffff, v46  }
0x329: {  	[tilespmem:v22+s4+$0x0] =	vst.idx.add.f32.msk $0xffff, v47  }
0x32a: {  	[tilespmem:v23+s4+$0x0] =	vst.idx.add.f32.msk $0xffff, v48  }
0x32b: {  	s6 =	simm.s32 $0x1A000;
	[tilespmem:v24+s4+$0x0] =	vst.idx.add.f32.msk $0xffff, v49  }
0x32c: {  	v5 =	vld [tilespmem:s6+$0xC0]  }
0x32d: {  	v26 =	vld [tilespmem:s6+$0xFFFFFF40]  }
0x32e: {  	v27 =	vld [tilespmem:s6+$0xFFFFFF50]  }
0x32f: {  	v28 =	vld [tilespmem:s6+$0xFFFFFF60]  }
0x330: {  	v29 =	vld [tilespmem:s6+$0xFFFFFF70]  }
0x331: {  	v30 =	vld [tilespmem:s6+$0xFFFFFF80]  }
0x332: {  	v31 =	vld [tilespmem:s6+$0xFFFFFF90]  }
0x333: {  	v32 =	vld [tilespmem:s6+$0xFFFFFFA0]  }
0x334: {  	v33 =	vld [tilespmem:s6+$0xFFFFFFB0]  }
0x335: {  	v34 =	vld [tilespmem:s6+$0xFFFFFFC0]  }
0x336: {  	v35 =	vld [tilespmem:s6+$0xFFFFFFD0]  }
0x337: {  	v36 =	vld [tilespmem:s6+$0xFFFFFFE0]  }
0x338: {  	v38 =	vld [tilespmem:s6+$0x0]  }
0x339: {  	v39 =	vld [tilespmem:s6+$0x10]  }
0x33a: {  	v40 =	vld [tilespmem:s6+$0x20]  }
0x33b: {  	v41 =	vld [tilespmem:s6+$0x30]  }
0x33c: {  	v42 =	vld [tilespmem:s6+$0x40]  }
0x33d: {  	v43 =	vld [tilespmem:s6+$0x50]  }
0x33e: {  	v44 =	vld [tilespmem:s6+$0x60]  }
0x33f: {  	v45 =	vld [tilespmem:s6+$0x70]  }
0x340: {  	v46 =	vld [tilespmem:s6+$0x80]  }
0x341: {  	v47 =	vld [tilespmem:s6+$0x90]  }
0x342: {  	v48 =	vld [tilespmem:s6+$0xA0]  }
0x343: {  	v49 =	vld [tilespmem:s6+$0xB0]  }
0x344: {  	[tilespmem:v2+s31+$0x0] =	vst.idx.add.f32.msk $0xffff, v5  }
0x345: {  	[tilespmem:v25+s31+$0x0] =	vst.idx.add.f32.msk $0xffff, v26  }
0x346: {  	[tilespmem:v3+s31+$0x0] =	vst.idx.add.f32.msk $0xffff, v27  }
0x347: {  	[tilespmem:v4+s31+$0x0] =	vst.idx.add.f32.msk $0xffff, v28  }
0x348: {  	[tilespmem:v6+s31+$0x0] =	vst.idx.add.f32.msk $0xffff, v29  }
0x349: {  	[tilespmem:v7+s31+$0x0] =	vst.idx.add.f32.msk $0xffff, v30  }
0x34a: {  	[tilespmem:v8+s31+$0x0] =	vst.idx.add.f32.msk $0xffff, v31  }
0x34b: {  	[tilespmem:v9+s31+$0x0] =	vst.idx.add.f32.msk $0xffff, v32  }
0x34c: {  	[tilespmem:v10+s31+$0x0] =	vst.idx.add.f32.msk $0xffff, v33  }
0x34d: {  	[tilespmem:v11+s31+$0x0] =	vst.idx.add.f32.msk $0xffff, v34  }
0x34e: {  	[tilespmem:v12+s31+$0x0] =	vst.idx.add.f32.msk $0xffff, v35  }
0x34f: {  	[tilespmem:v13+s31+$0x0] =	vst.idx.add.f32.msk $0xffff, v36  }
0x350: {  	[tilespmem:v63+s31+$0x0] =	vst.idx.add.f32.msk $0xffff, v38  }
0x351: {  	[tilespmem:v14+s31+$0x0] =	vst.idx.add.f32.msk $0xffff, v39  }
0x352: {  	[tilespmem:v15+s31+$0x0] =	vst.idx.add.f32.msk $0xffff, v40  }
0x353: {  	[tilespmem:v16+s31+$0x0] =	vst.idx.add.f32.msk $0xffff, v41  }
0x354: {  	[tilespmem:v17+s31+$0x0] =	vst.idx.add.f32.msk $0xffff, v42  }
0x355: {  	[tilespmem:v18+s31+$0x0] =	vst.idx.add.f32.msk $0xffff, v43  }
0x356: {  	[tilespmem:v19+s31+$0x0] =	vst.idx.add.f32.msk $0xffff, v44  }
0x357: {  	[tilespmem:v20+s31+$0x0] =	vst.idx.add.f32.msk $0xffff, v45  }
0x358: {  	[tilespmem:v21+s31+$0x0] =	vst.idx.add.f32.msk $0xffff, v46  }
0x359: {  	[tilespmem:v22+s31+$0x0] =	vst.idx.add.f32.msk $0xffff, v47  }
0x35a: {  	[tilespmem:v23+s31+$0x0] =	vst.idx.add.f32.msk $0xffff, v48  }
0x35b: {  	[tilespmem:v24+s31+$0x0] =	vst.idx.add.f32.msk $0xffff, v49  }
0x35c: {  	[tilespmem:v2+s0+$0x0] =	vst.idx.add.f32.msk $0xffff, v1  }
0x35d: {  	v2 =	vld [tilespmem:s7+$0xFFFFFFF0]  }
0x35e: {  	[tilespmem:v25+s0+$0x0] =	vst.idx.add.f32.msk $0xffff, v1  }
0x35f: {  	[tilespmem:v3+s0+$0x0] =	vst.idx.add.f32.msk $0xffff, v1  }
0x360: {  	[tilespmem:v4+s0+$0x0] =	vst.idx.add.f32.msk $0xffff, v1  }
0x361: {  	[tilespmem:v6+s0+$0x0] =	vst.idx.add.f32.msk $0xffff, v1  }
0x362: {  	[tilespmem:v7+s0+$0x0] =	vst.idx.add.f32.msk $0xffff, v1  }
0x363: {  	[tilespmem:v8+s0+$0x0] =	vst.idx.add.f32.msk $0xffff, v1  }
0x364: {  	[tilespmem:v9+s0+$0x0] =	vst.idx.add.f32.msk $0xffff, v1  }
0x365: {  	[tilespmem:v10+s0+$0x0] =	vst.idx.add.f32.msk $0xffff, v1  }
0x366: {  	[tilespmem:v11+s0+$0x0] =	vst.idx.add.f32.msk $0xffff, v1  }
0x367: {  	[tilespmem:v12+s0+$0x0] =	vst.idx.add.f32.msk $0xffff, v1  }
0x368: {  	[tilespmem:v13+s0+$0x0] =	vst.idx.add.f32.msk $0xffff, v1  }
0x369: {  	[tilespmem:v63+s0+$0x0] =	vst.idx.add.f32.msk $0xffff, v1  }
0x36a: {  	[tilespmem:v14+s0+$0x0] =	vst.idx.add.f32.msk $0xffff, v1  }
0x36b: {  	[tilespmem:v15+s0+$0x0] =	vst.idx.add.f32.msk $0xffff, v1  }
0x36c: {  	[tilespmem:v16+s0+$0x0] =	vst.idx.add.f32.msk $0xffff, v1  }
0x36d: {  	[tilespmem:v17+s0+$0x0] =	vst.idx.add.f32.msk $0xffff, v1  }
0x36e: {  	[tilespmem:v18+s0+$0x0] =	vst.idx.add.f32.msk $0xffff, v1  }
0x36f: {  	[tilespmem:v19+s0+$0x0] =	vst.idx.add.f32.msk $0xffff, v1  }
0x370: {  	[tilespmem:v20+s0+$0x0] =	vst.idx.add.f32.msk $0xffff, v1  }
0x371: {  	[tilespmem:v2+s4+$0x0] =	vst.idx.add.f32.msk $0xffff, v37  }
0x372: {  	v37 =	vld [tilespmem:s6+$0xFFFFFFF0]  }
0x373: {  	[tilespmem:v21+s0+$0x0] =	vst.idx.add.f32.msk $0xffff, v1  }
0x374: {  	[tilespmem:v22+s0+$0x0] =	vst.idx.add.f32.msk $0xffff, v1  }
0x375: {  	[tilespmem:v23+s0+$0x0] =	vst.idx.add.f32.msk $0xffff, v1  }
0x376: {  	[tilespmem:v24+s0+$0x0] =	vst.idx.add.f32.msk $0xffff, v1  }
0x377: {  	[tilespmem:v2+s31+$0x0] =	vst.idx.add.f32.msk $0xffff, v37  }
0x378: {  	s11 =	simm.s32 $0x18250;
	s7 =	simm.s32 $0x0;
	[tilespmem:v2+s0+$0x0] =	vst.idx.add.f32.msk $0xffff, v1  }
.LBB2_14:
0x379: {  	v2 =	vld [tilespmem:s11+$0xC0]  }
0x37a: {  	s7 =	sadd.s32 $0x190, s7;
	v23 =	vld [tilespmem:s11+$0xFFFFFF50]  }
0x37b: {  	s3 =	sadd.s32 $0x190, s3;
	p0 =	slt.u32 s7, $0x640;
	v21 =	vld [tilespmem:s11+$0xFFFFFF60]  }
0x37c: {  	v3 =	vld [tilespmem:s3+$0xC0]  }
0x37d: {  	v24 =	vld [tilespmem:s11+$0xFFFFFF70]  }
0x37e: {  	v22 =	vld [tilespmem:s11+$0xFFFFFF80]  }
0x37f: {  	v19 =	vld [tilespmem:s11+$0xFFFFFF90]  }
0x380: {  	v17 =	vld [tilespmem:s11+$0xFFFFFFA0]  }
0x381: {  	s6 =	sadd.s32 $0x190, s6;
	[tilespmem:v2+s4+$0x0] =	vst.idx.add.f32.msk $0xffff, v3  }
0x382: {  	v3 =	vld [tilespmem:s6+$0xC0]  }
0x383: {  	v20 =	vld [tilespmem:s11+$0xFFFFFFB0]  }
0x384: {  	v18 =	vld [tilespmem:s11+$0xFFFFFFC0]  }
0x385: {  	v15 =	vld [tilespmem:s11+$0xFFFFFFD0]  }
0x386: {  	v13 =	vld [tilespmem:s11+$0xFFFFFFE0]  }
0x387: {  	[tilespmem:v2+s31+$0x0] =	vst.idx.add.f32.msk $0xffff, v3  }
0x388: {  	[tilespmem:v2+s0+$0x0] =	vst.idx.add.f32.msk $0xffff, v1  }
0x389: {  	v16 =	vld [tilespmem:s11+$0xFFFFFFF0]  }
0x38a: {  	v14 =	vld [tilespmem:s11+$0x0]  }
0x38b: {  	v12 =	vld [tilespmem:s11+$0x10]  }
0x38c: {  	v11 =	vld [tilespmem:s11+$0x20]  }
0x38d: {  	v10 =	vld [tilespmem:s11+$0x30]  }
0x38e: {  	v9 =	vld [tilespmem:s11+$0x40]  }
0x38f: {  	v8 =	vld [tilespmem:s11+$0x50]  }
0x390: {  	v7 =	vld [tilespmem:s11+$0x60]  }
0x391: {  	v6 =	vld [tilespmem:s11+$0x70]  }
0x392: {  	v5 =	vld [tilespmem:s11+$0x80]  }
0x393: {  	v4 =	vld [tilespmem:s11+$0x90]  }
0x394: {  	v3 =	vld [tilespmem:s11+$0xA0]  }
0x395: {  	v2 =	vld [tilespmem:s11+$0xB0]  }
0x396: {  	v25 =	vld [tilespmem:s11+$0xFFFFFF40]  }
0x397: {  	v26 =	vld [tilespmem:s3+$0xFFFFFF40]  }
0x398: {  	v27 =	vld [tilespmem:s3+$0xFFFFFF50]  }
0x399: {  	v28 =	vld [tilespmem:s3+$0xFFFFFF60]  }
0x39a: {  	v29 =	vld [tilespmem:s3+$0xFFFFFF70]  }
0x39b: {  	v30 =	vld [tilespmem:s3+$0xFFFFFF80]  }
0x39c: {  	v31 =	vld [tilespmem:s3+$0xFFFFFF90]  }
0x39d: {  	v32 =	vld [tilespmem:s3+$0xFFFFFFA0]  }
0x39e: {  	v33 =	vld [tilespmem:s3+$0xFFFFFFB0]  }
0x39f: {  	v34 =	vld [tilespmem:s3+$0xFFFFFFC0]  }
0x3a0: {  	v35 =	vld [tilespmem:s3+$0xFFFFFFD0]  }
0x3a1: {  	v36 =	vld [tilespmem:s3+$0xFFFFFFE0]  }
0x3a2: {  	v37 =	vld [tilespmem:s3+$0xFFFFFFF0]  }
0x3a3: {  	v38 =	vld [tilespmem:s3+$0x0]  }
0x3a4: {  	v39 =	vld [tilespmem:s3+$0x10]  }
0x3a5: {  	v40 =	vld [tilespmem:s3+$0x20]  }
0x3a6: {  	v41 =	vld [tilespmem:s3+$0x30]  }
0x3a7: {  	v42 =	vld [tilespmem:s3+$0x40]  }
0x3a8: {  	v43 =	vld [tilespmem:s3+$0x50]  }
0x3a9: {  	v44 =	vld [tilespmem:s3+$0x60]  }
0x3aa: {  	v45 =	vld [tilespmem:s3+$0x70]  }
0x3ab: {  	v46 =	vld [tilespmem:s3+$0x80]  }
0x3ac: {  	v47 =	vld [tilespmem:s3+$0x90]  }
0x3ad: {  	v48 =	vld [tilespmem:s3+$0xA0]  }
0x3ae: {  	v49 =	vld [tilespmem:s3+$0xB0]  }
0x3af: {  	[tilespmem:v25+s4+$0x0] =	vst.idx.add.f32.msk $0xffff, v26  }
0x3b0: {  	[tilespmem:v23+s4+$0x0] =	vst.idx.add.f32.msk $0xffff, v27  }
0x3b1: {  	[tilespmem:v21+s4+$0x0] =	vst.idx.add.f32.msk $0xffff, v28  }
0x3b2: {  	[tilespmem:v24+s4+$0x0] =	vst.idx.add.f32.msk $0xffff, v29  }
0x3b3: {  	[tilespmem:v22+s4+$0x0] =	vst.idx.add.f32.msk $0xffff, v30  }
0x3b4: {  	[tilespmem:v19+s4+$0x0] =	vst.idx.add.f32.msk $0xffff, v31  }
0x3b5: {  	[tilespmem:v17+s4+$0x0] =	vst.idx.add.f32.msk $0xffff, v32  }
0x3b6: {  	[tilespmem:v20+s4+$0x0] =	vst.idx.add.f32.msk $0xffff, v33  }
0x3b7: {  	[tilespmem:v18+s4+$0x0] =	vst.idx.add.f32.msk $0xffff, v34  }
0x3b8: {  	[tilespmem:v15+s4+$0x0] =	vst.idx.add.f32.msk $0xffff, v35  }
0x3b9: {  	[tilespmem:v13+s4+$0x0] =	vst.idx.add.f32.msk $0xffff, v36  }
0x3ba: {  	[tilespmem:v16+s4+$0x0] =	vst.idx.add.f32.msk $0xffff, v37  }
0x3bb: {  	[tilespmem:v14+s4+$0x0] =	vst.idx.add.f32.msk $0xffff, v38  }
0x3bc: {  	[tilespmem:v12+s4+$0x0] =	vst.idx.add.f32.msk $0xffff, v39  }
0x3bd: {  	[tilespmem:v11+s4+$0x0] =	vst.idx.add.f32.msk $0xffff, v40  }
0x3be: {  	[tilespmem:v10+s4+$0x0] =	vst.idx.add.f32.msk $0xffff, v41  }
0x3bf: {  	[tilespmem:v9+s4+$0x0] =	vst.idx.add.f32.msk $0xffff, v42  }
0x3c0: {  	[tilespmem:v8+s4+$0x0] =	vst.idx.add.f32.msk $0xffff, v43  }
0x3c1: {  	[tilespmem:v7+s4+$0x0] =	vst.idx.add.f32.msk $0xffff, v44  }
0x3c2: {  	[tilespmem:v6+s4+$0x0] =	vst.idx.add.f32.msk $0xffff, v45  }
0x3c3: {  	[tilespmem:v5+s4+$0x0] =	vst.idx.add.f32.msk $0xffff, v46  }
0x3c4: {  	[tilespmem:v4+s4+$0x0] =	vst.idx.add.f32.msk $0xffff, v47  }
0x3c5: {  	[tilespmem:v3+s4+$0x0] =	vst.idx.add.f32.msk $0xffff, v48  }
0x3c6: {  	[tilespmem:v2+s4+$0x0] =	vst.idx.add.f32.msk $0xffff, v49  }
0x3c7: {  	v26 =	vld [tilespmem:s6+$0xFFFFFF40]  }
0x3c8: {  	v27 =	vld [tilespmem:s6+$0xFFFFFF50]  }
0x3c9: {  	v28 =	vld [tilespmem:s6+$0xFFFFFF60]  }
0x3ca: {  	v29 =	vld [tilespmem:s6+$0xFFFFFF70]  }
0x3cb: {  	v30 =	vld [tilespmem:s6+$0xFFFFFF80]  }
0x3cc: {  	v31 =	vld [tilespmem:s6+$0xFFFFFF90]  }
0x3cd: {  	v32 =	vld [tilespmem:s6+$0xFFFFFFA0]  }
0x3ce: {  	v33 =	vld [tilespmem:s6+$0xFFFFFFB0]  }
0x3cf: {  	v34 =	vld [tilespmem:s6+$0xFFFFFFC0]  }
0x3d0: {  	v35 =	vld [tilespmem:s6+$0xFFFFFFD0]  }
0x3d1: {  	v36 =	vld [tilespmem:s6+$0xFFFFFFE0]  }
0x3d2: {  	v37 =	vld [tilespmem:s6+$0xFFFFFFF0]  }
0x3d3: {  	v38 =	vld [tilespmem:s6+$0x0]  }
0x3d4: {  	v39 =	vld [tilespmem:s6+$0x10]  }
0x3d5: {  	v40 =	vld [tilespmem:s6+$0x20]  }
0x3d6: {  	v41 =	vld [tilespmem:s6+$0x30]  }
0x3d7: {  	v42 =	vld [tilespmem:s6+$0x40]  }
0x3d8: {  	v43 =	vld [tilespmem:s6+$0x50]  }
0x3d9: {  	v44 =	vld [tilespmem:s6+$0x60]  }
0x3da: {  	v45 =	vld [tilespmem:s6+$0x70]  }
0x3db: {  	v46 =	vld [tilespmem:s6+$0x80]  }
0x3dc: {  	v47 =	vld [tilespmem:s6+$0x90]  }
0x3dd: {  	v48 =	vld [tilespmem:s6+$0xA0]  }
0x3de: {  	v49 =	vld [tilespmem:s6+$0xB0]  }
0x3df: {  	[tilespmem:v25+s31+$0x0] =	vst.idx.add.f32.msk $0xffff, v26  }
0x3e0: {  	[tilespmem:v25+s0+$0x0] =	vst.idx.add.f32.msk $0xffff, v1  }
0x3e1: {  	[tilespmem:v23+s31+$0x0] =	vst.idx.add.f32.msk $0xffff, v27  }
0x3e2: {  	[tilespmem:v23+s0+$0x0] =	vst.idx.add.f32.msk $0xffff, v1  }
0x3e3: {  	[tilespmem:v21+s31+$0x0] =	vst.idx.add.f32.msk $0xffff, v28  }
0x3e4: {  	[tilespmem:v21+s0+$0x0] =	vst.idx.add.f32.msk $0xffff, v1  }
0x3e5: {  	[tilespmem:v24+s31+$0x0] =	vst.idx.add.f32.msk $0xffff, v29  }
0x3e6: {  	[tilespmem:v24+s0+$0x0] =	vst.idx.add.f32.msk $0xffff, v1  }
0x3e7: {  	[tilespmem:v22+s31+$0x0] =	vst.idx.add.f32.msk $0xffff, v30  }
0x3e8: {  	[tilespmem:v22+s0+$0x0] =	vst.idx.add.f32.msk $0xffff, v1  }
0x3e9: {  	[tilespmem:v19+s31+$0x0] =	vst.idx.add.f32.msk $0xffff, v31  }
0x3ea: {  	[tilespmem:v19+s0+$0x0] =	vst.idx.add.f32.msk $0xffff, v1  }
0x3eb: {  	[tilespmem:v17+s31+$0x0] =	vst.idx.add.f32.msk $0xffff, v32  }
0x3ec: {  	[tilespmem:v17+s0+$0x0] =	vst.idx.add.f32.msk $0xffff, v1  }
0x3ed: {  	[tilespmem:v20+s31+$0x0] =	vst.idx.add.f32.msk $0xffff, v33  }
0x3ee: {  	[tilespmem:v20+s0+$0x0] =	vst.idx.add.f32.msk $0xffff, v1  }
0x3ef: {  	[tilespmem:v18+s31+$0x0] =	vst.idx.add.f32.msk $0xffff, v34  }
0x3f0: {  	[tilespmem:v18+s0+$0x0] =	vst.idx.add.f32.msk $0xffff, v1  }
0x3f1: {  	[tilespmem:v15+s31+$0x0] =	vst.idx.add.f32.msk $0xffff, v35  }
0x3f2: {  	[tilespmem:v15+s0+$0x0] =	vst.idx.add.f32.msk $0xffff, v1  }
0x3f3: {  	[tilespmem:v13+s31+$0x0] =	vst.idx.add.f32.msk $0xffff, v36  }
0x3f4: {  	[tilespmem:v13+s0+$0x0] =	vst.idx.add.f32.msk $0xffff, v1  }
0x3f5: {  	[tilespmem:v16+s31+$0x0] =	vst.idx.add.f32.msk $0xffff, v37  }
0x3f6: {  	[tilespmem:v16+s0+$0x0] =	vst.idx.add.f32.msk $0xffff, v1  }
0x3f7: {  	[tilespmem:v14+s31+$0x0] =	vst.idx.add.f32.msk $0xffff, v38  }
0x3f8: {  	[tilespmem:v14+s0+$0x0] =	vst.idx.add.f32.msk $0xffff, v1  }
0x3f9: {  	[tilespmem:v12+s31+$0x0] =	vst.idx.add.f32.msk $0xffff, v39  }
0x3fa: {  	[tilespmem:v12+s0+$0x0] =	vst.idx.add.f32.msk $0xffff, v1  }
0x3fb: {  	[tilespmem:v11+s31+$0x0] =	vst.idx.add.f32.msk $0xffff, v40  }
0x3fc: {  	[tilespmem:v11+s0+$0x0] =	vst.idx.add.f32.msk $0xffff, v1  }
0x3fd: {  	[tilespmem:v10+s31+$0x0] =	vst.idx.add.f32.msk $0xffff, v41  }
0x3fe: {  	[tilespmem:v10+s0+$0x0] =	vst.idx.add.f32.msk $0xffff, v1  }
0x3ff: {  	[tilespmem:v9+s31+$0x0] =	vst.idx.add.f32.msk $0xffff, v42  }
0x400: {  	[tilespmem:v9+s0+$0x0] =	vst.idx.add.f32.msk $0xffff, v1  }
0x401: {  	[tilespmem:v8+s31+$0x0] =	vst.idx.add.f32.msk $0xffff, v43  }
0x402: {  	[tilespmem:v8+s0+$0x0] =	vst.idx.add.f32.msk $0xffff, v1  }
0x403: {  	[tilespmem:v7+s31+$0x0] =	vst.idx.add.f32.msk $0xffff, v44  }
0x404: {  	[tilespmem:v7+s0+$0x0] =	vst.idx.add.f32.msk $0xffff, v1  }
0x405: {  	[tilespmem:v6+s31+$0x0] =	vst.idx.add.f32.msk $0xffff, v45  }
0x406: {  	[tilespmem:v6+s0+$0x0] =	vst.idx.add.f32.msk $0xffff, v1  }
0x407: {  	[tilespmem:v5+s31+$0x0] =	vst.idx.add.f32.msk $0xffff, v46  }
0x408: {  	[tilespmem:v5+s0+$0x0] =	vst.idx.add.f32.msk $0xffff, v1  }
0x409: {  	[tilespmem:v4+s31+$0x0] =	vst.idx.add.f32.msk $0xffff, v47  }
.Ltmp6:
0x40a: {  	[tilespmem:v4+s0+$0x0] =	vst.idx.add.f32.msk $0xffff, v1;
	(pc) =	sbr.rel @p0 .LBB2_14-.Ltmp6, $4  }
0x40b: {  	[tilespmem:v3+s31+$0x0] =	vst.idx.add.f32.msk $0xffff, v48  }
0x40c: {  	[tilespmem:v3+s0+$0x0] =	vst.idx.add.f32.msk $0xffff, v1  }
0x40d: {  	[tilespmem:v2+s31+$0x0] =	vst.idx.add.f32.msk $0xffff, v49  }
0x40e: {  	s11 =	sadd.s32 $0x190, s11;
	[tilespmem:v2+s0+$0x0] =	vst.idx.add.f32.msk $0xffff, v1  }
0x40f: {  	_ =	swait.ge [sflag:s1], $0x7D0  }
0x410: {  	[sflag:s1] =	ssyncset.done $0x0  }
0x411: {  	[sflag:s1] =	ssyncadd.s32 $0xFFFFF830  }
0x412: {  	_ =	swait.ge [sflag:s16], $0x7D0  }
0x413: {  	[sflag:s16] =	ssyncset.done $0x0  }
0x414: {  	[sflag:s16] =	ssyncadd.s32 $0xFFFFF830  }
0x415: {  	_ =	swait.ge [sflag:s17], $0x7D0  }
0x416: {  	[sflag:s17] =	ssyncset.done $0x0  }
0x417: {  	s3 =	simm.s32 $0x18890;
	[sflag:s17] =	ssyncadd.s32 $0xFFFFF830  }
0x418: {  	v2 =	vld [tilespmem:s3+$0xC0]  }
0x419: {  	v3 =	vld [tilespmem:s3+$0xFFFFFF50]  }
0x41a: {  	s6 =	simm.s32 $0x19830;
	v4 =	vld [tilespmem:s3+$0xFFFFFF60]  }
0x41b: {  	v5 =	vld [tilespmem:s6+$0xC0]  }
0x41c: {  	v6 =	vld [tilespmem:s3+$0xFFFFFF70]  }
0x41d: {  	v7 =	vld [tilespmem:s3+$0xFFFFFF80]  }
0x41e: {  	v8 =	vld [tilespmem:s3+$0xFFFFFF90]  }
0x41f: {  	v9 =	vld [tilespmem:s3+$0xFFFFFFA0]  }
0x420: {  	v10 =	vld [tilespmem:s3+$0xFFFFFFB0]  }
0x421: {  	v11 =	vld [tilespmem:s3+$0xFFFFFFC0]  }
0x422: {  	v12 =	vld [tilespmem:s3+$0xFFFFFFD0]  }
0x423: {  	v13 =	vld [tilespmem:s3+$0xFFFFFFE0]  }
0x424: {  	v63 =	vld [tilespmem:s3+$0x0]  }
0x425: {  	v14 =	vld [tilespmem:s3+$0x10]  }
0x426: {  	v15 =	vld [tilespmem:s3+$0x20]  }
0x427: {  	v16 =	vld [tilespmem:s3+$0x30]  }
0x428: {  	v17 =	vld [tilespmem:s3+$0x40]  }
0x429: {  	v18 =	vld [tilespmem:s3+$0x50]  }
0x42a: {  	v19 =	vld [tilespmem:s3+$0x60]  }
0x42b: {  	v20 =	vld [tilespmem:s3+$0x70]  }
0x42c: {  	v21 =	vld [tilespmem:s3+$0x80]  }
0x42d: {  	v22 =	vld [tilespmem:s3+$0x90]  }
0x42e: {  	v23 =	vld [tilespmem:s3+$0xA0]  }
0x42f: {  	v24 =	vld [tilespmem:s3+$0xB0]  }
0x430: {  	v25 =	vld [tilespmem:s3+$0xFFFFFF40]  }
0x431: {  	v26 =	vld [tilespmem:s6+$0xFFFFFF40]  }
0x432: {  	v27 =	vld [tilespmem:s6+$0xFFFFFF50]  }
0x433: {  	v28 =	vld [tilespmem:s6+$0xFFFFFF60]  }
0x434: {  	v29 =	vld [tilespmem:s6+$0xFFFFFF70]  }
0x435: {  	v30 =	vld [tilespmem:s6+$0xFFFFFF80]  }
0x436: {  	v31 =	vld [tilespmem:s6+$0xFFFFFF90]  }
0x437: {  	v32 =	vld [tilespmem:s6+$0xFFFFFFA0]  }
0x438: {  	v33 =	vld [tilespmem:s6+$0xFFFFFFB0]  }
0x439: {  	v34 =	vld [tilespmem:s6+$0xFFFFFFC0]  }
0x43a: {  	v35 =	vld [tilespmem:s6+$0xFFFFFFD0]  }
0x43b: {  	v36 =	vld [tilespmem:s6+$0xFFFFFFE0]  }
0x43c: {  	v37 =	vld [tilespmem:s6+$0xFFFFFFF0]  }
0x43d: {  	v38 =	vld [tilespmem:s6+$0x0]  }
0x43e: {  	v39 =	vld [tilespmem:s6+$0x10]  }
0x43f: {  	v40 =	vld [tilespmem:s6+$0x20]  }
0x440: {  	v41 =	vld [tilespmem:s6+$0x30]  }
0x441: {  	v42 =	vld [tilespmem:s6+$0x40]  }
0x442: {  	v43 =	vld [tilespmem:s6+$0x50]  }
0x443: {  	v44 =	vld [tilespmem:s6+$0x60]  }
0x444: {  	v45 =	vld [tilespmem:s6+$0x70]  }
0x445: {  	v46 =	vld [tilespmem:s6+$0x80]  }
0x446: {  	v47 =	vld [tilespmem:s6+$0x90]  }
0x447: {  	v48 =	vld [tilespmem:s6+$0xA0]  }
0x448: {  	v49 =	vld [tilespmem:s6+$0xB0]  }
0x449: {  	[tilespmem:v2+s4+$0x0] =	vst.idx.add.f32.msk $0xffff, v5  }
0x44a: {  	[tilespmem:v25+s4+$0x0] =	vst.idx.add.f32.msk $0xffff, v26  }
0x44b: {  	[tilespmem:v3+s4+$0x0] =	vst.idx.add.f32.msk $0xffff, v27  }
0x44c: {  	[tilespmem:v4+s4+$0x0] =	vst.idx.add.f32.msk $0xffff, v28  }
0x44d: {  	[tilespmem:v6+s4+$0x0] =	vst.idx.add.f32.msk $0xffff, v29  }
0x44e: {  	[tilespmem:v7+s4+$0x0] =	vst.idx.add.f32.msk $0xffff, v30  }
0x44f: {  	[tilespmem:v8+s4+$0x0] =	vst.idx.add.f32.msk $0xffff, v31  }
0x450: {  	[tilespmem:v9+s4+$0x0] =	vst.idx.add.f32.msk $0xffff, v32  }
0x451: {  	[tilespmem:v10+s4+$0x0] =	vst.idx.add.f32.msk $0xffff, v33  }
0x452: {  	[tilespmem:v11+s4+$0x0] =	vst.idx.add.f32.msk $0xffff, v34  }
0x453: {  	[tilespmem:v12+s4+$0x0] =	vst.idx.add.f32.msk $0xffff, v35  }
0x454: {  	[tilespmem:v13+s4+$0x0] =	vst.idx.add.f32.msk $0xffff, v36  }
0x455: {  	[tilespmem:v63+s4+$0x0] =	vst.idx.add.f32.msk $0xffff, v38  }
0x456: {  	[tilespmem:v14+s4+$0x0] =	vst.idx.add.f32.msk $0xffff, v39  }
0x457: {  	[tilespmem:v15+s4+$0x0] =	vst.idx.add.f32.msk $0xffff, v40  }
0x458: {  	[tilespmem:v16+s4+$0x0] =	vst.idx.add.f32.msk $0xffff, v41  }
0x459: {  	[tilespmem:v17+s4+$0x0] =	vst.idx.add.f32.msk $0xffff, v42  }
0x45a: {  	[tilespmem:v18+s4+$0x0] =	vst.idx.add.f32.msk $0xffff, v43  }
0x45b: {  	[tilespmem:v19+s4+$0x0] =	vst.idx.add.f32.msk $0xffff, v44  }
0x45c: {  	[tilespmem:v20+s4+$0x0] =	vst.idx.add.f32.msk $0xffff, v45  }
0x45d: {  	[tilespmem:v21+s4+$0x0] =	vst.idx.add.f32.msk $0xffff, v46  }
0x45e: {  	[tilespmem:v22+s4+$0x0] =	vst.idx.add.f32.msk $0xffff, v47  }
0x45f: {  	[tilespmem:v23+s4+$0x0] =	vst.idx.add.f32.msk $0xffff, v48  }
0x460: {  	s11 =	simm.s32 $0x1A7D0;
	[tilespmem:v24+s4+$0x0] =	vst.idx.add.f32.msk $0xffff, v49  }
0x461: {  	v5 =	vld [tilespmem:s11+$0xC0]  }
0x462: {  	v26 =	vld [tilespmem:s11+$0xFFFFFF40]  }
0x463: {  	v27 =	vld [tilespmem:s11+$0xFFFFFF50]  }
0x464: {  	v28 =	vld [tilespmem:s11+$0xFFFFFF60]  }
0x465: {  	v29 =	vld [tilespmem:s11+$0xFFFFFF70]  }
0x466: {  	v30 =	vld [tilespmem:s11+$0xFFFFFF80]  }
0x467: {  	v31 =	vld [tilespmem:s11+$0xFFFFFF90]  }
0x468: {  	v32 =	vld [tilespmem:s11+$0xFFFFFFA0]  }
0x469: {  	v33 =	vld [tilespmem:s11+$0xFFFFFFB0]  }
0x46a: {  	v34 =	vld [tilespmem:s11+$0xFFFFFFC0]  }
0x46b: {  	v35 =	vld [tilespmem:s11+$0xFFFFFFD0]  }
0x46c: {  	v36 =	vld [tilespmem:s11+$0xFFFFFFE0]  }
0x46d: {  	v38 =	vld [tilespmem:s11+$0x0]  }
0x46e: {  	v39 =	vld [tilespmem:s11+$0x10]  }
0x46f: {  	v40 =	vld [tilespmem:s11+$0x20]  }
0x470: {  	v41 =	vld [tilespmem:s11+$0x30]  }
0x471: {  	v42 =	vld [tilespmem:s11+$0x40]  }
0x472: {  	v43 =	vld [tilespmem:s11+$0x50]  }
0x473: {  	v44 =	vld [tilespmem:s11+$0x60]  }
0x474: {  	v45 =	vld [tilespmem:s11+$0x70]  }
0x475: {  	v46 =	vld [tilespmem:s11+$0x80]  }
0x476: {  	v47 =	vld [tilespmem:s11+$0x90]  }
0x477: {  	v48 =	vld [tilespmem:s11+$0xA0]  }
0x478: {  	v49 =	vld [tilespmem:s11+$0xB0]  }
0x479: {  	[tilespmem:v2+s31+$0x0] =	vst.idx.add.f32.msk $0xffff, v5  }
0x47a: {  	[tilespmem:v25+s31+$0x0] =	vst.idx.add.f32.msk $0xffff, v26  }
0x47b: {  	[tilespmem:v3+s31+$0x0] =	vst.idx.add.f32.msk $0xffff, v27  }
0x47c: {  	[tilespmem:v4+s31+$0x0] =	vst.idx.add.f32.msk $0xffff, v28  }
0x47d: {  	[tilespmem:v6+s31+$0x0] =	vst.idx.add.f32.msk $0xffff, v29  }
0x47e: {  	[tilespmem:v7+s31+$0x0] =	vst.idx.add.f32.msk $0xffff, v30  }
0x47f: {  	[tilespmem:v8+s31+$0x0] =	vst.idx.add.f32.msk $0xffff, v31  }
0x480: {  	[tilespmem:v9+s31+$0x0] =	vst.idx.add.f32.msk $0xffff, v32  }
0x481: {  	[tilespmem:v10+s31+$0x0] =	vst.idx.add.f32.msk $0xffff, v33  }
0x482: {  	[tilespmem:v11+s31+$0x0] =	vst.idx.add.f32.msk $0xffff, v34  }
0x483: {  	[tilespmem:v12+s31+$0x0] =	vst.idx.add.f32.msk $0xffff, v35  }
0x484: {  	[tilespmem:v13+s31+$0x0] =	vst.idx.add.f32.msk $0xffff, v36  }
0x485: {  	[tilespmem:v63+s31+$0x0] =	vst.idx.add.f32.msk $0xffff, v38  }
0x486: {  	[tilespmem:v14+s31+$0x0] =	vst.idx.add.f32.msk $0xffff, v39  }
0x487: {  	[tilespmem:v15+s31+$0x0] =	vst.idx.add.f32.msk $0xffff, v40  }
0x488: {  	[tilespmem:v16+s31+$0x0] =	vst.idx.add.f32.msk $0xffff, v41  }
0x489: {  	[tilespmem:v17+s31+$0x0] =	vst.idx.add.f32.msk $0xffff, v42  }
0x48a: {  	[tilespmem:v18+s31+$0x0] =	vst.idx.add.f32.msk $0xffff, v43  }
0x48b: {  	[tilespmem:v19+s31+$0x0] =	vst.idx.add.f32.msk $0xffff, v44  }
0x48c: {  	[tilespmem:v20+s31+$0x0] =	vst.idx.add.f32.msk $0xffff, v45  }
0x48d: {  	[tilespmem:v21+s31+$0x0] =	vst.idx.add.f32.msk $0xffff, v46  }
0x48e: {  	[tilespmem:v22+s31+$0x0] =	vst.idx.add.f32.msk $0xffff, v47  }
0x48f: {  	[tilespmem:v23+s31+$0x0] =	vst.idx.add.f32.msk $0xffff, v48  }
0x490: {  	[tilespmem:v24+s31+$0x0] =	vst.idx.add.f32.msk $0xffff, v49  }
0x491: {  	[tilespmem:v2+s0+$0x0] =	vst.idx.add.f32.msk $0xffff, v1  }
0x492: {  	v2 =	vld [tilespmem:s3+$0xFFFFFFF0]  }
0x493: {  	[tilespmem:v25+s0+$0x0] =	vst.idx.add.f32.msk $0xffff, v1  }
0x494: {  	[tilespmem:v3+s0+$0x0] =	vst.idx.add.f32.msk $0xffff, v1  }
0x495: {  	[tilespmem:v4+s0+$0x0] =	vst.idx.add.f32.msk $0xffff, v1  }
0x496: {  	[tilespmem:v6+s0+$0x0] =	vst.idx.add.f32.msk $0xffff, v1  }
0x497: {  	[tilespmem:v7+s0+$0x0] =	vst.idx.add.f32.msk $0xffff, v1  }
0x498: {  	[tilespmem:v8+s0+$0x0] =	vst.idx.add.f32.msk $0xffff, v1  }
0x499: {  	[tilespmem:v9+s0+$0x0] =	vst.idx.add.f32.msk $0xffff, v1  }
0x49a: {  	[tilespmem:v10+s0+$0x0] =	vst.idx.add.f32.msk $0xffff, v1  }
0x49b: {  	[tilespmem:v11+s0+$0x0] =	vst.idx.add.f32.msk $0xffff, v1  }
0x49c: {  	[tilespmem:v12+s0+$0x0] =	vst.idx.add.f32.msk $0xffff, v1  }
0x49d: {  	[tilespmem:v13+s0+$0x0] =	vst.idx.add.f32.msk $0xffff, v1  }
0x49e: {  	[tilespmem:v63+s0+$0x0] =	vst.idx.add.f32.msk $0xffff, v1  }
0x49f: {  	[tilespmem:v14+s0+$0x0] =	vst.idx.add.f32.msk $0xffff, v1  }
0x4a0: {  	[tilespmem:v15+s0+$0x0] =	vst.idx.add.f32.msk $0xffff, v1  }
0x4a1: {  	[tilespmem:v16+s0+$0x0] =	vst.idx.add.f32.msk $0xffff, v1  }
0x4a2: {  	[tilespmem:v17+s0+$0x0] =	vst.idx.add.f32.msk $0xffff, v1  }
0x4a3: {  	[tilespmem:v18+s0+$0x0] =	vst.idx.add.f32.msk $0xffff, v1  }
0x4a4: {  	[tilespmem:v19+s0+$0x0] =	vst.idx.add.f32.msk $0xffff, v1  }
0x4a5: {  	[tilespmem:v20+s0+$0x0] =	vst.idx.add.f32.msk $0xffff, v1  }
0x4a6: {  	[tilespmem:v2+s4+$0x0] =	vst.idx.add.f32.msk $0xffff, v37  }
0x4a7: {  	v37 =	vld [tilespmem:s11+$0xFFFFFFF0]  }
0x4a8: {  	[tilespmem:v21+s0+$0x0] =	vst.idx.add.f32.msk $0xffff, v1  }
0x4a9: {  	[tilespmem:v22+s0+$0x0] =	vst.idx.add.f32.msk $0xffff, v1  }
0x4aa: {  	[tilespmem:v23+s0+$0x0] =	vst.idx.add.f32.msk $0xffff, v1  }
0x4ab: {  	[tilespmem:v24+s0+$0x0] =	vst.idx.add.f32.msk $0xffff, v1  }
0x4ac: {  	[tilespmem:v2+s31+$0x0] =	vst.idx.add.f32.msk $0xffff, v37  }
0x4ad: {  	s7 =	simm.s32 $0x0;
	s12 =	simm.s32 $0x18A20;
	[tilespmem:v2+s0+$0x0] =	vst.idx.add.f32.msk $0xffff, v1  }
.LBB2_16:
0x4ae: {  	v2 =	vld [tilespmem:s12+$0xC0]  }
0x4af: {  	s7 =	sadd.s32 $0x190, s7;
	v23 =	vld [tilespmem:s12+$0xFFFFFF50]  }
0x4b0: {  	s6 =	sadd.s32 $0x190, s6;
	p0 =	slt.u32 s7, $0x640;
	v21 =	vld [tilespmem:s12+$0xFFFFFF60]  }
0x4b1: {  	v3 =	vld [tilespmem:s6+$0xC0]  }
0x4b2: {  	v24 =	vld [tilespmem:s12+$0xFFFFFF70]  }
0x4b3: {  	v22 =	vld [tilespmem:s12+$0xFFFFFF80]  }
0x4b4: {  	v19 =	vld [tilespmem:s12+$0xFFFFFF90]  }
0x4b5: {  	v16 =	vld [tilespmem:s12+$0xFFFFFFA0]  }
0x4b6: {  	s11 =	sadd.s32 $0x190, s11;
	[tilespmem:v2+s4+$0x0] =	vst.idx.add.f32.msk $0xffff, v3  }
0x4b7: {  	v3 =	vld [tilespmem:s11+$0xC0]  }
0x4b8: {  	v20 =	vld [tilespmem:s12+$0xFFFFFFB0]  }
0x4b9: {  	v18 =	vld [tilespmem:s12+$0xFFFFFFC0]  }
0x4ba: {  	v15 =	vld [tilespmem:s12+$0xFFFFFFD0]  }
0x4bb: {  	v13 =	vld [tilespmem:s12+$0xFFFFFFE0]  }
0x4bc: {  	[tilespmem:v2+s31+$0x0] =	vst.idx.add.f32.msk $0xffff, v3  }
0x4bd: {  	s3 =	simm.s32 $0x10040;
	[tilespmem:v2+s0+$0x0] =	vst.idx.add.f32.msk $0xffff, v1  }
0x4be: {  	v17 =	vld [tilespmem:s12+$0xFFFFFFF0]  }
0x4bf: {  	v14 =	vld [tilespmem:s12+$0x0]  }
0x4c0: {  	v12 =	vld [tilespmem:s12+$0x10]  }
0x4c1: {  	v11 =	vld [tilespmem:s12+$0x20]  }
0x4c2: {  	v10 =	vld [tilespmem:s12+$0x30]  }
0x4c3: {  	v9 =	vld [tilespmem:s12+$0x40]  }
0x4c4: {  	v8 =	vld [tilespmem:s12+$0x50]  }
0x4c5: {  	v7 =	vld [tilespmem:s12+$0x60]  }
0x4c6: {  	v6 =	vld [tilespmem:s12+$0x70]  }
0x4c7: {  	v5 =	vld [tilespmem:s12+$0x80]  }
0x4c8: {  	v4 =	vld [tilespmem:s12+$0x90]  }
0x4c9: {  	v3 =	vld [tilespmem:s12+$0xA0]  }
0x4ca: {  	v2 =	vld [tilespmem:s12+$0xB0]  }
0x4cb: {  	v25 =	vld [tilespmem:s12+$0xFFFFFF40]  }
0x4cc: {  	v26 =	vld [tilespmem:s6+$0xFFFFFF40]  }
0x4cd: {  	v27 =	vld [tilespmem:s6+$0xFFFFFF50]  }
0x4ce: {  	v28 =	vld [tilespmem:s6+$0xFFFFFF60]  }
0x4cf: {  	v29 =	vld [tilespmem:s6+$0xFFFFFF70]  }
0x4d0: {  	v30 =	vld [tilespmem:s6+$0xFFFFFF80]  }
0x4d1: {  	v31 =	vld [tilespmem:s6+$0xFFFFFF90]  }
0x4d2: {  	v32 =	vld [tilespmem:s6+$0xFFFFFFA0]  }
0x4d3: {  	v33 =	vld [tilespmem:s6+$0xFFFFFFB0]  }
0x4d4: {  	v34 =	vld [tilespmem:s6+$0xFFFFFFC0]  }
0x4d5: {  	v35 =	vld [tilespmem:s6+$0xFFFFFFD0]  }
0x4d6: {  	v36 =	vld [tilespmem:s6+$0xFFFFFFE0]  }
0x4d7: {  	v37 =	vld [tilespmem:s6+$0xFFFFFFF0]  }
0x4d8: {  	v38 =	vld [tilespmem:s6+$0x0]  }
0x4d9: {  	v39 =	vld [tilespmem:s6+$0x10]  }
0x4da: {  	v40 =	vld [tilespmem:s6+$0x20]  }
0x4db: {  	v41 =	vld [tilespmem:s6+$0x30]  }
0x4dc: {  	v42 =	vld [tilespmem:s6+$0x40]  }
0x4dd: {  	v43 =	vld [tilespmem:s6+$0x50]  }
0x4de: {  	v44 =	vld [tilespmem:s6+$0x60]  }
0x4df: {  	v45 =	vld [tilespmem:s6+$0x70]  }
0x4e0: {  	v46 =	vld [tilespmem:s6+$0x80]  }
0x4e1: {  	v47 =	vld [tilespmem:s6+$0x90]  }
0x4e2: {  	v48 =	vld [tilespmem:s6+$0xA0]  }
0x4e3: {  	v49 =	vld [tilespmem:s6+$0xB0]  }
0x4e4: {  	[tilespmem:v25+s4+$0x0] =	vst.idx.add.f32.msk $0xffff, v26  }
0x4e5: {  	[tilespmem:v23+s4+$0x0] =	vst.idx.add.f32.msk $0xffff, v27  }
0x4e6: {  	[tilespmem:v21+s4+$0x0] =	vst.idx.add.f32.msk $0xffff, v28  }
0x4e7: {  	[tilespmem:v24+s4+$0x0] =	vst.idx.add.f32.msk $0xffff, v29  }
0x4e8: {  	[tilespmem:v22+s4+$0x0] =	vst.idx.add.f32.msk $0xffff, v30  }
0x4e9: {  	[tilespmem:v19+s4+$0x0] =	vst.idx.add.f32.msk $0xffff, v31  }
0x4ea: {  	[tilespmem:v16+s4+$0x0] =	vst.idx.add.f32.msk $0xffff, v32  }
0x4eb: {  	[tilespmem:v20+s4+$0x0] =	vst.idx.add.f32.msk $0xffff, v33  }
0x4ec: {  	[tilespmem:v18+s4+$0x0] =	vst.idx.add.f32.msk $0xffff, v34  }
0x4ed: {  	[tilespmem:v15+s4+$0x0] =	vst.idx.add.f32.msk $0xffff, v35  }
0x4ee: {  	[tilespmem:v13+s4+$0x0] =	vst.idx.add.f32.msk $0xffff, v36  }
0x4ef: {  	[tilespmem:v17+s4+$0x0] =	vst.idx.add.f32.msk $0xffff, v37  }
0x4f0: {  	[tilespmem:v14+s4+$0x0] =	vst.idx.add.f32.msk $0xffff, v38  }
0x4f1: {  	[tilespmem:v12+s4+$0x0] =	vst.idx.add.f32.msk $0xffff, v39  }
0x4f2: {  	[tilespmem:v11+s4+$0x0] =	vst.idx.add.f32.msk $0xffff, v40  }
0x4f3: {  	[tilespmem:v10+s4+$0x0] =	vst.idx.add.f32.msk $0xffff, v41  }
0x4f4: {  	[tilespmem:v9+s4+$0x0] =	vst.idx.add.f32.msk $0xffff, v42  }
0x4f5: {  	[tilespmem:v8+s4+$0x0] =	vst.idx.add.f32.msk $0xffff, v43  }
0x4f6: {  	[tilespmem:v7+s4+$0x0] =	vst.idx.add.f32.msk $0xffff, v44  }
0x4f7: {  	[tilespmem:v6+s4+$0x0] =	vst.idx.add.f32.msk $0xffff, v45  }
0x4f8: {  	[tilespmem:v5+s4+$0x0] =	vst.idx.add.f32.msk $0xffff, v46  }
0x4f9: {  	[tilespmem:v4+s4+$0x0] =	vst.idx.add.f32.msk $0xffff, v47  }
0x4fa: {  	[tilespmem:v3+s4+$0x0] =	vst.idx.add.f32.msk $0xffff, v48  }
0x4fb: {  	[tilespmem:v2+s4+$0x0] =	vst.idx.add.f32.msk $0xffff, v49  }
0x4fc: {  	v26 =	vld [tilespmem:s11+$0xFFFFFF40]  }
0x4fd: {  	v27 =	vld [tilespmem:s11+$0xFFFFFF50]  }
0x4fe: {  	v28 =	vld [tilespmem:s11+$0xFFFFFF60]  }
0x4ff: {  	v29 =	vld [tilespmem:s11+$0xFFFFFF70]  }
0x500: {  	v30 =	vld [tilespmem:s11+$0xFFFFFF80]  }
0x501: {  	v31 =	vld [tilespmem:s11+$0xFFFFFF90]  }
0x502: {  	v32 =	vld [tilespmem:s11+$0xFFFFFFA0]  }
0x503: {  	v33 =	vld [tilespmem:s11+$0xFFFFFFB0]  }
0x504: {  	v34 =	vld [tilespmem:s11+$0xFFFFFFC0]  }
0x505: {  	v35 =	vld [tilespmem:s11+$0xFFFFFFD0]  }
0x506: {  	v36 =	vld [tilespmem:s11+$0xFFFFFFE0]  }
0x507: {  	v37 =	vld [tilespmem:s11+$0xFFFFFFF0]  }
0x508: {  	v38 =	vld [tilespmem:s11+$0x0]  }
0x509: {  	v39 =	vld [tilespmem:s11+$0x10]  }
0x50a: {  	v40 =	vld [tilespmem:s11+$0x20]  }
0x50b: {  	v41 =	vld [tilespmem:s11+$0x30]  }
0x50c: {  	v42 =	vld [tilespmem:s11+$0x40]  }
0x50d: {  	v43 =	vld [tilespmem:s11+$0x50]  }
0x50e: {  	v44 =	vld [tilespmem:s11+$0x60]  }
0x50f: {  	v45 =	vld [tilespmem:s11+$0x70]  }
0x510: {  	v46 =	vld [tilespmem:s11+$0x80]  }
0x511: {  	v47 =	vld [tilespmem:s11+$0x90]  }
0x512: {  	v48 =	vld [tilespmem:s11+$0xA0]  }
0x513: {  	v49 =	vld [tilespmem:s11+$0xB0]  }
0x514: {  	[tilespmem:v25+s31+$0x0] =	vst.idx.add.f32.msk $0xffff, v26  }
0x515: {  	[tilespmem:v25+s0+$0x0] =	vst.idx.add.f32.msk $0xffff, v1  }
0x516: {  	[tilespmem:v23+s31+$0x0] =	vst.idx.add.f32.msk $0xffff, v27  }
0x517: {  	[tilespmem:v23+s0+$0x0] =	vst.idx.add.f32.msk $0xffff, v1  }
0x518: {  	[tilespmem:v21+s31+$0x0] =	vst.idx.add.f32.msk $0xffff, v28  }
0x519: {  	[tilespmem:v21+s0+$0x0] =	vst.idx.add.f32.msk $0xffff, v1  }
0x51a: {  	[tilespmem:v24+s31+$0x0] =	vst.idx.add.f32.msk $0xffff, v29  }
0x51b: {  	[tilespmem:v24+s0+$0x0] =	vst.idx.add.f32.msk $0xffff, v1  }
0x51c: {  	[tilespmem:v22+s31+$0x0] =	vst.idx.add.f32.msk $0xffff, v30  }
0x51d: {  	[tilespmem:v22+s0+$0x0] =	vst.idx.add.f32.msk $0xffff, v1  }
0x51e: {  	[tilespmem:v19+s31+$0x0] =	vst.idx.add.f32.msk $0xffff, v31  }
0x51f: {  	[tilespmem:v19+s0+$0x0] =	vst.idx.add.f32.msk $0xffff, v1  }
0x520: {  	[tilespmem:v16+s31+$0x0] =	vst.idx.add.f32.msk $0xffff, v32  }
0x521: {  	[tilespmem:v16+s0+$0x0] =	vst.idx.add.f32.msk $0xffff, v1  }
0x522: {  	[tilespmem:v20+s31+$0x0] =	vst.idx.add.f32.msk $0xffff, v33  }
0x523: {  	[tilespmem:v20+s0+$0x0] =	vst.idx.add.f32.msk $0xffff, v1  }
0x524: {  	[tilespmem:v18+s31+$0x0] =	vst.idx.add.f32.msk $0xffff, v34  }
0x525: {  	[tilespmem:v18+s0+$0x0] =	vst.idx.add.f32.msk $0xffff, v1  }
0x526: {  	[tilespmem:v15+s31+$0x0] =	vst.idx.add.f32.msk $0xffff, v35  }
0x527: {  	[tilespmem:v15+s0+$0x0] =	vst.idx.add.f32.msk $0xffff, v1  }
0x528: {  	[tilespmem:v13+s31+$0x0] =	vst.idx.add.f32.msk $0xffff, v36  }
0x529: {  	[tilespmem:v13+s0+$0x0] =	vst.idx.add.f32.msk $0xffff, v1  }
0x52a: {  	[tilespmem:v17+s31+$0x0] =	vst.idx.add.f32.msk $0xffff, v37  }
0x52b: {  	[tilespmem:v17+s0+$0x0] =	vst.idx.add.f32.msk $0xffff, v1  }
0x52c: {  	[tilespmem:v14+s31+$0x0] =	vst.idx.add.f32.msk $0xffff, v38  }
0x52d: {  	[tilespmem:v14+s0+$0x0] =	vst.idx.add.f32.msk $0xffff, v1  }
0x52e: {  	[tilespmem:v12+s31+$0x0] =	vst.idx.add.f32.msk $0xffff, v39  }
0x52f: {  	[tilespmem:v12+s0+$0x0] =	vst.idx.add.f32.msk $0xffff, v1  }
0x530: {  	[tilespmem:v11+s31+$0x0] =	vst.idx.add.f32.msk $0xffff, v40  }
0x531: {  	[tilespmem:v11+s0+$0x0] =	vst.idx.add.f32.msk $0xffff, v1  }
0x532: {  	[tilespmem:v10+s31+$0x0] =	vst.idx.add.f32.msk $0xffff, v41  }
0x533: {  	[tilespmem:v10+s0+$0x0] =	vst.idx.add.f32.msk $0xffff, v1  }
0x534: {  	[tilespmem:v9+s31+$0x0] =	vst.idx.add.f32.msk $0xffff, v42  }
0x535: {  	[tilespmem:v9+s0+$0x0] =	vst.idx.add.f32.msk $0xffff, v1  }
0x536: {  	[tilespmem:v8+s31+$0x0] =	vst.idx.add.f32.msk $0xffff, v43  }
0x537: {  	[tilespmem:v8+s0+$0x0] =	vst.idx.add.f32.msk $0xffff, v1  }
0x538: {  	[tilespmem:v7+s31+$0x0] =	vst.idx.add.f32.msk $0xffff, v44  }
0x539: {  	[tilespmem:v7+s0+$0x0] =	vst.idx.add.f32.msk $0xffff, v1  }
0x53a: {  	[tilespmem:v6+s31+$0x0] =	vst.idx.add.f32.msk $0xffff, v45  }
0x53b: {  	[tilespmem:v6+s0+$0x0] =	vst.idx.add.f32.msk $0xffff, v1  }
0x53c: {  	[tilespmem:v5+s31+$0x0] =	vst.idx.add.f32.msk $0xffff, v46  }
0x53d: {  	[tilespmem:v5+s0+$0x0] =	vst.idx.add.f32.msk $0xffff, v1  }
0x53e: {  	[tilespmem:v4+s31+$0x0] =	vst.idx.add.f32.msk $0xffff, v47  }
.Ltmp7:
0x53f: {  	[tilespmem:v4+s0+$0x0] =	vst.idx.add.f32.msk $0xffff, v1;
	(pc) =	sbr.rel @p0 .LBB2_16-.Ltmp7, $4  }
0x540: {  	[tilespmem:v3+s31+$0x0] =	vst.idx.add.f32.msk $0xffff, v48  }
0x541: {  	[tilespmem:v3+s0+$0x0] =	vst.idx.add.f32.msk $0xffff, v1  }
0x542: {  	[tilespmem:v2+s31+$0x0] =	vst.idx.add.f32.msk $0xffff, v49  }
0x543: {  	s12 =	sadd.s32 $0x190, s12;
	[tilespmem:v2+s0+$0x0] =	vst.idx.add.f32.msk $0xffff, v1  }
0x544: {  	v2 =	vld [tilespmem:s3+$0x30]  }
0x545: {  	v3 =	vld [tilespmem:s3+$0xFFFFFFD0]  }
0x546: {  	v4 =	vld [tilespmem:s3+$0xFFFFFFE0]  }
0x547: {  	v5 =	vld [tilespmem:s3+$0xFFFFFFF0]  }
0x548: {  	v6 =	vld [tilespmem:s3+$0x0]  }
0x549: {  	v7 =	vld [tilespmem:s3+$0x10]  }
0x54a: {  	v8 =	vld [tilespmem:s3+$0x20];
	s6 =	simm.s32 $0x100C0;
	v2 =	vmax.f32 v2, $1.000000000e+00  }
0x54b: {  	v9 =	vld [tilespmem:s6+$0xFFFFFFD0];
	v3 =	vmax.f32 v3, $1.000000000e+00;
	(erf) = vrcp.f32 v2  }
0x54c: {  	v4 =	vmax.f32 v4, $1.000000000e+00;
	v2 =	vld [tilespmem:s3+$0xFFFFFFC0];
	(erf) = vrcp.f32 v3  }
0x54d: {  	v5 =	vmax.f32 v5, $1.000000000e+00;
	v3 =	vld [tilespmem:s6+$0x30];
	(erf) = vrcp.f32 v4  }
0x54e: {  	v4 =	vmax.f32 v6, $1.000000000e+00;
	(erf) = vrcp.f32 v5  }
0x54f: {  	v5 =	vmax.f32 v7, $1.000000000e+00;
	(erf) = vrcp.f32 v4  }
0x550: {  	v10 =	vld [tilespmem:s6+$0xFFFFFFE0];
	v7 =	vmax.f32 v8, $1.000000000e+00;
	(erf) = vrcp.f32 v5  }
0x551: {  	v6 =	vld [tilespmem:s6+$0xFFFFFFF0];
	v5 =	vmax.f32 v2, $1.000000000e+00;
	(erf) = vrcp.f32 v7  }
0x552: {  	v8 =	vmax.f32 v9, $1.000000000e+00;
	v4 =	vld [tilespmem:s6+$0x0];
	v3 =	vmax.f32 v3, $1.000000000e+00;
	(erf) = vrcp.f32 v5  }
0x553: {  	v2 =	vld [tilespmem:s6+$0x10];
	(erf) = vrcp.f32 v3  }
0x554: {  	s7 =	simm.s32 $0x0;
	s12 =	simm.s32 $0x80;
	v5 =	vld [tilespmem:s6+$0x20];
	(erf) = vrcp.f32 v8  }
0x555: {  	s15 =	simm.s32 $0x10140;
	s10 =	simm.s32 $0x10040;
	s9 =	simm.s32 $0x100C0;
	v7 =	vmax.f32 v10, $1.000000000e+00;
	v3 =	vld [tilespmem:s6+$0xFFFFFFC0];
	v8 =	vpop (erf)  }
.LBB2_18:
0x556: {  	v9 =	vld [tilespmem:s15+$0x30];
	s12 =	sadd.s32 $0x80, s12;
	v10 =	vmax.f32 v6, $1.000000000e+00;
	(erf) = vrcp.f32 v7;
	[tilespmem:s10+$0x30] =	vst v8;
	s11 =	simm.s32 $0x8040;
	s13 =	simm.s32 $0x40;
	v7 =	vpop (erf)  }
0x557: {  	v8 =	vld [tilespmem:s15+$0xFFFFFFD0];
	p0 =	slt.u32 s12, $0x7F80;
	v11 =	vmax.f32 v4, $1.000000000e+00;
	(erf) = vrcp.f32 v10;
	[tilespmem:s10+$0xFFFFFFD0] =	vst v7;
	v6 =	vpop (erf)  }
0x558: {  	v7 =	vld [tilespmem:s15+$0xFFFFFFE0];
	v10 =	vmax.f32 v2, $1.000000000e+00;
	(erf) = vrcp.f32 v11;
	[tilespmem:s10+$0xFFFFFFE0] =	vst v6;
	v4 =	vpop (erf)  }
.Ltmp8:
0x559: {  	v6 =	vld [tilespmem:s15+$0xFFFFFFF0];
	v11 =	vmax.f32 v5, $1.000000000e+00;
	(erf) = vrcp.f32 v10;
	[tilespmem:s10+$0xFFFFFFF0] =	vst v4;
	v2 =	vpop (erf);
	(pc) =	sbr.rel @p0 .LBB2_18-.Ltmp8, $4  }
0x55a: {  	v4 =	vld [tilespmem:s15+$0x0];
	v10 =	vmax.f32 v3, $1.000000000e+00;
	(erf) = vrcp.f32 v11;
	[tilespmem:s10+$0x0] =	vst v2;
	v5 =	vpop (erf)  }
0x55b: {  	v2 =	vld [tilespmem:s15+$0x10];
	v11 =	vmax.f32 v9, $1.000000000e+00;
	(erf) = vrcp.f32 v10;
	[tilespmem:s10+$0x10] =	vst v5;
	v3 =	vpop (erf)  }
0x55c: {  	v10 =	vmax.f32 v8, $1.000000000e+00;
	v5 =	vld [tilespmem:s15+$0x20];
	(erf) = vrcp.f32 v11;
	[tilespmem:s10+$0x20] =	vst v3;
	v9 =	vpop (erf)  }
0x55d: {  	v3 =	vld [tilespmem:s15+$0xFFFFFFC0];
	v7 =	vmax.f32 v7, $1.000000000e+00;
	(erf) = vrcp.f32 v10;
	v8 =	vpop (erf);
	[tilespmem:s10+$0xFFFFFFC0] =	vst v9;
	s10 =	smov.u32 s9;
	s9 =	smov.u32 s15;
	s15 =	sadd.s32 $0x80, s15  }
0x55e: {  	v6 =	vmax.f32 v6, $1.000000000e+00  }
0x55f: {  	v4 =	vmax.f32 v4, $1.000000000e+00  }
0x560: {  	(erf) = vrcp.f32 v7;
	[tilespmem:s10+$0x30] =	vst v8;
	v7 =	vpop (erf);
	v2 =	vmax.f32 v2, $1.000000000e+00  }
0x561: {  	(erf) = vrcp.f32 v6;
	[tilespmem:s10+$0xFFFFFFD0] =	vst v7;
	v6 =	vpop (erf)  }
0x562: {  	(erf) = vrcp.f32 v4;
	[tilespmem:s10+$0xFFFFFFE0] =	vst v6;
	v4 =	vpop (erf)  }
0x563: {  	v5 =	vmax.f32 v5, $1.000000000e+00;
	(erf) = vrcp.f32 v2;
	[tilespmem:s10+$0xFFFFFFF0] =	vst v4;
	v2 =	vpop (erf)  }
0x564: {  	v3 =	vmax.f32 v3, $1.000000000e+00;
	(erf) = vrcp.f32 v5;
	[tilespmem:s10+$0x0] =	vst v2;
	v2 =	vpop (erf)  }
0x565: {  	(erf) = vrcp.f32 v3;
	[tilespmem:s10+$0x10] =	vst v2;
	v2 =	vpop (erf)  }
0x566: {  	[tilespmem:s10+$0x20] =	vst v2;
	v2 =	vpop (erf)  }
0x567: {  	v3 =	vpop (erf);
	[tilespmem:s10+$0xFFFFFFC0] =	vst v2  }
0x568: {  	[tilespmem:s9+$0x30] =	vst v3;
	v2 =	vpop (erf)  }
0x569: {  	[tilespmem:s9+$0xFFFFFFD0] =	vst v2;
	v2 =	vpop (erf)  }
0x56a: {  	[tilespmem:s9+$0xFFFFFFE0] =	vst v2;
	v2 =	vpop (erf)  }
0x56b: {  	[tilespmem:s9+$0xFFFFFFF0] =	vst v2;
	v2 =	vpop (erf)  }
0x56c: {  	[tilespmem:s9+$0x0] =	vst v2;
	v2 =	vpop (erf)  }
0x56d: {  	[tilespmem:s9+$0x10] =	vst v2;
	v2 =	vpop (erf)  }
0x56e: {  	[tilespmem:s9+$0x20] =	vst v2;
	v2 =	vpop (erf)  }
0x56f: {  	[tilespmem:s9+$0xFFFFFFC0] =	vst v2  }
0x570: {  	v3 =	vld [tilespmem:s3+$0x30]  }
0x571: {  	s12 =	simm.s32 $0x70;
	v4 =	vld [tilespmem:s3+$0xFFFFFFC0]  }
0x572: {  	s15 =	sand.u32 $0x7C00, s7;
	s20 =	sand.u32 $0x3E0, s12;
	v5 =	vld [tilespmem:s13+$0xFFFFFFD0]  }
0x573: {  	s12 =	sor.u32 s20, s15;
	v6 =	vld [tilespmem:s13+$0xFFFFFFC0]  }
0x574: {  	v10 =	vld [tilespmem:s12+$0x8010]  }
0x575: {  	v9 =	vld [tilespmem:s3+$0xFFFFFFD0]  }
0x576: {  	v2 =	vld [tilespmem:s13+$0xFFFFFFE0]  }
0x577: {  	v11 =	vld [tilespmem:s3+$0xFFFFFFE0]  }
0x578: {  	v12 =	vld [tilespmem:s13+$0x0]  }
0x579: {  	v13 =	vld [tilespmem:s3+$0x0]  }
0x57a: {  	v14 =	vld [tilespmem:s13+$0x20]  }
0x57b: {  	v15 =	vld [tilespmem:s3+$0x20]  }
0x57c: {  	s19 =	simm.s32 $0x30;
	v16 =	vld [tilespmem:s3+$0x10]  }
0x57d: {  	s9 =	sand.u32 $0x3A0, s19;
	v17 =	vld [tilespmem:s3+$0xFFFFFFF0]  }
0x57e: {  	s19 =	simm.s32 $0x50;
	s10 =	sor.u32 s9, s15;
	v58 =	vld [tilespmem:s12+$0x10]  }
0x57f: {  	s19 =	sand.u32 $0x3C0, s19;
	v7 =	vld [tilespmem:s10+$0x8010]  }
0x580: {  	s9 =	sor.u32 s19, s15;
	v57 =	vld [tilespmem:s10+$0x10];
	v12 =	vmul.f32 v13, v12  }
0x581: {  	v8 =	vld [tilespmem:s9+$0x8010];
	v2 =	vmul.f32 v11, v2  }
0x582: {  	v11 =	vld [tilespmem:s9+$0x10];
	[tilespmem:s13+$0x0] =	vst v12  }
0x583: {  	[tilespmem:s13+$0xFFFFFFE0] =	vst v2;
	v18 =	vld [tilespmem:s3+$0x0]  }
0x584: {  	v3 =	vmul.f32 v3, v58;
	v59 =	vld [tilespmem:s3+$0xFFFFFFE0]  }
0x585: {  	v5 =	vmul.f32 v9, v5;
	v60 =	vld [tilespmem:s11+$0x0]  }
0x586: {  	v13 =	vmul.f32 v17, v57;
	[tilespmem:s12+$0x10] =	vst v3;
	v61 =	vld [tilespmem:s11+$0xFFFFFFE0]  }
0x587: {  	[tilespmem:s13+$0xFFFFFFD0] =	vst v5;
	v63 =	vld [tilespmem:s3+$0x30];
	v11 =	vmul.f32 v16, v11  }
0x588: {  	[tilespmem:s10+$0x10] =	vst v13;
	v5 =	vld [tilespmem:s11+$0xFFFFFFD0]  }
0x589: {  	v4 =	vmul.f32 v4, v6;
	v62 =	vld [tilespmem:s3+$0xFFFFFFF0];
	[tilespmem:s9+$0x10] =	vst v11  }
0x58a: {  	v2 =	vmul.f32 v15, v14;
	v11 =	vld [tilespmem:s3+$0x10]  }
0x58b: {  	[tilespmem:s13+$0xFFFFFFC0] =	vst v4;
	v6 =	vld [tilespmem:s3+$0xFFFFFFD0]  }
0x58c: {  	v4 =	vld [tilespmem:s11+$0xFFFFFFC0];
	[tilespmem:s13+$0x20] =	vst v2;
	v15 =	vmul.f32 v18, v60  }
0x58d: {  	v2 =	vld [tilespmem:s3+$0x20];
	v14 =	vmul.f32 v59, v61  }
0x58e: {  	v3 =	vld [tilespmem:s11+$0x20];
	v10 =	vmul.f32 v63, v10;
	[tilespmem:s11+$0x0] =	vst v15  }
0x58f: {  	s13 =	simm.s32 $0xC0;
	v9 =	vmul.f32 v62, v7;
	v7 =	vld [tilespmem:s3+$0xFFFFFFC0];
	s3 =	simm.s32 $0x8040;
	[tilespmem:s11+$0xFFFFFFE0] =	vst v14;
	v8 =	vmul.f32 v11, v8  }
.LBB2_20:
0x590: {  	s15 =	sadd.s32 $0xB0, s7  }
0x591: {  	v11 =	vld [tilespmem:s6+$0x30];
	[tilespmem:s10+$0x8010] =	vst v9;
	s11 =	sadd.s32 $0x80, s11;
	s19 =	smov.u32 s7;
	s7 =	sadd.s32 $0x80, s7  }
0x592: {  	v9 =	vld [tilespmem:s6+$0xFFFFFFC0];
	s20 =	sand.u32 $0x7C00, s7;
	s10 =	sand.u32 $0x3A0, s15;
	s15 =	sadd.s32 $0xD0, s19;
	[tilespmem:s12+$0x8010] =	vst v10  }
0x593: {  	v10 =	vld [tilespmem:s13+$0xFFFFFFD0];
	s10 =	sor.u32 s10, s20;
	s12 =	sand.u32 $0x3C0, s15;
	s15 =	sadd.s32 $0xF0, s19;
	v5 =	vmul.f32 v6, v5  }
0x594: {  	v2 =	vmul.f32 v2, v3;
	p0 =	slt.u32 s7, $0x7F80;
	v6 =	vld [tilespmem:s13+$0xFFFFFFC0];
	s15 =	sand.u32 $0x3E0, s15;
	[tilespmem:s9+$0x8010] =	vst v8;
	s9 =	sor.u32 s12, s20  }
0x595: {  	v8 =	vld [tilespmem:s10+$0x8010];
	s12 =	sor.u32 s15, s20;
	v3 =	vmul.f32 v7, v4;
	[tilespmem:s3+$0xFFFFFFD0] =	vst v5  }
0x596: {  	v12 =	vld [tilespmem:s12+$0x8010];
	[tilespmem:s3+$0x20] =	vst v2  }
0x597: {  	v7 =	vld [tilespmem:s9+$0x8010];
	[tilespmem:s3+$0xFFFFFFC0] =	vst v3;
	s3 =	smov.u32 s11  }
0x598: {  	v2 =	vld [tilespmem:s6+$0xFFFFFFD0]  }
0x599: {  	v3 =	vld [tilespmem:s13+$0xFFFFFFE0]  }
0x59a: {  	v4 =	vld [tilespmem:s6+$0xFFFFFFE0]  }
0x59b: {  	v5 =	vld [tilespmem:s13+$0x0]  }
0x59c: {  	v13 =	vld [tilespmem:s6+$0x0]  }
0x59d: {  	v14 =	vld [tilespmem:s13+$0x20]  }
0x59e: {  	v15 =	vld [tilespmem:s6+$0x20]  }
0x59f: {  	v16 =	vld [tilespmem:s6+$0x10]  }
0x5a0: {  	v3 =	vmul.f32 v4, v3;
	v4 =	vld [tilespmem:s6+$0xFFFFFFF0]  }
0x5a1: {  	v17 =	vld [tilespmem:s10+$0x10];
	v5 =	vmul.f32 v13, v5  }
0x5a2: {  	[tilespmem:s13+$0xFFFFFFE0] =	vst v3;
	v3 =	vld [tilespmem:s9+$0x10]  }
0x5a3: {  	[tilespmem:s13+$0x0] =	vst v5;
	v5 =	vmul.f32 v15, v14;
	v13 =	vld [tilespmem:s12+$0x10]  }
0x5a4: {  	v14 =	vld [tilespmem:s6+$0x0]  }
0x5a5: {  	v10 =	vmul.f32 v2, v10;
	v15 =	vld [tilespmem:s6+$0xFFFFFFE0];
	[tilespmem:s13+$0x20] =	vst v5  }
0x5a6: {  	v2 =	vmul.f32 v4, v17;
	v4 =	vld [tilespmem:s11+$0x0]  }
0x5a7: {  	v5 =	vmul.f32 v9, v6;
	v9 =	vld [tilespmem:s11+$0xFFFFFFE0];
	v3 =	vmul.f32 v16, v3  }
0x5a8: {  	[tilespmem:s10+$0x10] =	vst v2;
	v2 =	vld [tilespmem:s6+$0x20];
	v6 =	vmul.f32 v11, v13  }
0x5a9: {  	v11 =	vld [tilespmem:s6+$0xFFFFFFF0];
	[tilespmem:s9+$0x10] =	vst v3  }
0x5aa: {  	v13 =	vld [tilespmem:s6+$0x10];
	[tilespmem:s12+$0x10] =	vst v6  }
0x5ab: {  	v4 =	vmul.f32 v14, v4;
	v14 =	vld [tilespmem:s6+$0x30]  }
.Ltmp9:
0x5ac: {  	[tilespmem:s13+$0xFFFFFFD0] =	vst v10;
	v3 =	vld [tilespmem:s11+$0x20];
	(pc) =	sbr.rel @p0 .LBB2_20-.Ltmp9, $4  }
0x5ad: {  	[tilespmem:s13+$0xFFFFFFC0] =	vst v5;
	v5 =	vld [tilespmem:s11+$0xFFFFFFD0]  }
0x5ae: {  	v10 =	vmul.f32 v15, v9;
	v6 =	vld [tilespmem:s6+$0xFFFFFFD0];
	v9 =	vmul.f32 v11, v8;
	[tilespmem:s11+$0x0] =	vst v4  }
0x5af: {  	v4 =	vld [tilespmem:s11+$0xFFFFFFC0];
	v8 =	vmul.f32 v13, v7  }
0x5b0: {  	s13 =	sadd.s32 $0x80, s13;
	v7 =	vld [tilespmem:s6+$0xFFFFFFC0];
	[tilespmem:s11+$0xFFFFFFE0] =	vst v10;
	v10 =	vmul.f32 v14, v12;
	s6 =	sadd.s32 $0x80, s6  }
0x5b1: {  	_ = 	snop  }
0x5b2: {  	[tilespmem:s10+$0x8010] =	vst v9  }
0x5b3: {  	[tilespmem:s9+$0x8010] =	vst v8;
	v2 =	vmul.f32 v2, v3  }
0x5b4: {  	[tilespmem:s12+$0x8010] =	vst v10;
	v5 =	vmul.f32 v6, v5  }
0x5b5: {  	[tilespmem:s3+$0x20] =	vst v2;
	v3 =	vmul.f32 v7, v4  }
0x5b6: {  	[tilespmem:s3+$0xFFFFFFD0] =	vst v5  }
0x5b7: {  	[tilespmem:s3+$0xFFFFFFC0] =	vst v3  }
0x5b8: {  	s7 =	simm.s32 $0x0;
	s6 =	simm.s32 $0x7;
	s3 =	rddreg [dreg:$0xf]  }
0x5b9: {  	[hbm4b:s3+s7] =	stream.linear.scatter [tilespmem:s7], [sflag:$0x7], $0x8000, $0x38;
	[tilespmem:$0x1AEE0] =	vst v63  }
0x5ba: {  	_ =	swait.ge [sflag:s6], $0x8000  }
0x5bb: {  	[sflag:s6] =	ssyncset.done $0x0  }
0x5bc: {  	s20 =	rddreg [dreg:$0x10];
	[sflag:s6] =	ssyncadd.s32 $0xFFFF8000  }
0x5bd: {  	[hbm4b:s20+s7] =	stream.linear.scatter [tilespmem:s31], [sflag:$0x7], $0x8000, $0x38;
	[tilespmem:$0x1AEE0] =	vst v63  }
0x5be: {  	_ =	swait.ge [sflag:s6], $0x8000  }
0x5bf: {  	[sflag:s6] =	ssyncset.done $0x0  }
0x5c0: {  	s12 =	simm.s32 $0x0;
	[sflag:s6] =	ssyncadd.s32 $0xFFFF8000  }
.LBB2_22:
0x5c1: {  	s3 =	simm.s32 $0x0  }
0x5c2: {  	s6 =	simm.s32 $0x0;
	s3 =	sand.u32 $0x1F000, s3  }
0x5c3: {  	s7 =	sand.u32 $0x380, s6;
	s3 =	sshrl.u32 s3, $0x2  }
0x5c4: {  	s3 =	sor.u32 s7, s3  }
0x5c5: {  	[tilespmem:s3+$0x70] =	vst v0  }
0x5c6: {  	[tilespmem:s3+$0x0] =	vst v0  }
0x5c7: {  	[tilespmem:s3+$0x10] =	vst v0  }
0x5c8: {  	[tilespmem:s3+$0x20] =	vst v0  }
0x5c9: {  	s7 =	simm.s32 $0x200;
	[tilespmem:s3+$0x30] =	vst v0  }
.LBB2_23:
0x5ca: {  	s6 =	sadd.s32 $0x80, s6;
	s9 =	sand.u32 $0x1F000, s7;
	[tilespmem:s3+$0x40] =	vst v0  }
0x5cb: {  	s10 =	sand.u32 $0x380, s6;
	s9 =	sshrl.u32 s9, $0x2;
	p0 =	slt.u32 s6, $0x7F80;
	[tilespmem:s3+$0x50] =	vst v0  }
0x5cc: {  	[tilespmem:s3+$0x60] =	vst v0;
	s3 =	sor.u32 s10, s9  }
.Ltmp10:
0x5cd: {  	s9 =	simm.s32 $0x0;
	[tilespmem:s3+$0x70] =	vst v0;
	(pc) =	sbr.rel @p0 .LBB2_23-.Ltmp10, $4  }
0x5ce: {  	[tilespmem:s3+$0x0] =	vst v0  }
0x5cf: {  	[tilespmem:s3+$0x10] =	vst v0  }
0x5d0: {  	[tilespmem:s3+$0x20] =	vst v0  }
0x5d1: {  	s7 =	sadd.s32 $0x200, s7;
	[tilespmem:s3+$0x30] =	vst v0  }
0x5d2: {  	[tilespmem:s3+$0x40] =	vst v0;
	s6 =	simm.s32 $0x0;
	s7 =	sand.u32 $0x1F000, s9  }
0x5d3: {  	[tilespmem:s3+$0x50] =	vst v0;
	s20 =	sand.u32 $0x380, s6;
	s7 =	sshrl.u32 s7, $0x2  }
0x5d4: {  	[tilespmem:s3+$0x60] =	vst v0;
	s3 =	sor.u32 s20, s7  }
0x5d5: {  	[tilespmem:s3+$0x8070] =	vst v0  }
0x5d6: {  	[tilespmem:s3+$0x8000] =	vst v0  }
0x5d7: {  	[tilespmem:s3+$0x8010] =	vst v0  }
0x5d8: {  	[tilespmem:s3+$0x8020] =	vst v0  }
0x5d9: {  	s7 =	simm.s32 $0x200;
	[tilespmem:s3+$0x8030] =	vst v0  }
.LBB2_25:
0x5da: {  	s6 =	sadd.s32 $0x80, s6;
	s9 =	sand.u32 $0x1F000, s7;
	[tilespmem:s3+$0x8040] =	vst v0  }
0x5db: {  	s10 =	sand.u32 $0x380, s6;
	s9 =	sshrl.u32 s9, $0x2;
	p0 =	slt.u32 s6, $0x7F80;
	[tilespmem:s3+$0x8050] =	vst v0  }
0x5dc: {  	[tilespmem:s3+$0x8060] =	vst v0;
	s3 =	sor.u32 s10, s9  }
.Ltmp11:
0x5dd: {  	[tilespmem:s3+$0x8070] =	vst v0;
	(pc) =	sbr.rel @p0 .LBB2_25-.Ltmp11, $4  }
0x5de: {  	[tilespmem:s3+$0x8000] =	vst v0  }
0x5df: {  	[tilespmem:s3+$0x8010] =	vst v0  }
0x5e0: {  	[tilespmem:s3+$0x8020] =	vst v0  }
0x5e1: {  	s7 =	sadd.s32 $0x200, s7;
	[tilespmem:s3+$0x8030] =	vst v0  }
0x5e2: {  	[tilespmem:s3+$0x8040] =	vst v0  }
0x5e3: {  	s12 =	sadd.s32 $0x1, s12;
	[tilespmem:s3+$0x8050] =	vst v0  }
0x5e4: {  	s6 =	sshll.u32 s12, $0x1;
	s7 =	rddreg [dreg:$0x4];
	[tilespmem:s3+$0x8060] =	vst v0  }
0x5e5: {  	s3 =	simm.s32 $0x0;
	s19 =	sadd.s32 s7, s6;
	s14 =	rddreg [dreg:$0x8]  }
0x5e6: {  	[tilespmem:s21], [sflag:$0x1] =	stream.linear.gather [hbm4b:s14+s3], $0x7D0, $0x38;
	[tilespmem:$0x1AEE0] =	vst v63  }
0x5e7: {  	s10 =	rddreg [dreg:$0x5];
	s6 =	smul.u32 $0x186A0, s19;
	s9 =	sor.u32 $0x1, s19  }
0x5e8: {  	[dreg:$0x13] =	wrdreg s9;
	s9 =	smul.u32 $0x186A0, s9  }
0x5e9: {  	s6 =	sadd.s32 s10, s6  }
0x5ea: {  	s15 =	sshrl.u32 s6, $0x3;
	s11 =	sadd.s32 s10, s9  }
0x5eb: {  	s7 =	sadd.s32 s8, s15;
	s9 =	sshrl.u32 s11, $0x3  }
0x5ec: {  	[tilespmem:s22], [sflag:$0x3] =	stream.linear.gather [hbm4b:s7+s3], $0x7D0, $0x38;
	[tilespmem:$0x1AEE0] =	vst v63  }
0x5ed: {  	s9 =	sadd.s32 s8, s9  }
0x5ee: {  	[tilespmem:s23], [sflag:$0x5] =	stream.linear.gather [hbm4b:s9+s3], $0x7D0, $0x38;
	[tilespmem:$0x1AEE0] =	vst v63  }
0x5ef: {  	s18 =	rddreg [dreg:$0xc]  }
0x5f0: {  	[tilespmem:s24], [sflag:$0x2] =	stream.linear.gather [hbm4b:s18+s3], $0x7D0, $0x38;
	[tilespmem:$0x1AEE0] =	vst v63  }
0x5f1: {  	s7 =	sadd.s32 $0xFA, s7  }
0x5f2: {  	[tilespmem:s25], [sflag:$0x4] =	stream.linear.gather [hbm4b:s7+s3], $0x7D0, $0x38;
	[tilespmem:$0x1AEE0] =	vst v63  }
0x5f3: {  	s20 =	sadd.s32 $0xFA, s9  }
0x5f4: {  	[tilespmem:s26], [sflag:$0x6] =	stream.linear.gather [hbm4b:s20+s3], $0x7D0, $0x38;
	[tilespmem:$0x1AEE0] =	vst v63  }
.LBB2_27:
0x5f5: {  	_ =	swait.ge [sflag:s28], $0x7D0  }
0x5f6: {  	[sflag:s28] =	ssyncset.done $0x0  }
0x5f7: {  	[sflag:s28] =	ssyncadd.s32 $0xFFFFF830  }
0x5f8: {  	_ =	swait.ge [sflag:s29], $0x7D0  }
0x5f9: {  	[sflag:s29] =	ssyncset.done $0x0  }
0x5fa: {  	[sflag:s29] =	ssyncadd.s32 $0xFFFFF830  }
0x5fb: {  	_ =	swait.ge [sflag:s30], $0x7D0  }
0x5fc: {  	[sflag:s30] =	ssyncset.done $0x0  }
0x5fd: {  	s7 =	simm.s32 $0x180C0;
	[sflag:s30] =	ssyncadd.s32 $0xFFFFF830  }
0x5fe: {  	v2 =	vld [tilespmem:s7+$0xC0]  }
0x5ff: {  	v3 =	vld [tilespmem:s7+$0xFFFFFF50]  }
0x600: {  	s15 =	simm.s32 $0x19060;
	v4 =	vld [tilespmem:s7+$0xFFFFFF60]  }
0x601: {  	v5 =	vld [tilespmem:s15+$0xC0]  }
0x602: {  	v6 =	vld [tilespmem:s7+$0xFFFFFF70]  }
0x603: {  	v7 =	vld [tilespmem:s7+$0xFFFFFF80]  }
0x604: {  	v8 =	vld [tilespmem:s7+$0xFFFFFF90]  }
0x605: {  	v9 =	vld [tilespmem:s7+$0xFFFFFFA0]  }
0x606: {  	v10 =	vld [tilespmem:s7+$0xFFFFFFB0]  }
0x607: {  	v11 =	vld [tilespmem:s7+$0xFFFFFFC0]  }
0x608: {  	v12 =	vld [tilespmem:s7+$0xFFFFFFD0]  }
0x609: {  	v13 =	vld [tilespmem:s7+$0xFFFFFFE0]  }
0x60a: {  	v63 =	vld [tilespmem:s7+$0x0]  }
0x60b: {  	v14 =	vld [tilespmem:s7+$0x10]  }
0x60c: {  	v15 =	vld [tilespmem:s7+$0x20]  }
0x60d: {  	v16 =	vld [tilespmem:s7+$0x30]  }
0x60e: {  	v17 =	vld [tilespmem:s7+$0x40]  }
0x60f: {  	v18 =	vld [tilespmem:s7+$0x50]  }
0x610: {  	v19 =	vld [tilespmem:s7+$0x60]  }
0x611: {  	v20 =	vld [tilespmem:s7+$0x70]  }
0x612: {  	v21 =	vld [tilespmem:s7+$0x80]  }
0x613: {  	v22 =	vld [tilespmem:s7+$0x90]  }
0x614: {  	v23 =	vld [tilespmem:s7+$0xA0]  }
0x615: {  	v24 =	vld [tilespmem:s7+$0xB0]  }
0x616: {  	v25 =	vld [tilespmem:s7+$0xFFFFFF40]  }
0x617: {  	v26 =	vld [tilespmem:s15+$0xFFFFFF40]  }
0x618: {  	v27 =	vld [tilespmem:s15+$0xFFFFFF50]  }
0x619: {  	v28 =	vld [tilespmem:s15+$0xFFFFFF60]  }
0x61a: {  	v29 =	vld [tilespmem:s15+$0xFFFFFF70]  }
0x61b: {  	v30 =	vld [tilespmem:s15+$0xFFFFFF80]  }
0x61c: {  	v31 =	vld [tilespmem:s15+$0xFFFFFF90]  }
0x61d: {  	v32 =	vld [tilespmem:s15+$0xFFFFFFA0]  }
0x61e: {  	v33 =	vld [tilespmem:s15+$0xFFFFFFB0]  }
0x61f: {  	v34 =	vld [tilespmem:s15+$0xFFFFFFC0]  }
0x620: {  	v35 =	vld [tilespmem:s15+$0xFFFFFFD0]  }
0x621: {  	v36 =	vld [tilespmem:s15+$0xFFFFFFE0]  }
0x622: {  	v37 =	vld [tilespmem:s15+$0xFFFFFFF0]  }
0x623: {  	v38 =	vld [tilespmem:s15+$0x0]  }
0x624: {  	v39 =	vld [tilespmem:s15+$0x10]  }
0x625: {  	v40 =	vld [tilespmem:s15+$0x20]  }
0x626: {  	v41 =	vld [tilespmem:s15+$0x30]  }
0x627: {  	v42 =	vld [tilespmem:s15+$0x40]  }
0x628: {  	v43 =	vld [tilespmem:s15+$0x50]  }
0x629: {  	v44 =	vld [tilespmem:s15+$0x60]  }
0x62a: {  	v45 =	vld [tilespmem:s15+$0x70]  }
0x62b: {  	v46 =	vld [tilespmem:s15+$0x80]  }
0x62c: {  	v47 =	vld [tilespmem:s15+$0x90]  }
0x62d: {  	v48 =	vld [tilespmem:s15+$0xA0]  }
0x62e: {  	v49 =	vld [tilespmem:s15+$0xB0]  }
0x62f: {  	[tilespmem:v2+s4+$0x0] =	vst.idx.add.f32.msk $0xffff, v5  }
0x630: {  	[tilespmem:v25+s4+$0x0] =	vst.idx.add.f32.msk $0xffff, v26  }
0x631: {  	[tilespmem:v3+s4+$0x0] =	vst.idx.add.f32.msk $0xffff, v27  }
0x632: {  	[tilespmem:v4+s4+$0x0] =	vst.idx.add.f32.msk $0xffff, v28  }
0x633: {  	[tilespmem:v6+s4+$0x0] =	vst.idx.add.f32.msk $0xffff, v29  }
0x634: {  	[tilespmem:v7+s4+$0x0] =	vst.idx.add.f32.msk $0xffff, v30  }
0x635: {  	[tilespmem:v8+s4+$0x0] =	vst.idx.add.f32.msk $0xffff, v31  }
0x636: {  	[tilespmem:v9+s4+$0x0] =	vst.idx.add.f32.msk $0xffff, v32  }
0x637: {  	[tilespmem:v10+s4+$0x0] =	vst.idx.add.f32.msk $0xffff, v33  }
0x638: {  	[tilespmem:v11+s4+$0x0] =	vst.idx.add.f32.msk $0xffff, v34  }
0x639: {  	[tilespmem:v12+s4+$0x0] =	vst.idx.add.f32.msk $0xffff, v35  }
0x63a: {  	[tilespmem:v13+s4+$0x0] =	vst.idx.add.f32.msk $0xffff, v36  }
0x63b: {  	[tilespmem:v63+s4+$0x0] =	vst.idx.add.f32.msk $0xffff, v38  }
0x63c: {  	[tilespmem:v14+s4+$0x0] =	vst.idx.add.f32.msk $0xffff, v39  }
0x63d: {  	[tilespmem:v15+s4+$0x0] =	vst.idx.add.f32.msk $0xffff, v40  }
0x63e: {  	[tilespmem:v16+s4+$0x0] =	vst.idx.add.f32.msk $0xffff, v41  }
0x63f: {  	[tilespmem:v17+s4+$0x0] =	vst.idx.add.f32.msk $0xffff, v42  }
0x640: {  	[tilespmem:v18+s4+$0x0] =	vst.idx.add.f32.msk $0xffff, v43  }
0x641: {  	[tilespmem:v19+s4+$0x0] =	vst.idx.add.f32.msk $0xffff, v44  }
0x642: {  	[tilespmem:v20+s4+$0x0] =	vst.idx.add.f32.msk $0xffff, v45  }
0x643: {  	[tilespmem:v21+s4+$0x0] =	vst.idx.add.f32.msk $0xffff, v46  }
0x644: {  	[tilespmem:v22+s4+$0x0] =	vst.idx.add.f32.msk $0xffff, v47  }
0x645: {  	[tilespmem:v23+s4+$0x0] =	vst.idx.add.f32.msk $0xffff, v48  }
0x646: {  	s20 =	simm.s32 $0x1A000;
	[tilespmem:v24+s4+$0x0] =	vst.idx.add.f32.msk $0xffff, v49  }
0x647: {  	v5 =	vld [tilespmem:s20+$0xC0]  }
0x648: {  	v26 =	vld [tilespmem:s20+$0xFFFFFF40]  }
0x649: {  	v27 =	vld [tilespmem:s20+$0xFFFFFF50]  }
0x64a: {  	v28 =	vld [tilespmem:s20+$0xFFFFFF60]  }
0x64b: {  	v29 =	vld [tilespmem:s20+$0xFFFFFF70]  }
0x64c: {  	v30 =	vld [tilespmem:s20+$0xFFFFFF80]  }
0x64d: {  	v31 =	vld [tilespmem:s20+$0xFFFFFF90]  }
0x64e: {  	v32 =	vld [tilespmem:s20+$0xFFFFFFA0]  }
0x64f: {  	v33 =	vld [tilespmem:s20+$0xFFFFFFB0]  }
0x650: {  	v34 =	vld [tilespmem:s20+$0xFFFFFFC0]  }
0x651: {  	v35 =	vld [tilespmem:s20+$0xFFFFFFD0]  }
0x652: {  	v36 =	vld [tilespmem:s20+$0xFFFFFFE0]  }
0x653: {  	v38 =	vld [tilespmem:s20+$0x0]  }
0x654: {  	v39 =	vld [tilespmem:s20+$0x10]  }
0x655: {  	v40 =	vld [tilespmem:s20+$0x20]  }
0x656: {  	v41 =	vld [tilespmem:s20+$0x30]  }
0x657: {  	v42 =	vld [tilespmem:s20+$0x40]  }
0x658: {  	v43 =	vld [tilespmem:s20+$0x50]  }
0x659: {  	v44 =	vld [tilespmem:s20+$0x60]  }
0x65a: {  	v45 =	vld [tilespmem:s20+$0x70]  }
0x65b: {  	v46 =	vld [tilespmem:s20+$0x80]  }
0x65c: {  	v47 =	vld [tilespmem:s20+$0x90]  }
0x65d: {  	v48 =	vld [tilespmem:s20+$0xA0]  }
0x65e: {  	v49 =	vld [tilespmem:s20+$0xB0]  }
0x65f: {  	[tilespmem:v2+s31+$0x0] =	vst.idx.add.f32.msk $0xffff, v5  }
0x660: {  	v2 =	vld [tilespmem:s7+$0xFFFFFFF0]  }
0x661: {  	[tilespmem:v25+s31+$0x0] =	vst.idx.add.f32.msk $0xffff, v26  }
0x662: {  	[tilespmem:v3+s31+$0x0] =	vst.idx.add.f32.msk $0xffff, v27  }
0x663: {  	[tilespmem:v4+s31+$0x0] =	vst.idx.add.f32.msk $0xffff, v28  }
0x664: {  	[tilespmem:v6+s31+$0x0] =	vst.idx.add.f32.msk $0xffff, v29  }
0x665: {  	[tilespmem:v7+s31+$0x0] =	vst.idx.add.f32.msk $0xffff, v30  }
0x666: {  	[tilespmem:v8+s31+$0x0] =	vst.idx.add.f32.msk $0xffff, v31  }
0x667: {  	[tilespmem:v9+s31+$0x0] =	vst.idx.add.f32.msk $0xffff, v32  }
0x668: {  	[tilespmem:v10+s31+$0x0] =	vst.idx.add.f32.msk $0xffff, v33  }
0x669: {  	[tilespmem:v11+s31+$0x0] =	vst.idx.add.f32.msk $0xffff, v34  }
0x66a: {  	[tilespmem:v12+s31+$0x0] =	vst.idx.add.f32.msk $0xffff, v35  }
0x66b: {  	[tilespmem:v13+s31+$0x0] =	vst.idx.add.f32.msk $0xffff, v36  }
0x66c: {  	[tilespmem:v63+s31+$0x0] =	vst.idx.add.f32.msk $0xffff, v38  }
0x66d: {  	[tilespmem:v14+s31+$0x0] =	vst.idx.add.f32.msk $0xffff, v39  }
0x66e: {  	[tilespmem:v15+s31+$0x0] =	vst.idx.add.f32.msk $0xffff, v40  }
0x66f: {  	[tilespmem:v16+s31+$0x0] =	vst.idx.add.f32.msk $0xffff, v41  }
0x670: {  	[tilespmem:v17+s31+$0x0] =	vst.idx.add.f32.msk $0xffff, v42  }
0x671: {  	[tilespmem:v18+s31+$0x0] =	vst.idx.add.f32.msk $0xffff, v43  }
0x672: {  	[tilespmem:v19+s31+$0x0] =	vst.idx.add.f32.msk $0xffff, v44  }
0x673: {  	[tilespmem:v20+s31+$0x0] =	vst.idx.add.f32.msk $0xffff, v45  }
0x674: {  	[tilespmem:v2+s4+$0x0] =	vst.idx.add.f32.msk $0xffff, v37  }
0x675: {  	v37 =	vld [tilespmem:s20+$0xFFFFFFF0]  }
0x676: {  	[tilespmem:v21+s31+$0x0] =	vst.idx.add.f32.msk $0xffff, v46  }
0x677: {  	[tilespmem:v22+s31+$0x0] =	vst.idx.add.f32.msk $0xffff, v47  }
0x678: {  	[tilespmem:v23+s31+$0x0] =	vst.idx.add.f32.msk $0xffff, v48  }
0x679: {  	[tilespmem:v24+s31+$0x0] =	vst.idx.add.f32.msk $0xffff, v49  }
0x67a: {  	s9 =	simm.s32 $0x18250;
	s7 =	simm.s32 $0x0;
	[tilespmem:v2+s31+$0x0] =	vst.idx.add.f32.msk $0xffff, v37  }
.LBB2_28:
0x67b: {  	v12 =	vld [tilespmem:s9+$0xC0];
	s7 =	sadd.s32 $0x190, s7  }
0x67c: {  	v2 =	vld [tilespmem:s9+$0xFFFFFF50];
	p0 =	slt.u32 s7, $0x640  }
0x67d: {  	s15 =	sadd.s32 $0x190, s15;
	v3 =	vld [tilespmem:s9+$0xFFFFFF60]  }
0x67e: {  	v8 =	vld [tilespmem:s15+$0xC0]  }
0x67f: {  	v4 =	vld [tilespmem:s9+$0xFFFFFF70]  }
0x680: {  	v5 =	vld [tilespmem:s9+$0xFFFFFF80]  }
0x681: {  	v6 =	vld [tilespmem:s9+$0xFFFFFF90]  }
0x682: {  	v7 =	vld [tilespmem:s9+$0xFFFFFFA0]  }
0x683: {  	s20 =	sadd.s32 $0x190, s20;
	[tilespmem:v12+s4+$0x0] =	vst.idx.add.f32.msk $0xffff, v8  }
0x684: {  	v13 =	vld [tilespmem:s20+$0xC0]  }
0x685: {  	v8 =	vld [tilespmem:s9+$0xFFFFFFB0]  }
0x686: {  	v9 =	vld [tilespmem:s9+$0xFFFFFFC0]  }
0x687: {  	v10 =	vld [tilespmem:s9+$0xFFFFFFD0]  }
0x688: {  	v11 =	vld [tilespmem:s9+$0xFFFFFFE0]  }
0x689: {  	[tilespmem:v12+s31+$0x0] =	vst.idx.add.f32.msk $0xffff, v13  }
0x68a: {  	v12 =	vld [tilespmem:s9+$0xFFFFFFF0]  }
0x68b: {  	v13 =	vld [tilespmem:s9+$0x0]  }
0x68c: {  	v14 =	vld [tilespmem:s9+$0x10]  }
0x68d: {  	v15 =	vld [tilespmem:s9+$0x20]  }
0x68e: {  	v16 =	vld [tilespmem:s9+$0x30]  }
0x68f: {  	v17 =	vld [tilespmem:s9+$0x40]  }
0x690: {  	v18 =	vld [tilespmem:s9+$0x50]  }
0x691: {  	v19 =	vld [tilespmem:s9+$0x60]  }
0x692: {  	v20 =	vld [tilespmem:s9+$0x70]  }
0x693: {  	v21 =	vld [tilespmem:s9+$0x80]  }
0x694: {  	v22 =	vld [tilespmem:s9+$0x90]  }
0x695: {  	v23 =	vld [tilespmem:s9+$0xA0]  }
0x696: {  	v24 =	vld [tilespmem:s9+$0xB0]  }
0x697: {  	v25 =	vld [tilespmem:s9+$0xFFFFFF40]  }
0x698: {  	v26 =	vld [tilespmem:s15+$0xFFFFFF40]  }
0x699: {  	v27 =	vld [tilespmem:s15+$0xFFFFFF50]  }
0x69a: {  	v28 =	vld [tilespmem:s15+$0xFFFFFF60]  }
0x69b: {  	v29 =	vld [tilespmem:s15+$0xFFFFFF70]  }
0x69c: {  	v30 =	vld [tilespmem:s15+$0xFFFFFF80]  }
0x69d: {  	v31 =	vld [tilespmem:s15+$0xFFFFFF90]  }
0x69e: {  	v32 =	vld [tilespmem:s15+$0xFFFFFFA0]  }
0x69f: {  	v33 =	vld [tilespmem:s15+$0xFFFFFFB0]  }
0x6a0: {  	v34 =	vld [tilespmem:s15+$0xFFFFFFC0]  }
0x6a1: {  	v35 =	vld [tilespmem:s15+$0xFFFFFFD0]  }
0x6a2: {  	v36 =	vld [tilespmem:s15+$0xFFFFFFE0]  }
0x6a3: {  	v37 =	vld [tilespmem:s15+$0xFFFFFFF0]  }
0x6a4: {  	v38 =	vld [tilespmem:s15+$0x0]  }
0x6a5: {  	v39 =	vld [tilespmem:s15+$0x10]  }
0x6a6: {  	v40 =	vld [tilespmem:s15+$0x20]  }
0x6a7: {  	v41 =	vld [tilespmem:s15+$0x30]  }
0x6a8: {  	v42 =	vld [tilespmem:s15+$0x40]  }
0x6a9: {  	v43 =	vld [tilespmem:s15+$0x50]  }
0x6aa: {  	v44 =	vld [tilespmem:s15+$0x60]  }
0x6ab: {  	v45 =	vld [tilespmem:s15+$0x70]  }
0x6ac: {  	v46 =	vld [tilespmem:s15+$0x80]  }
0x6ad: {  	v47 =	vld [tilespmem:s15+$0x90]  }
0x6ae: {  	v48 =	vld [tilespmem:s15+$0xA0]  }
0x6af: {  	v49 =	vld [tilespmem:s15+$0xB0]  }
0x6b0: {  	[tilespmem:v25+s4+$0x0] =	vst.idx.add.f32.msk $0xffff, v26  }
0x6b1: {  	[tilespmem:v2+s4+$0x0] =	vst.idx.add.f32.msk $0xffff, v27  }
0x6b2: {  	[tilespmem:v3+s4+$0x0] =	vst.idx.add.f32.msk $0xffff, v28  }
0x6b3: {  	[tilespmem:v4+s4+$0x0] =	vst.idx.add.f32.msk $0xffff, v29  }
0x6b4: {  	[tilespmem:v5+s4+$0x0] =	vst.idx.add.f32.msk $0xffff, v30  }
0x6b5: {  	[tilespmem:v6+s4+$0x0] =	vst.idx.add.f32.msk $0xffff, v31  }
0x6b6: {  	[tilespmem:v7+s4+$0x0] =	vst.idx.add.f32.msk $0xffff, v32  }
0x6b7: {  	[tilespmem:v8+s4+$0x0] =	vst.idx.add.f32.msk $0xffff, v33  }
0x6b8: {  	[tilespmem:v9+s4+$0x0] =	vst.idx.add.f32.msk $0xffff, v34  }
0x6b9: {  	[tilespmem:v10+s4+$0x0] =	vst.idx.add.f32.msk $0xffff, v35  }
0x6ba: {  	[tilespmem:v11+s4+$0x0] =	vst.idx.add.f32.msk $0xffff, v36  }
0x6bb: {  	[tilespmem:v12+s4+$0x0] =	vst.idx.add.f32.msk $0xffff, v37  }
0x6bc: {  	[tilespmem:v13+s4+$0x0] =	vst.idx.add.f32.msk $0xffff, v38  }
0x6bd: {  	[tilespmem:v14+s4+$0x0] =	vst.idx.add.f32.msk $0xffff, v39  }
0x6be: {  	[tilespmem:v15+s4+$0x0] =	vst.idx.add.f32.msk $0xffff, v40  }
0x6bf: {  	[tilespmem:v16+s4+$0x0] =	vst.idx.add.f32.msk $0xffff, v41  }
0x6c0: {  	[tilespmem:v17+s4+$0x0] =	vst.idx.add.f32.msk $0xffff, v42  }
0x6c1: {  	[tilespmem:v18+s4+$0x0] =	vst.idx.add.f32.msk $0xffff, v43  }
0x6c2: {  	[tilespmem:v19+s4+$0x0] =	vst.idx.add.f32.msk $0xffff, v44  }
0x6c3: {  	[tilespmem:v20+s4+$0x0] =	vst.idx.add.f32.msk $0xffff, v45  }
0x6c4: {  	[tilespmem:v21+s4+$0x0] =	vst.idx.add.f32.msk $0xffff, v46  }
0x6c5: {  	[tilespmem:v22+s4+$0x0] =	vst.idx.add.f32.msk $0xffff, v47  }
0x6c6: {  	[tilespmem:v23+s4+$0x0] =	vst.idx.add.f32.msk $0xffff, v48  }
0x6c7: {  	[tilespmem:v24+s4+$0x0] =	vst.idx.add.f32.msk $0xffff, v49  }
0x6c8: {  	v26 =	vld [tilespmem:s20+$0xFFFFFF40]  }
0x6c9: {  	v27 =	vld [tilespmem:s20+$0xFFFFFF50]  }
0x6ca: {  	v28 =	vld [tilespmem:s20+$0xFFFFFF60]  }
0x6cb: {  	v29 =	vld [tilespmem:s20+$0xFFFFFF70]  }
0x6cc: {  	v30 =	vld [tilespmem:s20+$0xFFFFFF80]  }
0x6cd: {  	v31 =	vld [tilespmem:s20+$0xFFFFFF90]  }
0x6ce: {  	v32 =	vld [tilespmem:s20+$0xFFFFFFA0]  }
0x6cf: {  	v33 =	vld [tilespmem:s20+$0xFFFFFFB0]  }
0x6d0: {  	v34 =	vld [tilespmem:s20+$0xFFFFFFC0]  }
0x6d1: {  	v35 =	vld [tilespmem:s20+$0xFFFFFFD0]  }
0x6d2: {  	v36 =	vld [tilespmem:s20+$0xFFFFFFE0]  }
0x6d3: {  	v37 =	vld [tilespmem:s20+$0xFFFFFFF0]  }
0x6d4: {  	v38 =	vld [tilespmem:s20+$0x0]  }
0x6d5: {  	v39 =	vld [tilespmem:s20+$0x10]  }
0x6d6: {  	v40 =	vld [tilespmem:s20+$0x20]  }
0x6d7: {  	v41 =	vld [tilespmem:s20+$0x30]  }
0x6d8: {  	v42 =	vld [tilespmem:s20+$0x40]  }
0x6d9: {  	v43 =	vld [tilespmem:s20+$0x50]  }
0x6da: {  	v44 =	vld [tilespmem:s20+$0x60]  }
0x6db: {  	v45 =	vld [tilespmem:s20+$0x70]  }
0x6dc: {  	v46 =	vld [tilespmem:s20+$0x80]  }
0x6dd: {  	v47 =	vld [tilespmem:s20+$0x90]  }
0x6de: {  	v48 =	vld [tilespmem:s20+$0xA0]  }
0x6df: {  	v49 =	vld [tilespmem:s20+$0xB0]  }
0x6e0: {  	[tilespmem:v25+s31+$0x0] =	vst.idx.add.f32.msk $0xffff, v26  }
0x6e1: {  	[tilespmem:v2+s31+$0x0] =	vst.idx.add.f32.msk $0xffff, v27  }
0x6e2: {  	[tilespmem:v3+s31+$0x0] =	vst.idx.add.f32.msk $0xffff, v28  }
0x6e3: {  	[tilespmem:v4+s31+$0x0] =	vst.idx.add.f32.msk $0xffff, v29  }
0x6e4: {  	[tilespmem:v5+s31+$0x0] =	vst.idx.add.f32.msk $0xffff, v30  }
0x6e5: {  	[tilespmem:v6+s31+$0x0] =	vst.idx.add.f32.msk $0xffff, v31  }
0x6e6: {  	[tilespmem:v7+s31+$0x0] =	vst.idx.add.f32.msk $0xffff, v32  }
0x6e7: {  	[tilespmem:v8+s31+$0x0] =	vst.idx.add.f32.msk $0xffff, v33  }
0x6e8: {  	[tilespmem:v9+s31+$0x0] =	vst.idx.add.f32.msk $0xffff, v34  }
0x6e9: {  	[tilespmem:v10+s31+$0x0] =	vst.idx.add.f32.msk $0xffff, v35  }
0x6ea: {  	[tilespmem:v11+s31+$0x0] =	vst.idx.add.f32.msk $0xffff, v36  }
0x6eb: {  	[tilespmem:v12+s31+$0x0] =	vst.idx.add.f32.msk $0xffff, v37  }
0x6ec: {  	[tilespmem:v13+s31+$0x0] =	vst.idx.add.f32.msk $0xffff, v38  }
0x6ed: {  	[tilespmem:v14+s31+$0x0] =	vst.idx.add.f32.msk $0xffff, v39  }
0x6ee: {  	[tilespmem:v15+s31+$0x0] =	vst.idx.add.f32.msk $0xffff, v40  }
0x6ef: {  	[tilespmem:v16+s31+$0x0] =	vst.idx.add.f32.msk $0xffff, v41  }
0x6f0: {  	[tilespmem:v17+s31+$0x0] =	vst.idx.add.f32.msk $0xffff, v42  }
0x6f1: {  	[tilespmem:v18+s31+$0x0] =	vst.idx.add.f32.msk $0xffff, v43  }
0x6f2: {  	[tilespmem:v19+s31+$0x0] =	vst.idx.add.f32.msk $0xffff, v44  }
.Ltmp12:
0x6f3: {  	[tilespmem:v20+s31+$0x0] =	vst.idx.add.f32.msk $0xffff, v45;
	(pc) =	sbr.rel @p0 .LBB2_28-.Ltmp12, $4  }
0x6f4: {  	[tilespmem:v21+s31+$0x0] =	vst.idx.add.f32.msk $0xffff, v46  }
0x6f5: {  	[tilespmem:v22+s31+$0x0] =	vst.idx.add.f32.msk $0xffff, v47  }
0x6f6: {  	[tilespmem:v23+s31+$0x0] =	vst.idx.add.f32.msk $0xffff, v48  }
0x6f7: {  	s9 =	sadd.s32 $0x190, s9;
	[tilespmem:v24+s31+$0x0] =	vst.idx.add.f32.msk $0xffff, v49  }
0x6f8: {  	s15 =	smul.u32 $0xFA0, s3;
	_ =	sdelay $0x1  }
0x6f9: {  	s7 =	sadd.s32 $0xFA0, s15  }
0x6fa: {  	s9 =	sadd.s32 s5, s7  }
0x6fb: {  	s9 =	sshrl.u32 s9, $0x3  }
0x6fc: {  	s14 =	sadd.s32 s6, s7;
	s9 =	sadd.s32 s2, s9  }
0x6fd: {  	[tilespmem:s21], [sflag:$0x1] =	stream.linear.gather [hbm4b:s9+s4], $0x7D0, $0x38;
	[tilespmem:$0x1AEE0] =	vst v63  }
0x6fe: {  	s7 =	sadd.s32 s11, s7;
	s9 =	sshrl.u32 s14, $0x3  }
0x6ff: {  	s7 =	sshrl.u32 s7, $0x3;
	s9 =	sadd.s32 s8, s9  }
0x700: {  	[tilespmem:s22], [sflag:$0x3] =	stream.linear.gather [hbm4b:s9+s4], $0x7D0, $0x38;
	[tilespmem:$0x1AEE0] =	vst v63  }
0x701: {  	s7 =	sadd.s32 s8, s7  }
0x702: {  	[tilespmem:s23], [sflag:$0x5] =	stream.linear.gather [hbm4b:s7+s4], $0x7D0, $0x38;
	[tilespmem:$0x1AEE0] =	vst v63  }
0x703: {  	_ =	swait.ge [sflag:s1], $0x7D0  }
0x704: {  	[sflag:s1] =	ssyncset.done $0x0  }
0x705: {  	[sflag:s1] =	ssyncadd.s32 $0xFFFFF830  }
0x706: {  	_ =	swait.ge [sflag:s16], $0x7D0  }
0x707: {  	[sflag:s16] =	ssyncset.done $0x0  }
0x708: {  	[sflag:s16] =	ssyncadd.s32 $0xFFFFF830  }
0x709: {  	_ =	swait.ge [sflag:s17], $0x7D0  }
0x70a: {  	[sflag:s17] =	ssyncset.done $0x0  }
0x70b: {  	s18 =	simm.s32 $0x18890;
	[sflag:s17] =	ssyncadd.s32 $0xFFFFF830  }
0x70c: {  	v2 =	vld [tilespmem:s18+$0xC0]  }
0x70d: {  	v3 =	vld [tilespmem:s18+$0xFFFFFF50]  }
0x70e: {  	s20 =	simm.s32 $0x19830;
	v4 =	vld [tilespmem:s18+$0xFFFFFF60]  }
0x70f: {  	v5 =	vld [tilespmem:s20+$0xC0]  }
0x710: {  	v6 =	vld [tilespmem:s18+$0xFFFFFF70]  }
0x711: {  	v7 =	vld [tilespmem:s18+$0xFFFFFF80]  }
0x712: {  	v8 =	vld [tilespmem:s18+$0xFFFFFF90]  }
0x713: {  	v9 =	vld [tilespmem:s18+$0xFFFFFFA0]  }
0x714: {  	v10 =	vld [tilespmem:s18+$0xFFFFFFB0]  }
0x715: {  	v11 =	vld [tilespmem:s18+$0xFFFFFFC0]  }
0x716: {  	v12 =	vld [tilespmem:s18+$0xFFFFFFD0]  }
0x717: {  	v13 =	vld [tilespmem:s18+$0xFFFFFFE0]  }
0x718: {  	v63 =	vld [tilespmem:s18+$0x0]  }
0x719: {  	v14 =	vld [tilespmem:s18+$0x10]  }
0x71a: {  	v15 =	vld [tilespmem:s18+$0x20]  }
0x71b: {  	v16 =	vld [tilespmem:s18+$0x30]  }
0x71c: {  	v17 =	vld [tilespmem:s18+$0x40]  }
0x71d: {  	v18 =	vld [tilespmem:s18+$0x50]  }
0x71e: {  	v19 =	vld [tilespmem:s18+$0x60]  }
0x71f: {  	v20 =	vld [tilespmem:s18+$0x70]  }
0x720: {  	v21 =	vld [tilespmem:s18+$0x80]  }
0x721: {  	v22 =	vld [tilespmem:s18+$0x90]  }
0x722: {  	v23 =	vld [tilespmem:s18+$0xA0]  }
0x723: {  	v24 =	vld [tilespmem:s18+$0xB0]  }
0x724: {  	v25 =	vld [tilespmem:s18+$0xFFFFFF40]  }
0x725: {  	v26 =	vld [tilespmem:s20+$0xFFFFFF40]  }
0x726: {  	v27 =	vld [tilespmem:s20+$0xFFFFFF50]  }
0x727: {  	v28 =	vld [tilespmem:s20+$0xFFFFFF60]  }
0x728: {  	v29 =	vld [tilespmem:s20+$0xFFFFFF70]  }
0x729: {  	v30 =	vld [tilespmem:s20+$0xFFFFFF80]  }
0x72a: {  	v31 =	vld [tilespmem:s20+$0xFFFFFF90]  }
0x72b: {  	v32 =	vld [tilespmem:s20+$0xFFFFFFA0]  }
0x72c: {  	v33 =	vld [tilespmem:s20+$0xFFFFFFB0]  }
0x72d: {  	v34 =	vld [tilespmem:s20+$0xFFFFFFC0]  }
0x72e: {  	v35 =	vld [tilespmem:s20+$0xFFFFFFD0]  }
0x72f: {  	v36 =	vld [tilespmem:s20+$0xFFFFFFE0]  }
0x730: {  	v37 =	vld [tilespmem:s20+$0xFFFFFFF0]  }
0x731: {  	v38 =	vld [tilespmem:s20+$0x0]  }
0x732: {  	v39 =	vld [tilespmem:s20+$0x10]  }
0x733: {  	v40 =	vld [tilespmem:s20+$0x20]  }
0x734: {  	v41 =	vld [tilespmem:s20+$0x30]  }
0x735: {  	v42 =	vld [tilespmem:s20+$0x40]  }
0x736: {  	v43 =	vld [tilespmem:s20+$0x50]  }
0x737: {  	v44 =	vld [tilespmem:s20+$0x60]  }
0x738: {  	v45 =	vld [tilespmem:s20+$0x70]  }
0x739: {  	v46 =	vld [tilespmem:s20+$0x80]  }
0x73a: {  	v47 =	vld [tilespmem:s20+$0x90]  }
0x73b: {  	v48 =	vld [tilespmem:s20+$0xA0]  }
0x73c: {  	v49 =	vld [tilespmem:s20+$0xB0]  }
0x73d: {  	[tilespmem:v2+s4+$0x0] =	vst.idx.add.f32.msk $0xffff, v5  }
0x73e: {  	[tilespmem:v25+s4+$0x0] =	vst.idx.add.f32.msk $0xffff, v26  }
0x73f: {  	[tilespmem:v3+s4+$0x0] =	vst.idx.add.f32.msk $0xffff, v27  }
0x740: {  	[tilespmem:v4+s4+$0x0] =	vst.idx.add.f32.msk $0xffff, v28  }
0x741: {  	[tilespmem:v6+s4+$0x0] =	vst.idx.add.f32.msk $0xffff, v29  }
0x742: {  	[tilespmem:v7+s4+$0x0] =	vst.idx.add.f32.msk $0xffff, v30  }
0x743: {  	[tilespmem:v8+s4+$0x0] =	vst.idx.add.f32.msk $0xffff, v31  }
0x744: {  	[tilespmem:v9+s4+$0x0] =	vst.idx.add.f32.msk $0xffff, v32  }
0x745: {  	[tilespmem:v10+s4+$0x0] =	vst.idx.add.f32.msk $0xffff, v33  }
0x746: {  	[tilespmem:v11+s4+$0x0] =	vst.idx.add.f32.msk $0xffff, v34  }
0x747: {  	[tilespmem:v12+s4+$0x0] =	vst.idx.add.f32.msk $0xffff, v35  }
0x748: {  	[tilespmem:v13+s4+$0x0] =	vst.idx.add.f32.msk $0xffff, v36  }
0x749: {  	[tilespmem:v63+s4+$0x0] =	vst.idx.add.f32.msk $0xffff, v38  }
0x74a: {  	[tilespmem:v14+s4+$0x0] =	vst.idx.add.f32.msk $0xffff, v39  }
0x74b: {  	[tilespmem:v15+s4+$0x0] =	vst.idx.add.f32.msk $0xffff, v40  }
0x74c: {  	[tilespmem:v16+s4+$0x0] =	vst.idx.add.f32.msk $0xffff, v41  }
0x74d: {  	[tilespmem:v17+s4+$0x0] =	vst.idx.add.f32.msk $0xffff, v42  }
0x74e: {  	[tilespmem:v18+s4+$0x0] =	vst.idx.add.f32.msk $0xffff, v43  }
0x74f: {  	[tilespmem:v19+s4+$0x0] =	vst.idx.add.f32.msk $0xffff, v44  }
0x750: {  	[tilespmem:v20+s4+$0x0] =	vst.idx.add.f32.msk $0xffff, v45  }
0x751: {  	[tilespmem:v21+s4+$0x0] =	vst.idx.add.f32.msk $0xffff, v46  }
0x752: {  	[tilespmem:v22+s4+$0x0] =	vst.idx.add.f32.msk $0xffff, v47  }
0x753: {  	[tilespmem:v23+s4+$0x0] =	vst.idx.add.f32.msk $0xffff, v48  }
0x754: {  	s7 =	simm.s32 $0x1A7D0;
	[tilespmem:v24+s4+$0x0] =	vst.idx.add.f32.msk $0xffff, v49  }
0x755: {  	v5 =	vld [tilespmem:s7+$0xC0]  }
0x756: {  	v26 =	vld [tilespmem:s7+$0xFFFFFF40]  }
0x757: {  	v27 =	vld [tilespmem:s7+$0xFFFFFF50]  }
0x758: {  	v28 =	vld [tilespmem:s7+$0xFFFFFF60]  }
0x759: {  	v29 =	vld [tilespmem:s7+$0xFFFFFF70]  }
0x75a: {  	v30 =	vld [tilespmem:s7+$0xFFFFFF80]  }
0x75b: {  	v31 =	vld [tilespmem:s7+$0xFFFFFF90]  }
0x75c: {  	v32 =	vld [tilespmem:s7+$0xFFFFFFA0]  }
0x75d: {  	v33 =	vld [tilespmem:s7+$0xFFFFFFB0]  }
0x75e: {  	v34 =	vld [tilespmem:s7+$0xFFFFFFC0]  }
0x75f: {  	v35 =	vld [tilespmem:s7+$0xFFFFFFD0]  }
0x760: {  	v36 =	vld [tilespmem:s7+$0xFFFFFFE0]  }
0x761: {  	v38 =	vld [tilespmem:s7+$0x0]  }
0x762: {  	v39 =	vld [tilespmem:s7+$0x10]  }
0x763: {  	v40 =	vld [tilespmem:s7+$0x20]  }
0x764: {  	v41 =	vld [tilespmem:s7+$0x30]  }
0x765: {  	v42 =	vld [tilespmem:s7+$0x40]  }
0x766: {  	v43 =	vld [tilespmem:s7+$0x50]  }
0x767: {  	v44 =	vld [tilespmem:s7+$0x60]  }
0x768: {  	v45 =	vld [tilespmem:s7+$0x70]  }
0x769: {  	v46 =	vld [tilespmem:s7+$0x80]  }
0x76a: {  	v47 =	vld [tilespmem:s7+$0x90]  }
0x76b: {  	v48 =	vld [tilespmem:s7+$0xA0]  }
0x76c: {  	v49 =	vld [tilespmem:s7+$0xB0]  }
0x76d: {  	[tilespmem:v2+s31+$0x0] =	vst.idx.add.f32.msk $0xffff, v5  }
0x76e: {  	v2 =	vld [tilespmem:s18+$0xFFFFFFF0]  }
0x76f: {  	[tilespmem:v25+s31+$0x0] =	vst.idx.add.f32.msk $0xffff, v26  }
0x770: {  	[tilespmem:v3+s31+$0x0] =	vst.idx.add.f32.msk $0xffff, v27  }
0x771: {  	[tilespmem:v4+s31+$0x0] =	vst.idx.add.f32.msk $0xffff, v28  }
0x772: {  	[tilespmem:v6+s31+$0x0] =	vst.idx.add.f32.msk $0xffff, v29  }
0x773: {  	[tilespmem:v7+s31+$0x0] =	vst.idx.add.f32.msk $0xffff, v30  }
0x774: {  	[tilespmem:v8+s31+$0x0] =	vst.idx.add.f32.msk $0xffff, v31  }
0x775: {  	[tilespmem:v9+s31+$0x0] =	vst.idx.add.f32.msk $0xffff, v32  }
0x776: {  	[tilespmem:v10+s31+$0x0] =	vst.idx.add.f32.msk $0xffff, v33  }
0x777: {  	[tilespmem:v11+s31+$0x0] =	vst.idx.add.f32.msk $0xffff, v34  }
0x778: {  	[tilespmem:v12+s31+$0x0] =	vst.idx.add.f32.msk $0xffff, v35  }
0x779: {  	[tilespmem:v13+s31+$0x0] =	vst.idx.add.f32.msk $0xffff, v36  }
0x77a: {  	[tilespmem:v63+s31+$0x0] =	vst.idx.add.f32.msk $0xffff, v38  }
0x77b: {  	[tilespmem:v14+s31+$0x0] =	vst.idx.add.f32.msk $0xffff, v39  }
0x77c: {  	[tilespmem:v15+s31+$0x0] =	vst.idx.add.f32.msk $0xffff, v40  }
0x77d: {  	[tilespmem:v16+s31+$0x0] =	vst.idx.add.f32.msk $0xffff, v41  }
0x77e: {  	[tilespmem:v17+s31+$0x0] =	vst.idx.add.f32.msk $0xffff, v42  }
0x77f: {  	[tilespmem:v18+s31+$0x0] =	vst.idx.add.f32.msk $0xffff, v43  }
0x780: {  	[tilespmem:v19+s31+$0x0] =	vst.idx.add.f32.msk $0xffff, v44  }
0x781: {  	[tilespmem:v20+s31+$0x0] =	vst.idx.add.f32.msk $0xffff, v45  }
0x782: {  	[tilespmem:v2+s4+$0x0] =	vst.idx.add.f32.msk $0xffff, v37  }
0x783: {  	v37 =	vld [tilespmem:s7+$0xFFFFFFF0]  }
0x784: {  	[tilespmem:v21+s31+$0x0] =	vst.idx.add.f32.msk $0xffff, v46  }
0x785: {  	[tilespmem:v22+s31+$0x0] =	vst.idx.add.f32.msk $0xffff, v47  }
0x786: {  	[tilespmem:v23+s31+$0x0] =	vst.idx.add.f32.msk $0xffff, v48  }
0x787: {  	[tilespmem:v24+s31+$0x0] =	vst.idx.add.f32.msk $0xffff, v49  }
0x788: {  	s10 =	simm.s32 $0x18A20;
	s9 =	simm.s32 $0x0;
	[tilespmem:v2+s31+$0x0] =	vst.idx.add.f32.msk $0xffff, v37  }
.LBB2_30:
0x789: {  	v12 =	vld [tilespmem:s10+$0xC0];
	s9 =	sadd.s32 $0x190, s9  }
0x78a: {  	v2 =	vld [tilespmem:s10+$0xFFFFFF50];
	p0 =	slt.u32 s9, $0x640  }
0x78b: {  	s20 =	sadd.s32 $0x190, s20;
	v3 =	vld [tilespmem:s10+$0xFFFFFF60]  }
0x78c: {  	v8 =	vld [tilespmem:s20+$0xC0]  }
0x78d: {  	v4 =	vld [tilespmem:s10+$0xFFFFFF70]  }
0x78e: {  	v5 =	vld [tilespmem:s10+$0xFFFFFF80]  }
0x78f: {  	v6 =	vld [tilespmem:s10+$0xFFFFFF90]  }
0x790: {  	v7 =	vld [tilespmem:s10+$0xFFFFFFA0]  }
0x791: {  	s7 =	sadd.s32 $0x190, s7;
	[tilespmem:v12+s4+$0x0] =	vst.idx.add.f32.msk $0xffff, v8  }
0x792: {  	v13 =	vld [tilespmem:s7+$0xC0]  }
0x793: {  	v8 =	vld [tilespmem:s10+$0xFFFFFFB0]  }
0x794: {  	v9 =	vld [tilespmem:s10+$0xFFFFFFC0]  }
0x795: {  	v10 =	vld [tilespmem:s10+$0xFFFFFFD0]  }
0x796: {  	v11 =	vld [tilespmem:s10+$0xFFFFFFE0]  }
0x797: {  	[tilespmem:v12+s31+$0x0] =	vst.idx.add.f32.msk $0xffff, v13  }
0x798: {  	v12 =	vld [tilespmem:s10+$0xFFFFFFF0]  }
0x799: {  	v13 =	vld [tilespmem:s10+$0x0]  }
0x79a: {  	v14 =	vld [tilespmem:s10+$0x10]  }
0x79b: {  	v15 =	vld [tilespmem:s10+$0x20]  }
0x79c: {  	v16 =	vld [tilespmem:s10+$0x30]  }
0x79d: {  	v17 =	vld [tilespmem:s10+$0x40]  }
0x79e: {  	v18 =	vld [tilespmem:s10+$0x50]  }
0x79f: {  	v19 =	vld [tilespmem:s10+$0x60]  }
0x7a0: {  	v20 =	vld [tilespmem:s10+$0x70]  }
0x7a1: {  	v21 =	vld [tilespmem:s10+$0x80]  }
0x7a2: {  	v22 =	vld [tilespmem:s10+$0x90]  }
0x7a3: {  	v23 =	vld [tilespmem:s10+$0xA0]  }
0x7a4: {  	v24 =	vld [tilespmem:s10+$0xB0]  }
0x7a5: {  	v25 =	vld [tilespmem:s10+$0xFFFFFF40]  }
0x7a6: {  	v26 =	vld [tilespmem:s20+$0xFFFFFF40]  }
0x7a7: {  	v27 =	vld [tilespmem:s20+$0xFFFFFF50]  }
0x7a8: {  	v28 =	vld [tilespmem:s20+$0xFFFFFF60]  }
0x7a9: {  	v29 =	vld [tilespmem:s20+$0xFFFFFF70]  }
0x7aa: {  	v30 =	vld [tilespmem:s20+$0xFFFFFF80]  }
0x7ab: {  	v31 =	vld [tilespmem:s20+$0xFFFFFF90]  }
0x7ac: {  	v32 =	vld [tilespmem:s20+$0xFFFFFFA0]  }
0x7ad: {  	v33 =	vld [tilespmem:s20+$0xFFFFFFB0]  }
0x7ae: {  	v34 =	vld [tilespmem:s20+$0xFFFFFFC0]  }
0x7af: {  	v35 =	vld [tilespmem:s20+$0xFFFFFFD0]  }
0x7b0: {  	v36 =	vld [tilespmem:s20+$0xFFFFFFE0]  }
0x7b1: {  	v37 =	vld [tilespmem:s20+$0xFFFFFFF0]  }
0x7b2: {  	v38 =	vld [tilespmem:s20+$0x0]  }
0x7b3: {  	v39 =	vld [tilespmem:s20+$0x10]  }
0x7b4: {  	v40 =	vld [tilespmem:s20+$0x20]  }
0x7b5: {  	v41 =	vld [tilespmem:s20+$0x30]  }
0x7b6: {  	v42 =	vld [tilespmem:s20+$0x40]  }
0x7b7: {  	v43 =	vld [tilespmem:s20+$0x50]  }
0x7b8: {  	v44 =	vld [tilespmem:s20+$0x60]  }
0x7b9: {  	v45 =	vld [tilespmem:s20+$0x70]  }
0x7ba: {  	v46 =	vld [tilespmem:s20+$0x80]  }
0x7bb: {  	v47 =	vld [tilespmem:s20+$0x90]  }
0x7bc: {  	v48 =	vld [tilespmem:s20+$0xA0]  }
0x7bd: {  	v49 =	vld [tilespmem:s20+$0xB0]  }
0x7be: {  	[tilespmem:v25+s4+$0x0] =	vst.idx.add.f32.msk $0xffff, v26  }
0x7bf: {  	[tilespmem:v2+s4+$0x0] =	vst.idx.add.f32.msk $0xffff, v27  }
0x7c0: {  	[tilespmem:v3+s4+$0x0] =	vst.idx.add.f32.msk $0xffff, v28  }
0x7c1: {  	[tilespmem:v4+s4+$0x0] =	vst.idx.add.f32.msk $0xffff, v29  }
0x7c2: {  	[tilespmem:v5+s4+$0x0] =	vst.idx.add.f32.msk $0xffff, v30  }
0x7c3: {  	[tilespmem:v6+s4+$0x0] =	vst.idx.add.f32.msk $0xffff, v31  }
0x7c4: {  	[tilespmem:v7+s4+$0x0] =	vst.idx.add.f32.msk $0xffff, v32  }
0x7c5: {  	[tilespmem:v8+s4+$0x0] =	vst.idx.add.f32.msk $0xffff, v33  }
0x7c6: {  	[tilespmem:v9+s4+$0x0] =	vst.idx.add.f32.msk $0xffff, v34  }
0x7c7: {  	[tilespmem:v10+s4+$0x0] =	vst.idx.add.f32.msk $0xffff, v35  }
0x7c8: {  	[tilespmem:v11+s4+$0x0] =	vst.idx.add.f32.msk $0xffff, v36  }
0x7c9: {  	[tilespmem:v12+s4+$0x0] =	vst.idx.add.f32.msk $0xffff, v37  }
0x7ca: {  	[tilespmem:v13+s4+$0x0] =	vst.idx.add.f32.msk $0xffff, v38  }
0x7cb: {  	[tilespmem:v14+s4+$0x0] =	vst.idx.add.f32.msk $0xffff, v39  }
0x7cc: {  	[tilespmem:v15+s4+$0x0] =	vst.idx.add.f32.msk $0xffff, v40  }
0x7cd: {  	[tilespmem:v16+s4+$0x0] =	vst.idx.add.f32.msk $0xffff, v41  }
0x7ce: {  	[tilespmem:v17+s4+$0x0] =	vst.idx.add.f32.msk $0xffff, v42  }
0x7cf: {  	[tilespmem:v18+s4+$0x0] =	vst.idx.add.f32.msk $0xffff, v43  }
0x7d0: {  	[tilespmem:v19+s4+$0x0] =	vst.idx.add.f32.msk $0xffff, v44  }
0x7d1: {  	[tilespmem:v20+s4+$0x0] =	vst.idx.add.f32.msk $0xffff, v45  }
0x7d2: {  	[tilespmem:v21+s4+$0x0] =	vst.idx.add.f32.msk $0xffff, v46  }
0x7d3: {  	[tilespmem:v22+s4+$0x0] =	vst.idx.add.f32.msk $0xffff, v47  }
0x7d4: {  	[tilespmem:v23+s4+$0x0] =	vst.idx.add.f32.msk $0xffff, v48  }
0x7d5: {  	[tilespmem:v24+s4+$0x0] =	vst.idx.add.f32.msk $0xffff, v49  }
0x7d6: {  	v26 =	vld [tilespmem:s7+$0xFFFFFF40]  }
0x7d7: {  	v27 =	vld [tilespmem:s7+$0xFFFFFF50]  }
0x7d8: {  	v28 =	vld [tilespmem:s7+$0xFFFFFF60]  }
0x7d9: {  	v29 =	vld [tilespmem:s7+$0xFFFFFF70]  }
0x7da: {  	v30 =	vld [tilespmem:s7+$0xFFFFFF80]  }
0x7db: {  	v31 =	vld [tilespmem:s7+$0xFFFFFF90]  }
0x7dc: {  	v32 =	vld [tilespmem:s7+$0xFFFFFFA0]  }
0x7dd: {  	v33 =	vld [tilespmem:s7+$0xFFFFFFB0]  }
0x7de: {  	v34 =	vld [tilespmem:s7+$0xFFFFFFC0]  }
0x7df: {  	v35 =	vld [tilespmem:s7+$0xFFFFFFD0]  }
0x7e0: {  	v36 =	vld [tilespmem:s7+$0xFFFFFFE0]  }
0x7e1: {  	v37 =	vld [tilespmem:s7+$0xFFFFFFF0]  }
0x7e2: {  	v38 =	vld [tilespmem:s7+$0x0]  }
0x7e3: {  	v39 =	vld [tilespmem:s7+$0x10]  }
0x7e4: {  	v40 =	vld [tilespmem:s7+$0x20]  }
0x7e5: {  	v41 =	vld [tilespmem:s7+$0x30]  }
0x7e6: {  	v42 =	vld [tilespmem:s7+$0x40]  }
0x7e7: {  	v43 =	vld [tilespmem:s7+$0x50]  }
0x7e8: {  	v44 =	vld [tilespmem:s7+$0x60]  }
0x7e9: {  	v45 =	vld [tilespmem:s7+$0x70]  }
0x7ea: {  	v46 =	vld [tilespmem:s7+$0x80]  }
0x7eb: {  	v47 =	vld [tilespmem:s7+$0x90]  }
0x7ec: {  	v48 =	vld [tilespmem:s7+$0xA0]  }
0x7ed: {  	v49 =	vld [tilespmem:s7+$0xB0]  }
0x7ee: {  	[tilespmem:v25+s31+$0x0] =	vst.idx.add.f32.msk $0xffff, v26  }
0x7ef: {  	[tilespmem:v2+s31+$0x0] =	vst.idx.add.f32.msk $0xffff, v27  }
0x7f0: {  	[tilespmem:v3+s31+$0x0] =	vst.idx.add.f32.msk $0xffff, v28  }
0x7f1: {  	[tilespmem:v4+s31+$0x0] =	vst.idx.add.f32.msk $0xffff, v29  }
0x7f2: {  	[tilespmem:v5+s31+$0x0] =	vst.idx.add.f32.msk $0xffff, v30  }
0x7f3: {  	[tilespmem:v6+s31+$0x0] =	vst.idx.add.f32.msk $0xffff, v31  }
0x7f4: {  	[tilespmem:v7+s31+$0x0] =	vst.idx.add.f32.msk $0xffff, v32  }
0x7f5: {  	[tilespmem:v8+s31+$0x0] =	vst.idx.add.f32.msk $0xffff, v33  }
0x7f6: {  	[tilespmem:v9+s31+$0x0] =	vst.idx.add.f32.msk $0xffff, v34  }
0x7f7: {  	[tilespmem:v10+s31+$0x0] =	vst.idx.add.f32.msk $0xffff, v35  }
0x7f8: {  	[tilespmem:v11+s31+$0x0] =	vst.idx.add.f32.msk $0xffff, v36  }
0x7f9: {  	[tilespmem:v12+s31+$0x0] =	vst.idx.add.f32.msk $0xffff, v37  }
0x7fa: {  	[tilespmem:v13+s31+$0x0] =	vst.idx.add.f32.msk $0xffff, v38  }
0x7fb: {  	[tilespmem:v14+s31+$0x0] =	vst.idx.add.f32.msk $0xffff, v39  }
0x7fc: {  	[tilespmem:v15+s31+$0x0] =	vst.idx.add.f32.msk $0xffff, v40  }
0x7fd: {  	[tilespmem:v16+s31+$0x0] =	vst.idx.add.f32.msk $0xffff, v41  }
0x7fe: {  	[tilespmem:v17+s31+$0x0] =	vst.idx.add.f32.msk $0xffff, v42  }
0x7ff: {  	[tilespmem:v18+s31+$0x0] =	vst.idx.add.f32.msk $0xffff, v43  }
0x800: {  	[tilespmem:v19+s31+$0x0] =	vst.idx.add.f32.msk $0xffff, v44  }
.Ltmp13:
0x801: {  	[tilespmem:v20+s31+$0x0] =	vst.idx.add.f32.msk $0xffff, v45;
	(pc) =	sbr.rel @p0 .LBB2_30-.Ltmp13, $4  }
0x802: {  	[tilespmem:v21+s31+$0x0] =	vst.idx.add.f32.msk $0xffff, v46  }
0x803: {  	[tilespmem:v22+s31+$0x0] =	vst.idx.add.f32.msk $0xffff, v47  }
0x804: {  	[tilespmem:v23+s31+$0x0] =	vst.idx.add.f32.msk $0xffff, v48  }
0x805: {  	s10 =	sadd.s32 $0x190, s10;
	[tilespmem:v24+s31+$0x0] =	vst.idx.add.f32.msk $0xffff, v49  }
0x806: {  	s7 =	sadd.s32 $0x1770, s15  }
0x807: {  	s9 =	sadd.s32 s5, s7  }
0x808: {  	s3 =	sadd.s32 $0x1, s3;
	s9 =	sshrl.u32 s9, $0x3  }
0x809: {  	s20 =	sadd.s32 s6, s7;
	p0 =	sne.s32 s3, $0x18;
	s9 =	sadd.s32 s2, s9  }
0x80a: {  	[tilespmem:s24], [sflag:$0x2] =	stream.linear.gather [hbm4b:s9+s4], $0x7D0, $0x38;
	[tilespmem:$0x1AEE0] =	vst v63  }
.Ltmp14:
0x80b: {  	s7 =	sadd.s32 s11, s7;
	s9 =	sshrl.u32 s20, $0x3;
	(pc) =	sbr.rel @p0 .LBB2_27-.Ltmp14, $4  }
0x80c: {  	s7 =	sshrl.u32 s7, $0x3;
	s9 =	sadd.s32 s8, s9  }
0x80d: {  	[tilespmem:s25], [sflag:$0x4] =	stream.linear.gather [hbm4b:s9+s4], $0x7D0, $0x38;
	[tilespmem:$0x1AEE0] =	vst v63  }
0x80e: {  	s7 =	sadd.s32 s8, s7  }
0x80f: {  	[tilespmem:s26], [sflag:$0x6] =	stream.linear.gather [hbm4b:s7+s4], $0x7D0, $0x38;
	[tilespmem:$0x1AEE0] =	vst v63  }
0x810: {  	_ =	swait.ge [sflag:s28], $0x7D0  }
0x811: {  	[sflag:s28] =	ssyncset.done $0x0  }
0x812: {  	[sflag:s28] =	ssyncadd.s32 $0xFFFFF830  }
0x813: {  	_ =	swait.ge [sflag:s29], $0x7D0  }
0x814: {  	[sflag:s29] =	ssyncset.done $0x0  }
0x815: {  	[sflag:s29] =	ssyncadd.s32 $0xFFFFF830  }
0x816: {  	_ =	swait.ge [sflag:s30], $0x7D0  }
0x817: {  	[sflag:s30] =	ssyncset.done $0x0  }
0x818: {  	s7 =	simm.s32 $0x180C0;
	[sflag:s30] =	ssyncadd.s32 $0xFFFFF830  }
0x819: {  	v2 =	vld [tilespmem:s7+$0xC0]  }
0x81a: {  	v3 =	vld [tilespmem:s7+$0xFFFFFF50]  }
0x81b: {  	s3 =	simm.s32 $0x19060;
	v4 =	vld [tilespmem:s7+$0xFFFFFF60]  }
0x81c: {  	v5 =	vld [tilespmem:s3+$0xC0]  }
0x81d: {  	v6 =	vld [tilespmem:s7+$0xFFFFFF70]  }
0x81e: {  	v7 =	vld [tilespmem:s7+$0xFFFFFF80]  }
0x81f: {  	v8 =	vld [tilespmem:s7+$0xFFFFFF90]  }
0x820: {  	v9 =	vld [tilespmem:s7+$0xFFFFFFA0]  }
0x821: {  	v10 =	vld [tilespmem:s7+$0xFFFFFFB0]  }
0x822: {  	v11 =	vld [tilespmem:s7+$0xFFFFFFC0]  }
0x823: {  	v12 =	vld [tilespmem:s7+$0xFFFFFFD0]  }
0x824: {  	v13 =	vld [tilespmem:s7+$0xFFFFFFE0]  }
0x825: {  	v63 =	vld [tilespmem:s7+$0x0]  }
0x826: {  	v14 =	vld [tilespmem:s7+$0x10]  }
0x827: {  	v15 =	vld [tilespmem:s7+$0x20]  }
0x828: {  	v16 =	vld [tilespmem:s7+$0x30]  }
0x829: {  	v17 =	vld [tilespmem:s7+$0x40]  }
0x82a: {  	v18 =	vld [tilespmem:s7+$0x50]  }
0x82b: {  	v19 =	vld [tilespmem:s7+$0x60]  }
0x82c: {  	v20 =	vld [tilespmem:s7+$0x70]  }
0x82d: {  	v21 =	vld [tilespmem:s7+$0x80]  }
0x82e: {  	v22 =	vld [tilespmem:s7+$0x90]  }
0x82f: {  	v23 =	vld [tilespmem:s7+$0xA0]  }
0x830: {  	v24 =	vld [tilespmem:s7+$0xB0]  }
0x831: {  	v25 =	vld [tilespmem:s7+$0xFFFFFF40]  }
0x832: {  	v26 =	vld [tilespmem:s3+$0xFFFFFF40]  }
0x833: {  	v27 =	vld [tilespmem:s3+$0xFFFFFF50]  }
0x834: {  	v28 =	vld [tilespmem:s3+$0xFFFFFF60]  }
0x835: {  	v29 =	vld [tilespmem:s3+$0xFFFFFF70]  }
0x836: {  	v30 =	vld [tilespmem:s3+$0xFFFFFF80]  }
0x837: {  	v31 =	vld [tilespmem:s3+$0xFFFFFF90]  }
0x838: {  	v32 =	vld [tilespmem:s3+$0xFFFFFFA0]  }
0x839: {  	v33 =	vld [tilespmem:s3+$0xFFFFFFB0]  }
0x83a: {  	v34 =	vld [tilespmem:s3+$0xFFFFFFC0]  }
0x83b: {  	v35 =	vld [tilespmem:s3+$0xFFFFFFD0]  }
0x83c: {  	v36 =	vld [tilespmem:s3+$0xFFFFFFE0]  }
0x83d: {  	v37 =	vld [tilespmem:s3+$0xFFFFFFF0]  }
0x83e: {  	v38 =	vld [tilespmem:s3+$0x0]  }
0x83f: {  	v39 =	vld [tilespmem:s3+$0x10]  }
0x840: {  	v40 =	vld [tilespmem:s3+$0x20]  }
0x841: {  	v41 =	vld [tilespmem:s3+$0x30]  }
0x842: {  	v42 =	vld [tilespmem:s3+$0x40]  }
0x843: {  	v43 =	vld [tilespmem:s3+$0x50]  }
0x844: {  	v44 =	vld [tilespmem:s3+$0x60]  }
0x845: {  	v45 =	vld [tilespmem:s3+$0x70]  }
0x846: {  	v46 =	vld [tilespmem:s3+$0x80]  }
0x847: {  	v47 =	vld [tilespmem:s3+$0x90]  }
0x848: {  	v48 =	vld [tilespmem:s3+$0xA0]  }
0x849: {  	v49 =	vld [tilespmem:s3+$0xB0]  }
0x84a: {  	[tilespmem:v2+s4+$0x0] =	vst.idx.add.f32.msk $0xffff, v5  }
0x84b: {  	[tilespmem:v25+s4+$0x0] =	vst.idx.add.f32.msk $0xffff, v26  }
0x84c: {  	[tilespmem:v3+s4+$0x0] =	vst.idx.add.f32.msk $0xffff, v27  }
0x84d: {  	[tilespmem:v4+s4+$0x0] =	vst.idx.add.f32.msk $0xffff, v28  }
0x84e: {  	[tilespmem:v6+s4+$0x0] =	vst.idx.add.f32.msk $0xffff, v29  }
0x84f: {  	[tilespmem:v7+s4+$0x0] =	vst.idx.add.f32.msk $0xffff, v30  }
0x850: {  	[tilespmem:v8+s4+$0x0] =	vst.idx.add.f32.msk $0xffff, v31  }
0x851: {  	[tilespmem:v9+s4+$0x0] =	vst.idx.add.f32.msk $0xffff, v32  }
0x852: {  	[tilespmem:v10+s4+$0x0] =	vst.idx.add.f32.msk $0xffff, v33  }
0x853: {  	[tilespmem:v11+s4+$0x0] =	vst.idx.add.f32.msk $0xffff, v34  }
0x854: {  	[tilespmem:v12+s4+$0x0] =	vst.idx.add.f32.msk $0xffff, v35  }
0x855: {  	[tilespmem:v13+s4+$0x0] =	vst.idx.add.f32.msk $0xffff, v36  }
0x856: {  	[tilespmem:v63+s4+$0x0] =	vst.idx.add.f32.msk $0xffff, v38  }
0x857: {  	[tilespmem:v14+s4+$0x0] =	vst.idx.add.f32.msk $0xffff, v39  }
0x858: {  	[tilespmem:v15+s4+$0x0] =	vst.idx.add.f32.msk $0xffff, v40  }
0x859: {  	[tilespmem:v16+s4+$0x0] =	vst.idx.add.f32.msk $0xffff, v41  }
0x85a: {  	[tilespmem:v17+s4+$0x0] =	vst.idx.add.f32.msk $0xffff, v42  }
0x85b: {  	[tilespmem:v18+s4+$0x0] =	vst.idx.add.f32.msk $0xffff, v43  }
0x85c: {  	[tilespmem:v19+s4+$0x0] =	vst.idx.add.f32.msk $0xffff, v44  }
0x85d: {  	[tilespmem:v20+s4+$0x0] =	vst.idx.add.f32.msk $0xffff, v45  }
0x85e: {  	[tilespmem:v21+s4+$0x0] =	vst.idx.add.f32.msk $0xffff, v46  }
0x85f: {  	[tilespmem:v22+s4+$0x0] =	vst.idx.add.f32.msk $0xffff, v47  }
0x860: {  	[tilespmem:v23+s4+$0x0] =	vst.idx.add.f32.msk $0xffff, v48  }
0x861: {  	s6 =	simm.s32 $0x1A000;
	[tilespmem:v24+s4+$0x0] =	vst.idx.add.f32.msk $0xffff, v49  }
0x862: {  	v5 =	vld [tilespmem:s6+$0xC0]  }
0x863: {  	v26 =	vld [tilespmem:s6+$0xFFFFFF40]  }
0x864: {  	v27 =	vld [tilespmem:s6+$0xFFFFFF50]  }
0x865: {  	v28 =	vld [tilespmem:s6+$0xFFFFFF60]  }
0x866: {  	v29 =	vld [tilespmem:s6+$0xFFFFFF70]  }
0x867: {  	v30 =	vld [tilespmem:s6+$0xFFFFFF80]  }
0x868: {  	v31 =	vld [tilespmem:s6+$0xFFFFFF90]  }
0x869: {  	v32 =	vld [tilespmem:s6+$0xFFFFFFA0]  }
0x86a: {  	v33 =	vld [tilespmem:s6+$0xFFFFFFB0]  }
0x86b: {  	v34 =	vld [tilespmem:s6+$0xFFFFFFC0]  }
0x86c: {  	v35 =	vld [tilespmem:s6+$0xFFFFFFD0]  }
0x86d: {  	v36 =	vld [tilespmem:s6+$0xFFFFFFE0]  }
0x86e: {  	v38 =	vld [tilespmem:s6+$0x0]  }
0x86f: {  	v39 =	vld [tilespmem:s6+$0x10]  }
0x870: {  	v40 =	vld [tilespmem:s6+$0x20]  }
0x871: {  	v41 =	vld [tilespmem:s6+$0x30]  }
0x872: {  	v42 =	vld [tilespmem:s6+$0x40]  }
0x873: {  	v43 =	vld [tilespmem:s6+$0x50]  }
0x874: {  	v44 =	vld [tilespmem:s6+$0x60]  }
0x875: {  	v45 =	vld [tilespmem:s6+$0x70]  }
0x876: {  	v46 =	vld [tilespmem:s6+$0x80]  }
0x877: {  	v47 =	vld [tilespmem:s6+$0x90]  }
0x878: {  	v48 =	vld [tilespmem:s6+$0xA0]  }
0x879: {  	v49 =	vld [tilespmem:s6+$0xB0]  }
0x87a: {  	[tilespmem:v2+s31+$0x0] =	vst.idx.add.f32.msk $0xffff, v5  }
0x87b: {  	v2 =	vld [tilespmem:s7+$0xFFFFFFF0]  }
0x87c: {  	[tilespmem:v25+s31+$0x0] =	vst.idx.add.f32.msk $0xffff, v26  }
0x87d: {  	[tilespmem:v3+s31+$0x0] =	vst.idx.add.f32.msk $0xffff, v27  }
0x87e: {  	[tilespmem:v4+s31+$0x0] =	vst.idx.add.f32.msk $0xffff, v28  }
0x87f: {  	[tilespmem:v6+s31+$0x0] =	vst.idx.add.f32.msk $0xffff, v29  }
0x880: {  	[tilespmem:v7+s31+$0x0] =	vst.idx.add.f32.msk $0xffff, v30  }
0x881: {  	[tilespmem:v8+s31+$0x0] =	vst.idx.add.f32.msk $0xffff, v31  }
0x882: {  	[tilespmem:v9+s31+$0x0] =	vst.idx.add.f32.msk $0xffff, v32  }
0x883: {  	[tilespmem:v10+s31+$0x0] =	vst.idx.add.f32.msk $0xffff, v33  }
0x884: {  	[tilespmem:v11+s31+$0x0] =	vst.idx.add.f32.msk $0xffff, v34  }
0x885: {  	[tilespmem:v12+s31+$0x0] =	vst.idx.add.f32.msk $0xffff, v35  }
0x886: {  	[tilespmem:v13+s31+$0x0] =	vst.idx.add.f32.msk $0xffff, v36  }
0x887: {  	[tilespmem:v63+s31+$0x0] =	vst.idx.add.f32.msk $0xffff, v38  }
0x888: {  	[tilespmem:v14+s31+$0x0] =	vst.idx.add.f32.msk $0xffff, v39  }
0x889: {  	[tilespmem:v15+s31+$0x0] =	vst.idx.add.f32.msk $0xffff, v40  }
0x88a: {  	[tilespmem:v16+s31+$0x0] =	vst.idx.add.f32.msk $0xffff, v41  }
0x88b: {  	[tilespmem:v17+s31+$0x0] =	vst.idx.add.f32.msk $0xffff, v42  }
0x88c: {  	[tilespmem:v18+s31+$0x0] =	vst.idx.add.f32.msk $0xffff, v43  }
0x88d: {  	[tilespmem:v19+s31+$0x0] =	vst.idx.add.f32.msk $0xffff, v44  }
0x88e: {  	[tilespmem:v20+s31+$0x0] =	vst.idx.add.f32.msk $0xffff, v45  }
0x88f: {  	[tilespmem:v2+s4+$0x0] =	vst.idx.add.f32.msk $0xffff, v37  }
0x890: {  	v37 =	vld [tilespmem:s6+$0xFFFFFFF0]  }
0x891: {  	[tilespmem:v21+s31+$0x0] =	vst.idx.add.f32.msk $0xffff, v46  }
0x892: {  	[tilespmem:v22+s31+$0x0] =	vst.idx.add.f32.msk $0xffff, v47  }
0x893: {  	[tilespmem:v23+s31+$0x0] =	vst.idx.add.f32.msk $0xffff, v48  }
0x894: {  	[tilespmem:v24+s31+$0x0] =	vst.idx.add.f32.msk $0xffff, v49  }
0x895: {  	s9 =	simm.s32 $0x18250;
	s7 =	simm.s32 $0x0;
	[tilespmem:v2+s31+$0x0] =	vst.idx.add.f32.msk $0xffff, v37  }
.LBB2_33:
0x896: {  	v12 =	vld [tilespmem:s9+$0xC0];
	s7 =	sadd.s32 $0x190, s7  }
0x897: {  	v2 =	vld [tilespmem:s9+$0xFFFFFF50];
	p0 =	slt.u32 s7, $0x640  }
0x898: {  	s3 =	sadd.s32 $0x190, s3;
	v3 =	vld [tilespmem:s9+$0xFFFFFF60]  }
0x899: {  	v8 =	vld [tilespmem:s3+$0xC0]  }
0x89a: {  	v4 =	vld [tilespmem:s9+$0xFFFFFF70]  }
0x89b: {  	v5 =	vld [tilespmem:s9+$0xFFFFFF80]  }
0x89c: {  	v6 =	vld [tilespmem:s9+$0xFFFFFF90]  }
0x89d: {  	v7 =	vld [tilespmem:s9+$0xFFFFFFA0]  }
0x89e: {  	s6 =	sadd.s32 $0x190, s6;
	[tilespmem:v12+s4+$0x0] =	vst.idx.add.f32.msk $0xffff, v8  }
0x89f: {  	v13 =	vld [tilespmem:s6+$0xC0]  }
0x8a0: {  	v8 =	vld [tilespmem:s9+$0xFFFFFFB0]  }
0x8a1: {  	v9 =	vld [tilespmem:s9+$0xFFFFFFC0]  }
0x8a2: {  	v10 =	vld [tilespmem:s9+$0xFFFFFFD0]  }
0x8a3: {  	v11 =	vld [tilespmem:s9+$0xFFFFFFE0]  }
0x8a4: {  	[tilespmem:v12+s31+$0x0] =	vst.idx.add.f32.msk $0xffff, v13  }
0x8a5: {  	v12 =	vld [tilespmem:s9+$0xFFFFFFF0]  }
0x8a6: {  	v13 =	vld [tilespmem:s9+$0x0]  }
0x8a7: {  	v14 =	vld [tilespmem:s9+$0x10]  }
0x8a8: {  	v15 =	vld [tilespmem:s9+$0x20]  }
0x8a9: {  	v16 =	vld [tilespmem:s9+$0x30]  }
0x8aa: {  	v17 =	vld [tilespmem:s9+$0x40]  }
0x8ab: {  	v18 =	vld [tilespmem:s9+$0x50]  }
0x8ac: {  	v19 =	vld [tilespmem:s9+$0x60]  }
0x8ad: {  	v20 =	vld [tilespmem:s9+$0x70]  }
0x8ae: {  	v21 =	vld [tilespmem:s9+$0x80]  }
0x8af: {  	v22 =	vld [tilespmem:s9+$0x90]  }
0x8b0: {  	v23 =	vld [tilespmem:s9+$0xA0]  }
0x8b1: {  	v24 =	vld [tilespmem:s9+$0xB0]  }
0x8b2: {  	v25 =	vld [tilespmem:s9+$0xFFFFFF40]  }
0x8b3: {  	v26 =	vld [tilespmem:s3+$0xFFFFFF40]  }
0x8b4: {  	v27 =	vld [tilespmem:s3+$0xFFFFFF50]  }
0x8b5: {  	v28 =	vld [tilespmem:s3+$0xFFFFFF60]  }
0x8b6: {  	v29 =	vld [tilespmem:s3+$0xFFFFFF70]  }
0x8b7: {  	v30 =	vld [tilespmem:s3+$0xFFFFFF80]  }
0x8b8: {  	v31 =	vld [tilespmem:s3+$0xFFFFFF90]  }
0x8b9: {  	v32 =	vld [tilespmem:s3+$0xFFFFFFA0]  }
0x8ba: {  	v33 =	vld [tilespmem:s3+$0xFFFFFFB0]  }
0x8bb: {  	v34 =	vld [tilespmem:s3+$0xFFFFFFC0]  }
0x8bc: {  	v35 =	vld [tilespmem:s3+$0xFFFFFFD0]  }
0x8bd: {  	v36 =	vld [tilespmem:s3+$0xFFFFFFE0]  }
0x8be: {  	v37 =	vld [tilespmem:s3+$0xFFFFFFF0]  }
0x8bf: {  	v38 =	vld [tilespmem:s3+$0x0]  }
0x8c0: {  	v39 =	vld [tilespmem:s3+$0x10]  }
0x8c1: {  	v40 =	vld [tilespmem:s3+$0x20]  }
0x8c2: {  	v41 =	vld [tilespmem:s3+$0x30]  }
0x8c3: {  	v42 =	vld [tilespmem:s3+$0x40]  }
0x8c4: {  	v43 =	vld [tilespmem:s3+$0x50]  }
0x8c5: {  	v44 =	vld [tilespmem:s3+$0x60]  }
0x8c6: {  	v45 =	vld [tilespmem:s3+$0x70]  }
0x8c7: {  	v46 =	vld [tilespmem:s3+$0x80]  }
0x8c8: {  	v47 =	vld [tilespmem:s3+$0x90]  }
0x8c9: {  	v48 =	vld [tilespmem:s3+$0xA0]  }
0x8ca: {  	v49 =	vld [tilespmem:s3+$0xB0]  }
0x8cb: {  	[tilespmem:v25+s4+$0x0] =	vst.idx.add.f32.msk $0xffff, v26  }
0x8cc: {  	[tilespmem:v2+s4+$0x0] =	vst.idx.add.f32.msk $0xffff, v27  }
0x8cd: {  	[tilespmem:v3+s4+$0x0] =	vst.idx.add.f32.msk $0xffff, v28  }
0x8ce: {  	[tilespmem:v4+s4+$0x0] =	vst.idx.add.f32.msk $0xffff, v29  }
0x8cf: {  	[tilespmem:v5+s4+$0x0] =	vst.idx.add.f32.msk $0xffff, v30  }
0x8d0: {  	[tilespmem:v6+s4+$0x0] =	vst.idx.add.f32.msk $0xffff, v31  }
0x8d1: {  	[tilespmem:v7+s4+$0x0] =	vst.idx.add.f32.msk $0xffff, v32  }
0x8d2: {  	[tilespmem:v8+s4+$0x0] =	vst.idx.add.f32.msk $0xffff, v33  }
0x8d3: {  	[tilespmem:v9+s4+$0x0] =	vst.idx.add.f32.msk $0xffff, v34  }
0x8d4: {  	[tilespmem:v10+s4+$0x0] =	vst.idx.add.f32.msk $0xffff, v35  }
0x8d5: {  	[tilespmem:v11+s4+$0x0] =	vst.idx.add.f32.msk $0xffff, v36  }
0x8d6: {  	[tilespmem:v12+s4+$0x0] =	vst.idx.add.f32.msk $0xffff, v37  }
0x8d7: {  	[tilespmem:v13+s4+$0x0] =	vst.idx.add.f32.msk $0xffff, v38  }
0x8d8: {  	[tilespmem:v14+s4+$0x0] =	vst.idx.add.f32.msk $0xffff, v39  }
0x8d9: {  	[tilespmem:v15+s4+$0x0] =	vst.idx.add.f32.msk $0xffff, v40  }
0x8da: {  	[tilespmem:v16+s4+$0x0] =	vst.idx.add.f32.msk $0xffff, v41  }
0x8db: {  	[tilespmem:v17+s4+$0x0] =	vst.idx.add.f32.msk $0xffff, v42  }
0x8dc: {  	[tilespmem:v18+s4+$0x0] =	vst.idx.add.f32.msk $0xffff, v43  }
0x8dd: {  	[tilespmem:v19+s4+$0x0] =	vst.idx.add.f32.msk $0xffff, v44  }
0x8de: {  	[tilespmem:v20+s4+$0x0] =	vst.idx.add.f32.msk $0xffff, v45  }
0x8df: {  	[tilespmem:v21+s4+$0x0] =	vst.idx.add.f32.msk $0xffff, v46  }
0x8e0: {  	[tilespmem:v22+s4+$0x0] =	vst.idx.add.f32.msk $0xffff, v47  }
0x8e1: {  	[tilespmem:v23+s4+$0x0] =	vst.idx.add.f32.msk $0xffff, v48  }
0x8e2: {  	[tilespmem:v24+s4+$0x0] =	vst.idx.add.f32.msk $0xffff, v49  }
0x8e3: {  	v26 =	vld [tilespmem:s6+$0xFFFFFF40]  }
0x8e4: {  	v27 =	vld [tilespmem:s6+$0xFFFFFF50]  }
0x8e5: {  	v28 =	vld [tilespmem:s6+$0xFFFFFF60]  }
0x8e6: {  	v29 =	vld [tilespmem:s6+$0xFFFFFF70]  }
0x8e7: {  	v30 =	vld [tilespmem:s6+$0xFFFFFF80]  }
0x8e8: {  	v31 =	vld [tilespmem:s6+$0xFFFFFF90]  }
0x8e9: {  	v32 =	vld [tilespmem:s6+$0xFFFFFFA0]  }
0x8ea: {  	v33 =	vld [tilespmem:s6+$0xFFFFFFB0]  }
0x8eb: {  	v34 =	vld [tilespmem:s6+$0xFFFFFFC0]  }
0x8ec: {  	v35 =	vld [tilespmem:s6+$0xFFFFFFD0]  }
0x8ed: {  	v36 =	vld [tilespmem:s6+$0xFFFFFFE0]  }
0x8ee: {  	v37 =	vld [tilespmem:s6+$0xFFFFFFF0]  }
0x8ef: {  	v38 =	vld [tilespmem:s6+$0x0]  }
0x8f0: {  	v39 =	vld [tilespmem:s6+$0x10]  }
0x8f1: {  	v40 =	vld [tilespmem:s6+$0x20]  }
0x8f2: {  	v41 =	vld [tilespmem:s6+$0x30]  }
0x8f3: {  	v42 =	vld [tilespmem:s6+$0x40]  }
0x8f4: {  	v43 =	vld [tilespmem:s6+$0x50]  }
0x8f5: {  	v44 =	vld [tilespmem:s6+$0x60]  }
0x8f6: {  	v45 =	vld [tilespmem:s6+$0x70]  }
0x8f7: {  	v46 =	vld [tilespmem:s6+$0x80]  }
0x8f8: {  	v47 =	vld [tilespmem:s6+$0x90]  }
0x8f9: {  	v48 =	vld [tilespmem:s6+$0xA0]  }
0x8fa: {  	v49 =	vld [tilespmem:s6+$0xB0]  }
0x8fb: {  	[tilespmem:v25+s31+$0x0] =	vst.idx.add.f32.msk $0xffff, v26  }
0x8fc: {  	[tilespmem:v2+s31+$0x0] =	vst.idx.add.f32.msk $0xffff, v27  }
0x8fd: {  	[tilespmem:v3+s31+$0x0] =	vst.idx.add.f32.msk $0xffff, v28  }
0x8fe: {  	[tilespmem:v4+s31+$0x0] =	vst.idx.add.f32.msk $0xffff, v29  }
0x8ff: {  	[tilespmem:v5+s31+$0x0] =	vst.idx.add.f32.msk $0xffff, v30  }
0x900: {  	[tilespmem:v6+s31+$0x0] =	vst.idx.add.f32.msk $0xffff, v31  }
0x901: {  	[tilespmem:v7+s31+$0x0] =	vst.idx.add.f32.msk $0xffff, v32  }
0x902: {  	[tilespmem:v8+s31+$0x0] =	vst.idx.add.f32.msk $0xffff, v33  }
0x903: {  	[tilespmem:v9+s31+$0x0] =	vst.idx.add.f32.msk $0xffff, v34  }
0x904: {  	[tilespmem:v10+s31+$0x0] =	vst.idx.add.f32.msk $0xffff, v35  }
0x905: {  	[tilespmem:v11+s31+$0x0] =	vst.idx.add.f32.msk $0xffff, v36  }
0x906: {  	[tilespmem:v12+s31+$0x0] =	vst.idx.add.f32.msk $0xffff, v37  }
0x907: {  	[tilespmem:v13+s31+$0x0] =	vst.idx.add.f32.msk $0xffff, v38  }
0x908: {  	[tilespmem:v14+s31+$0x0] =	vst.idx.add.f32.msk $0xffff, v39  }
0x909: {  	[tilespmem:v15+s31+$0x0] =	vst.idx.add.f32.msk $0xffff, v40  }
0x90a: {  	[tilespmem:v16+s31+$0x0] =	vst.idx.add.f32.msk $0xffff, v41  }
0x90b: {  	[tilespmem:v17+s31+$0x0] =	vst.idx.add.f32.msk $0xffff, v42  }
0x90c: {  	[tilespmem:v18+s31+$0x0] =	vst.idx.add.f32.msk $0xffff, v43  }
0x90d: {  	[tilespmem:v19+s31+$0x0] =	vst.idx.add.f32.msk $0xffff, v44  }
.Ltmp15:
0x90e: {  	[tilespmem:v20+s31+$0x0] =	vst.idx.add.f32.msk $0xffff, v45;
	(pc) =	sbr.rel @p0 .LBB2_33-.Ltmp15, $4  }
0x90f: {  	[tilespmem:v21+s31+$0x0] =	vst.idx.add.f32.msk $0xffff, v46  }
0x910: {  	[tilespmem:v22+s31+$0x0] =	vst.idx.add.f32.msk $0xffff, v47  }
0x911: {  	[tilespmem:v23+s31+$0x0] =	vst.idx.add.f32.msk $0xffff, v48  }
0x912: {  	s9 =	sadd.s32 $0x190, s9;
	[tilespmem:v24+s31+$0x0] =	vst.idx.add.f32.msk $0xffff, v49  }
0x913: {  	_ =	swait.ge [sflag:s1], $0x7D0  }
0x914: {  	[sflag:s1] =	ssyncset.done $0x0  }
0x915: {  	[sflag:s1] =	ssyncadd.s32 $0xFFFFF830  }
0x916: {  	_ =	swait.ge [sflag:s16], $0x7D0  }
0x917: {  	[sflag:s16] =	ssyncset.done $0x0  }
0x918: {  	[sflag:s16] =	ssyncadd.s32 $0xFFFFF830  }
0x919: {  	_ =	swait.ge [sflag:s17], $0x7D0  }
0x91a: {  	[sflag:s17] =	ssyncset.done $0x0  }
0x91b: {  	s3 =	simm.s32 $0x18890;
	[sflag:s17] =	ssyncadd.s32 $0xFFFFF830  }
0x91c: {  	v2 =	vld [tilespmem:s3+$0xC0]  }
0x91d: {  	v3 =	vld [tilespmem:s3+$0xFFFFFF50]  }
0x91e: {  	s6 =	simm.s32 $0x19830;
	v4 =	vld [tilespmem:s3+$0xFFFFFF60]  }
0x91f: {  	v5 =	vld [tilespmem:s6+$0xC0]  }
0x920: {  	v6 =	vld [tilespmem:s3+$0xFFFFFF70]  }
0x921: {  	v7 =	vld [tilespmem:s3+$0xFFFFFF80]  }
0x922: {  	v8 =	vld [tilespmem:s3+$0xFFFFFF90]  }
0x923: {  	v9 =	vld [tilespmem:s3+$0xFFFFFFA0]  }
0x924: {  	v10 =	vld [tilespmem:s3+$0xFFFFFFB0]  }
0x925: {  	v11 =	vld [tilespmem:s3+$0xFFFFFFC0]  }
0x926: {  	v12 =	vld [tilespmem:s3+$0xFFFFFFD0]  }
0x927: {  	v13 =	vld [tilespmem:s3+$0xFFFFFFE0]  }
0x928: {  	v63 =	vld [tilespmem:s3+$0x0]  }
0x929: {  	v14 =	vld [tilespmem:s3+$0x10]  }
0x92a: {  	v15 =	vld [tilespmem:s3+$0x20]  }
0x92b: {  	v16 =	vld [tilespmem:s3+$0x30]  }
0x92c: {  	v17 =	vld [tilespmem:s3+$0x40]  }
0x92d: {  	v18 =	vld [tilespmem:s3+$0x50]  }
0x92e: {  	v19 =	vld [tilespmem:s3+$0x60]  }
0x92f: {  	v20 =	vld [tilespmem:s3+$0x70]  }
0x930: {  	v21 =	vld [tilespmem:s3+$0x80]  }
0x931: {  	v22 =	vld [tilespmem:s3+$0x90]  }
0x932: {  	v23 =	vld [tilespmem:s3+$0xA0]  }
0x933: {  	v24 =	vld [tilespmem:s3+$0xB0]  }
0x934: {  	v25 =	vld [tilespmem:s3+$0xFFFFFF40]  }
0x935: {  	v26 =	vld [tilespmem:s6+$0xFFFFFF40]  }
0x936: {  	v27 =	vld [tilespmem:s6+$0xFFFFFF50]  }
0x937: {  	v28 =	vld [tilespmem:s6+$0xFFFFFF60]  }
0x938: {  	v29 =	vld [tilespmem:s6+$0xFFFFFF70]  }
0x939: {  	v30 =	vld [tilespmem:s6+$0xFFFFFF80]  }
0x93a: {  	v31 =	vld [tilespmem:s6+$0xFFFFFF90]  }
0x93b: {  	v32 =	vld [tilespmem:s6+$0xFFFFFFA0]  }
0x93c: {  	v33 =	vld [tilespmem:s6+$0xFFFFFFB0]  }
0x93d: {  	v34 =	vld [tilespmem:s6+$0xFFFFFFC0]  }
0x93e: {  	v35 =	vld [tilespmem:s6+$0xFFFFFFD0]  }
0x93f: {  	v36 =	vld [tilespmem:s6+$0xFFFFFFE0]  }
0x940: {  	v37 =	vld [tilespmem:s6+$0xFFFFFFF0]  }
0x941: {  	v38 =	vld [tilespmem:s6+$0x0]  }
0x942: {  	v39 =	vld [tilespmem:s6+$0x10]  }
0x943: {  	v40 =	vld [tilespmem:s6+$0x20]  }
0x944: {  	v41 =	vld [tilespmem:s6+$0x30]  }
0x945: {  	v42 =	vld [tilespmem:s6+$0x40]  }
0x946: {  	v43 =	vld [tilespmem:s6+$0x50]  }
0x947: {  	v44 =	vld [tilespmem:s6+$0x60]  }
0x948: {  	v45 =	vld [tilespmem:s6+$0x70]  }
0x949: {  	v46 =	vld [tilespmem:s6+$0x80]  }
0x94a: {  	v47 =	vld [tilespmem:s6+$0x90]  }
0x94b: {  	v48 =	vld [tilespmem:s6+$0xA0]  }
0x94c: {  	v49 =	vld [tilespmem:s6+$0xB0]  }
0x94d: {  	[tilespmem:v2+s4+$0x0] =	vst.idx.add.f32.msk $0xffff, v5  }
0x94e: {  	[tilespmem:v25+s4+$0x0] =	vst.idx.add.f32.msk $0xffff, v26  }
0x94f: {  	[tilespmem:v3+s4+$0x0] =	vst.idx.add.f32.msk $0xffff, v27  }
0x950: {  	[tilespmem:v4+s4+$0x0] =	vst.idx.add.f32.msk $0xffff, v28  }
0x951: {  	[tilespmem:v6+s4+$0x0] =	vst.idx.add.f32.msk $0xffff, v29  }
0x952: {  	[tilespmem:v7+s4+$0x0] =	vst.idx.add.f32.msk $0xffff, v30  }
0x953: {  	[tilespmem:v8+s4+$0x0] =	vst.idx.add.f32.msk $0xffff, v31  }
0x954: {  	[tilespmem:v9+s4+$0x0] =	vst.idx.add.f32.msk $0xffff, v32  }
0x955: {  	[tilespmem:v10+s4+$0x0] =	vst.idx.add.f32.msk $0xffff, v33  }
0x956: {  	[tilespmem:v11+s4+$0x0] =	vst.idx.add.f32.msk $0xffff, v34  }
0x957: {  	[tilespmem:v12+s4+$0x0] =	vst.idx.add.f32.msk $0xffff, v35  }
0x958: {  	[tilespmem:v13+s4+$0x0] =	vst.idx.add.f32.msk $0xffff, v36  }
0x959: {  	[tilespmem:v63+s4+$0x0] =	vst.idx.add.f32.msk $0xffff, v38  }
0x95a: {  	[tilespmem:v14+s4+$0x0] =	vst.idx.add.f32.msk $0xffff, v39  }
0x95b: {  	[tilespmem:v15+s4+$0x0] =	vst.idx.add.f32.msk $0xffff, v40  }
0x95c: {  	[tilespmem:v16+s4+$0x0] =	vst.idx.add.f32.msk $0xffff, v41  }
0x95d: {  	[tilespmem:v17+s4+$0x0] =	vst.idx.add.f32.msk $0xffff, v42  }
0x95e: {  	[tilespmem:v18+s4+$0x0] =	vst.idx.add.f32.msk $0xffff, v43  }
0x95f: {  	[tilespmem:v19+s4+$0x0] =	vst.idx.add.f32.msk $0xffff, v44  }
0x960: {  	[tilespmem:v20+s4+$0x0] =	vst.idx.add.f32.msk $0xffff, v45  }
0x961: {  	[tilespmem:v21+s4+$0x0] =	vst.idx.add.f32.msk $0xffff, v46  }
0x962: {  	[tilespmem:v22+s4+$0x0] =	vst.idx.add.f32.msk $0xffff, v47  }
0x963: {  	[tilespmem:v23+s4+$0x0] =	vst.idx.add.f32.msk $0xffff, v48  }
0x964: {  	s11 =	simm.s32 $0x1A7D0;
	[tilespmem:v24+s4+$0x0] =	vst.idx.add.f32.msk $0xffff, v49  }
0x965: {  	v5 =	vld [tilespmem:s11+$0xC0]  }
0x966: {  	v26 =	vld [tilespmem:s11+$0xFFFFFF40]  }
0x967: {  	v27 =	vld [tilespmem:s11+$0xFFFFFF50]  }
0x968: {  	v28 =	vld [tilespmem:s11+$0xFFFFFF60]  }
0x969: {  	v29 =	vld [tilespmem:s11+$0xFFFFFF70]  }
0x96a: {  	v30 =	vld [tilespmem:s11+$0xFFFFFF80]  }
0x96b: {  	v31 =	vld [tilespmem:s11+$0xFFFFFF90]  }
0x96c: {  	v32 =	vld [tilespmem:s11+$0xFFFFFFA0]  }
0x96d: {  	v33 =	vld [tilespmem:s11+$0xFFFFFFB0]  }
0x96e: {  	v34 =	vld [tilespmem:s11+$0xFFFFFFC0]  }
0x96f: {  	v35 =	vld [tilespmem:s11+$0xFFFFFFD0]  }
0x970: {  	v36 =	vld [tilespmem:s11+$0xFFFFFFE0]  }
0x971: {  	v38 =	vld [tilespmem:s11+$0x0]  }
0x972: {  	v39 =	vld [tilespmem:s11+$0x10]  }
0x973: {  	v40 =	vld [tilespmem:s11+$0x20]  }
0x974: {  	v41 =	vld [tilespmem:s11+$0x30]  }
0x975: {  	v42 =	vld [tilespmem:s11+$0x40]  }
0x976: {  	v43 =	vld [tilespmem:s11+$0x50]  }
0x977: {  	v44 =	vld [tilespmem:s11+$0x60]  }
0x978: {  	v45 =	vld [tilespmem:s11+$0x70]  }
0x979: {  	v46 =	vld [tilespmem:s11+$0x80]  }
0x97a: {  	v47 =	vld [tilespmem:s11+$0x90]  }
0x97b: {  	v48 =	vld [tilespmem:s11+$0xA0]  }
0x97c: {  	v49 =	vld [tilespmem:s11+$0xB0]  }
0x97d: {  	[tilespmem:v2+s31+$0x0] =	vst.idx.add.f32.msk $0xffff, v5  }
0x97e: {  	v2 =	vld [tilespmem:s3+$0xFFFFFFF0]  }
0x97f: {  	[tilespmem:v25+s31+$0x0] =	vst.idx.add.f32.msk $0xffff, v26  }
0x980: {  	[tilespmem:v3+s31+$0x0] =	vst.idx.add.f32.msk $0xffff, v27  }
0x981: {  	[tilespmem:v4+s31+$0x0] =	vst.idx.add.f32.msk $0xffff, v28  }
0x982: {  	[tilespmem:v6+s31+$0x0] =	vst.idx.add.f32.msk $0xffff, v29  }
0x983: {  	[tilespmem:v7+s31+$0x0] =	vst.idx.add.f32.msk $0xffff, v30  }
0x984: {  	[tilespmem:v8+s31+$0x0] =	vst.idx.add.f32.msk $0xffff, v31  }
0x985: {  	[tilespmem:v9+s31+$0x0] =	vst.idx.add.f32.msk $0xffff, v32  }
0x986: {  	[tilespmem:v10+s31+$0x0] =	vst.idx.add.f32.msk $0xffff, v33  }
0x987: {  	[tilespmem:v11+s31+$0x0] =	vst.idx.add.f32.msk $0xffff, v34  }
0x988: {  	[tilespmem:v12+s31+$0x0] =	vst.idx.add.f32.msk $0xffff, v35  }
0x989: {  	[tilespmem:v13+s31+$0x0] =	vst.idx.add.f32.msk $0xffff, v36  }
0x98a: {  	[tilespmem:v63+s31+$0x0] =	vst.idx.add.f32.msk $0xffff, v38  }
0x98b: {  	[tilespmem:v14+s31+$0x0] =	vst.idx.add.f32.msk $0xffff, v39  }
0x98c: {  	[tilespmem:v15+s31+$0x0] =	vst.idx.add.f32.msk $0xffff, v40  }
0x98d: {  	[tilespmem:v16+s31+$0x0] =	vst.idx.add.f32.msk $0xffff, v41  }
0x98e: {  	[tilespmem:v17+s31+$0x0] =	vst.idx.add.f32.msk $0xffff, v42  }
0x98f: {  	[tilespmem:v18+s31+$0x0] =	vst.idx.add.f32.msk $0xffff, v43  }
0x990: {  	[tilespmem:v19+s31+$0x0] =	vst.idx.add.f32.msk $0xffff, v44  }
0x991: {  	[tilespmem:v20+s31+$0x0] =	vst.idx.add.f32.msk $0xffff, v45  }
0x992: {  	[tilespmem:v2+s4+$0x0] =	vst.idx.add.f32.msk $0xffff, v37  }
0x993: {  	v37 =	vld [tilespmem:s11+$0xFFFFFFF0]  }
0x994: {  	[tilespmem:v21+s31+$0x0] =	vst.idx.add.f32.msk $0xffff, v46  }
0x995: {  	[tilespmem:v22+s31+$0x0] =	vst.idx.add.f32.msk $0xffff, v47  }
0x996: {  	[tilespmem:v23+s31+$0x0] =	vst.idx.add.f32.msk $0xffff, v48  }
0x997: {  	[tilespmem:v24+s31+$0x0] =	vst.idx.add.f32.msk $0xffff, v49  }
0x998: {  	s20 =	simm.s32 $0x0;
	s9 =	simm.s32 $0x18A20;
	[tilespmem:v2+s31+$0x0] =	vst.idx.add.f32.msk $0xffff, v37  }
.LBB2_35:
0x999: {  	v12 =	vld [tilespmem:s9+$0xC0];
	s20 =	sadd.s32 $0x190, s20  }
0x99a: {  	v2 =	vld [tilespmem:s9+$0xFFFFFF50];
	p0 =	slt.u32 s20, $0x640  }
0x99b: {  	s6 =	sadd.s32 $0x190, s6;
	v3 =	vld [tilespmem:s9+$0xFFFFFF60]  }
0x99c: {  	v8 =	vld [tilespmem:s6+$0xC0]  }
0x99d: {  	v4 =	vld [tilespmem:s9+$0xFFFFFF70]  }
0x99e: {  	v5 =	vld [tilespmem:s9+$0xFFFFFF80]  }
0x99f: {  	v6 =	vld [tilespmem:s9+$0xFFFFFF90]  }
0x9a0: {  	v7 =	vld [tilespmem:s9+$0xFFFFFFA0]  }
0x9a1: {  	s11 =	sadd.s32 $0x190, s11;
	[tilespmem:v12+s4+$0x0] =	vst.idx.add.f32.msk $0xffff, v8  }
0x9a2: {  	v13 =	vld [tilespmem:s11+$0xC0]  }
0x9a3: {  	v8 =	vld [tilespmem:s9+$0xFFFFFFB0]  }
0x9a4: {  	v9 =	vld [tilespmem:s9+$0xFFFFFFC0]  }
0x9a5: {  	v10 =	vld [tilespmem:s9+$0xFFFFFFD0]  }
0x9a6: {  	s15 =	simm.s32 $0x40;
	v11 =	vld [tilespmem:s9+$0xFFFFFFE0]  }
0x9a7: {  	s7 =	simm.s32 $0x10040;
	s3 =	simm.s32 $0x8040;
	[tilespmem:v12+s31+$0x0] =	vst.idx.add.f32.msk $0xffff, v13  }
0x9a8: {  	v12 =	vld [tilespmem:s9+$0xFFFFFFF0]  }
0x9a9: {  	v13 =	vld [tilespmem:s9+$0x0]  }
0x9aa: {  	v14 =	vld [tilespmem:s9+$0x10]  }
0x9ab: {  	v15 =	vld [tilespmem:s9+$0x20]  }
0x9ac: {  	v16 =	vld [tilespmem:s9+$0x30]  }
0x9ad: {  	v17 =	vld [tilespmem:s9+$0x40]  }
0x9ae: {  	v18 =	vld [tilespmem:s9+$0x50]  }
0x9af: {  	v19 =	vld [tilespmem:s9+$0x60]  }
0x9b0: {  	v20 =	vld [tilespmem:s9+$0x70]  }
0x9b1: {  	v21 =	vld [tilespmem:s9+$0x80]  }
0x9b2: {  	v22 =	vld [tilespmem:s9+$0x90]  }
0x9b3: {  	v23 =	vld [tilespmem:s9+$0xA0]  }
0x9b4: {  	v24 =	vld [tilespmem:s9+$0xB0]  }
0x9b5: {  	v25 =	vld [tilespmem:s9+$0xFFFFFF40]  }
0x9b6: {  	v26 =	vld [tilespmem:s6+$0xFFFFFF40]  }
0x9b7: {  	v27 =	vld [tilespmem:s6+$0xFFFFFF50]  }
0x9b8: {  	v28 =	vld [tilespmem:s6+$0xFFFFFF60]  }
0x9b9: {  	v29 =	vld [tilespmem:s6+$0xFFFFFF70]  }
0x9ba: {  	v30 =	vld [tilespmem:s6+$0xFFFFFF80]  }
0x9bb: {  	v31 =	vld [tilespmem:s6+$0xFFFFFF90]  }
0x9bc: {  	v32 =	vld [tilespmem:s6+$0xFFFFFFA0]  }
0x9bd: {  	v33 =	vld [tilespmem:s6+$0xFFFFFFB0]  }
0x9be: {  	v34 =	vld [tilespmem:s6+$0xFFFFFFC0]  }
0x9bf: {  	v35 =	vld [tilespmem:s6+$0xFFFFFFD0]  }
0x9c0: {  	v36 =	vld [tilespmem:s6+$0xFFFFFFE0]  }
0x9c1: {  	v37 =	vld [tilespmem:s6+$0xFFFFFFF0]  }
0x9c2: {  	v38 =	vld [tilespmem:s6+$0x0]  }
0x9c3: {  	v39 =	vld [tilespmem:s6+$0x10]  }
0x9c4: {  	v40 =	vld [tilespmem:s6+$0x20]  }
0x9c5: {  	v41 =	vld [tilespmem:s6+$0x30]  }
0x9c6: {  	v42 =	vld [tilespmem:s6+$0x40]  }
0x9c7: {  	v43 =	vld [tilespmem:s6+$0x50]  }
0x9c8: {  	v44 =	vld [tilespmem:s6+$0x60]  }
0x9c9: {  	v45 =	vld [tilespmem:s6+$0x70]  }
0x9ca: {  	v46 =	vld [tilespmem:s6+$0x80]  }
0x9cb: {  	v47 =	vld [tilespmem:s6+$0x90]  }
0x9cc: {  	v48 =	vld [tilespmem:s6+$0xA0]  }
0x9cd: {  	v49 =	vld [tilespmem:s6+$0xB0]  }
0x9ce: {  	[tilespmem:v25+s4+$0x0] =	vst.idx.add.f32.msk $0xffff, v26  }
0x9cf: {  	[tilespmem:v2+s4+$0x0] =	vst.idx.add.f32.msk $0xffff, v27  }
0x9d0: {  	[tilespmem:v3+s4+$0x0] =	vst.idx.add.f32.msk $0xffff, v28  }
0x9d1: {  	[tilespmem:v4+s4+$0x0] =	vst.idx.add.f32.msk $0xffff, v29  }
0x9d2: {  	[tilespmem:v5+s4+$0x0] =	vst.idx.add.f32.msk $0xffff, v30  }
0x9d3: {  	[tilespmem:v6+s4+$0x0] =	vst.idx.add.f32.msk $0xffff, v31  }
0x9d4: {  	[tilespmem:v7+s4+$0x0] =	vst.idx.add.f32.msk $0xffff, v32  }
0x9d5: {  	[tilespmem:v8+s4+$0x0] =	vst.idx.add.f32.msk $0xffff, v33  }
0x9d6: {  	[tilespmem:v9+s4+$0x0] =	vst.idx.add.f32.msk $0xffff, v34  }
0x9d7: {  	[tilespmem:v10+s4+$0x0] =	vst.idx.add.f32.msk $0xffff, v35  }
0x9d8: {  	[tilespmem:v11+s4+$0x0] =	vst.idx.add.f32.msk $0xffff, v36  }
0x9d9: {  	[tilespmem:v12+s4+$0x0] =	vst.idx.add.f32.msk $0xffff, v37  }
0x9da: {  	[tilespmem:v13+s4+$0x0] =	vst.idx.add.f32.msk $0xffff, v38  }
0x9db: {  	[tilespmem:v14+s4+$0x0] =	vst.idx.add.f32.msk $0xffff, v39  }
0x9dc: {  	[tilespmem:v15+s4+$0x0] =	vst.idx.add.f32.msk $0xffff, v40  }
0x9dd: {  	[tilespmem:v16+s4+$0x0] =	vst.idx.add.f32.msk $0xffff, v41  }
0x9de: {  	[tilespmem:v17+s4+$0x0] =	vst.idx.add.f32.msk $0xffff, v42  }
0x9df: {  	[tilespmem:v18+s4+$0x0] =	vst.idx.add.f32.msk $0xffff, v43  }
0x9e0: {  	[tilespmem:v19+s4+$0x0] =	vst.idx.add.f32.msk $0xffff, v44  }
0x9e1: {  	[tilespmem:v20+s4+$0x0] =	vst.idx.add.f32.msk $0xffff, v45  }
0x9e2: {  	[tilespmem:v21+s4+$0x0] =	vst.idx.add.f32.msk $0xffff, v46  }
0x9e3: {  	[tilespmem:v22+s4+$0x0] =	vst.idx.add.f32.msk $0xffff, v47  }
0x9e4: {  	[tilespmem:v23+s4+$0x0] =	vst.idx.add.f32.msk $0xffff, v48  }
0x9e5: {  	[tilespmem:v24+s4+$0x0] =	vst.idx.add.f32.msk $0xffff, v49  }
0x9e6: {  	v26 =	vld [tilespmem:s11+$0xFFFFFF40]  }
0x9e7: {  	v27 =	vld [tilespmem:s11+$0xFFFFFF50]  }
0x9e8: {  	v28 =	vld [tilespmem:s11+$0xFFFFFF60]  }
0x9e9: {  	v29 =	vld [tilespmem:s11+$0xFFFFFF70]  }
0x9ea: {  	v30 =	vld [tilespmem:s11+$0xFFFFFF80]  }
0x9eb: {  	v31 =	vld [tilespmem:s11+$0xFFFFFF90]  }
0x9ec: {  	v32 =	vld [tilespmem:s11+$0xFFFFFFA0]  }
0x9ed: {  	v33 =	vld [tilespmem:s11+$0xFFFFFFB0]  }
0x9ee: {  	v34 =	vld [tilespmem:s11+$0xFFFFFFC0]  }
0x9ef: {  	v35 =	vld [tilespmem:s11+$0xFFFFFFD0]  }
0x9f0: {  	v36 =	vld [tilespmem:s11+$0xFFFFFFE0]  }
0x9f1: {  	v37 =	vld [tilespmem:s11+$0xFFFFFFF0]  }
0x9f2: {  	v38 =	vld [tilespmem:s11+$0x0]  }
0x9f3: {  	v39 =	vld [tilespmem:s11+$0x10]  }
0x9f4: {  	v40 =	vld [tilespmem:s11+$0x20]  }
0x9f5: {  	v41 =	vld [tilespmem:s11+$0x30]  }
0x9f6: {  	v42 =	vld [tilespmem:s11+$0x40]  }
0x9f7: {  	v43 =	vld [tilespmem:s11+$0x50]  }
0x9f8: {  	v44 =	vld [tilespmem:s11+$0x60]  }
0x9f9: {  	v45 =	vld [tilespmem:s11+$0x70]  }
0x9fa: {  	v46 =	vld [tilespmem:s11+$0x80]  }
0x9fb: {  	v47 =	vld [tilespmem:s11+$0x90]  }
0x9fc: {  	v48 =	vld [tilespmem:s11+$0xA0]  }
0x9fd: {  	v49 =	vld [tilespmem:s11+$0xB0]  }
0x9fe: {  	[tilespmem:v25+s31+$0x0] =	vst.idx.add.f32.msk $0xffff, v26  }
0x9ff: {  	[tilespmem:v2+s31+$0x0] =	vst.idx.add.f32.msk $0xffff, v27  }
0xa00: {  	[tilespmem:v3+s31+$0x0] =	vst.idx.add.f32.msk $0xffff, v28  }
0xa01: {  	[tilespmem:v4+s31+$0x0] =	vst.idx.add.f32.msk $0xffff, v29  }
0xa02: {  	[tilespmem:v5+s31+$0x0] =	vst.idx.add.f32.msk $0xffff, v30  }
0xa03: {  	[tilespmem:v6+s31+$0x0] =	vst.idx.add.f32.msk $0xffff, v31  }
0xa04: {  	[tilespmem:v7+s31+$0x0] =	vst.idx.add.f32.msk $0xffff, v32  }
0xa05: {  	[tilespmem:v8+s31+$0x0] =	vst.idx.add.f32.msk $0xffff, v33  }
0xa06: {  	[tilespmem:v9+s31+$0x0] =	vst.idx.add.f32.msk $0xffff, v34  }
0xa07: {  	[tilespmem:v10+s31+$0x0] =	vst.idx.add.f32.msk $0xffff, v35  }
0xa08: {  	[tilespmem:v11+s31+$0x0] =	vst.idx.add.f32.msk $0xffff, v36  }
0xa09: {  	[tilespmem:v12+s31+$0x0] =	vst.idx.add.f32.msk $0xffff, v37  }
0xa0a: {  	[tilespmem:v13+s31+$0x0] =	vst.idx.add.f32.msk $0xffff, v38  }
0xa0b: {  	[tilespmem:v14+s31+$0x0] =	vst.idx.add.f32.msk $0xffff, v39  }
0xa0c: {  	[tilespmem:v15+s31+$0x0] =	vst.idx.add.f32.msk $0xffff, v40  }
0xa0d: {  	[tilespmem:v16+s31+$0x0] =	vst.idx.add.f32.msk $0xffff, v41  }
0xa0e: {  	[tilespmem:v17+s31+$0x0] =	vst.idx.add.f32.msk $0xffff, v42  }
0xa0f: {  	[tilespmem:v18+s31+$0x0] =	vst.idx.add.f32.msk $0xffff, v43  }
0xa10: {  	[tilespmem:v19+s31+$0x0] =	vst.idx.add.f32.msk $0xffff, v44  }
.Ltmp16:
0xa11: {  	[tilespmem:v20+s31+$0x0] =	vst.idx.add.f32.msk $0xffff, v45;
	(pc) =	sbr.rel @p0 .LBB2_35-.Ltmp16, $4  }
0xa12: {  	[tilespmem:v21+s31+$0x0] =	vst.idx.add.f32.msk $0xffff, v46  }
0xa13: {  	[tilespmem:v22+s31+$0x0] =	vst.idx.add.f32.msk $0xffff, v47  }
0xa14: {  	[tilespmem:v23+s31+$0x0] =	vst.idx.add.f32.msk $0xffff, v48  }
0xa15: {  	s9 =	sadd.s32 $0x190, s9;
	[tilespmem:v24+s31+$0x0] =	vst.idx.add.f32.msk $0xffff, v49  }
0xa16: {  	v3 =	vld [tilespmem:s7+$0x30]  }
0xa17: {  	v4 =	vld [tilespmem:s7+$0xFFFFFFC0]  }
0xa18: {  	v5 =	vld [tilespmem:s15+$0xFFFFFFD0]  }
0xa19: {  	v6 =	vld [tilespmem:s15+$0xFFFFFFC0]  }
0xa1a: {  	v7 =	vld [tilespmem:s7+$0xFFFFFFD0]  }
0xa1b: {  	v2 =	vld [tilespmem:s15+$0xFFFFFFE0]  }
0xa1c: {  	v9 =	vld [tilespmem:s7+$0xFFFFFFE0]  }
0xa1d: {  	v12 =	vld [tilespmem:s15+$0x0]  }
0xa1e: {  	v13 =	vld [tilespmem:s7+$0x0]  }
0xa1f: {  	v14 =	vld [tilespmem:s15+$0x20]  }
0xa20: {  	s6 =	simm.s32 $0x0;
	s9 =	simm.s32 $0x30;
	v15 =	vld [tilespmem:s7+$0x20]  }
0xa21: {  	s11 =	simm.s32 $0x70;
	v16 =	vld [tilespmem:s7+$0x10];
	s20 =	sand.u32 $0x7C00, s6;
	s9 =	sand.u32 $0x3A0, s9  }
0xa22: {  	s14 =	simm.s32 $0x50;
	v17 =	vld [tilespmem:s7+$0xFFFFFFF0];
	s18 =	sand.u32 $0x3E0, s11;
	s10 =	sor.u32 s9, s20  }
0xa23: {  	s14 =	sand.u32 $0x3C0, s14;
	s11 =	sor.u32 s18, s20;
	v8 =	vld [tilespmem:s10+$0x8010]  }
0xa24: {  	s9 =	sor.u32 s14, s20;
	v10 =	vld [tilespmem:s11+$0x8010]  }
0xa25: {  	v11 =	vld [tilespmem:s9+$0x8010]  }
0xa26: {  	v56 =	vld [tilespmem:s10+$0x10];
	v12 =	vmul.f32 v13, v12  }
0xa27: {  	v57 =	vld [tilespmem:s11+$0x10];
	v2 =	vmul.f32 v9, v2  }
0xa28: {  	v9 =	vld [tilespmem:s9+$0x10];
	[tilespmem:s15+$0x0] =	vst v12  }
0xa29: {  	[tilespmem:s15+$0xFFFFFFE0] =	vst v2;
	v18 =	vld [tilespmem:s7+$0x0]  }
0xa2a: {  	v5 =	vmul.f32 v7, v5;
	v58 =	vld [tilespmem:s7+$0xFFFFFFE0]  }
0xa2b: {  	v13 =	vmul.f32 v17, v56;
	v59 =	vld [tilespmem:s3+$0x0]  }
0xa2c: {  	[tilespmem:s15+$0xFFFFFFD0] =	vst v5;
	v60 =	vld [tilespmem:s3+$0xFFFFFFE0];
	v3 =	vmul.f32 v3, v57  }
0xa2d: {  	v5 =	vld [tilespmem:s3+$0xFFFFFFD0];
	v9 =	vmul.f32 v16, v9;
	[tilespmem:s10+$0x10] =	vst v13  }
0xa2e: {  	[tilespmem:s11+$0x10] =	vst v3;
	v61 =	vld [tilespmem:s7+$0xFFFFFFF0]  }
0xa2f: {  	v4 =	vmul.f32 v4, v6;
	v63 =	vld [tilespmem:s7+$0x30];
	[tilespmem:s9+$0x10] =	vst v9  }
0xa30: {  	v2 =	vmul.f32 v15, v14;
	v62 =	vld [tilespmem:s7+$0x10]  }
0xa31: {  	[tilespmem:s15+$0xFFFFFFC0] =	vst v4;
	v7 =	vld [tilespmem:s7+$0xFFFFFFD0]  }
0xa32: {  	v4 =	vld [tilespmem:s3+$0xFFFFFFC0];
	[tilespmem:s15+$0x20] =	vst v2;
	v6 =	vmul.f32 v18, v59  }
0xa33: {  	v2 =	vld [tilespmem:s7+$0x20];
	v14 =	vmul.f32 v58, v60  }
0xa34: {  	v3 =	vld [tilespmem:s3+$0x20];
	[tilespmem:s3+$0x0] =	vst v6;
	v9 =	vmul.f32 v61, v8  }
0xa35: {  	s20 =	simm.s32 $0xC0;
	s15 =	simm.s32 $0x100C0;
	v6 =	vld [tilespmem:s7+$0xFFFFFFC0];
	[tilespmem:s3+$0xFFFFFFE0] =	vst v14;
	s7 =	simm.s32 $0x8040;
	v10 =	vmul.f32 v63, v10;
	v8 =	vmul.f32 v62, v11  }
.LBB2_37:
0xa36: {  	s14 =	sadd.s32 $0xB0, s6  }
0xa37: {  	v11 =	vld [tilespmem:s15+$0x30];
	[tilespmem:s10+$0x8010] =	vst v9;
	s3 =	sadd.s32 $0x80, s3;
	s18 =	smov.u32 s6;
	s6 =	sadd.s32 $0x80, s6  }
0xa38: {  	v9 =	vld [tilespmem:s15+$0xFFFFFFC0];
	s13 =	sand.u32 $0x7C00, s6;
	s10 =	sand.u32 $0x3A0, s14;
	s14 =	sadd.s32 $0xD0, s18;
	[tilespmem:s11+$0x8010] =	vst v10  }
0xa39: {  	v10 =	vld [tilespmem:s20+$0xFFFFFFD0];
	s10 =	sor.u32 s10, s13;
	s11 =	sand.u32 $0x3C0, s14;
	s14 =	sadd.s32 $0xF0, s18;
	v5 =	vmul.f32 v7, v5  }
0xa3a: {  	v2 =	vmul.f32 v2, v3;
	p0 =	slt.u32 s6, $0x7F80;
	v7 =	vld [tilespmem:s20+$0xFFFFFFC0];
	s14 =	sand.u32 $0x3E0, s14;
	[tilespmem:s9+$0x8010] =	vst v8;
	s9 =	sor.u32 s11, s13  }
0xa3b: {  	v8 =	vld [tilespmem:s10+$0x8010];
	s11 =	sor.u32 s14, s13;
	v3 =	vmul.f32 v6, v4;
	[tilespmem:s7+$0xFFFFFFD0] =	vst v5  }
0xa3c: {  	v12 =	vld [tilespmem:s11+$0x8010];
	[tilespmem:s7+$0x20] =	vst v2  }
0xa3d: {  	v6 =	vld [tilespmem:s9+$0x8010];
	[tilespmem:s7+$0xFFFFFFC0] =	vst v3;
	s7 =	smov.u32 s3  }
0xa3e: {  	v2 =	vld [tilespmem:s15+$0xFFFFFFD0]  }
0xa3f: {  	v3 =	vld [tilespmem:s20+$0xFFFFFFE0]  }
0xa40: {  	v4 =	vld [tilespmem:s15+$0xFFFFFFE0]  }
0xa41: {  	v5 =	vld [tilespmem:s20+$0x0]  }
0xa42: {  	v13 =	vld [tilespmem:s15+$0x0]  }
0xa43: {  	v14 =	vld [tilespmem:s20+$0x20]  }
0xa44: {  	v15 =	vld [tilespmem:s15+$0x20]  }
0xa45: {  	v16 =	vld [tilespmem:s15+$0x10]  }
0xa46: {  	v3 =	vmul.f32 v4, v3;
	v4 =	vld [tilespmem:s15+$0xFFFFFFF0]  }
0xa47: {  	v17 =	vld [tilespmem:s10+$0x10];
	v5 =	vmul.f32 v13, v5  }
0xa48: {  	[tilespmem:s20+$0xFFFFFFE0] =	vst v3;
	v3 =	vld [tilespmem:s9+$0x10]  }
0xa49: {  	[tilespmem:s20+$0x0] =	vst v5;
	v5 =	vmul.f32 v15, v14;
	v13 =	vld [tilespmem:s11+$0x10]  }
0xa4a: {  	v14 =	vld [tilespmem:s15+$0x0]  }
0xa4b: {  	v10 =	vmul.f32 v2, v10;
	v15 =	vld [tilespmem:s15+$0xFFFFFFE0];
	[tilespmem:s20+$0x20] =	vst v5  }
0xa4c: {  	v2 =	vmul.f32 v4, v17;
	v4 =	vld [tilespmem:s3+$0x0]  }
0xa4d: {  	v5 =	vmul.f32 v9, v7;
	v9 =	vld [tilespmem:s3+$0xFFFFFFE0];
	v3 =	vmul.f32 v16, v3  }
0xa4e: {  	[tilespmem:s10+$0x10] =	vst v2;
	v2 =	vld [tilespmem:s15+$0x20];
	v7 =	vmul.f32 v11, v13  }
0xa4f: {  	v11 =	vld [tilespmem:s15+$0xFFFFFFF0];
	[tilespmem:s9+$0x10] =	vst v3  }
0xa50: {  	v13 =	vld [tilespmem:s15+$0x10];
	[tilespmem:s11+$0x10] =	vst v7  }
0xa51: {  	v4 =	vmul.f32 v14, v4;
	v14 =	vld [tilespmem:s15+$0x30]  }
.Ltmp17:
0xa52: {  	[tilespmem:s20+$0xFFFFFFD0] =	vst v10;
	v3 =	vld [tilespmem:s3+$0x20];
	(pc) =	sbr.rel @p0 .LBB2_37-.Ltmp17, $4  }
0xa53: {  	[tilespmem:s20+$0xFFFFFFC0] =	vst v5;
	v5 =	vld [tilespmem:s3+$0xFFFFFFD0]  }
0xa54: {  	v10 =	vmul.f32 v15, v9;
	v7 =	vld [tilespmem:s15+$0xFFFFFFD0];
	v9 =	vmul.f32 v11, v8;
	[tilespmem:s3+$0x0] =	vst v4  }
0xa55: {  	v4 =	vld [tilespmem:s3+$0xFFFFFFC0];
	v8 =	vmul.f32 v13, v6  }
0xa56: {  	s20 =	sadd.s32 $0x80, s20;
	v6 =	vld [tilespmem:s15+$0xFFFFFFC0];
	[tilespmem:s3+$0xFFFFFFE0] =	vst v10;
	v10 =	vmul.f32 v14, v12;
	s15 =	sadd.s32 $0x80, s15  }
0xa57: {  	_ = 	snop  }
0xa58: {  	[tilespmem:s10+$0x8010] =	vst v9  }
0xa59: {  	[tilespmem:s9+$0x8010] =	vst v8;
	v5 =	vmul.f32 v7, v5  }
0xa5a: {  	[tilespmem:s11+$0x8010] =	vst v10  }
0xa5b: {  	v2 =	vmul.f32 v2, v3;
	[tilespmem:s7+$0xFFFFFFD0] =	vst v5  }
0xa5c: {  	s3 =	sshll.u32 s19, $0xF;
	v3 =	vmul.f32 v6, v4;
	s9 =	rddreg [dreg:$0xb]  }
0xa5d: {  	[tilespmem:s7+$0x20] =	vst v2;
	s3 =	sadd.s32 s9, s3  }
0xa5e: {  	s6 =	rddreg [dreg:$0x2];
	[tilespmem:s7+$0xFFFFFFC0] =	vst v3;
	s3 =	sshrl.u32 s3, $0x3  }
0xa5f: {  	s19 =	rddreg [dreg:$0x13];
	s3 =	sadd.s32 s6, s3  }
0xa60: {  	[hbm4b:s3+s4] =	stream.linear.scatter [tilespmem:s4], [sflag:$0x7], $0x8000, $0x38;
	[tilespmem:$0x1AEE0] =	vst v63  }
0xa61: {  	s20 =	simm.s32 $0x7;
	s3 =	sshll.u32 s19, $0xF  }
0xa62: {  	_ =	swait.ge [sflag:s20], $0x8000;
	s3 =	sadd.s32 s9, s3  }
0xa63: {  	p0 =	sne.s32 s12, $0x3;
	[sflag:s20] =	ssyncset.done $0x0;
	s3 =	sshrl.u32 s3, $0x3  }
.Ltmp18:
0xa64: {  	[sflag:s20] =	ssyncadd.s32 $0xFFFF8000;
	s3 =	sadd.s32 s6, s3;
	(pc) =	sbr.rel @p0 .LBB2_22-.Ltmp18, $4  }
0xa65: {  	[hbm4b:s3+s4] =	stream.linear.scatter [tilespmem:s31], [sflag:$0x7], $0x8000, $0x38;
	[tilespmem:$0x1AEE0] =	vst v63  }
0xa66: {  	_ =	swait.ge [sflag:s20], $0x8000  }
0xa67: {  	[sflag:s20] =	ssyncset.done $0x0  }
0xa68: {  	[sflag:s20] =	ssyncadd.s32 $0xFFFF8000  }
0xa69: {  	s6 =	rddreg [dreg:$0x12]  }
0xa6a: {  	s3 =	rddreg [dreg:$0x11];
	s6 =	sadd.s32 $0x1, s6  }
0xa6b: {  	p0 =	sne.s32 s6, s3  }
.Ltmp19:
0xa6c: {  	_ = 	snop;
	(pc) =	sbr.rel @p0 .LBB2_1-.Ltmp19, $3  }
0xa6d: {  	_ =	sdelay $0x1  }
0xa6e: {  	s14 =	rddreg [dreg:$0x6]  }
0xa6f: {  	s15 =	rddreg [dreg:$0x7]  }
0xa70: {  	_ =	sfence.sel $0x180000  }
0xa71: {  	[bflag:$0x0] =	sbarrier.arrive $0xFFFF  }
0xa72: {  	_ =	strace $0x90000047  }
0xa73: {  	s0 =	stileid.u32;
	[bflag:$0x2] =	sbarrier.arrive $0xFFFF  }
0xa74: {  	p0 =	sne.s32 s0, $0x0;
	s0 =	rddreg [dreg:$0x3]  }
0xa75: {  	s0 =	sadd.s32 @!p0 $0x100000, s0  }
0xa76: {  	[sflag:s0] =	ssyncadd.tile.s32 @!p0 $0x1;
	_ =	shalt  }
.Lfunc_end2:
_tile_overlayer_lowered:
.L_overlay_start_2:
0xa77: {  	(tag) =	ssettag $0x2  }
0xa78: {  	s0 =	rddreg [dreg:$0x0];
	s2 =	stileid.u32  }
0xa79: {  	s1 =	rddreg [dreg:$0x1];
	p0 =	sne.s32 s2, $0x0  }
0xa7a: {  	s3 =	rddreg [dreg:$0x2];
	[bflag:$0x3] =	sbarrier.arrive $0xFFFF;
	s2 =	simm.s32 @!p0 $0x1C07  }
0xa7b: {  	[timem:s3], [sflag:s2] =	dma.local @!p0 [hbm:s0], s1  }
0xa7c: {  	s0 =	simm.s32 @!p0 $0x7  }
0xa7d: {  	_ =	swait.ge @!p0 [sflag:s0], s1  }
0xa7e: {  	s1 =	ssub.s32 @!p0 $0x0, s1;
	[sflag:s0] =	ssyncset.done @!p0 $0x0  }
0xa7f: {  	[sflag:s0] =	ssyncadd.s32 @!p0 s1  }
0xa80: {  	[bflag:$0x3] =	sbarrier.arrive $0xFFFF  }
0xa81: {  	_ =	shalt  }

// kernel: sparse-core-data-format-call.cloned.1.call-start
scs
called_computation_lowered:
.L_overlay_start_0:
0x0: {  	s2 =	sld [smem:$0x3FD9]  }
0x1: {  	s3 =	sld [smem:$0x3FFE];
	_ =	sdelay $0x1  }
0x2: {  	s1 =	srdreg.scid  }
0x3: {  	s0 =	sand.u32 $0x1, s1  }
0x4: {  	s15 =	sshll.u32 s0, $0xA;
	s2 =	sadd.s32 s3, s2  }
0x5: {  	s2 =	sadd.s32 s2, s15  }
0x6: {  	[smem:$0x3FC6] =	sst s2  }
0x7: {  	_ = 	snop  }
0x8: {  	s2 =	sld [smem:$0x3FD0];
	_ =	sdelay $0x2  }
0x9: {  	s16 =	simm.s32 $0xA;
	s4 =	simm.s32 $0x10  }
0xa: {  	[smem:s4], [sflag:s16] =	dma.local [hbm:s2], $0x1  }
0xb: {  	_ =	swait.eq [sflag:s16], $0x1  }
0xc: {  	[sflag:s16] =	ssyncset.done $0x0  }
0xd: {  	[sflag:s16] =	ssyncadd.s32 $0xFFFFFFFF  }
0xe: {  	s17 =	sld [smem:$0x10];
	(tm) =	ssettm $0x1  }
0xf: {  	s18 =	sld [smem:$0x3FFB];
	_ =	sdelay $0x3  }
0x10: {  	_ =	strace s18  }
0x11: {  	s3 =	sld [smem:$0x3FFC];
	_ =	sdelay $0x3  }
0x12: {  	_ =	strace s3  }
0x13: {  	s3 =	sld [smem:$0x3FFD];
	_ =	sdelay $0x3  }
0x14: {  	_ =	strace s3  }
0x15: {  	_ =	strace $0x8FFFFFFF  }
0x16: {  	s19 =	sld [smem:$0x3FDB];
	_ =	sdelay $0x1  }
0x17: {  	s20 =	simm.s32 $_scs_section_size  }
0x18: {  	s5 =	simm.s32 $_size__tile_overlayer_lowered;
	s6 =	simm.s32 $_tile_overlayer_lowered  }
0x19: {  	s23 =	simm.s32 $0x1BFF;
	s22 =	sshll.u32 s6, $0x1;
	s3 =	sadd.s32 s20, s19  }
0x1a: {  	s7 =	simm.s32 $0x0;
	s21 =	sshll.u32 s5, $0x1;
	s5 =	sadd.s32 s22, s3  }
0x1b: {  	[timem:s7], [sflag:s23] =	dma.local [hbm:s5], s21  }
0x1c: {  	_ =	swait.ge [sflag:s23], s21  }
0x1d: {  	s4 =	ssub.s32 $0x0, s21;
	[sflag:s23] =	ssyncset.done $0x0  }
0x1e: {  	[sflag:s23] =	ssyncadd.s32 s4;
	_ =	sdelay $0x1  }
0x1f: {  	s24 =	simm.s32 $0x1B8B  }
0x20: {  	_ =	swait.ge [sflag:s24], $0x1  }
0x21: {  	[sflag:s24] =	ssyncset.done $0x0  }
0x22: {  	s26 =	simm.s32 $0x1B8E;
	s25 =	sld [smem:$0x3FFE];
	[sflag:s24] =	ssyncadd.s32 $0xFFFFFFFF  }
0x23: {  	s27 =	simm.s32 $execute0_lowered;
	[smem:$0x3FD2] =	sst s26  }
0x24: {  	s5 =	sshll.u32 s27, $0x1;
	_ =	strace $0x80000049;
	[dreg:$0x1] =	wrdreg $0xFFFFFFFF  }
0x25: {  	s28 =	simm.s32 $_size_execute0_lowered;
	s3 =	sadd.s32 s3, s5;
	[dreg:$0x0] =	wrdreg $0x0  }
0x26: {  	s5 =	sshll.u32 s28, $0x1;
	[dreg:$0x2] =	wrdreg s3  }
0x27: {  	[dreg:$0x3] =	wrdreg s5  }
0x28: {  	[dreg:$0x4] =	wrdreg $0xC0  }
0x29: {  	_ =	task [dreg:s7], $0x5FFFF  }
0x2a: {  	[dreg:$0x1] =	wrdreg $0xFFFFFFFF  }
0x2b: {  	[dreg:$0x0] =	wrdreg $0x60  }
0x2c: {  	[dreg:$0x2] =	wrdreg s25  }
0x2d: {  	[dreg:$0x3] =	wrdreg s17  }
0x2e: {  	[dreg:$0x4] =	wrdreg $0x9  }
0x2f: {  	_ =	task.clear_ibuf [dreg:s7], $0x5FFFF;
	_ =	strace $0x90000049  }
0x30: {  	s29 =	simm.s32 $0x9;
	_ =	strace $0x8000004B  }
0x31: {  	_ =	swait.ge [sflag:s29], $0x1  }
0x32: {  	[sflag:s29] =	ssyncadd.s32 $0xFFFFFFFF  }
0x33: {  	_ =	strace $0x9000004B  }
0x34: {  	_ =	sfence  }
0x35: {  	s30 =	sld [smem:$0x0];
	_ =	sdelay $0x2  }
0x36: {  	s31 =	sshll.u32 s1, $0xD;
	s1 =	sshrl.u32 s1, $0x2  }
0x37: {  	s3 =	sand.u32 $0x4000, s31;
	s1 =	sadd.s32 s1, s30  }
0x38: {  	s0 =	sor.u32 s3, s0;
	s1 =	sshll.u32 s1, $0x11  }
0x39: {  	s0 =	sor.u32 s1, s0  }
0x3a: {  	s0 =	sadd.s32 $0x8F2B, s0  }
0x3b: {  	[sflag:s0] =	ssyncadd.remote.s32 $0x1  }
0x3c: {  	_ =	sfence.sel $0xFFFF  }
0x3d: {  	[dreg:$0x0] =	wrdreg $0xFFFFFFFF;
	(pc) =	sbr.abs _section_cstart, $3  }
0x3e: {  	[dreg:$0x1] =	wrdreg $0xFFFFFFFF  }
0x3f: {  	_ =	task.clear_ibuf [dreg:s7], $0x2FFFF;
	_ =	strace $0x9FFFFFFF  }
0x40: {  	(tm) =	ssettm $0x7FFFFFFF  }
0x41: {  	_ =	shalt  }
tec
execute0_lowered:
.L_overlay_start_1:
0x0: {  	(tag) =	ssettag $0x1  }
0x1: {  	s1 =	rddreg [dreg:$0x0]  }
0x2: {  	s2 =	rddreg [dreg:$0x1]  }
0x3: {  	s0 =	rddreg [dreg:$0x2];
	_ =	strace $0x8000004A;
	s4 =	srdreg.scid  }
0x4: {  	s6 =	simm.s32 $0x2;
	s15 =	simm.s32 $0x0;
	p0 =	por $0x0, $0x0  }
0x5: {  	s9 =	simm.s32 $0x80;
	s17 =	simm.s32 $0x0;
	s16 =	simm.s32 $0x0  }
0x6: {  	s18 =	simm.s32 $0x0;
	s11 =	simm.s32 $0x0;
	s13 =	simm.s32 $0x0  }
.Ltmp0:
0x7: {  	s14 =	simm.s32 $0x0;
	s10 =	simm.s32 $0x0;
	(pc) =	sbr.rel .LBB1_1-.Ltmp0, $4  }
0x8: {  	s3 =	sadd.s32 $0x31800, s1;
	s1 =	stileid.u32;
	s5 =	sshll.u32 s4, $0x4  }
0x9: {  	s4 =	simm.s32 $0x1;
	s7 =	sadd.s32 $0x100000, s2;
	s5 =	sand.u32 $0x10, s5  }
0xa: {  	s8 =	sadd.s32 $0x180000, s2;
	[sflag:s4] =	ssyncpa.u1 $0x0;
	s5 =	sor.u32 s1, s5  }
0xb: {  	[sflag:s6] =	ssyncpa.u1 $0x0;
	s6 =	sadd.s32 $0x80000, s2;
	s12 =	smov.u32 s5  }
.LBB1_7:
0xc: {  	s19 =	sadd.s32 $0x1, s11  }
0xd: {  	s15 =	sadd.s32 $0x20, s12;
	s20 =	smov.u32 s12;
	p2 =	sgt.s32 s19, $0x1F  }
0xe: {  	s20 =	smov.u32 @p2 s15  }
0xf: {  	s21 =	smov.u32 s13;
	s15 =	sadd.s32 $0x40, s13;
	p3 =	sgt.s32 s20, $0x1F  }
0x10: {  	s21 =	smov.u32 @p3 s15  }
0x11: {  	s22 =	smov.u32 s14;
	s15 =	sadd.s32 $0x4, s14;
	p4 =	sgt.s32 s21, $0x3F  }
0x12: {  	p1 =	slt.u32 s10, $0x2;
	s22 =	smov.u32 @p4 s15  }
0x13: {  	s10 =	sadd.s32 $0x1, s10;
	s19 =	simm.s32 @p2 $0x0;
	p2 =	sgt.s32 s22, $0x3  }
0x14: {  	s23 =	simm.s32 @!p1 $0x2;
	s22 =	simm.s32 @p2 $0x0;
	p2 =	sne.s32 s10, $0x22  }
.Ltmp1:
0x15: {  	s17 =	smov.u32 s12;
	_ =	swait.ge @!p1 [sflag:s23], $0x2000;
	(pc) =	sbr.rel @!p2 .LBB1_8-.Ltmp1, $4  }
0x16: {  	s16 =	smov.u32 s13;
	s18 =	smov.u32 s14;
	[sflag:s23] =	ssyncset.done @!p1 $0x0  }
0x17: {  	p0 =	por !p0, !p0;
	s20 =	smov.u32 @p3 s5;
	[sflag:s23] =	ssyncadd.s32 @!p1 $0xFFFFE000  }
0x18: {  	s12 =	smov.u32 s20;
	s21 =	simm.s32 @p4 $0x0;
	s15 =	smov.u32 s11  }
0x19: {  	s11 =	smov.u32 s19;
	s13 =	smov.u32 s21;
	s14 =	smov.u32 s22  }
.LBB1_1:
0x1a: {  	p1 =	sgt.u32 s10, $0x1F  }
0x1b: {  	s19 =	sxor.u32 @!p1 $0xFFFFFFFF, s10;
	s20 =	sshll.u32 @!p1 s14, $0x14  }
0x1c: {  	s21 =	sshll.u32 @!p1 s13, $0xE;
	s22 =	sshll.u32 @!p1 s12, $0x9;
	s20 =	sadd.s32 @!p1 s3, s20  }
0x1d: {  	s23 =	sshll.u32 @!p1 s11, $0x4;
	s19 =	sshll.u32 @!p1 s19, $0xD;
	s20 =	sadd.s32 @!p1 s21, s20  }
0x1e: {  	s19 =	sand.u32 @!p1 $0x2000, s19;
	s21 =	sand.u32 @!p1 $0x1F0, s23;
	s20 =	sadd.s32 @!p1 s22, s20  }
0x1f: {  	s22 =	simm.s32 @!p1 $0x20000;
	s20 =	sadd.s32 @!p1 s21, s20;
	s21 =	simm.s32 @!p1 $0x20  }
0x20: {  	[tilespmem:s19], [sflag:$0x1] =	stream.strided.gather @!p1 [hbm4b:s20+s21], $0x2000, s22, s21, $0x38;
	[tilespmem:$0x8100] =	vst v63  }
0x21: {  	p1 =	seq.s32 s10, $0x0  }
0x22: {  	p2 =	seq.s32 @!p1 s10, $0x21  }
0x23: {  	p1 =	por p1, p2  }
.Ltmp2:
0x24: {  	_ = 	snop;
	(pc) =	sbr.rel @p1 .LBB1_7-.Ltmp2, $1  }
0x25: {  	_ =	sdelay $0x3  }
0x26: {  	s19 =	simm.s32 $0x1;
	s21 =	sand.u32 $0x1, s10  }
0x27: {  	_ =	swait.ge [sflag:s4], $0x2000;
	s19 =	simm.s32 @!p0 $0x0;
	s23 =	smul.u32 $0x8200, s21  }
0x28: {  	[sflag:s4] =	ssyncset.done $0x0;
	s20 =	smul.u32 $0x8200, s19  }
0x29: {  	s19 =	sshll.u32 s19, $0xD;
	[sflag:s4] =	ssyncadd.s32 $0xFFFFE000  }
0x2a: {  	s22 =	sor.u32 $0x10, s19;
	s19 =	sshrl.u32 s23, $0x2;
	s20 =	sshrl.u32 s20, $0x2  }
0x2b: {  	s23 =	simm.s32 $0x0;
	s21 =	sor.u32 $0x4000, s20;
	s20 =	sor.u32 $0x4000, s19  }
.LBB1_3:
0x2c: {  	v1 =	vld [tilespmem:s22+$0x0]  }
0x2d: {  	v0 =	vld [tilespmem:s22+$0xFFFFFFF0];
	_ =	sdelay $0x2  }
0x2e: {  	s26 =	sadd.s32 $0x0, s21  }
0x2f: {  	s24 =	simm.s32 $0x4;
	s25 =	sadd.s32 $0x20, s22;
	[tilespmem:s26+$0x410 ss:$0x41] =	vst.msk $0xffff, v1  }
.LBB1_4:
0x30: {  	v1 =	vld [tilespmem:s25+$0x0];
	p1 =	sne.s32 s24, $0xFC;
	[tilespmem:s26+$0x0 ss:$0x41] =	vst.msk $0xffff, v0;
	s26 =	smov.u32 s24;
	s24 =	sadd.s32 $0x4, s24  }
.Ltmp3:
0x31: {  	v0 =	vld [tilespmem:s25+$0xFFFFFFF0];
	(pc) =	sbr.rel @p1 .LBB1_4-.Ltmp3, $4  }
0x32: {  	_ = 	snop  }
0x33: {  	s26 =	sshra.s32 s26, $0x2  }
0x34: {  	s26 =	sadd.s32 s26, s21  }
0x35: {  	s25 =	sadd.s32 $0x20, s25;
	[tilespmem:s26+$0x410 ss:$0x41] =	vst.msk $0xffff, v1  }
0x36: {  	s23 =	sadd.s32 $0x1, s23  }
0x37: {  	p1 =	sne.s32 s23, $0x4  }
.Ltmp4:
0x38: {  	_ = 	snop;
	(pc) =	sbr.rel @p1 .LBB1_3-.Ltmp4, $2  }
0x39: {  	_ =	sdelay $0x2  }
0x3a: {  	[tilespmem:s26+$0x0 ss:$0x41] =	vst.msk $0xffff, v0;
	s21 =	sadd.s32 $0x820, s21;
	s22 =	sadd.s32 $0x800, s22  }
0x3b: {  	s18 =	sshll.u32 s18, $0x13;
	s17 =	sshll.u32 s17, $0xE  }
0x3c: {  	s21 =	sadd.s32 s18, s17  }
0x3d: {  	s22 =	sand.u32 $0x180, s16;
	s23 =	sshrl.u32 s16, $0x3;
	s21 =	sadd.s32 s2, s21  }
0x3e: {  	s26 =	sand.u32 $0x7, s16;
	s23 =	sand.u32 $0xF, s23;
	s21 =	sadd.s32 s22, s21  }
0x3f: {  	s15 =	sshll.u32 s15, $0x9;
	s16 =	sshll.u32 s26, $0x12;
	s21 =	sadd.s32 s23, s21  }
0x40: {  	s27 =	sadd.s32 s18, s6;
	s16 =	sor.u32 $0x40, s16;
	s21 =	sadd.s32 s15, s21  }
0x41: {  	[hbm4b:s21+s16] =	stream.strided.scatter [tilespmem:s20], [sflag:$0x2], $0x800, s9, s16, $0x18;
	[tilespmem:$0x8100] =	vst v63  }
0x42: {  	s20 =	sadd.s32 s22, s27  }
0x43: {  	s20 =	sadd.s32 s17, s20  }
0x44: {  	s20 =	sadd.s32 s23, s20  }
0x45: {  	s28 =	sadd.s32 $0x4820, s19;
	s29 =	sadd.s32 s18, s7;
	s20 =	sadd.s32 s15, s20  }
0x46: {  	[hbm4b:s20+s16] =	stream.strided.scatter [tilespmem:s28], [sflag:$0x2], $0x800, s9, s16, $0x18;
	[tilespmem:$0x8100] =	vst v63  }
0x47: {  	s18 =	sadd.s32 s18, s8;
	s20 =	sadd.s32 s22, s29  }
0x48: {  	s18 =	sadd.s32 s22, s18;
	s20 =	sadd.s32 s17, s20  }
.Ltmp5:
0x49: {  	s17 =	sadd.s32 s17, s18;
	s20 =	sadd.s32 s23, s20;
	(pc) =	sbr.rel .LBB1_7-.Ltmp5, $4  }
0x4a: {  	s30 =	sadd.s32 $0x5040, s19;
	s17 =	sadd.s32 s23, s17;
	s20 =	sadd.s32 s15, s20  }
0x4b: {  	[hbm4b:s20+s16] =	stream.strided.scatter [tilespmem:s30], [sflag:$0x2], $0x800, s9, s16, $0x18;
	[tilespmem:$0x8100] =	vst v63  }
0x4c: {  	s31 =	sadd.s32 $0x5860, s19;
	s15 =	sadd.s32 s15, s17  }
0x4d: {  	[hbm4b:s15+s16] =	stream.strided.scatter [tilespmem:s31], [sflag:$0x2], $0x800, s9, s16, $0x18;
	[tilespmem:$0x8100] =	vst v63  }
.LBB1_8:
0x4e: {  	_ =	sfence.sel $0x180000  }
0x4f: {  	s2 =	simm.s32 $0x1;
	[bflag:$0x0] =	sbarrier.arrive $0xFFFF  }
0x50: {  	s31 =	simm.s32 $0x2;
	[sflag:s2] =	ssyncpa.u1 $0x1  }
0x51: {  	[sflag:s31] =	ssyncpa.u1 $0x1  }
0x52: {  	p0 =	sne.s32 s1, $0x0;
	_ =	strace $0x9000004A  }
0x53: {  	s0 =	sadd.s32 @!p0 $0x100000, s0;
	[bflag:$0x2] =	sbarrier.arrive $0xFFFF  }
0x54: {  	[sflag:s0] =	ssyncadd.tile.s32 @!p0 $0x1;
	_ =	shalt  }
.Lfunc_end1:
_tile_overlayer_lowered:
.L_overlay_start_2:
0x55: {  	(tag) =	ssettag $0x2  }
0x56: {  	s0 =	rddreg [dreg:$0x0];
	s2 =	stileid.u32  }
0x57: {  	s1 =	rddreg [dreg:$0x1];
	p0 =	sne.s32 s2, $0x0  }
0x58: {  	s3 =	rddreg [dreg:$0x2];
	[bflag:$0x3] =	sbarrier.arrive $0xFFFF;
	s2 =	simm.s32 @!p0 $0x1C01  }
0x59: {  	[timem:s3], [sflag:s2] =	dma.local @!p0 [hbm:s0], s1  }
0x5a: {  	s0 =	simm.s32 @!p0 $0x1  }
0x5b: {  	_ =	swait.ge @!p0 [sflag:s0], s1  }
0x5c: {  	s1 =	ssub.s32 @!p0 $0x0, s1;
	[sflag:s0] =	ssyncset.done @!p0 $0x0  }
0x5d: {  	[sflag:s0] =	ssyncadd.s32 @!p0 s1  }
0x5e: {  	[bflag:$0x3] =	sbarrier.arrive $0xFFFF  }
0x5f: {  	_ =	shalt  }

</sc_bundles>
